<compile_context>
chip_gen: v7x
topology: tpu7x:2x2x1
jax: 0.10.2.dev20260603
libtpu: 0.0.44.dev20260713+nightly
codegen_flags: <defaults>
</compile_context>

<pallas_src>
import functools

import jax
import jax.numpy as jnp
from jax import lax
from jax.experimental import pallas as pl
from jax.experimental.pallas import tpu as pltpu
from jax.experimental.pallas import tpu_sc as plsc

_IN_DIM = 100000
_OUT_DIM = 64
_PAD_DIM = 128

_NC = 2
_NS = 16
_NW = _NC * _NS
_LANES = 16
_SUB = 8

_B = 4096 * 200
_BPW = _B // _NW
_CH = 128
_NCH = _BPW // _CH
_CHT = _CH // _SUB


def _sc_lookup(table_hbm, idx_hbm, out_hbm, idx_v, bufa0, bufa1,
               bufb0, bufb1, sem_i, sg0, sg1, ss0, ss1):
    wid = lax.axis_index("s") * _NC + lax.axis_index("c")
    base_t = wid * (_BPW // _SUB)

    pltpu.async_copy(idx_hbm.at[wid], idx_v, sem_i).wait()

    bufa = (bufa0, bufa1)
    bufb = (bufb0, bufb1)
    sgs = (sg0, sg1)
    sss = (ss0, ss1)

    def start_gather(g, p):
        for k in range(_CH // _LANES):
            v = idx_v[g, pl.ds(k * _LANES, _LANES)]
            v = jnp.minimum(jnp.maximum(v, -_IN_DIM), _IN_DIM) + _IN_DIM
            idx_v[g, pl.ds(k * _LANES, _LANES)] = v
        pltpu.async_copy(table_hbm.at[idx_v.at[g]], bufa[p], sgs[p])

    def wait_gather(p):
        pltpu.make_async_copy(
            table_hbm.at[pl.ds(0, _CH)], bufa[p], sgs[p]).wait()

    def compact(p):
        def rows(t, carry):
            for s in range(_SUB):
                for k in range(_OUT_DIM // _LANES):
                    bufb[p][t, s, pl.ds(k * _LANES, _LANES)] = (
                        bufa[p][t * _SUB + s, pl.ds(k * _LANES, _LANES)])
            return carry

        lax.fori_loop(0, _CHT, rows, 0)

    def start_scatter(g, p):
        pltpu.async_copy(
            bufb[p], out_hbm.at[pl.ds(base_t + g * _CHT, _CHT)], sss[p])

    def wait_scatter(p):
        pltpu.make_async_copy(
            bufb[p], out_hbm.at[pl.ds(0, _CHT)], sss[p]).wait()

    def step(g, p, first, last):
        wait_gather(p)
        if not first:
            wait_scatter(p)
        if not last:
            start_gather(g + 1, 1 - p)
        compact(p)
        start_scatter(g, p)

    start_gather(0, 0)

    def body(gg, carry):
        g0 = 2 * gg

        @pl.when(gg == 0)
        def _():
            step(g0, 0, first=True, last=False)
            step(g0 + 1, 1, first=True, last=False)

        @pl.when(jnp.logical_and(gg > 0, gg < _NCH // 2 - 1))
        def _():
            step(g0, 0, first=False, last=False)
            step(g0 + 1, 1, first=False, last=False)

        @pl.when(gg == _NCH // 2 - 1)
        def _():
            step(g0, 0, first=False, last=False)
            step(g0 + 1, 1, first=False, last=True)

        return carry

    lax.fori_loop(0, _NCH // 2, body, 0)
    wait_scatter(0)
    wait_scatter(1)


def kernel(inputs, embeddings):
    idx = inputs.astype(jnp.int32).reshape(_NW, _NCH, _CH)
    table = jnp.pad(embeddings, ((0, 0), (0, _PAD_DIM - _OUT_DIM)))
    mesh = plsc.VectorSubcoreMesh(core_axis_name="c", subcore_axis_name="s")
    call = functools.partial(
        pl.kernel,
        mesh=mesh,
        out_type=jax.ShapeDtypeStruct((_B // _SUB, _SUB, _OUT_DIM),
                                      jnp.float32),
        scratch_types=[
            pltpu.VMEM((_NCH, _CH), jnp.int32),
            pltpu.VMEM((_CH, _PAD_DIM), jnp.float32),
            pltpu.VMEM((_CH, _PAD_DIM), jnp.float32),
            pltpu.VMEM((_CHT, _SUB, _OUT_DIM), jnp.float32),
            pltpu.VMEM((_CHT, _SUB, _OUT_DIM), jnp.float32),
            pltpu.SemaphoreType.DMA,
            pltpu.SemaphoreType.DMA,
            pltpu.SemaphoreType.DMA,
            pltpu.SemaphoreType.DMA,
            pltpu.SemaphoreType.DMA,
        ],
        compiler_params=pltpu.CompilerParams(use_tc_tiling_on_sc=True),
    )(_sc_lookup)
    out = call(table, idx)
    return out.reshape(inputs.shape[0], inputs.shape[1], _OUT_DIM)

# --- scband reference (transcript-rebuilt; emitter-appended) ---
"""Pipeline reference for scband-positionnal-encoding-3753801417042 (READ-ONLY COPY).

The authoritative reference and input builder live on the scoring server;
editing this copy changes nothing except your own understanding.
"""

import jax, jax.numpy as jnp
import numpy as np

INPUT_DIM = 100000
OUTPUT_DIM = 64

def setup_inputs(seed: int = 0) -> dict:
    key = jax.random.key(seed)
    k1, k2 = jax.random.split(key)
    inputs = jax.random.randint(k1, (4096, 200), 0, INPUT_DIM, dtype=jnp.int64 if jax.config.jax_enable_x64 else jnp.int32)
    # 'expand' mode embedding table: shape (2*input_dim + 1, output_dim), uniform init
    embeddings = jax.random.uniform(k2, (2 * INPUT_DIM + 1, OUTPUT_DIM), dtype=jnp.float32, minval=-0.05, maxval=0.05)
    return {"inputs": inputs, "embeddings": embeddings}

def reference(inputs, embeddings):
    # MODE_EXPAND: clamp positions to [-input_dim, input_dim], shift to non-negative, gather
    idx = jnp.clip(inputs.astype(jnp.int32), -INPUT_DIM, INPUT_DIM) + INPUT_DIM
    return jnp.take(embeddings, idx, axis=0)

if __name__ == "__main__":
    import jax
    _d = setup_inputs()
    print(jax.jit(kernel)(*tuple(_d.values())))

</pallas_src>

<mosaic_0001>
#map = affine_map<(d0, d1) -> (0, 0)>
#map1 = affine_map<(d0, d1) -> (0, 0, 0)>
module attributes {stable_mosaic.version = 14 : i64} {
  func.func @_sc_lookup(%arg0: i32, %arg1: i32, %arg2: memref<200001x128xf32, #tpu.memory_space<hbm>>, %arg3: memref<32x200x128xi32, #tpu.memory_space<hbm>>, %arg4: memref<102400x8x64xf32, #tpu.memory_space<hbm>>, %arg5: memref<200x128xi32, #tpu.memory_space<vmem>>, %arg6: memref<128x128xf32, #tpu.memory_space<vmem>>, %arg7: memref<128x128xf32, #tpu.memory_space<vmem>>, %arg8: memref<16x8x64xf32, #tpu.memory_space<vmem>>, %arg9: memref<16x8x64xf32, #tpu.memory_space<vmem>>, %arg10: memref<!tpu.dma_semaphore, #tpu.memory_space<semaphore_mem>>, %arg11: memref<!tpu.dma_semaphore, #tpu.memory_space<semaphore_mem>>, %arg12: memref<!tpu.dma_semaphore, #tpu.memory_space<semaphore_mem>>, %arg13: memref<!tpu.dma_semaphore, #tpu.memory_space<semaphore_mem>>, %arg14: memref<!tpu.dma_semaphore, #tpu.memory_space<semaphore_mem>>) attributes {dimension_semantics = [#tpu.dimension_semantics<core_parallel>, #tpu.dimension_semantics<subcore_parallel>], iteration_bounds = array<i64: 2, 16>, scalar_prefetch = 0 : i64, scratch_operands = 10 : i64, tpu.core_type = #tpu.core_type<sc_vector_subcore>, window_params = [{transform_indices = #map}, {transform_indices = #map1}, {transform_indices = #map1}]} {
    %mul3A = arith.constant 2 : i32
    %mul3A_0 = arith.muli %arg1, %mul3A : i32
    %add3A = arith.addi %mul3A_0, %arg0 : i32
    %mul3A_1 = arith.constant 3200 : i32
    %mul3A_2 = arith.muli %add3A, %mul3A_1 : i32
    %dma_start3A = arith.constant 0 : i32
    %dma_start3A_3 = arith.constant 0 : i32
    %dma_start3A_4 = tpu.memref_slice %arg3[%add3A, %dma_start3A, %dma_start3A_3] : memref<32x200x128xi32, #tpu.memory_space<hbm>> -> memref<1x200x128xi32, #tpu.memory_space<hbm>>
    %dma_start3A_5 = tpu.memref_squeeze %dma_start3A_4 : memref<1x200x128xi32, #tpu.memory_space<hbm>> -> memref<200x128xi32, #tpu.memory_space<hbm>>
    %dma_start3A_6 = arith.constant 0 : i32
    %dma_start3A_7 = arith.constant 0 : i32
    %dma_start3A_8 = tpu.memref_slice %arg3[%add3A, %dma_start3A_6, %dma_start3A_7] : memref<32x200x128xi32, #tpu.memory_space<hbm>> -> memref<1x200x128xi32, #tpu.memory_space<hbm>>
    %dma_start3A_9 = tpu.memref_squeeze %dma_start3A_8 : memref<1x200x128xi32, #tpu.memory_space<hbm>> -> memref<200x128xi32, #tpu.memory_space<hbm>>
    tpu.enqueue_dma source(%dma_start3A_9 : memref<200x128xi32, #tpu.memory_space<hbm>>) target(%arg5 : memref<200x128xi32, #tpu.memory_space<vmem>>) target_semaphore(%arg10 : memref<!tpu.dma_semaphore, #tpu.memory_space<semaphore_mem>>)
    %dma_wait3A = arith.constant 0 : i32
    %dma_wait3A_10 = arith.constant 0 : i32
    %dma_wait3A_11 = tpu.memref_slice %arg3[%add3A, %dma_wait3A, %dma_wait3A_10] : memref<32x200x128xi32, #tpu.memory_space<hbm>> -> memref<1x200x128xi32, #tpu.memory_space<hbm>>
    %dma_wait3A_12 = tpu.memref_squeeze %dma_wait3A_11 : memref<1x200x128xi32, #tpu.memory_space<hbm>> -> memref<200x128xi32, #tpu.memory_space<hbm>>
    %dma_wait3A_13 = arith.constant 0 : i32
    %dma_wait3A_14 = arith.constant 0 : i32
    %dma_wait3A_15 = tpu.memref_slice %arg3[%add3A, %dma_wait3A_13, %dma_wait3A_14] : memref<32x200x128xi32, #tpu.memory_space<hbm>> -> memref<1x200x128xi32, #tpu.memory_space<hbm>>
    %dma_wait3A_16 = tpu.memref_squeeze %dma_wait3A_15 : memref<1x200x128xi32, #tpu.memory_space<hbm>> -> memref<200x128xi32, #tpu.memory_space<hbm>>
    tpu.wait_dma2 semaphore(%arg10 : memref<!tpu.dma_semaphore, #tpu.memory_space<semaphore_mem>>) src(%dma_wait3A_16 : memref<200x128xi32, #tpu.memory_space<hbm>>) dst(%arg5 : memref<200x128xi32, #tpu.memory_space<vmem>>)
    %get3A = arith.constant 0 : i32
    %get3A_17 = arith.index_cast %get3A : i32 to index
    %get3A_18 = arith.constant 0 : index
    %get3A_19 = tpu.vector_load %arg5[%get3A_17, %get3A_18] {strides = array<i32>} : memref<200x128xi32, #tpu.memory_space<vmem>>, vector<1x16xi32>,
    %get3A_20 = vector.shape_cast %get3A_19 : vector<1x16xi32> to vector<16xi32>
    %max3A = arith.constant -100000 : i32
    %max3A_21 = vector.broadcast %max3A : i32 to vector<16xi32>
    %max3A_22 = arith.maxsi %get3A_20, %max3A_21 : vector<16xi32>
    %min3A = arith.constant 100000 : i32
    %min3A_23 = vector.broadcast %min3A : i32 to vector<16xi32>
    %min3A_24 = arith.minsi %max3A_22, %min3A_23 : vector<16xi32>
    %add3A_25 = arith.constant 100000 : i32
    %add3A_26 = vector.broadcast %add3A_25 : i32 to vector<16xi32>
    %add3A_27 = arith.addi %min3A_24, %add3A_26 : vector<16xi32>
    %swap3A = arith.constant 0 : i32
    %swap3A_28 = arith.index_cast %swap3A : i32 to index
    %swap3A_29 = arith.constant 0 : index
    %swap3A_30 = tpu.vector_load %arg5[%swap3A_28, %swap3A_29] {strides = array<i32>} : memref<200x128xi32, #tpu.memory_space<vmem>>, vector<1x16xi32>,
    %swap3A_31 = vector.shape_cast %swap3A_30 : vector<1x16xi32> to vector<16xi32>
    %swap3A_32 = vector.shape_cast %add3A_27 : vector<16xi32> to vector<1x16xi32>
    tpu.vector_store %arg5[%swap3A_28, %swap3A_29], %swap3A_32 {strides = array<i32>} : memref<200x128xi32, #tpu.memory_space<vmem>>, vector<1x16xi32>,
    %get3A_33 = arith.constant 0 : i32
    %get3A_34 = arith.index_cast %get3A_33 : i32 to index
    %get3A_35 = arith.constant 16 : index
    %get3A_36 = tpu.vector_load %arg5[%get3A_34, %get3A_35] {strides = array<i32>} : memref<200x128xi32, #tpu.memory_space<vmem>>, vector<1x16xi32>,
    %get3A_37 = vector.shape_cast %get3A_36 : vector<1x16xi32> to vector<16xi32>
    %max3A_38 = arith.constant -100000 : i32
    %max3A_39 = vector.broadcast %max3A_38 : i32 to vector<16xi32>
    %max3A_40 = arith.maxsi %get3A_37, %max3A_39 : vector<16xi32>
    %min3A_41 = arith.constant 100000 : i32
    %min3A_42 = vector.broadcast %min3A_41 : i32 to vector<16xi32>
    %min3A_43 = arith.minsi %max3A_40, %min3A_42 : vector<16xi32>
    %add3A_44 = arith.constant 100000 : i32
    %add3A_45 = vector.broadcast %add3A_44 : i32 to vector<16xi32>
    %add3A_46 = arith.addi %min3A_43, %add3A_45 : vector<16xi32>
    %swap3A_47 = arith.constant 0 : i32
    %swap3A_48 = arith.index_cast %swap3A_47 : i32 to index
    %swap3A_49 = arith.constant 16 : index
    %swap3A_50 = tpu.vector_load %arg5[%swap3A_48, %swap3A_49] {strides = array<i32>} : memref<200x128xi32, #tpu.memory_space<vmem>>, vector<1x16xi32>,
    %swap3A_51 = vector.shape_cast %swap3A_50 : vector<1x16xi32> to vector<16xi32>
    %swap3A_52 = vector.shape_cast %add3A_46 : vector<16xi32> to vector<1x16xi32>
    tpu.vector_store %arg5[%swap3A_48, %swap3A_49], %swap3A_52 {strides = array<i32>} : memref<200x128xi32, #tpu.memory_space<vmem>>, vector<1x16xi32>,
    %get3A_53 = arith.constant 0 : i32
    %get3A_54 = arith.index_cast %get3A_53 : i32 to index
    %get3A_55 = arith.constant 32 : index
    %get3A_56 = tpu.vector_load %arg5[%get3A_54, %get3A_55] {strides = array<i32>} : memref<200x128xi32, #tpu.memory_space<vmem>>, vector<1x16xi32>,
    %get3A_57 = vector.shape_cast %get3A_56 : vector<1x16xi32> to vector<16xi32>
    %max3A_58 = arith.constant -100000 : i32
    %max3A_59 = vector.broadcast %max3A_58 : i32 to vector<16xi32>
    %max3A_60 = arith.maxsi %get3A_57, %max3A_59 : vector<16xi32>
    %min3A_61 = arith.constant 100000 : i32
    %min3A_62 = vector.broadcast %min3A_61 : i32 to vector<16xi32>
    %min3A_63 = arith.minsi %max3A_60, %min3A_62 : vector<16xi32>
    %add3A_64 = arith.constant 100000 : i32
    %add3A_65 = vector.broadcast %add3A_64 : i32 to vector<16xi32>
    %add3A_66 = arith.addi %min3A_63, %add3A_65 : vector<16xi32>
    %swap3A_67 = arith.constant 0 : i32
    %swap3A_68 = arith.index_cast %swap3A_67 : i32 to index
    %swap3A_69 = arith.constant 32 : index
    %swap3A_70 = tpu.vector_load %arg5[%swap3A_68, %swap3A_69] {strides = array<i32>} : memref<200x128xi32, #tpu.memory_space<vmem>>, vector<1x16xi32>,
    %swap3A_71 = vector.shape_cast %swap3A_70 : vector<1x16xi32> to vector<16xi32>
    %swap3A_72 = vector.shape_cast %add3A_66 : vector<16xi32> to vector<1x16xi32>
    tpu.vector_store %arg5[%swap3A_68, %swap3A_69], %swap3A_72 {strides = array<i32>} : memref<200x128xi32, #tpu.memory_space<vmem>>, vector<1x16xi32>,
    %get3A_73 = arith.constant 0 : i32
    %get3A_74 = arith.index_cast %get3A_73 : i32 to index
    %get3A_75 = arith.constant 48 : index
    %get3A_76 = tpu.vector_load %arg5[%get3A_74, %get3A_75] {strides = array<i32>} : memref<200x128xi32, #tpu.memory_space<vmem>>, vector<1x16xi32>,
    %get3A_77 = vector.shape_cast %get3A_76 : vector<1x16xi32> to vector<16xi32>
    %max3A_78 = arith.constant -100000 : i32
    %max3A_79 = vector.broadcast %max3A_78 : i32 to vector<16xi32>
    %max3A_80 = arith.maxsi %get3A_77, %max3A_79 : vector<16xi32>
    %min3A_81 = arith.constant 100000 : i32
    %min3A_82 = vector.broadcast %min3A_81 : i32 to vector<16xi32>
    %min3A_83 = arith.minsi %max3A_80, %min3A_82 : vector<16xi32>
    %add3A_84 = arith.constant 100000 : i32
    %add3A_85 = vector.broadcast %add3A_84 : i32 to vector<16xi32>
    %add3A_86 = arith.addi %min3A_83, %add3A_85 : vector<16xi32>
    %swap3A_87 = arith.constant 0 : i32
    %swap3A_88 = arith.index_cast %swap3A_87 : i32 to index
    %swap3A_89 = arith.constant 48 : index
    %swap3A_90 = tpu.vector_load %arg5[%swap3A_88, %swap3A_89] {strides = array<i32>} : memref<200x128xi32, #tpu.memory_space<vmem>>, vector<1x16xi32>,
    %swap3A_91 = vector.shape_cast %swap3A_90 : vector<1x16xi32> to vector<16xi32>
    %swap3A_92 = vector.shape_cast %add3A_86 : vector<16xi32> to vector<1x16xi32>
    tpu.vector_store %arg5[%swap3A_88, %swap3A_89], %swap3A_92 {strides = array<i32>} : memref<200x128xi32, #tpu.memory_space<vmem>>, vector<1x16xi32>,
    %get3A_93 = arith.constant 0 : i32
    %get3A_94 = arith.index_cast %get3A_93 : i32 to index
    %get3A_95 = arith.constant 64 : index
    %get3A_96 = tpu.vector_load %arg5[%get3A_94, %get3A_95] {strides = array<i32>} : memref<200x128xi32, #tpu.memory_space<vmem>>, vector<1x16xi32>,
    %get3A_97 = vector.shape_cast %get3A_96 : vector<1x16xi32> to vector<16xi32>
    %max3A_98 = arith.constant -100000 : i32
    %max3A_99 = vector.broadcast %max3A_98 : i32 to vector<16xi32>
    %max3A_100 = arith.maxsi %get3A_97, %max3A_99 : vector<16xi32>
    %min3A_101 = arith.constant 100000 : i32
    %min3A_102 = vector.broadcast %min3A_101 : i32 to vector<16xi32>
    %min3A_103 = arith.minsi %max3A_100, %min3A_102 : vector<16xi32>
    %add3A_104 = arith.constant 100000 : i32
    %add3A_105 = vector.broadcast %add3A_104 : i32 to vector<16xi32>
    %add3A_106 = arith.addi %min3A_103, %add3A_105 : vector<16xi32>
    %swap3A_107 = arith.constant 0 : i32
    %swap3A_108 = arith.index_cast %swap3A_107 : i32 to index
    %swap3A_109 = arith.constant 64 : index
    %swap3A_110 = tpu.vector_load %arg5[%swap3A_108, %swap3A_109] {strides = array<i32>} : memref<200x128xi32, #tpu.memory_space<vmem>>, vector<1x16xi32>,
    %swap3A_111 = vector.shape_cast %swap3A_110 : vector<1x16xi32> to vector<16xi32>
    %swap3A_112 = vector.shape_cast %add3A_106 : vector<16xi32> to vector<1x16xi32>
    tpu.vector_store %arg5[%swap3A_108, %swap3A_109], %swap3A_112 {strides = array<i32>} : memref<200x128xi32, #tpu.memory_space<vmem>>, vector<1x16xi32>,
    %get3A_113 = arith.constant 0 : i32
    %get3A_114 = arith.index_cast %get3A_113 : i32 to index
    %get3A_115 = arith.constant 80 : index
    %get3A_116 = tpu.vector_load %arg5[%get3A_114, %get3A_115] {strides = array<i32>} : memref<200x128xi32, #tpu.memory_space<vmem>>, vector<1x16xi32>,
    %get3A_117 = vector.shape_cast %get3A_116 : vector<1x16xi32> to vector<16xi32>
    %max3A_118 = arith.constant -100000 : i32
    %max3A_119 = vector.broadcast %max3A_118 : i32 to vector<16xi32>
    %max3A_120 = arith.maxsi %get3A_117, %max3A_119 : vector<16xi32>
    %min3A_121 = arith.constant 100000 : i32
    %min3A_122 = vector.broadcast %min3A_121 : i32 to vector<16xi32>
    %min3A_123 = arith.minsi %max3A_120, %min3A_122 : vector<16xi32>
    %add3A_124 = arith.constant 100000 : i32
    %add3A_125 = vector.broadcast %add3A_124 : i32 to vector<16xi32>
    %add3A_126 = arith.addi %min3A_123, %add3A_125 : vector<16xi32>
    %swap3A_127 = arith.constant 0 : i32
    %swap3A_128 = arith.index_cast %swap3A_127 : i32 to index
    %swap3A_129 = arith.constant 80 : index
    %swap3A_130 = tpu.vector_load %arg5[%swap3A_128, %swap3A_129] {strides = array<i32>} : memref<200x128xi32, #tpu.memory_space<vmem>>, vector<1x16xi32>,
    %swap3A_131 = vector.shape_cast %swap3A_130 : vector<1x16xi32> to vector<16xi32>
    %swap3A_132 = vector.shape_cast %add3A_126 : vector<16xi32> to vector<1x16xi32>
    tpu.vector_store %arg5[%swap3A_128, %swap3A_129], %swap3A_132 {strides = array<i32>} : memref<200x128xi32, #tpu.memory_space<vmem>>, vector<1x16xi32>,
    %get3A_133 = arith.constant 0 : i32
    %get3A_134 = arith.index_cast %get3A_133 : i32 to index
    %get3A_135 = arith.constant 96 : index
    %get3A_136 = tpu.vector_load %arg5[%get3A_134, %get3A_135] {strides = array<i32>} : memref<200x128xi32, #tpu.memory_space<vmem>>, vector<1x16xi32>,
    %get3A_137 = vector.shape_cast %get3A_136 : vector<1x16xi32> to vector<16xi32>
    %max3A_138 = arith.constant -100000 : i32
    %max3A_139 = vector.broadcast %max3A_138 : i32 to vector<16xi32>
    %max3A_140 = arith.maxsi %get3A_137, %max3A_139 : vector<16xi32>
    %min3A_141 = arith.constant 100000 : i32
    %min3A_142 = vector.broadcast %min3A_141 : i32 to vector<16xi32>
    %min3A_143 = arith.minsi %max3A_140, %min3A_142 : vector<16xi32>
    %add3A_144 = arith.constant 100000 : i32
    %add3A_145 = vector.broadcast %add3A_144 : i32 to vector<16xi32>
    %add3A_146 = arith.addi %min3A_143, %add3A_145 : vector<16xi32>
    %swap3A_147 = arith.constant 0 : i32
    %swap3A_148 = arith.index_cast %swap3A_147 : i32 to index
    %swap3A_149 = arith.constant 96 : index
    %swap3A_150 = tpu.vector_load %arg5[%swap3A_148, %swap3A_149] {strides = array<i32>} : memref<200x128xi32, #tpu.memory_space<vmem>>, vector<1x16xi32>,
    %swap3A_151 = vector.shape_cast %swap3A_150 : vector<1x16xi32> to vector<16xi32>
    %swap3A_152 = vector.shape_cast %add3A_146 : vector<16xi32> to vector<1x16xi32>
    tpu.vector_store %arg5[%swap3A_148, %swap3A_149], %swap3A_152 {strides = array<i32>} : memref<200x128xi32, #tpu.memory_space<vmem>>, vector<1x16xi32>,
    %get3A_153 = arith.constant 0 : i32
    %get3A_154 = arith.index_cast %get3A_153 : i32 to index
    %get3A_155 = arith.constant 112 : index
    %get3A_156 = tpu.vector_load %arg5[%get3A_154, %get3A_155] {strides = array<i32>} : memref<200x128xi32, #tpu.memory_space<vmem>>, vector<1x16xi32>,
    %get3A_157 = vector.shape_cast %get3A_156 : vector<1x16xi32> to vector<16xi32>
    %max3A_158 = arith.constant -100000 : i32
    %max3A_159 = vector.broadcast %max3A_158 : i32 to vector<16xi32>
    %max3A_160 = arith.maxsi %get3A_157, %max3A_159 : vector<16xi32>
    %min3A_161 = arith.constant 100000 : i32
    %min3A_162 = vector.broadcast %min3A_161 : i32 to vector<16xi32>
    %min3A_163 = arith.minsi %max3A_160, %min3A_162 : vector<16xi32>
    %add3A_164 = arith.constant 100000 : i32
    %add3A_165 = vector.broadcast %add3A_164 : i32 to vector<16xi32>
    %add3A_166 = arith.addi %min3A_163, %add3A_165 : vector<16xi32>
    %swap3A_167 = arith.constant 0 : i32
    %swap3A_168 = arith.index_cast %swap3A_167 : i32 to index
    %swap3A_169 = arith.constant 112 : index
    %swap3A_170 = tpu.vector_load %arg5[%swap3A_168, %swap3A_169] {strides = array<i32>} : memref<200x128xi32, #tpu.memory_space<vmem>>, vector<1x16xi32>,
    %swap3A_171 = vector.shape_cast %swap3A_170 : vector<1x16xi32> to vector<16xi32>
    %swap3A_172 = vector.shape_cast %add3A_166 : vector<16xi32> to vector<1x16xi32>
    tpu.vector_store %arg5[%swap3A_168, %swap3A_169], %swap3A_172 {strides = array<i32>} : memref<200x128xi32, #tpu.memory_space<vmem>>, vector<1x16xi32>,
    %dma_start3A_173 = arith.constant 0 : i32
    %dma_start3A_174 = arith.constant 0 : i32
    %dma_start3A_175 = tpu.memref_slice %arg5[%dma_start3A_173, %dma_start3A_174] : memref<200x128xi32, #tpu.memory_space<vmem>> -> memref<1x128xi32, #tpu.memory_space<vmem>>
    %dma_start3A_176 = tpu.memref_squeeze %dma_start3A_175 : memref<1x128xi32, #tpu.memory_space<vmem>> -> memref<128xi32, #tpu.memory_space<vmem>>
    %dma_start3A_177 = arith.constant 0 : i32
    %dma_start3A_178 = arith.constant 0 : i32
    %dma_start3A_179 = tpu.memref_slice %arg2[%dma_start3A_177, %dma_start3A_178] : memref<200001x128xf32, #tpu.memory_space<hbm>> -> memref<200001x128xf32, #tpu.memory_space<hbm>>
    tpu.enqueue_indirect_dma source(%dma_start3A_179 : memref<200001x128xf32, #tpu.memory_space<hbm>>) target(%arg6 : memref<128x128xf32, #tpu.memory_space<vmem>>) offsets(%dma_start3A_176 : memref<128xi32, #tpu.memory_space<vmem>>) semaphore(%arg11 : memref<!tpu.dma_semaphore, #tpu.memory_space<semaphore_mem>>)
    %scan3A = arith.constant 0 : i32
    %scan3A_180 = arith.constant 0 : i32
    %scan3A_181 = arith.constant 100 : i32
    %scan3A_182 = arith.addi %scan3A_180, %scan3A_181 : i32
    %scan3A_183 = arith.constant 1 : i32
    scf.for %scan3A_201 = %scan3A_180 to %scan3A_182 step %scan3A_183  : i32 {
      %mul3A_202 = arith.constant 2 : i32
      %mul3A_203 = arith.muli %mul3A_202, %scan3A_201 : i32
      %eq3A = arith.constant 0 : i32
      %eq3A_204 = arith.cmpi eq, %scan3A_201, %eq3A : i32
      %convert_element_type3A = arith.extui %eq3A_204 : i1 to i32
      %cond3A = arith.constant 0 : i32
      %cond3A_205 = arith.cmpi ne, %convert_element_type3A, %cond3A : i32
      scf.if %cond3A_205 {
        %dma_wait3A_216 = arith.constant 0 : i32
        %dma_wait3A_217 = arith.constant 0 : i32
        %dma_wait3A_218 = tpu.memref_slice %arg2[%dma_wait3A_216, %dma_wait3A_217] : memref<200001x128xf32, #tpu.memory_space<hbm>> -> memref<128x128xf32, #tpu.memory_space<hbm>>
        %dma_wait3A_219 = arith.constant 0 : i32
        %dma_wait3A_220 = arith.constant 0 : i32
        %dma_wait3A_221 = tpu.memref_slice %arg2[%dma_wait3A_219, %dma_wait3A_220] : memref<200001x128xf32, #tpu.memory_space<hbm>> -> memref<128x128xf32, #tpu.memory_space<hbm>>
        tpu.wait_dma2 semaphore(%arg11 : memref<!tpu.dma_semaphore, #tpu.memory_space<semaphore_mem>>) src(%dma_wait3A_221 : memref<128x128xf32, #tpu.memory_space<hbm>>) dst(%arg6 : memref<128x128xf32, #tpu.memory_space<vmem>>)
        %add3A_222 = arith.constant 1 : i32
        %add3A_223 = arith.addi %mul3A_203, %add3A_222 : i32
        %get3A_224 = arith.index_cast %add3A_223 : i32 to index
        %get3A_225 = arith.constant 0 : index
        %get3A_226 = tpu.vector_load %arg5[%get3A_224, %get3A_225] {strides = array<i32>} : memref<200x128xi32, #tpu.memory_space<vmem>>, vector<1x16xi32>,
        %get3A_227 = vector.shape_cast %get3A_226 : vector<1x16xi32> to vector<16xi32>
        %max3A_228 = arith.constant -100000 : i32
        %max3A_229 = vector.broadcast %max3A_228 : i32 to vector<16xi32>
        %max3A_230 = arith.maxsi %get3A_227, %max3A_229 : vector<16xi32>
        %min3A_231 = arith.constant 100000 : i32
        %min3A_232 = vector.broadcast %min3A_231 : i32 to vector<16xi32>
        %min3A_233 = arith.minsi %max3A_230, %min3A_232 : vector<16xi32>
        %add3A_234 = arith.constant 100000 : i32
        %add3A_235 = vector.broadcast %add3A_234 : i32 to vector<16xi32>
        %add3A_236 = arith.addi %min3A_233, %add3A_235 : vector<16xi32>
        %swap3A_237 = arith.index_cast %add3A_223 : i32 to index
        %swap3A_238 = arith.constant 0 : index
        %swap3A_239 = tpu.vector_load %arg5[%swap3A_237, %swap3A_238] {strides = array<i32>} : memref<200x128xi32, #tpu.memory_space<vmem>>, vector<1x16xi32>,
        %swap3A_240 = vector.shape_cast %swap3A_239 : vector<1x16xi32> to vector<16xi32>
        %swap3A_241 = vector.shape_cast %add3A_236 : vector<16xi32> to vector<1x16xi32>
        tpu.vector_store %arg5[%swap3A_237, %swap3A_238], %swap3A_241 {strides = array<i32>} : memref<200x128xi32, #tpu.memory_space<vmem>>, vector<1x16xi32>,
        %get3A_242 = arith.index_cast %add3A_223 : i32 to index
        %get3A_243 = arith.constant 16 : index
        %get3A_244 = tpu.vector_load %arg5[%get3A_242, %get3A_243] {strides = array<i32>} : memref<200x128xi32, #tpu.memory_space<vmem>>, vector<1x16xi32>,
        %get3A_245 = vector.shape_cast %get3A_244 : vector<1x16xi32> to vector<16xi32>
        %max3A_246 = arith.constant -100000 : i32
        %max3A_247 = vector.broadcast %max3A_246 : i32 to vector<16xi32>
        %max3A_248 = arith.maxsi %get3A_245, %max3A_247 : vector<16xi32>
        %min3A_249 = arith.constant 100000 : i32
        %min3A_250 = vector.broadcast %min3A_249 : i32 to vector<16xi32>
        %min3A_251 = arith.minsi %max3A_248, %min3A_250 : vector<16xi32>
        %add3A_252 = arith.constant 100000 : i32
        %add3A_253 = vector.broadcast %add3A_252 : i32 to vector<16xi32>
        %add3A_254 = arith.addi %min3A_251, %add3A_253 : vector<16xi32>
        %swap3A_255 = arith.index_cast %add3A_223 : i32 to index
        %swap3A_256 = arith.constant 16 : index
        %swap3A_257 = tpu.vector_load %arg5[%swap3A_255, %swap3A_256] {strides = array<i32>} : memref<200x128xi32, #tpu.memory_space<vmem>>, vector<1x16xi32>,
        %swap3A_258 = vector.shape_cast %swap3A_257 : vector<1x16xi32> to vector<16xi32>
        %swap3A_259 = vector.shape_cast %add3A_254 : vector<16xi32> to vector<1x16xi32>
        tpu.vector_store %arg5[%swap3A_255, %swap3A_256], %swap3A_259 {strides = array<i32>} : memref<200x128xi32, #tpu.memory_space<vmem>>, vector<1x16xi32>,
        %get3A_260 = arith.index_cast %add3A_223 : i32 to index
        %get3A_261 = arith.constant 32 : index
        %get3A_262 = tpu.vector_load %arg5[%get3A_260, %get3A_261] {strides = array<i32>} : memref<200x128xi32, #tpu.memory_space<vmem>>, vector<1x16xi32>,
        %get3A_263 = vector.shape_cast %get3A_262 : vector<1x16xi32> to vector<16xi32>
        %max3A_264 = arith.constant -100000 : i32
        %max3A_265 = vector.broadcast %max3A_264 : i32 to vector<16xi32>
        %max3A_266 = arith.maxsi %get3A_263, %max3A_265 : vector<16xi32>
        %min3A_267 = arith.constant 100000 : i32
        %min3A_268 = vector.broadcast %min3A_267 : i32 to vector<16xi32>
        %min3A_269 = arith.minsi %max3A_266, %min3A_268 : vector<16xi32>
        %add3A_270 = arith.constant 100000 : i32
        %add3A_271 = vector.broadcast %add3A_270 : i32 to vector<16xi32>
        %add3A_272 = arith.addi %min3A_269, %add3A_271 : vector<16xi32>
        %swap3A_273 = arith.index_cast %add3A_223 : i32 to index
        %swap3A_274 = arith.constant 32 : index
        %swap3A_275 = tpu.vector_load %arg5[%swap3A_273, %swap3A_274] {strides = array<i32>} : memref<200x128xi32, #tpu.memory_space<vmem>>, vector<1x16xi32>,
        %swap3A_276 = vector.shape_cast %swap3A_275 : vector<1x16xi32> to vector<16xi32>
        %swap3A_277 = vector.shape_cast %add3A_272 : vector<16xi32> to vector<1x16xi32>
        tpu.vector_store %arg5[%swap3A_273, %swap3A_274], %swap3A_277 {strides = array<i32>} : memref<200x128xi32, #tpu.memory_space<vmem>>, vector<1x16xi32>,
        %get3A_278 = arith.index_cast %add3A_223 : i32 to index
        %get3A_279 = arith.constant 48 : index
        %get3A_280 = tpu.vector_load %arg5[%get3A_278, %get3A_279] {strides = array<i32>} : memref<200x128xi32, #tpu.memory_space<vmem>>, vector<1x16xi32>,
        %get3A_281 = vector.shape_cast %get3A_280 : vector<1x16xi32> to vector<16xi32>
        %max3A_282 = arith.constant -100000 : i32
        %max3A_283 = vector.broadcast %max3A_282 : i32 to vector<16xi32>
        %max3A_284 = arith.maxsi %get3A_281, %max3A_283 : vector<16xi32>
        %min3A_285 = arith.constant 100000 : i32
        %min3A_286 = vector.broadcast %min3A_285 : i32 to vector<16xi32>
        %min3A_287 = arith.minsi %max3A_284, %min3A_286 : vector<16xi32>
        %add3A_288 = arith.constant 100000 : i32
        %add3A_289 = vector.broadcast %add3A_288 : i32 to vector<16xi32>
        %add3A_290 = arith.addi %min3A_287, %add3A_289 : vector<16xi32>
        %swap3A_291 = arith.index_cast %add3A_223 : i32 to index
        %swap3A_292 = arith.constant 48 : index
        %swap3A_293 = tpu.vector_load %arg5[%swap3A_291, %swap3A_292] {strides = array<i32>} : memref<200x128xi32, #tpu.memory_space<vmem>>, vector<1x16xi32>,
        %swap3A_294 = vector.shape_cast %swap3A_293 : vector<1x16xi32> to vector<16xi32>
        %swap3A_295 = vector.shape_cast %add3A_290 : vector<16xi32> to vector<1x16xi32>
        tpu.vector_store %arg5[%swap3A_291, %swap3A_292], %swap3A_295 {strides = array<i32>} : memref<200x128xi32, #tpu.memory_space<vmem>>, vector<1x16xi32>,
        %get3A_296 = arith.index_cast %add3A_223 : i32 to index
        %get3A_297 = arith.constant 64 : index
        %get3A_298 = tpu.vector_load %arg5[%get3A_296, %get3A_297] {strides = array<i32>} : memref<200x128xi32, #tpu.memory_space<vmem>>, vector<1x16xi32>,
        %get3A_299 = vector.shape_cast %get3A_298 : vector<1x16xi32> to vector<16xi32>
        %max3A_300 = arith.constant -100000 : i32
        %max3A_301 = vector.broadcast %max3A_300 : i32 to vector<16xi32>
        %max3A_302 = arith.maxsi %get3A_299, %max3A_301 : vector<16xi32>
        %min3A_303 = arith.constant 100000 : i32
        %min3A_304 = vector.broadcast %min3A_303 : i32 to vector<16xi32>
        %min3A_305 = arith.minsi %max3A_302, %min3A_304 : vector<16xi32>
        %add3A_306 = arith.constant 100000 : i32
        %add3A_307 = vector.broadcast %add3A_306 : i32 to vector<16xi32>
        %add3A_308 = arith.addi %min3A_305, %add3A_307 : vector<16xi32>
        %swap3A_309 = arith.index_cast %add3A_223 : i32 to index
        %swap3A_310 = arith.constant 64 : index
        %swap3A_311 = tpu.vector_load %arg5[%swap3A_309, %swap3A_310] {strides = array<i32>} : memref<200x128xi32, #tpu.memory_space<vmem>>, vector<1x16xi32>,
        %swap3A_312 = vector.shape_cast %swap3A_311 : vector<1x16xi32> to vector<16xi32>
        %swap3A_313 = vector.shape_cast %add3A_308 : vector<16xi32> to vector<1x16xi32>
        tpu.vector_store %arg5[%swap3A_309, %swap3A_310], %swap3A_313 {strides = array<i32>} : memref<200x128xi32, #tpu.memory_space<vmem>>, vector<1x16xi32>,
        %get3A_314 = arith.index_cast %add3A_223 : i32 to index
        %get3A_315 = arith.constant 80 : index
        %get3A_316 = tpu.vector_load %arg5[%get3A_314, %get3A_315] {strides = array<i32>} : memref<200x128xi32, #tpu.memory_space<vmem>>, vector<1x16xi32>,
        %get3A_317 = vector.shape_cast %get3A_316 : vector<1x16xi32> to vector<16xi32>
        %max3A_318 = arith.constant -100000 : i32
        %max3A_319 = vector.broadcast %max3A_318 : i32 to vector<16xi32>
        %max3A_320 = arith.maxsi %get3A_317, %max3A_319 : vector<16xi32>
        %min3A_321 = arith.constant 100000 : i32
        %min3A_322 = vector.broadcast %min3A_321 : i32 to vector<16xi32>
        %min3A_323 = arith.minsi %max3A_320, %min3A_322 : vector<16xi32>
        %add3A_324 = arith.constant 100000 : i32
        %add3A_325 = vector.broadcast %add3A_324 : i32 to vector<16xi32>
        %add3A_326 = arith.addi %min3A_323, %add3A_325 : vector<16xi32>
        %swap3A_327 = arith.index_cast %add3A_223 : i32 to index
        %swap3A_328 = arith.constant 80 : index
        %swap3A_329 = tpu.vector_load %arg5[%swap3A_327, %swap3A_328] {strides = array<i32>} : memref<200x128xi32, #tpu.memory_space<vmem>>, vector<1x16xi32>,
        %swap3A_330 = vector.shape_cast %swap3A_329 : vector<1x16xi32> to vector<16xi32>
        %swap3A_331 = vector.shape_cast %add3A_326 : vector<16xi32> to vector<1x16xi32>
        tpu.vector_store %arg5[%swap3A_327, %swap3A_328], %swap3A_331 {strides = array<i32>} : memref<200x128xi32, #tpu.memory_space<vmem>>, vector<1x16xi32>,
        %get3A_332 = arith.index_cast %add3A_223 : i32 to index
        %get3A_333 = arith.constant 96 : index
        %get3A_334 = tpu.vector_load %arg5[%get3A_332, %get3A_333] {strides = array<i32>} : memref<200x128xi32, #tpu.memory_space<vmem>>, vector<1x16xi32>,
        %get3A_335 = vector.shape_cast %get3A_334 : vector<1x16xi32> to vector<16xi32>
        %max3A_336 = arith.constant -100000 : i32
        %max3A_337 = vector.broadcast %max3A_336 : i32 to vector<16xi32>
        %max3A_338 = arith.maxsi %get3A_335, %max3A_337 : vector<16xi32>
        %min3A_339 = arith.constant 100000 : i32
        %min3A_340 = vector.broadcast %min3A_339 : i32 to vector<16xi32>
        %min3A_341 = arith.minsi %max3A_338, %min3A_340 : vector<16xi32>
        %add3A_342 = arith.constant 100000 : i32
        %add3A_343 = vector.broadcast %add3A_342 : i32 to vector<16xi32>
        %add3A_344 = arith.addi %min3A_341, %add3A_343 : vector<16xi32>
        %swap3A_345 = arith.index_cast %add3A_223 : i32 to index
        %swap3A_346 = arith.constant 96 : index
        %swap3A_347 = tpu.vector_load %arg5[%swap3A_345, %swap3A_346] {strides = array<i32>} : memref<200x128xi32, #tpu.memory_space<vmem>>, vector<1x16xi32>,
        %swap3A_348 = vector.shape_cast %swap3A_347 : vector<1x16xi32> to vector<16xi32>
        %swap3A_349 = vector.shape_cast %add3A_344 : vector<16xi32> to vector<1x16xi32>
        tpu.vector_store %arg5[%swap3A_345, %swap3A_346], %swap3A_349 {strides = array<i32>} : memref<200x128xi32, #tpu.memory_space<vmem>>, vector<1x16xi32>,
        %get3A_350 = arith.index_cast %add3A_223 : i32 to index
        %get3A_351 = arith.constant 112 : index
        %get3A_352 = tpu.vector_load %arg5[%get3A_350, %get3A_351] {strides = array<i32>} : memref<200x128xi32, #tpu.memory_space<vmem>>, vector<1x16xi32>,
        %get3A_353 = vector.shape_cast %get3A_352 : vector<1x16xi32> to vector<16xi32>
        %max3A_354 = arith.constant -100000 : i32
        %max3A_355 = vector.broadcast %max3A_354 : i32 to vector<16xi32>
        %max3A_356 = arith.maxsi %get3A_353, %max3A_355 : vector<16xi32>
        %min3A_357 = arith.constant 100000 : i32
        %min3A_358 = vector.broadcast %min3A_357 : i32 to vector<16xi32>
        %min3A_359 = arith.minsi %max3A_356, %min3A_358 : vector<16xi32>
        %add3A_360 = arith.constant 100000 : i32
        %add3A_361 = vector.broadcast %add3A_360 : i32 to vector<16xi32>
        %add3A_362 = arith.addi %min3A_359, %add3A_361 : vector<16xi32>
        %swap3A_363 = arith.index_cast %add3A_223 : i32 to index
        %swap3A_364 = arith.constant 112 : index
        %swap3A_365 = tpu.vector_load %arg5[%swap3A_363, %swap3A_364] {strides = array<i32>} : memref<200x128xi32, #tpu.memory_space<vmem>>, vector<1x16xi32>,
        %swap3A_366 = vector.shape_cast %swap3A_365 : vector<1x16xi32> to vector<16xi32>
        %swap3A_367 = vector.shape_cast %add3A_362 : vector<16xi32> to vector<1x16xi32>
        tpu.vector_store %arg5[%swap3A_363, %swap3A_364], %swap3A_367 {strides = array<i32>} : memref<200x128xi32, #tpu.memory_space<vmem>>, vector<1x16xi32>,
        %dma_start3A_368 = arith.constant 0 : i32
        %dma_start3A_369 = tpu.memref_slice %arg5[%add3A_223, %dma_start3A_368] : memref<200x128xi32, #tpu.memory_space<vmem>> -> memref<1x128xi32, #tpu.memory_space<vmem>>
        %dma_start3A_370 = tpu.memref_squeeze %dma_start3A_369 : memref<1x128xi32, #tpu.memory_space<vmem>> -> memref<128xi32, #tpu.memory_space<vmem>>
        %dma_start3A_371 = arith.constant 0 : i32
        %dma_start3A_372 = arith.constant 0 : i32
        %dma_start3A_373 = tpu.memref_slice %arg2[%dma_start3A_371, %dma_start3A_372] : memref<200001x128xf32, #tpu.memory_space<hbm>> -> memref<200001x128xf32, #tpu.memory_space<hbm>>
        tpu.enqueue_indirect_dma source(%dma_start3A_373 : memref<200001x128xf32, #tpu.memory_space<hbm>>) target(%arg7 : memref<128x128xf32, #tpu.memory_space<vmem>>) offsets(%dma_start3A_370 : memref<128xi32, #tpu.memory_space<vmem>>) semaphore(%arg12 : memref<!tpu.dma_semaphore, #tpu.memory_space<semaphore_mem>>)
        %scan3A_374 = arith.constant 0 : i32
        %scan3A_375 = arith.constant 0 : i32
        %scan3A_376 = arith.constant 16 : i32
        %scan3A_377 = arith.addi %scan3A_375, %scan3A_376 : i32
        %scan3A_378 = arith.constant 1 : i32
        scf.for %scan3A_564 = %scan3A_375 to %scan3A_377 step %scan3A_378  : i32 {
          %mul3A_565 = arith.constant 8 : i32
          %mul3A_566 = arith.muli %scan3A_564, %mul3A_565 : i32
          %add3A_567 = arith.constant 0 : i32
          %add3A_568 = arith.addi %mul3A_566, %add3A_567 : i32
          %get3A_569 = arith.index_cast %add3A_568 : i32 to index
          %get3A_570 = arith.constant 0 : index
          %get3A_571 = tpu.vector_load %arg6[%get3A_569, %get3A_570] {strides = array<i32>} : memref<128x128xf32, #tpu.memory_space<vmem>>, vector<1x16xf32>,
          %get3A_572 = vector.shape_cast %get3A_571 : vector<1x16xf32> to vector<16xf32>
          %swap3A_573 = arith.constant 0 : i32
          %swap3A_574 = arith.index_cast %scan3A_564 : i32 to index
          %swap3A_575 = arith.index_cast %swap3A_573 : i32 to index
          %swap3A_576 = arith.constant 0 : index
          %swap3A_577 = tpu.vector_load %arg8[%swap3A_574, %swap3A_575, %swap3A_576] {strides = array<i32>} : memref<16x8x64xf32, #tpu.memory_space<vmem>>, vector<1x1x16xf32>,
          %swap3A_578 = vector.shape_cast %swap3A_577 : vector<1x1x16xf32> to vector<16xf32>
          %swap3A_579 = vector.shape_cast %get3A_572 : vector<16xf32> to vector<1x1x16xf32>
          tpu.vector_store %arg8[%swap3A_574, %swap3A_575, %swap3A_576], %swap3A_579 {strides = array<i32>} : memref<16x8x64xf32, #tpu.memory_space<vmem>>, vector<1x1x16xf32>,
          %mul3A_580 = arith.constant 8 : i32
          %mul3A_581 = arith.muli %scan3A_564, %mul3A_580 : i32
          %add3A_582 = arith.constant 0 : i32
          %add3A_583 = arith.addi %mul3A_581, %add3A_582 : i32
          %get3A_584 = arith.index_cast %add3A_583 : i32 to index
          %get3A_585 = arith.constant 16 : index
          %get3A_586 = tpu.vector_load %arg6[%get3A_584, %get3A_585] {strides = array<i32>} : memref<128x128xf32, #tpu.memory_space<vmem>>, vector<1x16xf32>,
          %get3A_587 = vector.shape_cast %get3A_586 : vector<1x16xf32> to vector<16xf32>
          %swap3A_588 = arith.constant 0 : i32
          %swap3A_589 = arith.index_cast %scan3A_564 : i32 to index
          %swap3A_590 = arith.index_cast %swap3A_588 : i32 to index
          %swap3A_591 = arith.constant 16 : index
          %swap3A_592 = tpu.vector_load %arg8[%swap3A_589, %swap3A_590, %swap3A_591] {strides = array<i32>} : memref<16x8x64xf32, #tpu.memory_space<vmem>>, vector<1x1x16xf32>,
          %swap3A_593 = vector.shape_cast %swap3A_592 : vector<1x1x16xf32> to vector<16xf32>
          %swap3A_594 = vector.shape_cast %get3A_587 : vector<16xf32> to vector<1x1x16xf32>
          tpu.vector_store %arg8[%swap3A_589, %swap3A_590, %swap3A_591], %swap3A_594 {strides = array<i32>} : memref<16x8x64xf32, #tpu.memory_space<vmem>>, vector<1x1x16xf32>,
          %mul3A_595 = arith.constant 8 : i32
          %mul3A_596 = arith.muli %scan3A_564, %mul3A_595 : i32
          %add3A_597 = arith.constant 0 : i32
          %add3A_598 = arith.addi %mul3A_596, %add3A_597 : i32
          %get3A_599 = arith.index_cast %add3A_598 : i32 to index
          %get3A_600 = arith.constant 32 : index
          %get3A_601 = tpu.vector_load %arg6[%get3A_599, %get3A_600] {strides = array<i32>} : memref<128x128xf32, #tpu.memory_space<vmem>>, vector<1x16xf32>,
          %get3A_602 = vector.shape_cast %get3A_601 : vector<1x16xf32> to vector<16xf32>
          %swap3A_603 = arith.constant 0 : i32
          %swap3A_604 = arith.index_cast %scan3A_564 : i32 to index
          %swap3A_605 = arith.index_cast %swap3A_603 : i32 to index
          %swap3A_606 = arith.constant 32 : index
          %swap3A_607 = tpu.vector_load %arg8[%swap3A_604, %swap3A_605, %swap3A_606] {strides = array<i32>} : memref<16x8x64xf32, #tpu.memory_space<vmem>>, vector<1x1x16xf32>,
          %swap3A_608 = vector.shape_cast %swap3A_607 : vector<1x1x16xf32> to vector<16xf32>
          %swap3A_609 = vector.shape_cast %get3A_602 : vector<16xf32> to vector<1x1x16xf32>
          tpu.vector_store %arg8[%swap3A_604, %swap3A_605, %swap3A_606], %swap3A_609 {strides = array<i32>} : memref<16x8x64xf32, #tpu.memory_space<vmem>>, vector<1x1x16xf32>,
          %mul3A_610 = arith.constant 8 : i32
          %mul3A_611 = arith.muli %scan3A_564, %mul3A_610 : i32
          %add3A_612 = arith.constant 0 : i32
          %add3A_613 = arith.addi %mul3A_611, %add3A_612 : i32
          %get3A_614 = arith.index_cast %add3A_613 : i32 to index
          %get3A_615 = arith.constant 48 : index
          %get3A_616 = tpu.vector_load %arg6[%get3A_614, %get3A_615] {strides = array<i32>} : memref<128x128xf32, #tpu.memory_space<vmem>>, vector<1x16xf32>,
          %get3A_617 = vector.shape_cast %get3A_616 : vector<1x16xf32> to vector<16xf32>
          %swap3A_618 = arith.constant 0 : i32
          %swap3A_619 = arith.index_cast %scan3A_564 : i32 to index
          %swap3A_620 = arith.index_cast %swap3A_618 : i32 to index
          %swap3A_621 = arith.constant 48 : index
          %swap3A_622 = tpu.vector_load %arg8[%swap3A_619, %swap3A_620, %swap3A_621] {strides = array<i32>} : memref<16x8x64xf32, #tpu.memory_space<vmem>>, vector<1x1x16xf32>,
          %swap3A_623 = vector.shape_cast %swap3A_622 : vector<1x1x16xf32> to vector<16xf32>
          %swap3A_624 = vector.shape_cast %get3A_617 : vector<16xf32> to vector<1x1x16xf32>
          tpu.vector_store %arg8[%swap3A_619, %swap3A_620, %swap3A_621], %swap3A_624 {strides = array<i32>} : memref<16x8x64xf32, #tpu.memory_space<vmem>>, vector<1x1x16xf32>,
          %mul3A_625 = arith.constant 8 : i32
          %mul3A_626 = arith.muli %scan3A_564, %mul3A_625 : i32
          %add3A_627 = arith.constant 1 : i32
          %add3A_628 = arith.addi %mul3A_626, %add3A_627 : i32
          %get3A_629 = arith.index_cast %add3A_628 : i32 to index
          %get3A_630 = arith.constant 0 : index
          %get3A_631 = tpu.vector_load %arg6[%get3A_629, %get3A_630] {strides = array<i32>} : memref<128x128xf32, #tpu.memory_space<vmem>>, vector<1x16xf32>,
          %get3A_632 = vector.shape_cast %get3A_631 : vector<1x16xf32> to vector<16xf32>
          %swap3A_633 = arith.constant 1 : i32
          %swap3A_634 = arith.index_cast %scan3A_564 : i32 to index
          %swap3A_635 = arith.index_cast %swap3A_633 : i32 to index
          %swap3A_636 = arith.constant 0 : index
          %swap3A_637 = tpu.vector_load %arg8[%swap3A_634, %swap3A_635, %swap3A_636] {strides = array<i32>} : memref<16x8x64xf32, #tpu.memory_space<vmem>>, vector<1x1x16xf32>,
          %swap3A_638 = vector.shape_cast %swap3A_637 : vector<1x1x16xf32> to vector<16xf32>
          %swap3A_639 = vector.shape_cast %get3A_632 : vector<16xf32> to vector<1x1x16xf32>
          tpu.vector_store %arg8[%swap3A_634, %swap3A_635, %swap3A_636], %swap3A_639 {strides = array<i32>} : memref<16x8x64xf32, #tpu.memory_space<vmem>>, vector<1x1x16xf32>,
          %mul3A_640 = arith.constant 8 : i32
          %mul3A_641 = arith.muli %scan3A_564, %mul3A_640 : i32
          %add3A_642 = arith.constant 1 : i32
          %add3A_643 = arith.addi %mul3A_641, %add3A_642 : i32
          %get3A_644 = arith.index_cast %add3A_643 : i32 to index
          %get3A_645 = arith.constant 16 : index
          %get3A_646 = tpu.vector_load %arg6[%get3A_644, %get3A_645] {strides = array<i32>} : memref<128x128xf32, #tpu.memory_space<vmem>>, vector<1x16xf32>,
          %get3A_647 = vector.shape_cast %get3A_646 : vector<1x16xf32> to vector<16xf32>
          %swap3A_648 = arith.constant 1 : i32
          %swap3A_649 = arith.index_cast %scan3A_564 : i32 to index
          %swap3A_650 = arith.index_cast %swap3A_648 : i32 to index
          %swap3A_651 = arith.constant 16 : index
          %swap3A_652 = tpu.vector_load %arg8[%swap3A_649, %swap3A_650, %swap3A_651] {strides = array<i32>} : memref<16x8x64xf32, #tpu.memory_space<vmem>>, vector<1x1x16xf32>,
          %swap3A_653 = vector.shape_cast %swap3A_652 : vector<1x1x16xf32> to vector<16xf32>
          %swap3A_654 = vector.shape_cast %get3A_647 : vector<16xf32> to vector<1x1x16xf32>
          tpu.vector_store %arg8[%swap3A_649, %swap3A_650, %swap3A_651], %swap3A_654 {strides = array<i32>} : memref<16x8x64xf32, #tpu.memory_space<vmem>>, vector<1x1x16xf32>,
          %mul3A_655 = arith.constant 8 : i32
          %mul3A_656 = arith.muli %scan3A_564, %mul3A_655 : i32
          %add3A_657 = arith.constant 1 : i32
          %add3A_658 = arith.addi %mul3A_656, %add3A_657 : i32
          %get3A_659 = arith.index_cast %add3A_658 : i32 to index
          %get3A_660 = arith.constant 32 : index
          %get3A_661 = tpu.vector_load %arg6[%get3A_659, %get3A_660] {strides = array<i32>} : memref<128x128xf32, #tpu.memory_space<vmem>>, vector<1x16xf32>,
          %get3A_662 = vector.shape_cast %get3A_661 : vector<1x16xf32> to vector<16xf32>
          %swap3A_663 = arith.constant 1 : i32
          %swap3A_664 = arith.index_cast %scan3A_564 : i32 to index
          %swap3A_665 = arith.index_cast %swap3A_663 : i32 to index
          %swap3A_666 = arith.constant 32 : index
          %swap3A_667 = tpu.vector_load %arg8[%swap3A_664, %swap3A_665, %swap3A_666] {strides = array<i32>} : memref<16x8x64xf32, #tpu.memory_space<vmem>>, vector<1x1x16xf32>,
          %swap3A_668 = vector.shape_cast %swap3A_667 : vector<1x1x16xf32> to vector<16xf32>
          %swap3A_669 = vector.shape_cast %get3A_662 : vector<16xf32> to vector<1x1x16xf32>
          tpu.vector_store %arg8[%swap3A_664, %swap3A_665, %swap3A_666], %swap3A_669 {strides = array<i32>} : memref<16x8x64xf32, #tpu.memory_space<vmem>>, vector<1x1x16xf32>,
          %mul3A_670 = arith.constant 8 : i32
          %mul3A_671 = arith.muli %scan3A_564, %mul3A_670 : i32
          %add3A_672 = arith.constant 1 : i32
          %add3A_673 = arith.addi %mul3A_671, %add3A_672 : i32
          %get3A_674 = arith.index_cast %add3A_673 : i32 to index
          %get3A_675 = arith.constant 48 : index
          %get3A_676 = tpu.vector_load %arg6[%get3A_674, %get3A_675] {strides = array<i32>} : memref<128x128xf32, #tpu.memory_space<vmem>>, vector<1x16xf32>,
          %get3A_677 = vector.shape_cast %get3A_676 : vector<1x16xf32> to vector<16xf32>
          %swap3A_678 = arith.constant 1 : i32
          %swap3A_679 = arith.index_cast %scan3A_564 : i32 to index
          %swap3A_680 = arith.index_cast %swap3A_678 : i32 to index
          %swap3A_681 = arith.constant 48 : index
          %swap3A_682 = tpu.vector_load %arg8[%swap3A_679, %swap3A_680, %swap3A_681] {strides = array<i32>} : memref<16x8x64xf32, #tpu.memory_space<vmem>>, vector<1x1x16xf32>,
          %swap3A_683 = vector.shape_cast %swap3A_682 : vector<1x1x16xf32> to vector<16xf32>
          %swap3A_684 = vector.shape_cast %get3A_677 : vector<16xf32> to vector<1x1x16xf32>
          tpu.vector_store %arg8[%swap3A_679, %swap3A_680, %swap3A_681], %swap3A_684 {strides = array<i32>} : memref<16x8x64xf32, #tpu.memory_space<vmem>>, vector<1x1x16xf32>,
          %mul3A_685 = arith.constant 8 : i32
          %mul3A_686 = arith.muli %scan3A_564, %mul3A_685 : i32
          %add3A_687 = arith.constant 2 : i32
          %add3A_688 = arith.addi %mul3A_686, %add3A_687 : i32
          %get3A_689 = arith.index_cast %add3A_688 : i32 to index
          %get3A_690 = arith.constant 0 : index
          %get3A_691 = tpu.vector_load %arg6[%get3A_689, %get3A_690] {strides = array<i32>} : memref<128x128xf32, #tpu.memory_space<vmem>>, vector<1x16xf32>,
          %get3A_692 = vector.shape_cast %get3A_691 : vector<1x16xf32> to vector<16xf32>
          %swap3A_693 = arith.constant 2 : i32
          %swap3A_694 = arith.index_cast %scan3A_564 : i32 to index
          %swap3A_695 = arith.index_cast %swap3A_693 : i32 to index
          %swap3A_696 = arith.constant 0 : index
          %swap3A_697 = tpu.vector_load %arg8[%swap3A_694, %swap3A_695, %swap3A_696] {strides = array<i32>} : memref<16x8x64xf32, #tpu.memory_space<vmem>>, vector<1x1x16xf32>,
          %swap3A_698 = vector.shape_cast %swap3A_697 : vector<1x1x16xf32> to vector<16xf32>
          %swap3A_699 = vector.shape_cast %get3A_692 : vector<16xf32> to vector<1x1x16xf32>
          tpu.vector_store %arg8[%swap3A_694, %swap3A_695, %swap3A_696], %swap3A_699 {strides = array<i32>} : memref<16x8x64xf32, #tpu.memory_space<vmem>>, vector<1x1x16xf32>,
          %mul3A_700 = arith.constant 8 : i32
          %mul3A_701 = arith.muli %scan3A_564, %mul3A_700 : i32
          %add3A_702 = arith.constant 2 : i32
          %add3A_703 = arith.addi %mul3A_701, %add3A_702 : i32
          %get3A_704 = arith.index_cast %add3A_703 : i32 to index
          %get3A_705 = arith.constant 16 : index
          %get3A_706 = tpu.vector_load %arg6[%get3A_704, %get3A_705] {strides = array<i32>} : memref<128x128xf32, #tpu.memory_space<vmem>>, vector<1x16xf32>,
          %get3A_707 = vector.shape_cast %get3A_706 : vector<1x16xf32> to vector<16xf32>
          %swap3A_708 = arith.constant 2 : i32
          %swap3A_709 = arith.index_cast %scan3A_564 : i32 to index
          %swap3A_710 = arith.index_cast %swap3A_708 : i32 to index
          %swap3A_711 = arith.constant 16 : index
          %swap3A_712 = tpu.vector_load %arg8[%swap3A_709, %swap3A_710, %swap3A_711] {strides = array<i32>} : memref<16x8x64xf32, #tpu.memory_space<vmem>>, vector<1x1x16xf32>,
          %swap3A_713 = vector.shape_cast %swap3A_712 : vector<1x1x16xf32> to vector<16xf32>
          %swap3A_714 = vector.shape_cast %get3A_707 : vector<16xf32> to vector<1x1x16xf32>
          tpu.vector_store %arg8[%swap3A_709, %swap3A_710, %swap3A_711], %swap3A_714 {strides = array<i32>} : memref<16x8x64xf32, #tpu.memory_space<vmem>>, vector<1x1x16xf32>,
          %mul3A_715 = arith.constant 8 : i32
          %mul3A_716 = arith.muli %scan3A_564, %mul3A_715 : i32
          %add3A_717 = arith.constant 2 : i32
          %add3A_718 = arith.addi %mul3A_716, %add3A_717 : i32
          %get3A_719 = arith.index_cast %add3A_718 : i32 to index
          %get3A_720 = arith.constant 32 : index
          %get3A_721 = tpu.vector_load %arg6[%get3A_719, %get3A_720] {strides = array<i32>} : memref<128x128xf32, #tpu.memory_space<vmem>>, vector<1x16xf32>,
          %get3A_722 = vector.shape_cast %get3A_721 : vector<1x16xf32> to vector<16xf32>
          %swap3A_723 = arith.constant 2 : i32
          %swap3A_724 = arith.index_cast %scan3A_564 : i32 to index
          %swap3A_725 = arith.index_cast %swap3A_723 : i32 to index
          %swap3A_726 = arith.constant 32 : index
          %swap3A_727 = tpu.vector_load %arg8[%swap3A_724, %swap3A_725, %swap3A_726] {strides = array<i32>} : memref<16x8x64xf32, #tpu.memory_space<vmem>>, vector<1x1x16xf32>,
          %swap3A_728 = vector.shape_cast %swap3A_727 : vector<1x1x16xf32> to vector<16xf32>
          %swap3A_729 = vector.shape_cast %get3A_722 : vector<16xf32> to vector<1x1x16xf32>
          tpu.vector_store %arg8[%swap3A_724, %swap3A_725, %swap3A_726], %swap3A_729 {strides = array<i32>} : memref<16x8x64xf32, #tpu.memory_space<vmem>>, vector<1x1x16xf32>,
          %mul3A_730 = arith.constant 8 : i32
          %mul3A_731 = arith.muli %scan3A_564, %mul3A_730 : i32
          %add3A_732 = arith.constant 2 : i32
          %add3A_733 = arith.addi %mul3A_731, %add3A_732 : i32
          %get3A_734 = arith.index_cast %add3A_733 : i32 to index
          %get3A_735 = arith.constant 48 : index
          %get3A_736 = tpu.vector_load %arg6[%get3A_734, %get3A_735] {strides = array<i32>} : memref<128x128xf32, #tpu.memory_space<vmem>>, vector<1x16xf32>,
          %get3A_737 = vector.shape_cast %get3A_736 : vector<1x16xf32> to vector<16xf32>
          %swap3A_738 = arith.constant 2 : i32
          %swap3A_739 = arith.index_cast %scan3A_564 : i32 to index
          %swap3A_740 = arith.index_cast %swap3A_738 : i32 to index
          %swap3A_741 = arith.constant 48 : index
          %swap3A_742 = tpu.vector_load %arg8[%swap3A_739, %swap3A_740, %swap3A_741] {strides = array<i32>} : memref<16x8x64xf32, #tpu.memory_space<vmem>>, vector<1x1x16xf32>,
          %swap3A_743 = vector.shape_cast %swap3A_742 : vector<1x1x16xf32> to vector<16xf32>
          %swap3A_744 = vector.shape_cast %get3A_737 : vector<16xf32> to vector<1x1x16xf32>
          tpu.vector_store %arg8[%swap3A_739, %swap3A_740, %swap3A_741], %swap3A_744 {strides = array<i32>} : memref<16x8x64xf32, #tpu.memory_space<vmem>>, vector<1x1x16xf32>,
          %mul3A_745 = arith.constant 8 : i32
          %mul3A_746 = arith.muli %scan3A_564, %mul3A_745 : i32
          %add3A_747 = arith.constant 3 : i32
          %add3A_748 = arith.addi %mul3A_746, %add3A_747 : i32
          %get3A_749 = arith.index_cast %add3A_748 : i32 to index
          %get3A_750 = arith.constant 0 : index
          %get3A_751 = tpu.vector_load %arg6[%get3A_749, %get3A_750] {strides = array<i32>} : memref<128x128xf32, #tpu.memory_space<vmem>>, vector<1x16xf32>,
          %get3A_752 = vector.shape_cast %get3A_751 : vector<1x16xf32> to vector<16xf32>
          %swap3A_753 = arith.constant 3 : i32
          %swap3A_754 = arith.index_cast %scan3A_564 : i32 to index
          %swap3A_755 = arith.index_cast %swap3A_753 : i32 to index
          %swap3A_756 = arith.constant 0 : index
          %swap3A_757 = tpu.vector_load %arg8[%swap3A_754, %swap3A_755, %swap3A_756] {strides = array<i32>} : memref<16x8x64xf32, #tpu.memory_space<vmem>>, vector<1x1x16xf32>,
          %swap3A_758 = vector.shape_cast %swap3A_757 : vector<1x1x16xf32> to vector<16xf32>
          %swap3A_759 = vector.shape_cast %get3A_752 : vector<16xf32> to vector<1x1x16xf32>
          tpu.vector_store %arg8[%swap3A_754, %swap3A_755, %swap3A_756], %swap3A_759 {strides = array<i32>} : memref<16x8x64xf32, #tpu.memory_space<vmem>>, vector<1x1x16xf32>,
          %mul3A_760 = arith.constant 8 : i32
          %mul3A_761 = arith.muli %scan3A_564, %mul3A_760 : i32
          %add3A_762 = arith.constant 3 : i32
          %add3A_763 = arith.addi %mul3A_761, %add3A_762 : i32
          %get3A_764 = arith.index_cast %add3A_763 : i32 to index
          %get3A_765 = arith.constant 16 : index
          %get3A_766 = tpu.vector_load %arg6[%get3A_764, %get3A_765] {strides = array<i32>} : memref<128x128xf32, #tpu.memory_space<vmem>>, vector<1x16xf32>,
          %get3A_767 = vector.shape_cast %get3A_766 : vector<1x16xf32> to vector<16xf32>
          %swap3A_768 = arith.constant 3 : i32
          %swap3A_769 = arith.index_cast %scan3A_564 : i32 to index
          %swap3A_770 = arith.index_cast %swap3A_768 : i32 to index
          %swap3A_771 = arith.constant 16 : index
          %swap3A_772 = tpu.vector_load %arg8[%swap3A_769, %swap3A_770, %swap3A_771] {strides = array<i32>} : memref<16x8x64xf32, #tpu.memory_space<vmem>>, vector<1x1x16xf32>,
          %swap3A_773 = vector.shape_cast %swap3A_772 : vector<1x1x16xf32> to vector<16xf32>
          %swap3A_774 = vector.shape_cast %get3A_767 : vector<16xf32> to vector<1x1x16xf32>
          tpu.vector_store %arg8[%swap3A_769, %swap3A_770, %swap3A_771], %swap3A_774 {strides = array<i32>} : memref<16x8x64xf32, #tpu.memory_space<vmem>>, vector<1x1x16xf32>,
          %mul3A_775 = arith.constant 8 : i32
          %mul3A_776 = arith.muli %scan3A_564, %mul3A_775 : i32
          %add3A_777 = arith.constant 3 : i32
          %add3A_778 = arith.addi %mul3A_776, %add3A_777 : i32
          %get3A_779 = arith.index_cast %add3A_778 : i32 to index
          %get3A_780 = arith.constant 32 : index
          %get3A_781 = tpu.vector_load %arg6[%get3A_779, %get3A_780] {strides = array<i32>} : memref<128x128xf32, #tpu.memory_space<vmem>>, vector<1x16xf32>,
          %get3A_782 = vector.shape_cast %get3A_781 : vector<1x16xf32> to vector<16xf32>
          %swap3A_783 = arith.constant 3 : i32
          %swap3A_784 = arith.index_cast %scan3A_564 : i32 to index
          %swap3A_785 = arith.index_cast %swap3A_783 : i32 to index
          %swap3A_786 = arith.constant 32 : index
          %swap3A_787 = tpu.vector_load %arg8[%swap3A_784, %swap3A_785, %swap3A_786] {strides = array<i32>} : memref<16x8x64xf32, #tpu.memory_space<vmem>>, vector<1x1x16xf32>,
          %swap3A_788 = vector.shape_cast %swap3A_787 : vector<1x1x16xf32> to vector<16xf32>
          %swap3A_789 = vector.shape_cast %get3A_782 : vector<16xf32> to vector<1x1x16xf32>
          tpu.vector_store %arg8[%swap3A_784, %swap3A_785, %swap3A_786], %swap3A_789 {strides = array<i32>} : memref<16x8x64xf32, #tpu.memory_space<vmem>>, vector<1x1x16xf32>,
          %mul3A_790 = arith.constant 8 : i32
          %mul3A_791 = arith.muli %scan3A_564, %mul3A_790 : i32
          %add3A_792 = arith.constant 3 : i32
          %add3A_793 = arith.addi %mul3A_791, %add3A_792 : i32
          %get3A_794 = arith.index_cast %add3A_793 : i32 to index
          %get3A_795 = arith.constant 48 : index
          %get3A_796 = tpu.vector_load %arg6[%get3A_794, %get3A_795] {strides = array<i32>} : memref<128x128xf32, #tpu.memory_space<vmem>>, vector<1x16xf32>,
          %get3A_797 = vector.shape_cast %get3A_796 : vector<1x16xf32> to vector<16xf32>
          %swap3A_798 = arith.constant 3 : i32
          %swap3A_799 = arith.index_cast %scan3A_564 : i32 to index
          %swap3A_800 = arith.index_cast %swap3A_798 : i32 to index
          %swap3A_801 = arith.constant 48 : index
          %swap3A_802 = tpu.vector_load %arg8[%swap3A_799, %swap3A_800, %swap3A_801] {strides = array<i32>} : memref<16x8x64xf32, #tpu.memory_space<vmem>>, vector<1x1x16xf32>,
          %swap3A_803 = vector.shape_cast %swap3A_802 : vector<1x1x16xf32> to vector<16xf32>
          %swap3A_804 = vector.shape_cast %get3A_797 : vector<16xf32> to vector<1x1x16xf32>
          tpu.vector_store %arg8[%swap3A_799, %swap3A_800, %swap3A_801], %swap3A_804 {strides = array<i32>} : memref<16x8x64xf32, #tpu.memory_space<vmem>>, vector<1x1x16xf32>,
          %mul3A_805 = arith.constant 8 : i32
          %mul3A_806 = arith.muli %scan3A_564, %mul3A_805 : i32
          %add3A_807 = arith.constant 4 : i32
          %add3A_808 = arith.addi %mul3A_806, %add3A_807 : i32
          %get3A_809 = arith.index_cast %add3A_808 : i32 to index
          %get3A_810 = arith.constant 0 : index
          %get3A_811 = tpu.vector_load %arg6[%get3A_809, %get3A_810] {strides = array<i32>} : memref<128x128xf32, #tpu.memory_space<vmem>>, vector<1x16xf32>,
          %get3A_812 = vector.shape_cast %get3A_811 : vector<1x16xf32> to vector<16xf32>
          %swap3A_813 = arith.constant 4 : i32
          %swap3A_814 = arith.index_cast %scan3A_564 : i32 to index
          %swap3A_815 = arith.index_cast %swap3A_813 : i32 to index
          %swap3A_816 = arith.constant 0 : index
          %swap3A_817 = tpu.vector_load %arg8[%swap3A_814, %swap3A_815, %swap3A_816] {strides = array<i32>} : memref<16x8x64xf32, #tpu.memory_space<vmem>>, vector<1x1x16xf32>,
          %swap3A_818 = vector.shape_cast %swap3A_817 : vector<1x1x16xf32> to vector<16xf32>
          %swap3A_819 = vector.shape_cast %get3A_812 : vector<16xf32> to vector<1x1x16xf32>
          tpu.vector_store %arg8[%swap3A_814, %swap3A_815, %swap3A_816], %swap3A_819 {strides = array<i32>} : memref<16x8x64xf32, #tpu.memory_space<vmem>>, vector<1x1x16xf32>,
          %mul3A_820 = arith.constant 8 : i32
          %mul3A_821 = arith.muli %scan3A_564, %mul3A_820 : i32
          %add3A_822 = arith.constant 4 : i32
          %add3A_823 = arith.addi %mul3A_821, %add3A_822 : i32
          %get3A_824 = arith.index_cast %add3A_823 : i32 to index
          %get3A_825 = arith.constant 16 : index
          %get3A_826 = tpu.vector_load %arg6[%get3A_824, %get3A_825] {strides = array<i32>} : memref<128x128xf32, #tpu.memory_space<vmem>>, vector<1x16xf32>,
          %get3A_827 = vector.shape_cast %get3A_826 : vector<1x16xf32> to vector<16xf32>
          %swap3A_828 = arith.constant 4 : i32
          %swap3A_829 = arith.index_cast %scan3A_564 : i32 to index
          %swap3A_830 = arith.index_cast %swap3A_828 : i32 to index
          %swap3A_831 = arith.constant 16 : index
          %swap3A_832 = tpu.vector_load %arg8[%swap3A_829, %swap3A_830, %swap3A_831] {strides = array<i32>} : memref<16x8x64xf32, #tpu.memory_space<vmem>>, vector<1x1x16xf32>,
          %swap3A_833 = vector.shape_cast %swap3A_832 : vector<1x1x16xf32> to vector<16xf32>
          %swap3A_834 = vector.shape_cast %get3A_827 : vector<16xf32> to vector<1x1x16xf32>
          tpu.vector_store %arg8[%swap3A_829, %swap3A_830, %swap3A_831], %swap3A_834 {strides = array<i32>} : memref<16x8x64xf32, #tpu.memory_space<vmem>>, vector<1x1x16xf32>,
          %mul3A_835 = arith.constant 8 : i32
          %mul3A_836 = arith.muli %scan3A_564, %mul3A_835 : i32
          %add3A_837 = arith.constant 4 : i32
          %add3A_838 = arith.addi %mul3A_836, %add3A_837 : i32
          %get3A_839 = arith.index_cast %add3A_838 : i32 to index
          %get3A_840 = arith.constant 32 : index
          %get3A_841 = tpu.vector_load %arg6[%get3A_839, %get3A_840] {strides = array<i32>} : memref<128x128xf32, #tpu.memory_space<vmem>>, vector<1x16xf32>,
          %get3A_842 = vector.shape_cast %get3A_841 : vector<1x16xf32> to vector<16xf32>
          %swap3A_843 = arith.constant 4 : i32
          %swap3A_844 = arith.index_cast %scan3A_564 : i32 to index
          %swap3A_845 = arith.index_cast %swap3A_843 : i32 to index
          %swap3A_846 = arith.constant 32 : index
          %swap3A_847 = tpu.vector_load %arg8[%swap3A_844, %swap3A_845, %swap3A_846] {strides = array<i32>} : memref<16x8x64xf32, #tpu.memory_space<vmem>>, vector<1x1x16xf32>,
          %swap3A_848 = vector.shape_cast %swap3A_847 : vector<1x1x16xf32> to vector<16xf32>
          %swap3A_849 = vector.shape_cast %get3A_842 : vector<16xf32> to vector<1x1x16xf32>
          tpu.vector_store %arg8[%swap3A_844, %swap3A_845, %swap3A_846], %swap3A_849 {strides = array<i32>} : memref<16x8x64xf32, #tpu.memory_space<vmem>>, vector<1x1x16xf32>,
          %mul3A_850 = arith.constant 8 : i32
          %mul3A_851 = arith.muli %scan3A_564, %mul3A_850 : i32
          %add3A_852 = arith.constant 4 : i32
          %add3A_853 = arith.addi %mul3A_851, %add3A_852 : i32
          %get3A_854 = arith.index_cast %add3A_853 : i32 to index
          %get3A_855 = arith.constant 48 : index
          %get3A_856 = tpu.vector_load %arg6[%get3A_854, %get3A_855] {strides = array<i32>} : memref<128x128xf32, #tpu.memory_space<vmem>>, vector<1x16xf32>,
          %get3A_857 = vector.shape_cast %get3A_856 : vector<1x16xf32> to vector<16xf32>
          %swap3A_858 = arith.constant 4 : i32
          %swap3A_859 = arith.index_cast %scan3A_564 : i32 to index
          %swap3A_860 = arith.index_cast %swap3A_858 : i32 to index
          %swap3A_861 = arith.constant 48 : index
          %swap3A_862 = tpu.vector_load %arg8[%swap3A_859, %swap3A_860, %swap3A_861] {strides = array<i32>} : memref<16x8x64xf32, #tpu.memory_space<vmem>>, vector<1x1x16xf32>,
          %swap3A_863 = vector.shape_cast %swap3A_862 : vector<1x1x16xf32> to vector<16xf32>
          %swap3A_864 = vector.shape_cast %get3A_857 : vector<16xf32> to vector<1x1x16xf32>
          tpu.vector_store %arg8[%swap3A_859, %swap3A_860, %swap3A_861], %swap3A_864 {strides = array<i32>} : memref<16x8x64xf32, #tpu.memory_space<vmem>>, vector<1x1x16xf32>,
          %mul3A_865 = arith.constant 8 : i32
          %mul3A_866 = arith.muli %scan3A_564, %mul3A_865 : i32
          %add3A_867 = arith.constant 5 : i32
          %add3A_868 = arith.addi %mul3A_866, %add3A_867 : i32
          %get3A_869 = arith.index_cast %add3A_868 : i32 to index
          %get3A_870 = arith.constant 0 : index
          %get3A_871 = tpu.vector_load %arg6[%get3A_869, %get3A_870] {strides = array<i32>} : memref<128x128xf32, #tpu.memory_space<vmem>>, vector<1x16xf32>,
          %get3A_872 = vector.shape_cast %get3A_871 : vector<1x16xf32> to vector<16xf32>
          %swap3A_873 = arith.constant 5 : i32
          %swap3A_874 = arith.index_cast %scan3A_564 : i32 to index
          %swap3A_875 = arith.index_cast %swap3A_873 : i32 to index
          %swap3A_876 = arith.constant 0 : index
          %swap3A_877 = tpu.vector_load %arg8[%swap3A_874, %swap3A_875, %swap3A_876] {strides = array<i32>} : memref<16x8x64xf32, #tpu.memory_space<vmem>>, vector<1x1x16xf32>,
          %swap3A_878 = vector.shape_cast %swap3A_877 : vector<1x1x16xf32> to vector<16xf32>
          %swap3A_879 = vector.shape_cast %get3A_872 : vector<16xf32> to vector<1x1x16xf32>
          tpu.vector_store %arg8[%swap3A_874, %swap3A_875, %swap3A_876], %swap3A_879 {strides = array<i32>} : memref<16x8x64xf32, #tpu.memory_space<vmem>>, vector<1x1x16xf32>,
          %mul3A_880 = arith.constant 8 : i32
          %mul3A_881 = arith.muli %scan3A_564, %mul3A_880 : i32
          %add3A_882 = arith.constant 5 : i32
          %add3A_883 = arith.addi %mul3A_881, %add3A_882 : i32
          %get3A_884 = arith.index_cast %add3A_883 : i32 to index
          %get3A_885 = arith.constant 16 : index
          %get3A_886 = tpu.vector_load %arg6[%get3A_884, %get3A_885] {strides = array<i32>} : memref<128x128xf32, #tpu.memory_space<vmem>>, vector<1x16xf32>,
          %get3A_887 = vector.shape_cast %get3A_886 : vector<1x16xf32> to vector<16xf32>
          %swap3A_888 = arith.constant 5 : i32
          %swap3A_889 = arith.index_cast %scan3A_564 : i32 to index
          %swap3A_890 = arith.index_cast %swap3A_888 : i32 to index
          %swap3A_891 = arith.constant 16 : index
          %swap3A_892 = tpu.vector_load %arg8[%swap3A_889, %swap3A_890, %swap3A_891] {strides = array<i32>} : memref<16x8x64xf32, #tpu.memory_space<vmem>>, vector<1x1x16xf32>,
          %swap3A_893 = vector.shape_cast %swap3A_892 : vector<1x1x16xf32> to vector<16xf32>
          %swap3A_894 = vector.shape_cast %get3A_887 : vector<16xf32> to vector<1x1x16xf32>
          tpu.vector_store %arg8[%swap3A_889, %swap3A_890, %swap3A_891], %swap3A_894 {strides = array<i32>} : memref<16x8x64xf32, #tpu.memory_space<vmem>>, vector<1x1x16xf32>,
          %mul3A_895 = arith.constant 8 : i32
          %mul3A_896 = arith.muli %scan3A_564, %mul3A_895 : i32
          %add3A_897 = arith.constant 5 : i32
          %add3A_898 = arith.addi %mul3A_896, %add3A_897 : i32
          %get3A_899 = arith.index_cast %add3A_898 : i32 to index
          %get3A_900 = arith.constant 32 : index
          %get3A_901 = tpu.vector_load %arg6[%get3A_899, %get3A_900] {strides = array<i32>} : memref<128x128xf32, #tpu.memory_space<vmem>>, vector<1x16xf32>,
          %get3A_902 = vector.shape_cast %get3A_901 : vector<1x16xf32> to vector<16xf32>
          %swap3A_903 = arith.constant 5 : i32
          %swap3A_904 = arith.index_cast %scan3A_564 : i32 to index
          %swap3A_905 = arith.index_cast %swap3A_903 : i32 to index
          %swap3A_906 = arith.constant 32 : index
          %swap3A_907 = tpu.vector_load %arg8[%swap3A_904, %swap3A_905, %swap3A_906] {strides = array<i32>} : memref<16x8x64xf32, #tpu.memory_space<vmem>>, vector<1x1x16xf32>,
          %swap3A_908 = vector.shape_cast %swap3A_907 : vector<1x1x16xf32> to vector<16xf32>
          %swap3A_909 = vector.shape_cast %get3A_902 : vector<16xf32> to vector<1x1x16xf32>
          tpu.vector_store %arg8[%swap3A_904, %swap3A_905, %swap3A_906], %swap3A_909 {strides = array<i32>} : memref<16x8x64xf32, #tpu.memory_space<vmem>>, vector<1x1x16xf32>,
          %mul3A_910 = arith.constant 8 : i32
          %mul3A_911 = arith.muli %scan3A_564, %mul3A_910 : i32
          %add3A_912 = arith.constant 5 : i32
          %add3A_913 = arith.addi %mul3A_911, %add3A_912 : i32
          %get3A_914 = arith.index_cast %add3A_913 : i32 to index
          %get3A_915 = arith.constant 48 : index
          %get3A_916 = tpu.vector_load %arg6[%get3A_914, %get3A_915] {strides = array<i32>} : memref<128x128xf32, #tpu.memory_space<vmem>>, vector<1x16xf32>,
          %get3A_917 = vector.shape_cast %get3A_916 : vector<1x16xf32> to vector<16xf32>
          %swap3A_918 = arith.constant 5 : i32
          %swap3A_919 = arith.index_cast %scan3A_564 : i32 to index
          %swap3A_920 = arith.index_cast %swap3A_918 : i32 to index
          %swap3A_921 = arith.constant 48 : index
          %swap3A_922 = tpu.vector_load %arg8[%swap3A_919, %swap3A_920, %swap3A_921] {strides = array<i32>} : memref<16x8x64xf32, #tpu.memory_space<vmem>>, vector<1x1x16xf32>,
          %swap3A_923 = vector.shape_cast %swap3A_922 : vector<1x1x16xf32> to vector<16xf32>
          %swap3A_924 = vector.shape_cast %get3A_917 : vector<16xf32> to vector<1x1x16xf32>
          tpu.vector_store %arg8[%swap3A_919, %swap3A_920, %swap3A_921], %swap3A_924 {strides = array<i32>} : memref<16x8x64xf32, #tpu.memory_space<vmem>>, vector<1x1x16xf32>,
          %mul3A_925 = arith.constant 8 : i32
          %mul3A_926 = arith.muli %scan3A_564, %mul3A_925 : i32
          %add3A_927 = arith.constant 6 : i32
          %add3A_928 = arith.addi %mul3A_926, %add3A_927 : i32
          %get3A_929 = arith.index_cast %add3A_928 : i32 to index
          %get3A_930 = arith.constant 0 : index
          %get3A_931 = tpu.vector_load %arg6[%get3A_929, %get3A_930] {strides = array<i32>} : memref<128x128xf32, #tpu.memory_space<vmem>>, vector<1x16xf32>,
          %get3A_932 = vector.shape_cast %get3A_931 : vector<1x16xf32> to vector<16xf32>
          %swap3A_933 = arith.constant 6 : i32
          %swap3A_934 = arith.index_cast %scan3A_564 : i32 to index
          %swap3A_935 = arith.index_cast %swap3A_933 : i32 to index
          %swap3A_936 = arith.constant 0 : index
          %swap3A_937 = tpu.vector_load %arg8[%swap3A_934, %swap3A_935, %swap3A_936] {strides = array<i32>} : memref<16x8x64xf32, #tpu.memory_space<vmem>>, vector<1x1x16xf32>,
          %swap3A_938 = vector.shape_cast %swap3A_937 : vector<1x1x16xf32> to vector<16xf32>
          %swap3A_939 = vector.shape_cast %get3A_932 : vector<16xf32> to vector<1x1x16xf32>
          tpu.vector_store %arg8[%swap3A_934, %swap3A_935, %swap3A_936], %swap3A_939 {strides = array<i32>} : memref<16x8x64xf32, #tpu.memory_space<vmem>>, vector<1x1x16xf32>,
          %mul3A_940 = arith.constant 8 : i32
          %mul3A_941 = arith.muli %scan3A_564, %mul3A_940 : i32
          %add3A_942 = arith.constant 6 : i32
          %add3A_943 = arith.addi %mul3A_941, %add3A_942 : i32
          %get3A_944 = arith.index_cast %add3A_943 : i32 to index
          %get3A_945 = arith.constant 16 : index
          %get3A_946 = tpu.vector_load %arg6[%get3A_944, %get3A_945] {strides = array<i32>} : memref<128x128xf32, #tpu.memory_space<vmem>>, vector<1x16xf32>,
          %get3A_947 = vector.shape_cast %get3A_946 : vector<1x16xf32> to vector<16xf32>
          %swap3A_948 = arith.constant 6 : i32
          %swap3A_949 = arith.index_cast %scan3A_564 : i32 to index
          %swap3A_950 = arith.index_cast %swap3A_948 : i32 to index
          %swap3A_951 = arith.constant 16 : index
          %swap3A_952 = tpu.vector_load %arg8[%swap3A_949, %swap3A_950, %swap3A_951] {strides = array<i32>} : memref<16x8x64xf32, #tpu.memory_space<vmem>>, vector<1x1x16xf32>,
          %swap3A_953 = vector.shape_cast %swap3A_952 : vector<1x1x16xf32> to vector<16xf32>
          %swap3A_954 = vector.shape_cast %get3A_947 : vector<16xf32> to vector<1x1x16xf32>
          tpu.vector_store %arg8[%swap3A_949, %swap3A_950, %swap3A_951], %swap3A_954 {strides = array<i32>} : memref<16x8x64xf32, #tpu.memory_space<vmem>>, vector<1x1x16xf32>,
          %mul3A_955 = arith.constant 8 : i32
          %mul3A_956 = arith.muli %scan3A_564, %mul3A_955 : i32
          %add3A_957 = arith.constant 6 : i32
          %add3A_958 = arith.addi %mul3A_956, %add3A_957 : i32
          %get3A_959 = arith.index_cast %add3A_958 : i32 to index
          %get3A_960 = arith.constant 32 : index
          %get3A_961 = tpu.vector_load %arg6[%get3A_959, %get3A_960] {strides = array<i32>} : memref<128x128xf32, #tpu.memory_space<vmem>>, vector<1x16xf32>,
          %get3A_962 = vector.shape_cast %get3A_961 : vector<1x16xf32> to vector<16xf32>
          %swap3A_963 = arith.constant 6 : i32
          %swap3A_964 = arith.index_cast %scan3A_564 : i32 to index
          %swap3A_965 = arith.index_cast %swap3A_963 : i32 to index
          %swap3A_966 = arith.constant 32 : index
          %swap3A_967 = tpu.vector_load %arg8[%swap3A_964, %swap3A_965, %swap3A_966] {strides = array<i32>} : memref<16x8x64xf32, #tpu.memory_space<vmem>>, vector<1x1x16xf32>,
          %swap3A_968 = vector.shape_cast %swap3A_967 : vector<1x1x16xf32> to vector<16xf32>
          %swap3A_969 = vector.shape_cast %get3A_962 : vector<16xf32> to vector<1x1x16xf32>
          tpu.vector_store %arg8[%swap3A_964, %swap3A_965, %swap3A_966], %swap3A_969 {strides = array<i32>} : memref<16x8x64xf32, #tpu.memory_space<vmem>>, vector<1x1x16xf32>,
          %mul3A_970 = arith.constant 8 : i32
          %mul3A_971 = arith.muli %scan3A_564, %mul3A_970 : i32
          %add3A_972 = arith.constant 6 : i32
          %add3A_973 = arith.addi %mul3A_971, %add3A_972 : i32
          %get3A_974 = arith.index_cast %add3A_973 : i32 to index
          %get3A_975 = arith.constant 48 : index
          %get3A_976 = tpu.vector_load %arg6[%get3A_974, %get3A_975] {strides = array<i32>} : memref<128x128xf32, #tpu.memory_space<vmem>>, vector<1x16xf32>,
          %get3A_977 = vector.shape_cast %get3A_976 : vector<1x16xf32> to vector<16xf32>
          %swap3A_978 = arith.constant 6 : i32
          %swap3A_979 = arith.index_cast %scan3A_564 : i32 to index
          %swap3A_980 = arith.index_cast %swap3A_978 : i32 to index
          %swap3A_981 = arith.constant 48 : index
          %swap3A_982 = tpu.vector_load %arg8[%swap3A_979, %swap3A_980, %swap3A_981] {strides = array<i32>} : memref<16x8x64xf32, #tpu.memory_space<vmem>>, vector<1x1x16xf32>,
          %swap3A_983 = vector.shape_cast %swap3A_982 : vector<1x1x16xf32> to vector<16xf32>
          %swap3A_984 = vector.shape_cast %get3A_977 : vector<16xf32> to vector<1x1x16xf32>
          tpu.vector_store %arg8[%swap3A_979, %swap3A_980, %swap3A_981], %swap3A_984 {strides = array<i32>} : memref<16x8x64xf32, #tpu.memory_space<vmem>>, vector<1x1x16xf32>,
          %mul3A_985 = arith.constant 8 : i32
          %mul3A_986 = arith.muli %scan3A_564, %mul3A_985 : i32
          %add3A_987 = arith.constant 7 : i32
          %add3A_988 = arith.addi %mul3A_986, %add3A_987 : i32
          %get3A_989 = arith.index_cast %add3A_988 : i32 to index
          %get3A_990 = arith.constant 0 : index
          %get3A_991 = tpu.vector_load %arg6[%get3A_989, %get3A_990] {strides = array<i32>} : memref<128x128xf32, #tpu.memory_space<vmem>>, vector<1x16xf32>,
          %get3A_992 = vector.shape_cast %get3A_991 : vector<1x16xf32> to vector<16xf32>
          %swap3A_993 = arith.constant 7 : i32
          %swap3A_994 = arith.index_cast %scan3A_564 : i32 to index
          %swap3A_995 = arith.index_cast %swap3A_993 : i32 to index
          %swap3A_996 = arith.constant 0 : index
          %swap3A_997 = tpu.vector_load %arg8[%swap3A_994, %swap3A_995, %swap3A_996] {strides = array<i32>} : memref<16x8x64xf32, #tpu.memory_space<vmem>>, vector<1x1x16xf32>,
          %swap3A_998 = vector.shape_cast %swap3A_997 : vector<1x1x16xf32> to vector<16xf32>
          %swap3A_999 = vector.shape_cast %get3A_992 : vector<16xf32> to vector<1x1x16xf32>
          tpu.vector_store %arg8[%swap3A_994, %swap3A_995, %swap3A_996], %swap3A_999 {strides = array<i32>} : memref<16x8x64xf32, #tpu.memory_space<vmem>>, vector<1x1x16xf32>,
          %mul3A_1000 = arith.constant 8 : i32
          %mul3A_1001 = arith.muli %scan3A_564, %mul3A_1000 : i32
          %add3A_1002 = arith.constant 7 : i32
          %add3A_1003 = arith.addi %mul3A_1001, %add3A_1002 : i32
          %get3A_1004 = arith.index_cast %add3A_1003 : i32 to index
          %get3A_1005 = arith.constant 16 : index
          %get3A_1006 = tpu.vector_load %arg6[%get3A_1004, %get3A_1005] {strides = array<i32>} : memref<128x128xf32, #tpu.memory_space<vmem>>, vector<1x16xf32>,
          %get3A_1007 = vector.shape_cast %get3A_1006 : vector<1x16xf32> to vector<16xf32>
          %swap3A_1008 = arith.constant 7 : i32
          %swap3A_1009 = arith.index_cast %scan3A_564 : i32 to index
          %swap3A_1010 = arith.index_cast %swap3A_1008 : i32 to index
          %swap3A_1011 = arith.constant 16 : index
          %swap3A_1012 = tpu.vector_load %arg8[%swap3A_1009, %swap3A_1010, %swap3A_1011] {strides = array<i32>} : memref<16x8x64xf32, #tpu.memory_space<vmem>>, vector<1x1x16xf32>,
          %swap3A_1013 = vector.shape_cast %swap3A_1012 : vector<1x1x16xf32> to vector<16xf32>
          %swap3A_1014 = vector.shape_cast %get3A_1007 : vector<16xf32> to vector<1x1x16xf32>
          tpu.vector_store %arg8[%swap3A_1009, %swap3A_1010, %swap3A_1011], %swap3A_1014 {strides = array<i32>} : memref<16x8x64xf32, #tpu.memory_space<vmem>>, vector<1x1x16xf32>,
          %mul3A_1015 = arith.constant 8 : i32
          %mul3A_1016 = arith.muli %scan3A_564, %mul3A_1015 : i32
          %add3A_1017 = arith.constant 7 : i32
          %add3A_1018 = arith.addi %mul3A_1016, %add3A_1017 : i32
          %get3A_1019 = arith.index_cast %add3A_1018 : i32 to index
          %get3A_1020 = arith.constant 32 : index
          %get3A_1021 = tpu.vector_load %arg6[%get3A_1019, %get3A_1020] {strides = array<i32>} : memref<128x128xf32, #tpu.memory_space<vmem>>, vector<1x16xf32>,
          %get3A_1022 = vector.shape_cast %get3A_1021 : vector<1x16xf32> to vector<16xf32>
          %swap3A_1023 = arith.constant 7 : i32
          %swap3A_1024 = arith.index_cast %scan3A_564 : i32 to index
          %swap3A_1025 = arith.index_cast %swap3A_1023 : i32 to index
          %swap3A_1026 = arith.constant 32 : index
          %swap3A_1027 = tpu.vector_load %arg8[%swap3A_1024, %swap3A_1025, %swap3A_1026] {strides = array<i32>} : memref<16x8x64xf32, #tpu.memory_space<vmem>>, vector<1x1x16xf32>,
          %swap3A_1028 = vector.shape_cast %swap3A_1027 : vector<1x1x16xf32> to vector<16xf32>
          %swap3A_1029 = vector.shape_cast %get3A_1022 : vector<16xf32> to vector<1x1x16xf32>
          tpu.vector_store %arg8[%swap3A_1024, %swap3A_1025, %swap3A_1026], %swap3A_1029 {strides = array<i32>} : memref<16x8x64xf32, #tpu.memory_space<vmem>>, vector<1x1x16xf32>,
          %mul3A_1030 = arith.constant 8 : i32
          %mul3A_1031 = arith.muli %scan3A_564, %mul3A_1030 : i32
          %add3A_1032 = arith.constant 7 : i32
          %add3A_1033 = arith.addi %mul3A_1031, %add3A_1032 : i32
          %get3A_1034 = arith.index_cast %add3A_1033 : i32 to index
          %get3A_1035 = arith.constant 48 : index
          %get3A_1036 = tpu.vector_load %arg6[%get3A_1034, %get3A_1035] {strides = array<i32>} : memref<128x128xf32, #tpu.memory_space<vmem>>, vector<1x16xf32>,
          %get3A_1037 = vector.shape_cast %get3A_1036 : vector<1x16xf32> to vector<16xf32>
          %swap3A_1038 = arith.constant 7 : i32
          %swap3A_1039 = arith.index_cast %scan3A_564 : i32 to index
          %swap3A_1040 = arith.index_cast %swap3A_1038 : i32 to index
          %swap3A_1041 = arith.constant 48 : index
          %swap3A_1042 = tpu.vector_load %arg8[%swap3A_1039, %swap3A_1040, %swap3A_1041] {strides = array<i32>} : memref<16x8x64xf32, #tpu.memory_space<vmem>>, vector<1x1x16xf32>,
          %swap3A_1043 = vector.shape_cast %swap3A_1042 : vector<1x1x16xf32> to vector<16xf32>
          %swap3A_1044 = vector.shape_cast %get3A_1037 : vector<16xf32> to vector<1x1x16xf32>
          tpu.vector_store %arg8[%swap3A_1039, %swap3A_1040, %swap3A_1041], %swap3A_1044 {strides = array<i32>} : memref<16x8x64xf32, #tpu.memory_space<vmem>>, vector<1x1x16xf32>,
        }
        %scan3A_379 = arith.constant 16 : i32
        %mul3A_380 = arith.constant 16 : i32
        %mul3A_381 = arith.muli %mul3A_203, %mul3A_380 : i32
        %add3A_382 = arith.addi %mul3A_2, %mul3A_381 : i32
        %dma_start3A_383 = arith.constant 0 : i32
        %dma_start3A_384 = arith.constant 0 : i32
        %dma_start3A_385 = tpu.memref_slice %arg4[%add3A_382, %dma_start3A_383, %dma_start3A_384] : memref<102400x8x64xf32, #tpu.memory_space<hbm>> -> memref<16x8x64xf32, #tpu.memory_space<hbm>>
        %dma_start3A_386 = arith.constant 0 : i32
        %dma_start3A_387 = arith.constant 0 : i32
        %dma_start3A_388 = tpu.memref_slice %arg4[%add3A_382, %dma_start3A_386, %dma_start3A_387] : memref<102400x8x64xf32, #tpu.memory_space<hbm>> -> memref<16x8x64xf32, #tpu.memory_space<hbm>>
        tpu.enqueue_dma source(%arg8 : memref<16x8x64xf32, #tpu.memory_space<vmem>>) target(%dma_start3A_388 : memref<16x8x64xf32, #tpu.memory_space<hbm>>) target_semaphore(%arg13 : memref<!tpu.dma_semaphore, #tpu.memory_space<semaphore_mem>>)
        %add3A_389 = arith.constant 1 : i32
        %add3A_390 = arith.addi %mul3A_203, %add3A_389 : i32
        %dma_wait3A_391 = arith.constant 0 : i32
        %dma_wait3A_392 = arith.constant 0 : i32
        %dma_wait3A_393 = tpu.memref_slice %arg2[%dma_wait3A_391, %dma_wait3A_392] : memref<200001x128xf32, #tpu.memory_space<hbm>> -> memref<128x128xf32, #tpu.memory_space<hbm>>
        %dma_wait3A_394 = arith.constant 0 : i32
        %dma_wait3A_395 = arith.constant 0 : i32
        %dma_wait3A_396 = tpu.memref_slice %arg2[%dma_wait3A_394, %dma_wait3A_395] : memref<200001x128xf32, #tpu.memory_space<hbm>> -> memref<128x128xf32, #tpu.memory_space<hbm>>
        tpu.wait_dma2 semaphore(%arg12 : memref<!tpu.dma_semaphore, #tpu.memory_space<semaphore_mem>>) src(%dma_wait3A_396 : memref<128x128xf32, #tpu.memory_space<hbm>>) dst(%arg7 : memref<128x128xf32, #tpu.memory_space<vmem>>)
        %add3A_397 = arith.constant 1 : i32
        %add3A_398 = arith.addi %add3A_390, %add3A_397 : i32
        %get3A_399 = arith.index_cast %add3A_398 : i32 to index
        %get3A_400 = arith.constant 0 : index
        %get3A_401 = tpu.vector_load %arg5[%get3A_399, %get3A_400] {strides = array<i32>} : memref<200x128xi32, #tpu.memory_space<vmem>>, vector<1x16xi32>,
        %get3A_402 = vector.shape_cast %get3A_401 : vector<1x16xi32> to vector<16xi32>
        %max3A_403 = arith.constant -100000 : i32
        %max3A_404 = vector.broadcast %max3A_403 : i32 to vector<16xi32>
        %max3A_405 = arith.maxsi %get3A_402, %max3A_404 : vector<16xi32>
        %min3A_406 = arith.constant 100000 : i32
        %min3A_407 = vector.broadcast %min3A_406 : i32 to vector<16xi32>
        %min3A_408 = arith.minsi %max3A_405, %min3A_407 : vector<16xi32>
        %add3A_409 = arith.constant 100000 : i32
        %add3A_410 = vector.broadcast %add3A_409 : i32 to vector<16xi32>
        %add3A_411 = arith.addi %min3A_408, %add3A_410 : vector<16xi32>
        %swap3A_412 = arith.index_cast %add3A_398 : i32 to index
        %swap3A_413 = arith.constant 0 : index
        %swap3A_414 = tpu.vector_load %arg5[%swap3A_412, %swap3A_413] {strides = array<i32>} : memref<200x128xi32, #tpu.memory_space<vmem>>, vector<1x16xi32>,
        %swap3A_415 = vector.shape_cast %swap3A_414 : vector<1x16xi32> to vector<16xi32>
        %swap3A_416 = vector.shape_cast %add3A_411 : vector<16xi32> to vector<1x16xi32>
        tpu.vector_store %arg5[%swap3A_412, %swap3A_413], %swap3A_416 {strides = array<i32>} : memref<200x128xi32, #tpu.memory_space<vmem>>, vector<1x16xi32>,
        %get3A_417 = arith.index_cast %add3A_398 : i32 to index
        %get3A_418 = arith.constant 16 : index
        %get3A_419 = tpu.vector_load %arg5[%get3A_417, %get3A_418] {strides = array<i32>} : memref<200x128xi32, #tpu.memory_space<vmem>>, vector<1x16xi32>,
        %get3A_420 = vector.shape_cast %get3A_419 : vector<1x16xi32> to vector<16xi32>
        %max3A_421 = arith.constant -100000 : i32
        %max3A_422 = vector.broadcast %max3A_421 : i32 to vector<16xi32>
        %max3A_423 = arith.maxsi %get3A_420, %max3A_422 : vector<16xi32>
        %min3A_424 = arith.constant 100000 : i32
        %min3A_425 = vector.broadcast %min3A_424 : i32 to vector<16xi32>
        %min3A_426 = arith.minsi %max3A_423, %min3A_425 : vector<16xi32>
        %add3A_427 = arith.constant 100000 : i32
        %add3A_428 = vector.broadcast %add3A_427 : i32 to vector<16xi32>
        %add3A_429 = arith.addi %min3A_426, %add3A_428 : vector<16xi32>
        %swap3A_430 = arith.index_cast %add3A_398 : i32 to index
        %swap3A_431 = arith.constant 16 : index
        %swap3A_432 = tpu.vector_load %arg5[%swap3A_430, %swap3A_431] {strides = array<i32>} : memref<200x128xi32, #tpu.memory_space<vmem>>, vector<1x16xi32>,
        %swap3A_433 = vector.shape_cast %swap3A_432 : vector<1x16xi32> to vector<16xi32>
        %swap3A_434 = vector.shape_cast %add3A_429 : vector<16xi32> to vector<1x16xi32>
        tpu.vector_store %arg5[%swap3A_430, %swap3A_431], %swap3A_434 {strides = array<i32>} : memref<200x128xi32, #tpu.memory_space<vmem>>, vector<1x16xi32>,
        %get3A_435 = arith.index_cast %add3A_398 : i32 to index
        %get3A_436 = arith.constant 32 : index
        %get3A_437 = tpu.vector_load %arg5[%get3A_435, %get3A_436] {strides = array<i32>} : memref<200x128xi32, #tpu.memory_space<vmem>>, vector<1x16xi32>,
        %get3A_438 = vector.shape_cast %get3A_437 : vector<1x16xi32> to vector<16xi32>
        %max3A_439 = arith.constant -100000 : i32
        %max3A_440 = vector.broadcast %max3A_439 : i32 to vector<16xi32>
        %max3A_441 = arith.maxsi %get3A_438, %max3A_440 : vector<16xi32>
        %min3A_442 = arith.constant 100000 : i32
        %min3A_443 = vector.broadcast %min3A_442 : i32 to vector<16xi32>
        %min3A_444 = arith.minsi %max3A_441, %min3A_443 : vector<16xi32>
        %add3A_445 = arith.constant 100000 : i32
        %add3A_446 = vector.broadcast %add3A_445 : i32 to vector<16xi32>
        %add3A_447 = arith.addi %min3A_444, %add3A_446 : vector<16xi32>
        %swap3A_448 = arith.index_cast %add3A_398 : i32 to index
        %swap3A_449 = arith.constant 32 : index
        %swap3A_450 = tpu.vector_load %arg5[%swap3A_448, %swap3A_449] {strides = array<i32>} : memref<200x128xi32, #tpu.memory_space<vmem>>, vector<1x16xi32>,
        %swap3A_451 = vector.shape_cast %swap3A_450 : vector<1x16xi32> to vector<16xi32>
        %swap3A_452 = vector.shape_cast %add3A_447 : vector<16xi32> to vector<1x16xi32>
        tpu.vector_store %arg5[%swap3A_448, %swap3A_449], %swap3A_452 {strides = array<i32>} : memref<200x128xi32, #tpu.memory_space<vmem>>, vector<1x16xi32>,
        %get3A_453 = arith.index_cast %add3A_398 : i32 to index
        %get3A_454 = arith.constant 48 : index
        %get3A_455 = tpu.vector_load %arg5[%get3A_453, %get3A_454] {strides = array<i32>} : memref<200x128xi32, #tpu.memory_space<vmem>>, vector<1x16xi32>,
        %get3A_456 = vector.shape_cast %get3A_455 : vector<1x16xi32> to vector<16xi32>
        %max3A_457 = arith.constant -100000 : i32
        %max3A_458 = vector.broadcast %max3A_457 : i32 to vector<16xi32>
        %max3A_459 = arith.maxsi %get3A_456, %max3A_458 : vector<16xi32>
        %min3A_460 = arith.constant 100000 : i32
        %min3A_461 = vector.broadcast %min3A_460 : i32 to vector<16xi32>
        %min3A_462 = arith.minsi %max3A_459, %min3A_461 : vector<16xi32>
        %add3A_463 = arith.constant 100000 : i32
        %add3A_464 = vector.broadcast %add3A_463 : i32 to vector<16xi32>
        %add3A_465 = arith.addi %min3A_462, %add3A_464 : vector<16xi32>
        %swap3A_466 = arith.index_cast %add3A_398 : i32 to index
        %swap3A_467 = arith.constant 48 : index
        %swap3A_468 = tpu.vector_load %arg5[%swap3A_466, %swap3A_467] {strides = array<i32>} : memref<200x128xi32, #tpu.memory_space<vmem>>, vector<1x16xi32>,
        %swap3A_469 = vector.shape_cast %swap3A_468 : vector<1x16xi32> to vector<16xi32>
        %swap3A_470 = vector.shape_cast %add3A_465 : vector<16xi32> to vector<1x16xi32>
        tpu.vector_store %arg5[%swap3A_466, %swap3A_467], %swap3A_470 {strides = array<i32>} : memref<200x128xi32, #tpu.memory_space<vmem>>, vector<1x16xi32>,
        %get3A_471 = arith.index_cast %add3A_398 : i32 to index
        %get3A_472 = arith.constant 64 : index
        %get3A_473 = tpu.vector_load %arg5[%get3A_471, %get3A_472] {strides = array<i32>} : memref<200x128xi32, #tpu.memory_space<vmem>>, vector<1x16xi32>,
        %get3A_474 = vector.shape_cast %get3A_473 : vector<1x16xi32> to vector<16xi32>
        %max3A_475 = arith.constant -100000 : i32
        %max3A_476 = vector.broadcast %max3A_475 : i32 to vector<16xi32>
        %max3A_477 = arith.maxsi %get3A_474, %max3A_476 : vector<16xi32>
        %min3A_478 = arith.constant 100000 : i32
        %min3A_479 = vector.broadcast %min3A_478 : i32 to vector<16xi32>
        %min3A_480 = arith.minsi %max3A_477, %min3A_479 : vector<16xi32>
        %add3A_481 = arith.constant 100000 : i32
        %add3A_482 = vector.broadcast %add3A_481 : i32 to vector<16xi32>
        %add3A_483 = arith.addi %min3A_480, %add3A_482 : vector<16xi32>
        %swap3A_484 = arith.index_cast %add3A_398 : i32 to index
        %swap3A_485 = arith.constant 64 : index
        %swap3A_486 = tpu.vector_load %arg5[%swap3A_484, %swap3A_485] {strides = array<i32>} : memref<200x128xi32, #tpu.memory_space<vmem>>, vector<1x16xi32>,
        %swap3A_487 = vector.shape_cast %swap3A_486 : vector<1x16xi32> to vector<16xi32>
        %swap3A_488 = vector.shape_cast %add3A_483 : vector<16xi32> to vector<1x16xi32>
        tpu.vector_store %arg5[%swap3A_484, %swap3A_485], %swap3A_488 {strides = array<i32>} : memref<200x128xi32, #tpu.memory_space<vmem>>, vector<1x16xi32>,
        %get3A_489 = arith.index_cast %add3A_398 : i32 to index
        %get3A_490 = arith.constant 80 : index
        %get3A_491 = tpu.vector_load %arg5[%get3A_489, %get3A_490] {strides = array<i32>} : memref<200x128xi32, #tpu.memory_space<vmem>>, vector<1x16xi32>,
        %get3A_492 = vector.shape_cast %get3A_491 : vector<1x16xi32> to vector<16xi32>
        %max3A_493 = arith.constant -100000 : i32
        %max3A_494 = vector.broadcast %max3A_493 : i32 to vector<16xi32>
        %max3A_495 = arith.maxsi %get3A_492, %max3A_494 : vector<16xi32>
        %min3A_496 = arith.constant 100000 : i32
        %min3A_497 = vector.broadcast %min3A_496 : i32 to vector<16xi32>
        %min3A_498 = arith.minsi %max3A_495, %min3A_497 : vector<16xi32>
        %add3A_499 = arith.constant 100000 : i32
        %add3A_500 = vector.broadcast %add3A_499 : i32 to vector<16xi32>
        %add3A_501 = arith.addi %min3A_498, %add3A_500 : vector<16xi32>
        %swap3A_502 = arith.index_cast %add3A_398 : i32 to index
        %swap3A_503 = arith.constant 80 : index
        %swap3A_504 = tpu.vector_load %arg5[%swap3A_502, %swap3A_503] {strides = array<i32>} : memref<200x128xi32, #tpu.memory_space<vmem>>, vector<1x16xi32>,
        %swap3A_505 = vector.shape_cast %swap3A_504 : vector<1x16xi32> to vector<16xi32>
        %swap3A_506 = vector.shape_cast %add3A_501 : vector<16xi32> to vector<1x16xi32>
        tpu.vector_store %arg5[%swap3A_502, %swap3A_503], %swap3A_506 {strides = array<i32>} : memref<200x128xi32, #tpu.memory_space<vmem>>, vector<1x16xi32>,
        %get3A_507 = arith.index_cast %add3A_398 : i32 to index
        %get3A_508 = arith.constant 96 : index
        %get3A_509 = tpu.vector_load %arg5[%get3A_507, %get3A_508] {strides = array<i32>} : memref<200x128xi32, #tpu.memory_space<vmem>>, vector<1x16xi32>,
        %get3A_510 = vector.shape_cast %get3A_509 : vector<1x16xi32> to vector<16xi32>
        %max3A_511 = arith.constant -100000 : i32
        %max3A_512 = vector.broadcast %max3A_511 : i32 to vector<16xi32>
        %max3A_513 = arith.maxsi %get3A_510, %max3A_512 : vector<16xi32>
        %min3A_514 = arith.constant 100000 : i32
        %min3A_515 = vector.broadcast %min3A_514 : i32 to vector<16xi32>
        %min3A_516 = arith.minsi %max3A_513, %min3A_515 : vector<16xi32>
        %add3A_517 = arith.constant 100000 : i32
        %add3A_518 = vector.broadcast %add3A_517 : i32 to vector<16xi32>
        %add3A_519 = arith.addi %min3A_516, %add3A_518 : vector<16xi32>
        %swap3A_520 = arith.index_cast %add3A_398 : i32 to index
        %swap3A_521 = arith.constant 96 : index
        %swap3A_522 = tpu.vector_load %arg5[%swap3A_520, %swap3A_521] {strides = array<i32>} : memref<200x128xi32, #tpu.memory_space<vmem>>, vector<1x16xi32>,
        %swap3A_523 = vector.shape_cast %swap3A_522 : vector<1x16xi32> to vector<16xi32>
        %swap3A_524 = vector.shape_cast %add3A_519 : vector<16xi32> to vector<1x16xi32>
        tpu.vector_store %arg5[%swap3A_520, %swap3A_521], %swap3A_524 {strides = array<i32>} : memref<200x128xi32, #tpu.memory_space<vmem>>, vector<1x16xi32>,
        %get3A_525 = arith.index_cast %add3A_398 : i32 to index
        %get3A_526 = arith.constant 112 : index
        %get3A_527 = tpu.vector_load %arg5[%get3A_525, %get3A_526] {strides = array<i32>} : memref<200x128xi32, #tpu.memory_space<vmem>>, vector<1x16xi32>,
        %get3A_528 = vector.shape_cast %get3A_527 : vector<1x16xi32> to vector<16xi32>
        %max3A_529 = arith.constant -100000 : i32
        %max3A_530 = vector.broadcast %max3A_529 : i32 to vector<16xi32>
        %max3A_531 = arith.maxsi %get3A_528, %max3A_530 : vector<16xi32>
        %min3A_532 = arith.constant 100000 : i32
        %min3A_533 = vector.broadcast %min3A_532 : i32 to vector<16xi32>
        %min3A_534 = arith.minsi %max3A_531, %min3A_533 : vector<16xi32>
        %add3A_535 = arith.constant 100000 : i32
        %add3A_536 = vector.broadcast %add3A_535 : i32 to vector<16xi32>
        %add3A_537 = arith.addi %min3A_534, %add3A_536 : vector<16xi32>
        %swap3A_538 = arith.index_cast %add3A_398 : i32 to index
        %swap3A_539 = arith.constant 112 : index
        %swap3A_540 = tpu.vector_load %arg5[%swap3A_538, %swap3A_539] {strides = array<i32>} : memref<200x128xi32, #tpu.memory_space<vmem>>, vector<1x16xi32>,
        %swap3A_541 = vector.shape_cast %swap3A_540 : vector<1x16xi32> to vector<16xi32>
        %swap3A_542 = vector.shape_cast %add3A_537 : vector<16xi32> to vector<1x16xi32>
        tpu.vector_store %arg5[%swap3A_538, %swap3A_539], %swap3A_542 {strides = array<i32>} : memref<200x128xi32, #tpu.memory_space<vmem>>, vector<1x16xi32>,
        %dma_start3A_543 = arith.constant 0 : i32
        %dma_start3A_544 = tpu.memref_slice %arg5[%add3A_398, %dma_start3A_543] : memref<200x128xi32, #tpu.memory_space<vmem>> -> memref<1x128xi32, #tpu.memory_space<vmem>>
        %dma_start3A_545 = tpu.memref_squeeze %dma_start3A_544 : memref<1x128xi32, #tpu.memory_space<vmem>> -> memref<128xi32, #tpu.memory_space<vmem>>
        %dma_start3A_546 = arith.constant 0 : i32
        %dma_start3A_547 = arith.constant 0 : i32
        %dma_start3A_548 = tpu.memref_slice %arg2[%dma_start3A_546, %dma_start3A_547] : memref<200001x128xf32, #tpu.memory_space<hbm>> -> memref<200001x128xf32, #tpu.memory_space<hbm>>
        tpu.enqueue_indirect_dma source(%dma_start3A_548 : memref<200001x128xf32, #tpu.memory_space<hbm>>) target(%arg6 : memref<128x128xf32, #tpu.memory_space<vmem>>) offsets(%dma_start3A_545 : memref<128xi32, #tpu.memory_space<vmem>>) semaphore(%arg11 : memref<!tpu.dma_semaphore, #tpu.memory_space<semaphore_mem>>)
        %scan3A_549 = arith.constant 0 : i32
        %scan3A_550 = arith.constant 0 : i32
        %scan3A_551 = arith.constant 16 : i32
        %scan3A_552 = arith.addi %scan3A_550, %scan3A_551 : i32
        %scan3A_553 = arith.constant 1 : i32
        scf.for %scan3A_564 = %scan3A_550 to %scan3A_552 step %scan3A_553  : i32 {
          %mul3A_565 = arith.constant 8 : i32
          %mul3A_566 = arith.muli %scan3A_564, %mul3A_565 : i32
          %add3A_567 = arith.constant 0 : i32
          %add3A_568 = arith.addi %mul3A_566, %add3A_567 : i32
          %get3A_569 = arith.index_cast %add3A_568 : i32 to index
          %get3A_570 = arith.constant 0 : index
          %get3A_571 = tpu.vector_load %arg7[%get3A_569, %get3A_570] {strides = array<i32>} : memref<128x128xf32, #tpu.memory_space<vmem>>, vector<1x16xf32>,
          %get3A_572 = vector.shape_cast %get3A_571 : vector<1x16xf32> to vector<16xf32>
          %swap3A_573 = arith.constant 0 : i32
          %swap3A_574 = arith.index_cast %scan3A_564 : i32 to index
          %swap3A_575 = arith.index_cast %swap3A_573 : i32 to index
          %swap3A_576 = arith.constant 0 : index
          %swap3A_577 = tpu.vector_load %arg9[%swap3A_574, %swap3A_575, %swap3A_576] {strides = array<i32>} : memref<16x8x64xf32, #tpu.memory_space<vmem>>, vector<1x1x16xf32>,
          %swap3A_578 = vector.shape_cast %swap3A_577 : vector<1x1x16xf32> to vector<16xf32>
          %swap3A_579 = vector.shape_cast %get3A_572 : vector<16xf32> to vector<1x1x16xf32>
          tpu.vector_store %arg9[%swap3A_574, %swap3A_575, %swap3A_576], %swap3A_579 {strides = array<i32>} : memref<16x8x64xf32, #tpu.memory_space<vmem>>, vector<1x1x16xf32>,
          %mul3A_580 = arith.constant 8 : i32
          %mul3A_581 = arith.muli %scan3A_564, %mul3A_580 : i32
          %add3A_582 = arith.constant 0 : i32
          %add3A_583 = arith.addi %mul3A_581, %add3A_582 : i32
          %get3A_584 = arith.index_cast %add3A_583 : i32 to index
          %get3A_585 = arith.constant 16 : index
          %get3A_586 = tpu.vector_load %arg7[%get3A_584, %get3A_585] {strides = array<i32>} : memref<128x128xf32, #tpu.memory_space<vmem>>, vector<1x16xf32>,
          %get3A_587 = vector.shape_cast %get3A_586 : vector<1x16xf32> to vector<16xf32>
          %swap3A_588 = arith.constant 0 : i32
          %swap3A_589 = arith.index_cast %scan3A_564 : i32 to index
          %swap3A_590 = arith.index_cast %swap3A_588 : i32 to index
          %swap3A_591 = arith.constant 16 : index
          %swap3A_592 = tpu.vector_load %arg9[%swap3A_589, %swap3A_590, %swap3A_591] {strides = array<i32>} : memref<16x8x64xf32, #tpu.memory_space<vmem>>, vector<1x1x16xf32>,
          %swap3A_593 = vector.shape_cast %swap3A_592 : vector<1x1x16xf32> to vector<16xf32>
          %swap3A_594 = vector.shape_cast %get3A_587 : vector<16xf32> to vector<1x1x16xf32>
          tpu.vector_store %arg9[%swap3A_589, %swap3A_590, %swap3A_591], %swap3A_594 {strides = array<i32>} : memref<16x8x64xf32, #tpu.memory_space<vmem>>, vector<1x1x16xf32>,
          %mul3A_595 = arith.constant 8 : i32
          %mul3A_596 = arith.muli %scan3A_564, %mul3A_595 : i32
          %add3A_597 = arith.constant 0 : i32
          %add3A_598 = arith.addi %mul3A_596, %add3A_597 : i32
          %get3A_599 = arith.index_cast %add3A_598 : i32 to index
          %get3A_600 = arith.constant 32 : index
          %get3A_601 = tpu.vector_load %arg7[%get3A_599, %get3A_600] {strides = array<i32>} : memref<128x128xf32, #tpu.memory_space<vmem>>, vector<1x16xf32>,
          %get3A_602 = vector.shape_cast %get3A_601 : vector<1x16xf32> to vector<16xf32>
          %swap3A_603 = arith.constant 0 : i32
          %swap3A_604 = arith.index_cast %scan3A_564 : i32 to index
          %swap3A_605 = arith.index_cast %swap3A_603 : i32 to index
          %swap3A_606 = arith.constant 32 : index
          %swap3A_607 = tpu.vector_load %arg9[%swap3A_604, %swap3A_605, %swap3A_606] {strides = array<i32>} : memref<16x8x64xf32, #tpu.memory_space<vmem>>, vector<1x1x16xf32>,
          %swap3A_608 = vector.shape_cast %swap3A_607 : vector<1x1x16xf32> to vector<16xf32>
          %swap3A_609 = vector.shape_cast %get3A_602 : vector<16xf32> to vector<1x1x16xf32>
          tpu.vector_store %arg9[%swap3A_604, %swap3A_605, %swap3A_606], %swap3A_609 {strides = array<i32>} : memref<16x8x64xf32, #tpu.memory_space<vmem>>, vector<1x1x16xf32>,
          %mul3A_610 = arith.constant 8 : i32
          %mul3A_611 = arith.muli %scan3A_564, %mul3A_610 : i32
          %add3A_612 = arith.constant 0 : i32
          %add3A_613 = arith.addi %mul3A_611, %add3A_612 : i32
          %get3A_614 = arith.index_cast %add3A_613 : i32 to index
          %get3A_615 = arith.constant 48 : index
          %get3A_616 = tpu.vector_load %arg7[%get3A_614, %get3A_615] {strides = array<i32>} : memref<128x128xf32, #tpu.memory_space<vmem>>, vector<1x16xf32>,
          %get3A_617 = vector.shape_cast %get3A_616 : vector<1x16xf32> to vector<16xf32>
          %swap3A_618 = arith.constant 0 : i32
          %swap3A_619 = arith.index_cast %scan3A_564 : i32 to index
          %swap3A_620 = arith.index_cast %swap3A_618 : i32 to index
          %swap3A_621 = arith.constant 48 : index
          %swap3A_622 = tpu.vector_load %arg9[%swap3A_619, %swap3A_620, %swap3A_621] {strides = array<i32>} : memref<16x8x64xf32, #tpu.memory_space<vmem>>, vector<1x1x16xf32>,
          %swap3A_623 = vector.shape_cast %swap3A_622 : vector<1x1x16xf32> to vector<16xf32>
          %swap3A_624 = vector.shape_cast %get3A_617 : vector<16xf32> to vector<1x1x16xf32>
          tpu.vector_store %arg9[%swap3A_619, %swap3A_620, %swap3A_621], %swap3A_624 {strides = array<i32>} : memref<16x8x64xf32, #tpu.memory_space<vmem>>, vector<1x1x16xf32>,
          %mul3A_625 = arith.constant 8 : i32
          %mul3A_626 = arith.muli %scan3A_564, %mul3A_625 : i32
          %add3A_627 = arith.constant 1 : i32
          %add3A_628 = arith.addi %mul3A_626, %add3A_627 : i32
          %get3A_629 = arith.index_cast %add3A_628 : i32 to index
          %get3A_630 = arith.constant 0 : index
          %get3A_631 = tpu.vector_load %arg7[%get3A_629, %get3A_630] {strides = array<i32>} : memref<128x128xf32, #tpu.memory_space<vmem>>, vector<1x16xf32>,
          %get3A_632 = vector.shape_cast %get3A_631 : vector<1x16xf32> to vector<16xf32>
          %swap3A_633 = arith.constant 1 : i32
          %swap3A_634 = arith.index_cast %scan3A_564 : i32 to index
          %swap3A_635 = arith.index_cast %swap3A_633 : i32 to index
          %swap3A_636 = arith.constant 0 : index
          %swap3A_637 = tpu.vector_load %arg9[%swap3A_634, %swap3A_635, %swap3A_636] {strides = array<i32>} : memref<16x8x64xf32, #tpu.memory_space<vmem>>, vector<1x1x16xf32>,
          %swap3A_638 = vector.shape_cast %swap3A_637 : vector<1x1x16xf32> to vector<16xf32>
          %swap3A_639 = vector.shape_cast %get3A_632 : vector<16xf32> to vector<1x1x16xf32>
          tpu.vector_store %arg9[%swap3A_634, %swap3A_635, %swap3A_636], %swap3A_639 {strides = array<i32>} : memref<16x8x64xf32, #tpu.memory_space<vmem>>, vector<1x1x16xf32>,
          %mul3A_640 = arith.constant 8 : i32
          %mul3A_641 = arith.muli %scan3A_564, %mul3A_640 : i32
          %add3A_642 = arith.constant 1 : i32
          %add3A_643 = arith.addi %mul3A_641, %add3A_642 : i32
          %get3A_644 = arith.index_cast %add3A_643 : i32 to index
          %get3A_645 = arith.constant 16 : index
          %get3A_646 = tpu.vector_load %arg7[%get3A_644, %get3A_645] {strides = array<i32>} : memref<128x128xf32, #tpu.memory_space<vmem>>, vector<1x16xf32>,
          %get3A_647 = vector.shape_cast %get3A_646 : vector<1x16xf32> to vector<16xf32>
          %swap3A_648 = arith.constant 1 : i32
          %swap3A_649 = arith.index_cast %scan3A_564 : i32 to index
          %swap3A_650 = arith.index_cast %swap3A_648 : i32 to index
          %swap3A_651 = arith.constant 16 : index
          %swap3A_652 = tpu.vector_load %arg9[%swap3A_649, %swap3A_650, %swap3A_651] {strides = array<i32>} : memref<16x8x64xf32, #tpu.memory_space<vmem>>, vector<1x1x16xf32>,
          %swap3A_653 = vector.shape_cast %swap3A_652 : vector<1x1x16xf32> to vector<16xf32>
          %swap3A_654 = vector.shape_cast %get3A_647 : vector<16xf32> to vector<1x1x16xf32>
          tpu.vector_store %arg9[%swap3A_649, %swap3A_650, %swap3A_651], %swap3A_654 {strides = array<i32>} : memref<16x8x64xf32, #tpu.memory_space<vmem>>, vector<1x1x16xf32>,
          %mul3A_655 = arith.constant 8 : i32
          %mul3A_656 = arith.muli %scan3A_564, %mul3A_655 : i32
          %add3A_657 = arith.constant 1 : i32
          %add3A_658 = arith.addi %mul3A_656, %add3A_657 : i32
          %get3A_659 = arith.index_cast %add3A_658 : i32 to index
          %get3A_660 = arith.constant 32 : index
          %get3A_661 = tpu.vector_load %arg7[%get3A_659, %get3A_660] {strides = array<i32>} : memref<128x128xf32, #tpu.memory_space<vmem>>, vector<1x16xf32>,
          %get3A_662 = vector.shape_cast %get3A_661 : vector<1x16xf32> to vector<16xf32>
          %swap3A_663 = arith.constant 1 : i32
          %swap3A_664 = arith.index_cast %scan3A_564 : i32 to index
          %swap3A_665 = arith.index_cast %swap3A_663 : i32 to index
          %swap3A_666 = arith.constant 32 : index
          %swap3A_667 = tpu.vector_load %arg9[%swap3A_664, %swap3A_665, %swap3A_666] {strides = array<i32>} : memref<16x8x64xf32, #tpu.memory_space<vmem>>, vector<1x1x16xf32>,
          %swap3A_668 = vector.shape_cast %swap3A_667 : vector<1x1x16xf32> to vector<16xf32>
          %swap3A_669 = vector.shape_cast %get3A_662 : vector<16xf32> to vector<1x1x16xf32>
          tpu.vector_store %arg9[%swap3A_664, %swap3A_665, %swap3A_666], %swap3A_669 {strides = array<i32>} : memref<16x8x64xf32, #tpu.memory_space<vmem>>, vector<1x1x16xf32>,
          %mul3A_670 = arith.constant 8 : i32
          %mul3A_671 = arith.muli %scan3A_564, %mul3A_670 : i32
          %add3A_672 = arith.constant 1 : i32
          %add3A_673 = arith.addi %mul3A_671, %add3A_672 : i32
          %get3A_674 = arith.index_cast %add3A_673 : i32 to index
          %get3A_675 = arith.constant 48 : index
          %get3A_676 = tpu.vector_load %arg7[%get3A_674, %get3A_675] {strides = array<i32>} : memref<128x128xf32, #tpu.memory_space<vmem>>, vector<1x16xf32>,
          %get3A_677 = vector.shape_cast %get3A_676 : vector<1x16xf32> to vector<16xf32>
          %swap3A_678 = arith.constant 1 : i32
          %swap3A_679 = arith.index_cast %scan3A_564 : i32 to index
          %swap3A_680 = arith.index_cast %swap3A_678 : i32 to index
          %swap3A_681 = arith.constant 48 : index
          %swap3A_682 = tpu.vector_load %arg9[%swap3A_679, %swap3A_680, %swap3A_681] {strides = array<i32>} : memref<16x8x64xf32, #tpu.memory_space<vmem>>, vector<1x1x16xf32>,
          %swap3A_683 = vector.shape_cast %swap3A_682 : vector<1x1x16xf32> to vector<16xf32>
          %swap3A_684 = vector.shape_cast %get3A_677 : vector<16xf32> to vector<1x1x16xf32>
          tpu.vector_store %arg9[%swap3A_679, %swap3A_680, %swap3A_681], %swap3A_684 {strides = array<i32>} : memref<16x8x64xf32, #tpu.memory_space<vmem>>, vector<1x1x16xf32>,
          %mul3A_685 = arith.constant 8 : i32
          %mul3A_686 = arith.muli %scan3A_564, %mul3A_685 : i32
          %add3A_687 = arith.constant 2 : i32
          %add3A_688 = arith.addi %mul3A_686, %add3A_687 : i32
          %get3A_689 = arith.index_cast %add3A_688 : i32 to index
          %get3A_690 = arith.constant 0 : index
          %get3A_691 = tpu.vector_load %arg7[%get3A_689, %get3A_690] {strides = array<i32>} : memref<128x128xf32, #tpu.memory_space<vmem>>, vector<1x16xf32>,
          %get3A_692 = vector.shape_cast %get3A_691 : vector<1x16xf32> to vector<16xf32>
          %swap3A_693 = arith.constant 2 : i32
          %swap3A_694 = arith.index_cast %scan3A_564 : i32 to index
          %swap3A_695 = arith.index_cast %swap3A_693 : i32 to index
          %swap3A_696 = arith.constant 0 : index
          %swap3A_697 = tpu.vector_load %arg9[%swap3A_694, %swap3A_695, %swap3A_696] {strides = array<i32>} : memref<16x8x64xf32, #tpu.memory_space<vmem>>, vector<1x1x16xf32>,
          %swap3A_698 = vector.shape_cast %swap3A_697 : vector<1x1x16xf32> to vector<16xf32>
          %swap3A_699 = vector.shape_cast %get3A_692 : vector<16xf32> to vector<1x1x16xf32>
          tpu.vector_store %arg9[%swap3A_694, %swap3A_695, %swap3A_696], %swap3A_699 {strides = array<i32>} : memref<16x8x64xf32, #tpu.memory_space<vmem>>, vector<1x1x16xf32>,
          %mul3A_700 = arith.constant 8 : i32
          %mul3A_701 = arith.muli %scan3A_564, %mul3A_700 : i32
          %add3A_702 = arith.constant 2 : i32
          %add3A_703 = arith.addi %mul3A_701, %add3A_702 : i32
          %get3A_704 = arith.index_cast %add3A_703 : i32 to index
          %get3A_705 = arith.constant 16 : index
          %get3A_706 = tpu.vector_load %arg7[%get3A_704, %get3A_705] {strides = array<i32>} : memref<128x128xf32, #tpu.memory_space<vmem>>, vector<1x16xf32>,
          %get3A_707 = vector.shape_cast %get3A_706 : vector<1x16xf32> to vector<16xf32>
          %swap3A_708 = arith.constant 2 : i32
          %swap3A_709 = arith.index_cast %scan3A_564 : i32 to index
          %swap3A_710 = arith.index_cast %swap3A_708 : i32 to index
          %swap3A_711 = arith.constant 16 : index
          %swap3A_712 = tpu.vector_load %arg9[%swap3A_709, %swap3A_710, %swap3A_711] {strides = array<i32>} : memref<16x8x64xf32, #tpu.memory_space<vmem>>, vector<1x1x16xf32>,
          %swap3A_713 = vector.shape_cast %swap3A_712 : vector<1x1x16xf32> to vector<16xf32>
          %swap3A_714 = vector.shape_cast %get3A_707 : vector<16xf32> to vector<1x1x16xf32>
          tpu.vector_store %arg9[%swap3A_709, %swap3A_710, %swap3A_711], %swap3A_714 {strides = array<i32>} : memref<16x8x64xf32, #tpu.memory_space<vmem>>, vector<1x1x16xf32>,
          %mul3A_715 = arith.constant 8 : i32
          %mul3A_716 = arith.muli %scan3A_564, %mul3A_715 : i32
          %add3A_717 = arith.constant 2 : i32
          %add3A_718 = arith.addi %mul3A_716, %add3A_717 : i32
          %get3A_719 = arith.index_cast %add3A_718 : i32 to index
          %get3A_720 = arith.constant 32 : index
          %get3A_721 = tpu.vector_load %arg7[%get3A_719, %get3A_720] {strides = array<i32>} : memref<128x128xf32, #tpu.memory_space<vmem>>, vector<1x16xf32>,
          %get3A_722 = vector.shape_cast %get3A_721 : vector<1x16xf32> to vector<16xf32>
          %swap3A_723 = arith.constant 2 : i32
          %swap3A_724 = arith.index_cast %scan3A_564 : i32 to index
          %swap3A_725 = arith.index_cast %swap3A_723 : i32 to index
          %swap3A_726 = arith.constant 32 : index
          %swap3A_727 = tpu.vector_load %arg9[%swap3A_724, %swap3A_725, %swap3A_726] {strides = array<i32>} : memref<16x8x64xf32, #tpu.memory_space<vmem>>, vector<1x1x16xf32>,
          %swap3A_728 = vector.shape_cast %swap3A_727 : vector<1x1x16xf32> to vector<16xf32>
          %swap3A_729 = vector.shape_cast %get3A_722 : vector<16xf32> to vector<1x1x16xf32>
          tpu.vector_store %arg9[%swap3A_724, %swap3A_725, %swap3A_726], %swap3A_729 {strides = array<i32>} : memref<16x8x64xf32, #tpu.memory_space<vmem>>, vector<1x1x16xf32>,
          %mul3A_730 = arith.constant 8 : i32
          %mul3A_731 = arith.muli %scan3A_564, %mul3A_730 : i32
          %add3A_732 = arith.constant 2 : i32
          %add3A_733 = arith.addi %mul3A_731, %add3A_732 : i32
          %get3A_734 = arith.index_cast %add3A_733 : i32 to index
          %get3A_735 = arith.constant 48 : index
          %get3A_736 = tpu.vector_load %arg7[%get3A_734, %get3A_735] {strides = array<i32>} : memref<128x128xf32, #tpu.memory_space<vmem>>, vector<1x16xf32>,
          %get3A_737 = vector.shape_cast %get3A_736 : vector<1x16xf32> to vector<16xf32>
          %swap3A_738 = arith.constant 2 : i32
          %swap3A_739 = arith.index_cast %scan3A_564 : i32 to index
          %swap3A_740 = arith.index_cast %swap3A_738 : i32 to index
          %swap3A_741 = arith.constant 48 : index
          %swap3A_742 = tpu.vector_load %arg9[%swap3A_739, %swap3A_740, %swap3A_741] {strides = array<i32>} : memref<16x8x64xf32, #tpu.memory_space<vmem>>, vector<1x1x16xf32>,
          %swap3A_743 = vector.shape_cast %swap3A_742 : vector<1x1x16xf32> to vector<16xf32>
          %swap3A_744 = vector.shape_cast %get3A_737 : vector<16xf32> to vector<1x1x16xf32>
          tpu.vector_store %arg9[%swap3A_739, %swap3A_740, %swap3A_741], %swap3A_744 {strides = array<i32>} : memref<16x8x64xf32, #tpu.memory_space<vmem>>, vector<1x1x16xf32>,
          %mul3A_745 = arith.constant 8 : i32
          %mul3A_746 = arith.muli %scan3A_564, %mul3A_745 : i32
          %add3A_747 = arith.constant 3 : i32
          %add3A_748 = arith.addi %mul3A_746, %add3A_747 : i32
          %get3A_749 = arith.index_cast %add3A_748 : i32 to index
          %get3A_750 = arith.constant 0 : index
          %get3A_751 = tpu.vector_load %arg7[%get3A_749, %get3A_750] {strides = array<i32>} : memref<128x128xf32, #tpu.memory_space<vmem>>, vector<1x16xf32>,
          %get3A_752 = vector.shape_cast %get3A_751 : vector<1x16xf32> to vector<16xf32>
          %swap3A_753 = arith.constant 3 : i32
          %swap3A_754 = arith.index_cast %scan3A_564 : i32 to index
          %swap3A_755 = arith.index_cast %swap3A_753 : i32 to index
          %swap3A_756 = arith.constant 0 : index
          %swap3A_757 = tpu.vector_load %arg9[%swap3A_754, %swap3A_755, %swap3A_756] {strides = array<i32>} : memref<16x8x64xf32, #tpu.memory_space<vmem>>, vector<1x1x16xf32>,
          %swap3A_758 = vector.shape_cast %swap3A_757 : vector<1x1x16xf32> to vector<16xf32>
          %swap3A_759 = vector.shape_cast %get3A_752 : vector<16xf32> to vector<1x1x16xf32>
          tpu.vector_store %arg9[%swap3A_754, %swap3A_755, %swap3A_756], %swap3A_759 {strides = array<i32>} : memref<16x8x64xf32, #tpu.memory_space<vmem>>, vector<1x1x16xf32>,
          %mul3A_760 = arith.constant 8 : i32
          %mul3A_761 = arith.muli %scan3A_564, %mul3A_760 : i32
          %add3A_762 = arith.constant 3 : i32
          %add3A_763 = arith.addi %mul3A_761, %add3A_762 : i32
          %get3A_764 = arith.index_cast %add3A_763 : i32 to index
          %get3A_765 = arith.constant 16 : index
          %get3A_766 = tpu.vector_load %arg7[%get3A_764, %get3A_765] {strides = array<i32>} : memref<128x128xf32, #tpu.memory_space<vmem>>, vector<1x16xf32>,
          %get3A_767 = vector.shape_cast %get3A_766 : vector<1x16xf32> to vector<16xf32>
          %swap3A_768 = arith.constant 3 : i32
          %swap3A_769 = arith.index_cast %scan3A_564 : i32 to index
          %swap3A_770 = arith.index_cast %swap3A_768 : i32 to index
          %swap3A_771 = arith.constant 16 : index
          %swap3A_772 = tpu.vector_load %arg9[%swap3A_769, %swap3A_770, %swap3A_771] {strides = array<i32>} : memref<16x8x64xf32, #tpu.memory_space<vmem>>, vector<1x1x16xf32>,
          %swap3A_773 = vector.shape_cast %swap3A_772 : vector<1x1x16xf32> to vector<16xf32>
          %swap3A_774 = vector.shape_cast %get3A_767 : vector<16xf32> to vector<1x1x16xf32>
          tpu.vector_store %arg9[%swap3A_769, %swap3A_770, %swap3A_771], %swap3A_774 {strides = array<i32>} : memref<16x8x64xf32, #tpu.memory_space<vmem>>, vector<1x1x16xf32>,
          %mul3A_775 = arith.constant 8 : i32
          %mul3A_776 = arith.muli %scan3A_564, %mul3A_775 : i32
          %add3A_777 = arith.constant 3 : i32
          %add3A_778 = arith.addi %mul3A_776, %add3A_777 : i32
          %get3A_779 = arith.index_cast %add3A_778 : i32 to index
          %get3A_780 = arith.constant 32 : index
          %get3A_781 = tpu.vector_load %arg7[%get3A_779, %get3A_780] {strides = array<i32>} : memref<128x128xf32, #tpu.memory_space<vmem>>, vector<1x16xf32>,
          %get3A_782 = vector.shape_cast %get3A_781 : vector<1x16xf32> to vector<16xf32>
          %swap3A_783 = arith.constant 3 : i32
          %swap3A_784 = arith.index_cast %scan3A_564 : i32 to index
          %swap3A_785 = arith.index_cast %swap3A_783 : i32 to index
          %swap3A_786 = arith.constant 32 : index
          %swap3A_787 = tpu.vector_load %arg9[%swap3A_784, %swap3A_785, %swap3A_786] {strides = array<i32>} : memref<16x8x64xf32, #tpu.memory_space<vmem>>, vector<1x1x16xf32>,
          %swap3A_788 = vector.shape_cast %swap3A_787 : vector<1x1x16xf32> to vector<16xf32>
          %swap3A_789 = vector.shape_cast %get3A_782 : vector<16xf32> to vector<1x1x16xf32>
          tpu.vector_store %arg9[%swap3A_784, %swap3A_785, %swap3A_786], %swap3A_789 {strides = array<i32>} : memref<16x8x64xf32, #tpu.memory_space<vmem>>, vector<1x1x16xf32>,
          %mul3A_790 = arith.constant 8 : i32
          %mul3A_791 = arith.muli %scan3A_564, %mul3A_790 : i32
          %add3A_792 = arith.constant 3 : i32
          %add3A_793 = arith.addi %mul3A_791, %add3A_792 : i32
          %get3A_794 = arith.index_cast %add3A_793 : i32 to index
          %get3A_795 = arith.constant 48 : index
          %get3A_796 = tpu.vector_load %arg7[%get3A_794, %get3A_795] {strides = array<i32>} : memref<128x128xf32, #tpu.memory_space<vmem>>, vector<1x16xf32>,
          %get3A_797 = vector.shape_cast %get3A_796 : vector<1x16xf32> to vector<16xf32>
          %swap3A_798 = arith.constant 3 : i32
          %swap3A_799 = arith.index_cast %scan3A_564 : i32 to index
          %swap3A_800 = arith.index_cast %swap3A_798 : i32 to index
          %swap3A_801 = arith.constant 48 : index
          %swap3A_802 = tpu.vector_load %arg9[%swap3A_799, %swap3A_800, %swap3A_801] {strides = array<i32>} : memref<16x8x64xf32, #tpu.memory_space<vmem>>, vector<1x1x16xf32>,
          %swap3A_803 = vector.shape_cast %swap3A_802 : vector<1x1x16xf32> to vector<16xf32>
          %swap3A_804 = vector.shape_cast %get3A_797 : vector<16xf32> to vector<1x1x16xf32>
          tpu.vector_store %arg9[%swap3A_799, %swap3A_800, %swap3A_801], %swap3A_804 {strides = array<i32>} : memref<16x8x64xf32, #tpu.memory_space<vmem>>, vector<1x1x16xf32>,
          %mul3A_805 = arith.constant 8 : i32
          %mul3A_806 = arith.muli %scan3A_564, %mul3A_805 : i32
          %add3A_807 = arith.constant 4 : i32
          %add3A_808 = arith.addi %mul3A_806, %add3A_807 : i32
          %get3A_809 = arith.index_cast %add3A_808 : i32 to index
          %get3A_810 = arith.constant 0 : index
          %get3A_811 = tpu.vector_load %arg7[%get3A_809, %get3A_810] {strides = array<i32>} : memref<128x128xf32, #tpu.memory_space<vmem>>, vector<1x16xf32>,
          %get3A_812 = vector.shape_cast %get3A_811 : vector<1x16xf32> to vector<16xf32>
          %swap3A_813 = arith.constant 4 : i32
          %swap3A_814 = arith.index_cast %scan3A_564 : i32 to index
          %swap3A_815 = arith.index_cast %swap3A_813 : i32 to index
          %swap3A_816 = arith.constant 0 : index
          %swap3A_817 = tpu.vector_load %arg9[%swap3A_814, %swap3A_815, %swap3A_816] {strides = array<i32>} : memref<16x8x64xf32, #tpu.memory_space<vmem>>, vector<1x1x16xf32>,
          %swap3A_818 = vector.shape_cast %swap3A_817 : vector<1x1x16xf32> to vector<16xf32>
          %swap3A_819 = vector.shape_cast %get3A_812 : vector<16xf32> to vector<1x1x16xf32>
          tpu.vector_store %arg9[%swap3A_814, %swap3A_815, %swap3A_816], %swap3A_819 {strides = array<i32>} : memref<16x8x64xf32, #tpu.memory_space<vmem>>, vector<1x1x16xf32>,
          %mul3A_820 = arith.constant 8 : i32
          %mul3A_821 = arith.muli %scan3A_564, %mul3A_820 : i32
          %add3A_822 = arith.constant 4 : i32
          %add3A_823 = arith.addi %mul3A_821, %add3A_822 : i32
          %get3A_824 = arith.index_cast %add3A_823 : i32 to index
          %get3A_825 = arith.constant 16 : index
          %get3A_826 = tpu.vector_load %arg7[%get3A_824, %get3A_825] {strides = array<i32>} : memref<128x128xf32, #tpu.memory_space<vmem>>, vector<1x16xf32>,
          %get3A_827 = vector.shape_cast %get3A_826 : vector<1x16xf32> to vector<16xf32>
          %swap3A_828 = arith.constant 4 : i32
          %swap3A_829 = arith.index_cast %scan3A_564 : i32 to index
          %swap3A_830 = arith.index_cast %swap3A_828 : i32 to index
          %swap3A_831 = arith.constant 16 : index
          %swap3A_832 = tpu.vector_load %arg9[%swap3A_829, %swap3A_830, %swap3A_831] {strides = array<i32>} : memref<16x8x64xf32, #tpu.memory_space<vmem>>, vector<1x1x16xf32>,
          %swap3A_833 = vector.shape_cast %swap3A_832 : vector<1x1x16xf32> to vector<16xf32>
          %swap3A_834 = vector.shape_cast %get3A_827 : vector<16xf32> to vector<1x1x16xf32>
          tpu.vector_store %arg9[%swap3A_829, %swap3A_830, %swap3A_831], %swap3A_834 {strides = array<i32>} : memref<16x8x64xf32, #tpu.memory_space<vmem>>, vector<1x1x16xf32>,
          %mul3A_835 = arith.constant 8 : i32
          %mul3A_836 = arith.muli %scan3A_564, %mul3A_835 : i32
          %add3A_837 = arith.constant 4 : i32
          %add3A_838 = arith.addi %mul3A_836, %add3A_837 : i32
          %get3A_839 = arith.index_cast %add3A_838 : i32 to index
          %get3A_840 = arith.constant 32 : index
          %get3A_841 = tpu.vector_load %arg7[%get3A_839, %get3A_840] {strides = array<i32>} : memref<128x128xf32, #tpu.memory_space<vmem>>, vector<1x16xf32>,
          %get3A_842 = vector.shape_cast %get3A_841 : vector<1x16xf32> to vector<16xf32>
          %swap3A_843 = arith.constant 4 : i32
          %swap3A_844 = arith.index_cast %scan3A_564 : i32 to index
          %swap3A_845 = arith.index_cast %swap3A_843 : i32 to index
          %swap3A_846 = arith.constant 32 : index
          %swap3A_847 = tpu.vector_load %arg9[%swap3A_844, %swap3A_845, %swap3A_846] {strides = array<i32>} : memref<16x8x64xf32, #tpu.memory_space<vmem>>, vector<1x1x16xf32>,
          %swap3A_848 = vector.shape_cast %swap3A_847 : vector<1x1x16xf32> to vector<16xf32>
          %swap3A_849 = vector.shape_cast %get3A_842 : vector<16xf32> to vector<1x1x16xf32>
          tpu.vector_store %arg9[%swap3A_844, %swap3A_845, %swap3A_846], %swap3A_849 {strides = array<i32>} : memref<16x8x64xf32, #tpu.memory_space<vmem>>, vector<1x1x16xf32>,
          %mul3A_850 = arith.constant 8 : i32
          %mul3A_851 = arith.muli %scan3A_564, %mul3A_850 : i32
          %add3A_852 = arith.constant 4 : i32
          %add3A_853 = arith.addi %mul3A_851, %add3A_852 : i32
          %get3A_854 = arith.index_cast %add3A_853 : i32 to index
          %get3A_855 = arith.constant 48 : index
          %get3A_856 = tpu.vector_load %arg7[%get3A_854, %get3A_855] {strides = array<i32>} : memref<128x128xf32, #tpu.memory_space<vmem>>, vector<1x16xf32>,
          %get3A_857 = vector.shape_cast %get3A_856 : vector<1x16xf32> to vector<16xf32>
          %swap3A_858 = arith.constant 4 : i32
          %swap3A_859 = arith.index_cast %scan3A_564 : i32 to index
          %swap3A_860 = arith.index_cast %swap3A_858 : i32 to index
          %swap3A_861 = arith.constant 48 : index
          %swap3A_862 = tpu.vector_load %arg9[%swap3A_859, %swap3A_860, %swap3A_861] {strides = array<i32>} : memref<16x8x64xf32, #tpu.memory_space<vmem>>, vector<1x1x16xf32>,
          %swap3A_863 = vector.shape_cast %swap3A_862 : vector<1x1x16xf32> to vector<16xf32>
          %swap3A_864 = vector.shape_cast %get3A_857 : vector<16xf32> to vector<1x1x16xf32>
          tpu.vector_store %arg9[%swap3A_859, %swap3A_860, %swap3A_861], %swap3A_864 {strides = array<i32>} : memref<16x8x64xf32, #tpu.memory_space<vmem>>, vector<1x1x16xf32>,
          %mul3A_865 = arith.constant 8 : i32
          %mul3A_866 = arith.muli %scan3A_564, %mul3A_865 : i32
          %add3A_867 = arith.constant 5 : i32
          %add3A_868 = arith.addi %mul3A_866, %add3A_867 : i32
          %get3A_869 = arith.index_cast %add3A_868 : i32 to index
          %get3A_870 = arith.constant 0 : index
          %get3A_871 = tpu.vector_load %arg7[%get3A_869, %get3A_870] {strides = array<i32>} : memref<128x128xf32, #tpu.memory_space<vmem>>, vector<1x16xf32>,
          %get3A_872 = vector.shape_cast %get3A_871 : vector<1x16xf32> to vector<16xf32>
          %swap3A_873 = arith.constant 5 : i32
          %swap3A_874 = arith.index_cast %scan3A_564 : i32 to index
          %swap3A_875 = arith.index_cast %swap3A_873 : i32 to index
          %swap3A_876 = arith.constant 0 : index
          %swap3A_877 = tpu.vector_load %arg9[%swap3A_874, %swap3A_875, %swap3A_876] {strides = array<i32>} : memref<16x8x64xf32, #tpu.memory_space<vmem>>, vector<1x1x16xf32>,
          %swap3A_878 = vector.shape_cast %swap3A_877 : vector<1x1x16xf32> to vector<16xf32>
          %swap3A_879 = vector.shape_cast %get3A_872 : vector<16xf32> to vector<1x1x16xf32>
          tpu.vector_store %arg9[%swap3A_874, %swap3A_875, %swap3A_876], %swap3A_879 {strides = array<i32>} : memref<16x8x64xf32, #tpu.memory_space<vmem>>, vector<1x1x16xf32>,
          %mul3A_880 = arith.constant 8 : i32
          %mul3A_881 = arith.muli %scan3A_564, %mul3A_880 : i32
          %add3A_882 = arith.constant 5 : i32
          %add3A_883 = arith.addi %mul3A_881, %add3A_882 : i32
          %get3A_884 = arith.index_cast %add3A_883 : i32 to index
          %get3A_885 = arith.constant 16 : index
          %get3A_886 = tpu.vector_load %arg7[%get3A_884, %get3A_885] {strides = array<i32>} : memref<128x128xf32, #tpu.memory_space<vmem>>, vector<1x16xf32>,
          %get3A_887 = vector.shape_cast %get3A_886 : vector<1x16xf32> to vector<16xf32>
          %swap3A_888 = arith.constant 5 : i32
          %swap3A_889 = arith.index_cast %scan3A_564 : i32 to index
          %swap3A_890 = arith.index_cast %swap3A_888 : i32 to index
          %swap3A_891 = arith.constant 16 : index
          %swap3A_892 = tpu.vector_load %arg9[%swap3A_889, %swap3A_890, %swap3A_891] {strides = array<i32>} : memref<16x8x64xf32, #tpu.memory_space<vmem>>, vector<1x1x16xf32>,
          %swap3A_893 = vector.shape_cast %swap3A_892 : vector<1x1x16xf32> to vector<16xf32>
          %swap3A_894 = vector.shape_cast %get3A_887 : vector<16xf32> to vector<1x1x16xf32>
          tpu.vector_store %arg9[%swap3A_889, %swap3A_890, %swap3A_891], %swap3A_894 {strides = array<i32>} : memref<16x8x64xf32, #tpu.memory_space<vmem>>, vector<1x1x16xf32>,
          %mul3A_895 = arith.constant 8 : i32
          %mul3A_896 = arith.muli %scan3A_564, %mul3A_895 : i32
          %add3A_897 = arith.constant 5 : i32
          %add3A_898 = arith.addi %mul3A_896, %add3A_897 : i32
          %get3A_899 = arith.index_cast %add3A_898 : i32 to index
          %get3A_900 = arith.constant 32 : index
          %get3A_901 = tpu.vector_load %arg7[%get3A_899, %get3A_900] {strides = array<i32>} : memref<128x128xf32, #tpu.memory_space<vmem>>, vector<1x16xf32>,
          %get3A_902 = vector.shape_cast %get3A_901 : vector<1x16xf32> to vector<16xf32>
          %swap3A_903 = arith.constant 5 : i32
          %swap3A_904 = arith.index_cast %scan3A_564 : i32 to index
          %swap3A_905 = arith.index_cast %swap3A_903 : i32 to index
          %swap3A_906 = arith.constant 32 : index
          %swap3A_907 = tpu.vector_load %arg9[%swap3A_904, %swap3A_905, %swap3A_906] {strides = array<i32>} : memref<16x8x64xf32, #tpu.memory_space<vmem>>, vector<1x1x16xf32>,
          %swap3A_908 = vector.shape_cast %swap3A_907 : vector<1x1x16xf32> to vector<16xf32>
          %swap3A_909 = vector.shape_cast %get3A_902 : vector<16xf32> to vector<1x1x16xf32>
          tpu.vector_store %arg9[%swap3A_904, %swap3A_905, %swap3A_906], %swap3A_909 {strides = array<i32>} : memref<16x8x64xf32, #tpu.memory_space<vmem>>, vector<1x1x16xf32>,
          %mul3A_910 = arith.constant 8 : i32
          %mul3A_911 = arith.muli %scan3A_564, %mul3A_910 : i32
          %add3A_912 = arith.constant 5 : i32
          %add3A_913 = arith.addi %mul3A_911, %add3A_912 : i32
          %get3A_914 = arith.index_cast %add3A_913 : i32 to index
          %get3A_915 = arith.constant 48 : index
          %get3A_916 = tpu.vector_load %arg7[%get3A_914, %get3A_915] {strides = array<i32>} : memref<128x128xf32, #tpu.memory_space<vmem>>, vector<1x16xf32>,
          %get3A_917 = vector.shape_cast %get3A_916 : vector<1x16xf32> to vector<16xf32>
          %swap3A_918 = arith.constant 5 : i32
          %swap3A_919 = arith.index_cast %scan3A_564 : i32 to index
          %swap3A_920 = arith.index_cast %swap3A_918 : i32 to index
          %swap3A_921 = arith.constant 48 : index
          %swap3A_922 = tpu.vector_load %arg9[%swap3A_919, %swap3A_920, %swap3A_921] {strides = array<i32>} : memref<16x8x64xf32, #tpu.memory_space<vmem>>, vector<1x1x16xf32>,
          %swap3A_923 = vector.shape_cast %swap3A_922 : vector<1x1x16xf32> to vector<16xf32>
          %swap3A_924 = vector.shape_cast %get3A_917 : vector<16xf32> to vector<1x1x16xf32>
          tpu.vector_store %arg9[%swap3A_919, %swap3A_920, %swap3A_921], %swap3A_924 {strides = array<i32>} : memref<16x8x64xf32, #tpu.memory_space<vmem>>, vector<1x1x16xf32>,
          %mul3A_925 = arith.constant 8 : i32
          %mul3A_926 = arith.muli %scan3A_564, %mul3A_925 : i32
          %add3A_927 = arith.constant 6 : i32
          %add3A_928 = arith.addi %mul3A_926, %add3A_927 : i32
          %get3A_929 = arith.index_cast %add3A_928 : i32 to index
          %get3A_930 = arith.constant 0 : index
          %get3A_931 = tpu.vector_load %arg7[%get3A_929, %get3A_930] {strides = array<i32>} : memref<128x128xf32, #tpu.memory_space<vmem>>, vector<1x16xf32>,
          %get3A_932 = vector.shape_cast %get3A_931 : vector<1x16xf32> to vector<16xf32>
          %swap3A_933 = arith.constant 6 : i32
          %swap3A_934 = arith.index_cast %scan3A_564 : i32 to index
          %swap3A_935 = arith.index_cast %swap3A_933 : i32 to index
          %swap3A_936 = arith.constant 0 : index
          %swap3A_937 = tpu.vector_load %arg9[%swap3A_934, %swap3A_935, %swap3A_936] {strides = array<i32>} : memref<16x8x64xf32, #tpu.memory_space<vmem>>, vector<1x1x16xf32>,
          %swap3A_938 = vector.shape_cast %swap3A_937 : vector<1x1x16xf32> to vector<16xf32>
          %swap3A_939 = vector.shape_cast %get3A_932 : vector<16xf32> to vector<1x1x16xf32>
          tpu.vector_store %arg9[%swap3A_934, %swap3A_935, %swap3A_936], %swap3A_939 {strides = array<i32>} : memref<16x8x64xf32, #tpu.memory_space<vmem>>, vector<1x1x16xf32>,
          %mul3A_940 = arith.constant 8 : i32
          %mul3A_941 = arith.muli %scan3A_564, %mul3A_940 : i32
          %add3A_942 = arith.constant 6 : i32
          %add3A_943 = arith.addi %mul3A_941, %add3A_942 : i32
          %get3A_944 = arith.index_cast %add3A_943 : i32 to index
          %get3A_945 = arith.constant 16 : index
          %get3A_946 = tpu.vector_load %arg7[%get3A_944, %get3A_945] {strides = array<i32>} : memref<128x128xf32, #tpu.memory_space<vmem>>, vector<1x16xf32>,
          %get3A_947 = vector.shape_cast %get3A_946 : vector<1x16xf32> to vector<16xf32>
          %swap3A_948 = arith.constant 6 : i32
          %swap3A_949 = arith.index_cast %scan3A_564 : i32 to index
          %swap3A_950 = arith.index_cast %swap3A_948 : i32 to index
          %swap3A_951 = arith.constant 16 : index
          %swap3A_952 = tpu.vector_load %arg9[%swap3A_949, %swap3A_950, %swap3A_951] {strides = array<i32>} : memref<16x8x64xf32, #tpu.memory_space<vmem>>, vector<1x1x16xf32>,
          %swap3A_953 = vector.shape_cast %swap3A_952 : vector<1x1x16xf32> to vector<16xf32>
          %swap3A_954 = vector.shape_cast %get3A_947 : vector<16xf32> to vector<1x1x16xf32>
          tpu.vector_store %arg9[%swap3A_949, %swap3A_950, %swap3A_951], %swap3A_954 {strides = array<i32>} : memref<16x8x64xf32, #tpu.memory_space<vmem>>, vector<1x1x16xf32>,
          %mul3A_955 = arith.constant 8 : i32
          %mul3A_956 = arith.muli %scan3A_564, %mul3A_955 : i32
          %add3A_957 = arith.constant 6 : i32
          %add3A_958 = arith.addi %mul3A_956, %add3A_957 : i32
          %get3A_959 = arith.index_cast %add3A_958 : i32 to index
          %get3A_960 = arith.constant 32 : index
          %get3A_961 = tpu.vector_load %arg7[%get3A_959, %get3A_960] {strides = array<i32>} : memref<128x128xf32, #tpu.memory_space<vmem>>, vector<1x16xf32>,
          %get3A_962 = vector.shape_cast %get3A_961 : vector<1x16xf32> to vector<16xf32>
          %swap3A_963 = arith.constant 6 : i32
          %swap3A_964 = arith.index_cast %scan3A_564 : i32 to index
          %swap3A_965 = arith.index_cast %swap3A_963 : i32 to index
          %swap3A_966 = arith.constant 32 : index
          %swap3A_967 = tpu.vector_load %arg9[%swap3A_964, %swap3A_965, %swap3A_966] {strides = array<i32>} : memref<16x8x64xf32, #tpu.memory_space<vmem>>, vector<1x1x16xf32>,
          %swap3A_968 = vector.shape_cast %swap3A_967 : vector<1x1x16xf32> to vector<16xf32>
          %swap3A_969 = vector.shape_cast %get3A_962 : vector<16xf32> to vector<1x1x16xf32>
          tpu.vector_store %arg9[%swap3A_964, %swap3A_965, %swap3A_966], %swap3A_969 {strides = array<i32>} : memref<16x8x64xf32, #tpu.memory_space<vmem>>, vector<1x1x16xf32>,
          %mul3A_970 = arith.constant 8 : i32
          %mul3A_971 = arith.muli %scan3A_564, %mul3A_970 : i32
          %add3A_972 = arith.constant 6 : i32
          %add3A_973 = arith.addi %mul3A_971, %add3A_972 : i32
          %get3A_974 = arith.index_cast %add3A_973 : i32 to index
          %get3A_975 = arith.constant 48 : index
          %get3A_976 = tpu.vector_load %arg7[%get3A_974, %get3A_975] {strides = array<i32>} : memref<128x128xf32, #tpu.memory_space<vmem>>, vector<1x16xf32>,
          %get3A_977 = vector.shape_cast %get3A_976 : vector<1x16xf32> to vector<16xf32>
          %swap3A_978 = arith.constant 6 : i32
          %swap3A_979 = arith.index_cast %scan3A_564 : i32 to index
          %swap3A_980 = arith.index_cast %swap3A_978 : i32 to index
          %swap3A_981 = arith.constant 48 : index
          %swap3A_982 = tpu.vector_load %arg9[%swap3A_979, %swap3A_980, %swap3A_981] {strides = array<i32>} : memref<16x8x64xf32, #tpu.memory_space<vmem>>, vector<1x1x16xf32>,
          %swap3A_983 = vector.shape_cast %swap3A_982 : vector<1x1x16xf32> to vector<16xf32>
          %swap3A_984 = vector.shape_cast %get3A_977 : vector<16xf32> to vector<1x1x16xf32>
          tpu.vector_store %arg9[%swap3A_979, %swap3A_980, %swap3A_981], %swap3A_984 {strides = array<i32>} : memref<16x8x64xf32, #tpu.memory_space<vmem>>, vector<1x1x16xf32>,
          %mul3A_985 = arith.constant 8 : i32
          %mul3A_986 = arith.muli %scan3A_564, %mul3A_985 : i32
          %add3A_987 = arith.constant 7 : i32
          %add3A_988 = arith.addi %mul3A_986, %add3A_987 : i32
          %get3A_989 = arith.index_cast %add3A_988 : i32 to index
          %get3A_990 = arith.constant 0 : index
          %get3A_991 = tpu.vector_load %arg7[%get3A_989, %get3A_990] {strides = array<i32>} : memref<128x128xf32, #tpu.memory_space<vmem>>, vector<1x16xf32>,
          %get3A_992 = vector.shape_cast %get3A_991 : vector<1x16xf32> to vector<16xf32>
          %swap3A_993 = arith.constant 7 : i32
          %swap3A_994 = arith.index_cast %scan3A_564 : i32 to index
          %swap3A_995 = arith.index_cast %swap3A_993 : i32 to index
          %swap3A_996 = arith.constant 0 : index
          %swap3A_997 = tpu.vector_load %arg9[%swap3A_994, %swap3A_995, %swap3A_996] {strides = array<i32>} : memref<16x8x64xf32, #tpu.memory_space<vmem>>, vector<1x1x16xf32>,
          %swap3A_998 = vector.shape_cast %swap3A_997 : vector<1x1x16xf32> to vector<16xf32>
          %swap3A_999 = vector.shape_cast %get3A_992 : vector<16xf32> to vector<1x1x16xf32>
          tpu.vector_store %arg9[%swap3A_994, %swap3A_995, %swap3A_996], %swap3A_999 {strides = array<i32>} : memref<16x8x64xf32, #tpu.memory_space<vmem>>, vector<1x1x16xf32>,
          %mul3A_1000 = arith.constant 8 : i32
          %mul3A_1001 = arith.muli %scan3A_564, %mul3A_1000 : i32
          %add3A_1002 = arith.constant 7 : i32
          %add3A_1003 = arith.addi %mul3A_1001, %add3A_1002 : i32
          %get3A_1004 = arith.index_cast %add3A_1003 : i32 to index
          %get3A_1005 = arith.constant 16 : index
          %get3A_1006 = tpu.vector_load %arg7[%get3A_1004, %get3A_1005] {strides = array<i32>} : memref<128x128xf32, #tpu.memory_space<vmem>>, vector<1x16xf32>,
          %get3A_1007 = vector.shape_cast %get3A_1006 : vector<1x16xf32> to vector<16xf32>
          %swap3A_1008 = arith.constant 7 : i32
          %swap3A_1009 = arith.index_cast %scan3A_564 : i32 to index
          %swap3A_1010 = arith.index_cast %swap3A_1008 : i32 to index
          %swap3A_1011 = arith.constant 16 : index
          %swap3A_1012 = tpu.vector_load %arg9[%swap3A_1009, %swap3A_1010, %swap3A_1011] {strides = array<i32>} : memref<16x8x64xf32, #tpu.memory_space<vmem>>, vector<1x1x16xf32>,
          %swap3A_1013 = vector.shape_cast %swap3A_1012 : vector<1x1x16xf32> to vector<16xf32>
          %swap3A_1014 = vector.shape_cast %get3A_1007 : vector<16xf32> to vector<1x1x16xf32>
          tpu.vector_store %arg9[%swap3A_1009, %swap3A_1010, %swap3A_1011], %swap3A_1014 {strides = array<i32>} : memref<16x8x64xf32, #tpu.memory_space<vmem>>, vector<1x1x16xf32>,
          %mul3A_1015 = arith.constant 8 : i32
          %mul3A_1016 = arith.muli %scan3A_564, %mul3A_1015 : i32
          %add3A_1017 = arith.constant 7 : i32
          %add3A_1018 = arith.addi %mul3A_1016, %add3A_1017 : i32
          %get3A_1019 = arith.index_cast %add3A_1018 : i32 to index
          %get3A_1020 = arith.constant 32 : index
          %get3A_1021 = tpu.vector_load %arg7[%get3A_1019, %get3A_1020] {strides = array<i32>} : memref<128x128xf32, #tpu.memory_space<vmem>>, vector<1x16xf32>,
          %get3A_1022 = vector.shape_cast %get3A_1021 : vector<1x16xf32> to vector<16xf32>
          %swap3A_1023 = arith.constant 7 : i32
          %swap3A_1024 = arith.index_cast %scan3A_564 : i32 to index
          %swap3A_1025 = arith.index_cast %swap3A_1023 : i32 to index
          %swap3A_1026 = arith.constant 32 : index
          %swap3A_1027 = tpu.vector_load %arg9[%swap3A_1024, %swap3A_1025, %swap3A_1026] {strides = array<i32>} : memref<16x8x64xf32, #tpu.memory_space<vmem>>, vector<1x1x16xf32>,
          %swap3A_1028 = vector.shape_cast %swap3A_1027 : vector<1x1x16xf32> to vector<16xf32>
          %swap3A_1029 = vector.shape_cast %get3A_1022 : vector<16xf32> to vector<1x1x16xf32>
          tpu.vector_store %arg9[%swap3A_1024, %swap3A_1025, %swap3A_1026], %swap3A_1029 {strides = array<i32>} : memref<16x8x64xf32, #tpu.memory_space<vmem>>, vector<1x1x16xf32>,
          %mul3A_1030 = arith.constant 8 : i32
          %mul3A_1031 = arith.muli %scan3A_564, %mul3A_1030 : i32
          %add3A_1032 = arith.constant 7 : i32
          %add3A_1033 = arith.addi %mul3A_1031, %add3A_1032 : i32
          %get3A_1034 = arith.index_cast %add3A_1033 : i32 to index
          %get3A_1035 = arith.constant 48 : index
          %get3A_1036 = tpu.vector_load %arg7[%get3A_1034, %get3A_1035] {strides = array<i32>} : memref<128x128xf32, #tpu.memory_space<vmem>>, vector<1x16xf32>,
          %get3A_1037 = vector.shape_cast %get3A_1036 : vector<1x16xf32> to vector<16xf32>
          %swap3A_1038 = arith.constant 7 : i32
          %swap3A_1039 = arith.index_cast %scan3A_564 : i32 to index
          %swap3A_1040 = arith.index_cast %swap3A_1038 : i32 to index
          %swap3A_1041 = arith.constant 48 : index
          %swap3A_1042 = tpu.vector_load %arg9[%swap3A_1039, %swap3A_1040, %swap3A_1041] {strides = array<i32>} : memref<16x8x64xf32, #tpu.memory_space<vmem>>, vector<1x1x16xf32>,
          %swap3A_1043 = vector.shape_cast %swap3A_1042 : vector<1x1x16xf32> to vector<16xf32>
          %swap3A_1044 = vector.shape_cast %get3A_1037 : vector<16xf32> to vector<1x1x16xf32>
          tpu.vector_store %arg9[%swap3A_1039, %swap3A_1040, %swap3A_1041], %swap3A_1044 {strides = array<i32>} : memref<16x8x64xf32, #tpu.memory_space<vmem>>, vector<1x1x16xf32>,
        }
        %scan3A_554 = arith.constant 16 : i32
        %mul3A_555 = arith.constant 16 : i32
        %mul3A_556 = arith.muli %add3A_390, %mul3A_555 : i32
        %add3A_557 = arith.addi %mul3A_2, %mul3A_556 : i32
        %dma_start3A_558 = arith.constant 0 : i32
        %dma_start3A_559 = arith.constant 0 : i32
        %dma_start3A_560 = tpu.memref_slice %arg4[%add3A_557, %dma_start3A_558, %dma_start3A_559] : memref<102400x8x64xf32, #tpu.memory_space<hbm>> -> memref<16x8x64xf32, #tpu.memory_space<hbm>>
        %dma_start3A_561 = arith.constant 0 : i32
        %dma_start3A_562 = arith.constant 0 : i32
        %dma_start3A_563 = tpu.memref_slice %arg4[%add3A_557, %dma_start3A_561, %dma_start3A_562] : memref<102400x8x64xf32, #tpu.memory_space<hbm>> -> memref<16x8x64xf32, #tpu.memory_space<hbm>>
        tpu.enqueue_dma source(%arg9 : memref<16x8x64xf32, #tpu.memory_space<vmem>>) target(%dma_start3A_563 : memref<16x8x64xf32, #tpu.memory_space<hbm>>) target_semaphore(%arg14 : memref<!tpu.dma_semaphore, #tpu.memory_space<semaphore_mem>>)
      } else {
      }
      %gt3A = arith.constant 0 : i32
      %gt3A_206 = arith.cmpi sgt, %scan3A_201, %gt3A : i32
      %lt3A = arith.constant 99 : i32
      %lt3A_207 = arith.cmpi slt, %scan3A_201, %lt3A : i32
      %and3A = arith.andi %gt3A_206, %lt3A_207 : i1
      %convert_element_type3A_208 = arith.extui %and3A : i1 to i32
      %cond3A_209 = arith.constant 0 : i32
      %cond3A_210 = arith.cmpi ne, %convert_element_type3A_208, %cond3A_209 : i32
      scf.if %cond3A_210 {
        %dma_wait3A_216 = arith.constant 0 : i32
        %dma_wait3A_217 = arith.constant 0 : i32
        %dma_wait3A_218 = tpu.memref_slice %arg2[%dma_wait3A_216, %dma_wait3A_217] : memref<200001x128xf32, #tpu.memory_space<hbm>> -> memref<128x128xf32, #tpu.memory_space<hbm>>
        %dma_wait3A_219 = arith.constant 0 : i32
        %dma_wait3A_220 = arith.constant 0 : i32
        %dma_wait3A_221 = tpu.memref_slice %arg2[%dma_wait3A_219, %dma_wait3A_220] : memref<200001x128xf32, #tpu.memory_space<hbm>> -> memref<128x128xf32, #tpu.memory_space<hbm>>
        tpu.wait_dma2 semaphore(%arg11 : memref<!tpu.dma_semaphore, #tpu.memory_space<semaphore_mem>>) src(%dma_wait3A_221 : memref<128x128xf32, #tpu.memory_space<hbm>>) dst(%arg6 : memref<128x128xf32, #tpu.memory_space<vmem>>)
        %dma_wait3A_222 = arith.constant 0 : i32
        %dma_wait3A_223 = arith.constant 0 : i32
        %dma_wait3A_224 = arith.constant 0 : i32
        %dma_wait3A_225 = tpu.memref_slice %arg4[%dma_wait3A_222, %dma_wait3A_223, %dma_wait3A_224] : memref<102400x8x64xf32, #tpu.memory_space<hbm>> -> memref<16x8x64xf32, #tpu.memory_space<hbm>>
        %dma_wait3A_226 = arith.constant 0 : i32
        %dma_wait3A_227 = arith.constant 0 : i32
        %dma_wait3A_228 = arith.constant 0 : i32
        %dma_wait3A_229 = tpu.memref_slice %arg4[%dma_wait3A_226, %dma_wait3A_227, %dma_wait3A_228] : memref<102400x8x64xf32, #tpu.memory_space<hbm>> -> memref<16x8x64xf32, #tpu.memory_space<hbm>>
        tpu.wait_dma2 semaphore(%arg13 : memref<!tpu.dma_semaphore, #tpu.memory_space<semaphore_mem>>) src(%arg8 : memref<16x8x64xf32, #tpu.memory_space<vmem>>) dst(%dma_wait3A_229 : memref<16x8x64xf32, #tpu.memory_space<hbm>>)
        %add3A_230 = arith.constant 1 : i32
        %add3A_231 = arith.addi %mul3A_203, %add3A_230 : i32
        %get3A_232 = arith.index_cast %add3A_231 : i32 to index
        %get3A_233 = arith.constant 0 : index
        %get3A_234 = tpu.vector_load %arg5[%get3A_232, %get3A_233] {strides = array<i32>} : memref<200x128xi32, #tpu.memory_space<vmem>>, vector<1x16xi32>,
        %get3A_235 = vector.shape_cast %get3A_234 : vector<1x16xi32> to vector<16xi32>
        %max3A_236 = arith.constant -100000 : i32
        %max3A_237 = vector.broadcast %max3A_236 : i32 to vector<16xi32>
        %max3A_238 = arith.maxsi %get3A_235, %max3A_237 : vector<16xi32>
        %min3A_239 = arith.constant 100000 : i32
        %min3A_240 = vector.broadcast %min3A_239 : i32 to vector<16xi32>
        %min3A_241 = arith.minsi %max3A_238, %min3A_240 : vector<16xi32>
        %add3A_242 = arith.constant 100000 : i32
        %add3A_243 = vector.broadcast %add3A_242 : i32 to vector<16xi32>
        %add3A_244 = arith.addi %min3A_241, %add3A_243 : vector<16xi32>
        %swap3A_245 = arith.index_cast %add3A_231 : i32 to index
        %swap3A_246 = arith.constant 0 : index
        %swap3A_247 = tpu.vector_load %arg5[%swap3A_245, %swap3A_246] {strides = array<i32>} : memref<200x128xi32, #tpu.memory_space<vmem>>, vector<1x16xi32>,
        %swap3A_248 = vector.shape_cast %swap3A_247 : vector<1x16xi32> to vector<16xi32>
        %swap3A_249 = vector.shape_cast %add3A_244 : vector<16xi32> to vector<1x16xi32>
        tpu.vector_store %arg5[%swap3A_245, %swap3A_246], %swap3A_249 {strides = array<i32>} : memref<200x128xi32, #tpu.memory_space<vmem>>, vector<1x16xi32>,
        %get3A_250 = arith.index_cast %add3A_231 : i32 to index
        %get3A_251 = arith.constant 16 : index
        %get3A_252 = tpu.vector_load %arg5[%get3A_250, %get3A_251] {strides = array<i32>} : memref<200x128xi32, #tpu.memory_space<vmem>>, vector<1x16xi32>,
        %get3A_253 = vector.shape_cast %get3A_252 : vector<1x16xi32> to vector<16xi32>
        %max3A_254 = arith.constant -100000 : i32
        %max3A_255 = vector.broadcast %max3A_254 : i32 to vector<16xi32>
        %max3A_256 = arith.maxsi %get3A_253, %max3A_255 : vector<16xi32>
        %min3A_257 = arith.constant 100000 : i32
        %min3A_258 = vector.broadcast %min3A_257 : i32 to vector<16xi32>
        %min3A_259 = arith.minsi %max3A_256, %min3A_258 : vector<16xi32>
        %add3A_260 = arith.constant 100000 : i32
        %add3A_261 = vector.broadcast %add3A_260 : i32 to vector<16xi32>
        %add3A_262 = arith.addi %min3A_259, %add3A_261 : vector<16xi32>
        %swap3A_263 = arith.index_cast %add3A_231 : i32 to index
        %swap3A_264 = arith.constant 16 : index
        %swap3A_265 = tpu.vector_load %arg5[%swap3A_263, %swap3A_264] {strides = array<i32>} : memref<200x128xi32, #tpu.memory_space<vmem>>, vector<1x16xi32>,
        %swap3A_266 = vector.shape_cast %swap3A_265 : vector<1x16xi32> to vector<16xi32>
        %swap3A_267 = vector.shape_cast %add3A_262 : vector<16xi32> to vector<1x16xi32>
        tpu.vector_store %arg5[%swap3A_263, %swap3A_264], %swap3A_267 {strides = array<i32>} : memref<200x128xi32, #tpu.memory_space<vmem>>, vector<1x16xi32>,
        %get3A_268 = arith.index_cast %add3A_231 : i32 to index
        %get3A_269 = arith.constant 32 : index
        %get3A_270 = tpu.vector_load %arg5[%get3A_268, %get3A_269] {strides = array<i32>} : memref<200x128xi32, #tpu.memory_space<vmem>>, vector<1x16xi32>,
        %get3A_271 = vector.shape_cast %get3A_270 : vector<1x16xi32> to vector<16xi32>
        %max3A_272 = arith.constant -100000 : i32
        %max3A_273 = vector.broadcast %max3A_272 : i32 to vector<16xi32>
        %max3A_274 = arith.maxsi %get3A_271, %max3A_273 : vector<16xi32>
        %min3A_275 = arith.constant 100000 : i32
        %min3A_276 = vector.broadcast %min3A_275 : i32 to vector<16xi32>
        %min3A_277 = arith.minsi %max3A_274, %min3A_276 : vector<16xi32>
        %add3A_278 = arith.constant 100000 : i32
        %add3A_279 = vector.broadcast %add3A_278 : i32 to vector<16xi32>
        %add3A_280 = arith.addi %min3A_277, %add3A_279 : vector<16xi32>
        %swap3A_281 = arith.index_cast %add3A_231 : i32 to index
        %swap3A_282 = arith.constant 32 : index
        %swap3A_283 = tpu.vector_load %arg5[%swap3A_281, %swap3A_282] {strides = array<i32>} : memref<200x128xi32, #tpu.memory_space<vmem>>, vector<1x16xi32>,
        %swap3A_284 = vector.shape_cast %swap3A_283 : vector<1x16xi32> to vector<16xi32>
        %swap3A_285 = vector.shape_cast %add3A_280 : vector<16xi32> to vector<1x16xi32>
        tpu.vector_store %arg5[%swap3A_281, %swap3A_282], %swap3A_285 {strides = array<i32>} : memref<200x128xi32, #tpu.memory_space<vmem>>, vector<1x16xi32>,
        %get3A_286 = arith.index_cast %add3A_231 : i32 to index
        %get3A_287 = arith.constant 48 : index
        %get3A_288 = tpu.vector_load %arg5[%get3A_286, %get3A_287] {strides = array<i32>} : memref<200x128xi32, #tpu.memory_space<vmem>>, vector<1x16xi32>,
        %get3A_289 = vector.shape_cast %get3A_288 : vector<1x16xi32> to vector<16xi32>
        %max3A_290 = arith.constant -100000 : i32
        %max3A_291 = vector.broadcast %max3A_290 : i32 to vector<16xi32>
        %max3A_292 = arith.maxsi %get3A_289, %max3A_291 : vector<16xi32>
        %min3A_293 = arith.constant 100000 : i32
        %min3A_294 = vector.broadcast %min3A_293 : i32 to vector<16xi32>
        %min3A_295 = arith.minsi %max3A_292, %min3A_294 : vector<16xi32>
        %add3A_296 = arith.constant 100000 : i32
        %add3A_297 = vector.broadcast %add3A_296 : i32 to vector<16xi32>
        %add3A_298 = arith.addi %min3A_295, %add3A_297 : vector<16xi32>
        %swap3A_299 = arith.index_cast %add3A_231 : i32 to index
        %swap3A_300 = arith.constant 48 : index
        %swap3A_301 = tpu.vector_load %arg5[%swap3A_299, %swap3A_300] {strides = array<i32>} : memref<200x128xi32, #tpu.memory_space<vmem>>, vector<1x16xi32>,
        %swap3A_302 = vector.shape_cast %swap3A_301 : vector<1x16xi32> to vector<16xi32>
        %swap3A_303 = vector.shape_cast %add3A_298 : vector<16xi32> to vector<1x16xi32>
        tpu.vector_store %arg5[%swap3A_299, %swap3A_300], %swap3A_303 {strides = array<i32>} : memref<200x128xi32, #tpu.memory_space<vmem>>, vector<1x16xi32>,
        %get3A_304 = arith.index_cast %add3A_231 : i32 to index
        %get3A_305 = arith.constant 64 : index
        %get3A_306 = tpu.vector_load %arg5[%get3A_304, %get3A_305] {strides = array<i32>} : memref<200x128xi32, #tpu.memory_space<vmem>>, vector<1x16xi32>,
        %get3A_307 = vector.shape_cast %get3A_306 : vector<1x16xi32> to vector<16xi32>
        %max3A_308 = arith.constant -100000 : i32
        %max3A_309 = vector.broadcast %max3A_308 : i32 to vector<16xi32>
        %max3A_310 = arith.maxsi %get3A_307, %max3A_309 : vector<16xi32>
        %min3A_311 = arith.constant 100000 : i32
        %min3A_312 = vector.broadcast %min3A_311 : i32 to vector<16xi32>
        %min3A_313 = arith.minsi %max3A_310, %min3A_312 : vector<16xi32>
        %add3A_314 = arith.constant 100000 : i32
        %add3A_315 = vector.broadcast %add3A_314 : i32 to vector<16xi32>
        %add3A_316 = arith.addi %min3A_313, %add3A_315 : vector<16xi32>
        %swap3A_317 = arith.index_cast %add3A_231 : i32 to index
        %swap3A_318 = arith.constant 64 : index
        %swap3A_319 = tpu.vector_load %arg5[%swap3A_317, %swap3A_318] {strides = array<i32>} : memref<200x128xi32, #tpu.memory_space<vmem>>, vector<1x16xi32>,
        %swap3A_320 = vector.shape_cast %swap3A_319 : vector<1x16xi32> to vector<16xi32>
        %swap3A_321 = vector.shape_cast %add3A_316 : vector<16xi32> to vector<1x16xi32>
        tpu.vector_store %arg5[%swap3A_317, %swap3A_318], %swap3A_321 {strides = array<i32>} : memref<200x128xi32, #tpu.memory_space<vmem>>, vector<1x16xi32>,
        %get3A_322 = arith.index_cast %add3A_231 : i32 to index
        %get3A_323 = arith.constant 80 : index
        %get3A_324 = tpu.vector_load %arg5[%get3A_322, %get3A_323] {strides = array<i32>} : memref<200x128xi32, #tpu.memory_space<vmem>>, vector<1x16xi32>,
        %get3A_325 = vector.shape_cast %get3A_324 : vector<1x16xi32> to vector<16xi32>
        %max3A_326 = arith.constant -100000 : i32
        %max3A_327 = vector.broadcast %max3A_326 : i32 to vector<16xi32>
        %max3A_328 = arith.maxsi %get3A_325, %max3A_327 : vector<16xi32>
        %min3A_329 = arith.constant 100000 : i32
        %min3A_330 = vector.broadcast %min3A_329 : i32 to vector<16xi32>
        %min3A_331 = arith.minsi %max3A_328, %min3A_330 : vector<16xi32>
        %add3A_332 = arith.constant 100000 : i32
        %add3A_333 = vector.broadcast %add3A_332 : i32 to vector<16xi32>
        %add3A_334 = arith.addi %min3A_331, %add3A_333 : vector<16xi32>
        %swap3A_335 = arith.index_cast %add3A_231 : i32 to index
        %swap3A_336 = arith.constant 80 : index
        %swap3A_337 = tpu.vector_load %arg5[%swap3A_335, %swap3A_336] {strides = array<i32>} : memref<200x128xi32, #tpu.memory_space<vmem>>, vector<1x16xi32>,
        %swap3A_338 = vector.shape_cast %swap3A_337 : vector<1x16xi32> to vector<16xi32>
        %swap3A_339 = vector.shape_cast %add3A_334 : vector<16xi32> to vector<1x16xi32>
        tpu.vector_store %arg5[%swap3A_335, %swap3A_336], %swap3A_339 {strides = array<i32>} : memref<200x128xi32, #tpu.memory_space<vmem>>, vector<1x16xi32>,
        %get3A_340 = arith.index_cast %add3A_231 : i32 to index
        %get3A_341 = arith.constant 96 : index
        %get3A_342 = tpu.vector_load %arg5[%get3A_340, %get3A_341] {strides = array<i32>} : memref<200x128xi32, #tpu.memory_space<vmem>>, vector<1x16xi32>,
        %get3A_343 = vector.shape_cast %get3A_342 : vector<1x16xi32> to vector<16xi32>
        %max3A_344 = arith.constant -100000 : i32
        %max3A_345 = vector.broadcast %max3A_344 : i32 to vector<16xi32>
        %max3A_346 = arith.maxsi %get3A_343, %max3A_345 : vector<16xi32>
        %min3A_347 = arith.constant 100000 : i32
        %min3A_348 = vector.broadcast %min3A_347 : i32 to vector<16xi32>
        %min3A_349 = arith.minsi %max3A_346, %min3A_348 : vector<16xi32>
        %add3A_350 = arith.constant 100000 : i32
        %add3A_351 = vector.broadcast %add3A_350 : i32 to vector<16xi32>
        %add3A_352 = arith.addi %min3A_349, %add3A_351 : vector<16xi32>
        %swap3A_353 = arith.index_cast %add3A_231 : i32 to index
        %swap3A_354 = arith.constant 96 : index
        %swap3A_355 = tpu.vector_load %arg5[%swap3A_353, %swap3A_354] {strides = array<i32>} : memref<200x128xi32, #tpu.memory_space<vmem>>, vector<1x16xi32>,
        %swap3A_356 = vector.shape_cast %swap3A_355 : vector<1x16xi32> to vector<16xi32>
        %swap3A_357 = vector.shape_cast %add3A_352 : vector<16xi32> to vector<1x16xi32>
        tpu.vector_store %arg5[%swap3A_353, %swap3A_354], %swap3A_357 {strides = array<i32>} : memref<200x128xi32, #tpu.memory_space<vmem>>, vector<1x16xi32>,
        %get3A_358 = arith.index_cast %add3A_231 : i32 to index
        %get3A_359 = arith.constant 112 : index
        %get3A_360 = tpu.vector_load %arg5[%get3A_358, %get3A_359] {strides = array<i32>} : memref<200x128xi32, #tpu.memory_space<vmem>>, vector<1x16xi32>,
        %get3A_361 = vector.shape_cast %get3A_360 : vector<1x16xi32> to vector<16xi32>
        %max3A_362 = arith.constant -100000 : i32
        %max3A_363 = vector.broadcast %max3A_362 : i32 to vector<16xi32>
        %max3A_364 = arith.maxsi %get3A_361, %max3A_363 : vector<16xi32>
        %min3A_365 = arith.constant 100000 : i32
        %min3A_366 = vector.broadcast %min3A_365 : i32 to vector<16xi32>
        %min3A_367 = arith.minsi %max3A_364, %min3A_366 : vector<16xi32>
        %add3A_368 = arith.constant 100000 : i32
        %add3A_369 = vector.broadcast %add3A_368 : i32 to vector<16xi32>
        %add3A_370 = arith.addi %min3A_367, %add3A_369 : vector<16xi32>
        %swap3A_371 = arith.index_cast %add3A_231 : i32 to index
        %swap3A_372 = arith.constant 112 : index
        %swap3A_373 = tpu.vector_load %arg5[%swap3A_371, %swap3A_372] {strides = array<i32>} : memref<200x128xi32, #tpu.memory_space<vmem>>, vector<1x16xi32>,
        %swap3A_374 = vector.shape_cast %swap3A_373 : vector<1x16xi32> to vector<16xi32>
        %swap3A_375 = vector.shape_cast %add3A_370 : vector<16xi32> to vector<1x16xi32>
        tpu.vector_store %arg5[%swap3A_371, %swap3A_372], %swap3A_375 {strides = array<i32>} : memref<200x128xi32, #tpu.memory_space<vmem>>, vector<1x16xi32>,
        %dma_start3A_376 = arith.constant 0 : i32
        %dma_start3A_377 = tpu.memref_slice %arg5[%add3A_231, %dma_start3A_376] : memref<200x128xi32, #tpu.memory_space<vmem>> -> memref<1x128xi32, #tpu.memory_space<vmem>>
        %dma_start3A_378 = tpu.memref_squeeze %dma_start3A_377 : memref<1x128xi32, #tpu.memory_space<vmem>> -> memref<128xi32, #tpu.memory_space<vmem>>
        %dma_start3A_379 = arith.constant 0 : i32
        %dma_start3A_380 = arith.constant 0 : i32
        %dma_start3A_381 = tpu.memref_slice %arg2[%dma_start3A_379, %dma_start3A_380] : memref<200001x128xf32, #tpu.memory_space<hbm>> -> memref<200001x128xf32, #tpu.memory_space<hbm>>
        tpu.enqueue_indirect_dma source(%dma_start3A_381 : memref<200001x128xf32, #tpu.memory_space<hbm>>) target(%arg7 : memref<128x128xf32, #tpu.memory_space<vmem>>) offsets(%dma_start3A_378 : memref<128xi32, #tpu.memory_space<vmem>>) semaphore(%arg12 : memref<!tpu.dma_semaphore, #tpu.memory_space<semaphore_mem>>)
        %scan3A_382 = arith.constant 0 : i32
        %scan3A_383 = arith.constant 0 : i32
        %scan3A_384 = arith.constant 16 : i32
        %scan3A_385 = arith.addi %scan3A_383, %scan3A_384 : i32
        %scan3A_386 = arith.constant 1 : i32
        scf.for %scan3A_580 = %scan3A_383 to %scan3A_385 step %scan3A_386  : i32 {
          %mul3A_581 = arith.constant 8 : i32
          %mul3A_582 = arith.muli %scan3A_580, %mul3A_581 : i32
          %add3A_583 = arith.constant 0 : i32
          %add3A_584 = arith.addi %mul3A_582, %add3A_583 : i32
          %get3A_585 = arith.index_cast %add3A_584 : i32 to index
          %get3A_586 = arith.constant 0 : index
          %get3A_587 = tpu.vector_load %arg6[%get3A_585, %get3A_586] {strides = array<i32>} : memref<128x128xf32, #tpu.memory_space<vmem>>, vector<1x16xf32>,
          %get3A_588 = vector.shape_cast %get3A_587 : vector<1x16xf32> to vector<16xf32>
          %swap3A_589 = arith.constant 0 : i32
          %swap3A_590 = arith.index_cast %scan3A_580 : i32 to index
          %swap3A_591 = arith.index_cast %swap3A_589 : i32 to index
          %swap3A_592 = arith.constant 0 : index
          %swap3A_593 = tpu.vector_load %arg8[%swap3A_590, %swap3A_591, %swap3A_592] {strides = array<i32>} : memref<16x8x64xf32, #tpu.memory_space<vmem>>, vector<1x1x16xf32>,
          %swap3A_594 = vector.shape_cast %swap3A_593 : vector<1x1x16xf32> to vector<16xf32>
          %swap3A_595 = vector.shape_cast %get3A_588 : vector<16xf32> to vector<1x1x16xf32>
          tpu.vector_store %arg8[%swap3A_590, %swap3A_591, %swap3A_592], %swap3A_595 {strides = array<i32>} : memref<16x8x64xf32, #tpu.memory_space<vmem>>, vector<1x1x16xf32>,
          %mul3A_596 = arith.constant 8 : i32
          %mul3A_597 = arith.muli %scan3A_580, %mul3A_596 : i32
          %add3A_598 = arith.constant 0 : i32
          %add3A_599 = arith.addi %mul3A_597, %add3A_598 : i32
          %get3A_600 = arith.index_cast %add3A_599 : i32 to index
          %get3A_601 = arith.constant 16 : index
          %get3A_602 = tpu.vector_load %arg6[%get3A_600, %get3A_601] {strides = array<i32>} : memref<128x128xf32, #tpu.memory_space<vmem>>, vector<1x16xf32>,
          %get3A_603 = vector.shape_cast %get3A_602 : vector<1x16xf32> to vector<16xf32>
          %swap3A_604 = arith.constant 0 : i32
          %swap3A_605 = arith.index_cast %scan3A_580 : i32 to index
          %swap3A_606 = arith.index_cast %swap3A_604 : i32 to index
          %swap3A_607 = arith.constant 16 : index
          %swap3A_608 = tpu.vector_load %arg8[%swap3A_605, %swap3A_606, %swap3A_607] {strides = array<i32>} : memref<16x8x64xf32, #tpu.memory_space<vmem>>, vector<1x1x16xf32>,
          %swap3A_609 = vector.shape_cast %swap3A_608 : vector<1x1x16xf32> to vector<16xf32>
          %swap3A_610 = vector.shape_cast %get3A_603 : vector<16xf32> to vector<1x1x16xf32>
          tpu.vector_store %arg8[%swap3A_605, %swap3A_606, %swap3A_607], %swap3A_610 {strides = array<i32>} : memref<16x8x64xf32, #tpu.memory_space<vmem>>, vector<1x1x16xf32>,
          %mul3A_611 = arith.constant 8 : i32
          %mul3A_612 = arith.muli %scan3A_580, %mul3A_611 : i32
          %add3A_613 = arith.constant 0 : i32
          %add3A_614 = arith.addi %mul3A_612, %add3A_613 : i32
          %get3A_615 = arith.index_cast %add3A_614 : i32 to index
          %get3A_616 = arith.constant 32 : index
          %get3A_617 = tpu.vector_load %arg6[%get3A_615, %get3A_616] {strides = array<i32>} : memref<128x128xf32, #tpu.memory_space<vmem>>, vector<1x16xf32>,
          %get3A_618 = vector.shape_cast %get3A_617 : vector<1x16xf32> to vector<16xf32>
          %swap3A_619 = arith.constant 0 : i32
          %swap3A_620 = arith.index_cast %scan3A_580 : i32 to index
          %swap3A_621 = arith.index_cast %swap3A_619 : i32 to index
          %swap3A_622 = arith.constant 32 : index
          %swap3A_623 = tpu.vector_load %arg8[%swap3A_620, %swap3A_621, %swap3A_622] {strides = array<i32>} : memref<16x8x64xf32, #tpu.memory_space<vmem>>, vector<1x1x16xf32>,
          %swap3A_624 = vector.shape_cast %swap3A_623 : vector<1x1x16xf32> to vector<16xf32>
          %swap3A_625 = vector.shape_cast %get3A_618 : vector<16xf32> to vector<1x1x16xf32>
          tpu.vector_store %arg8[%swap3A_620, %swap3A_621, %swap3A_622], %swap3A_625 {strides = array<i32>} : memref<16x8x64xf32, #tpu.memory_space<vmem>>, vector<1x1x16xf32>,
          %mul3A_626 = arith.constant 8 : i32
          %mul3A_627 = arith.muli %scan3A_580, %mul3A_626 : i32
          %add3A_628 = arith.constant 0 : i32
          %add3A_629 = arith.addi %mul3A_627, %add3A_628 : i32
          %get3A_630 = arith.index_cast %add3A_629 : i32 to index
          %get3A_631 = arith.constant 48 : index
          %get3A_632 = tpu.vector_load %arg6[%get3A_630, %get3A_631] {strides = array<i32>} : memref<128x128xf32, #tpu.memory_space<vmem>>, vector<1x16xf32>,
          %get3A_633 = vector.shape_cast %get3A_632 : vector<1x16xf32> to vector<16xf32>
          %swap3A_634 = arith.constant 0 : i32
          %swap3A_635 = arith.index_cast %scan3A_580 : i32 to index
          %swap3A_636 = arith.index_cast %swap3A_634 : i32 to index
          %swap3A_637 = arith.constant 48 : index
          %swap3A_638 = tpu.vector_load %arg8[%swap3A_635, %swap3A_636, %swap3A_637] {strides = array<i32>} : memref<16x8x64xf32, #tpu.memory_space<vmem>>, vector<1x1x16xf32>,
          %swap3A_639 = vector.shape_cast %swap3A_638 : vector<1x1x16xf32> to vector<16xf32>
          %swap3A_640 = vector.shape_cast %get3A_633 : vector<16xf32> to vector<1x1x16xf32>
          tpu.vector_store %arg8[%swap3A_635, %swap3A_636, %swap3A_637], %swap3A_640 {strides = array<i32>} : memref<16x8x64xf32, #tpu.memory_space<vmem>>, vector<1x1x16xf32>,
          %mul3A_641 = arith.constant 8 : i32
          %mul3A_642 = arith.muli %scan3A_580, %mul3A_641 : i32
          %add3A_643 = arith.constant 1 : i32
          %add3A_644 = arith.addi %mul3A_642, %add3A_643 : i32
          %get3A_645 = arith.index_cast %add3A_644 : i32 to index
          %get3A_646 = arith.constant 0 : index
          %get3A_647 = tpu.vector_load %arg6[%get3A_645, %get3A_646] {strides = array<i32>} : memref<128x128xf32, #tpu.memory_space<vmem>>, vector<1x16xf32>,
          %get3A_648 = vector.shape_cast %get3A_647 : vector<1x16xf32> to vector<16xf32>
          %swap3A_649 = arith.constant 1 : i32
          %swap3A_650 = arith.index_cast %scan3A_580 : i32 to index
          %swap3A_651 = arith.index_cast %swap3A_649 : i32 to index
          %swap3A_652 = arith.constant 0 : index
          %swap3A_653 = tpu.vector_load %arg8[%swap3A_650, %swap3A_651, %swap3A_652] {strides = array<i32>} : memref<16x8x64xf32, #tpu.memory_space<vmem>>, vector<1x1x16xf32>,
          %swap3A_654 = vector.shape_cast %swap3A_653 : vector<1x1x16xf32> to vector<16xf32>
          %swap3A_655 = vector.shape_cast %get3A_648 : vector<16xf32> to vector<1x1x16xf32>
          tpu.vector_store %arg8[%swap3A_650, %swap3A_651, %swap3A_652], %swap3A_655 {strides = array<i32>} : memref<16x8x64xf32, #tpu.memory_space<vmem>>, vector<1x1x16xf32>,
          %mul3A_656 = arith.constant 8 : i32
          %mul3A_657 = arith.muli %scan3A_580, %mul3A_656 : i32
          %add3A_658 = arith.constant 1 : i32
          %add3A_659 = arith.addi %mul3A_657, %add3A_658 : i32
          %get3A_660 = arith.index_cast %add3A_659 : i32 to index
          %get3A_661 = arith.constant 16 : index
          %get3A_662 = tpu.vector_load %arg6[%get3A_660, %get3A_661] {strides = array<i32>} : memref<128x128xf32, #tpu.memory_space<vmem>>, vector<1x16xf32>,
          %get3A_663 = vector.shape_cast %get3A_662 : vector<1x16xf32> to vector<16xf32>
          %swap3A_664 = arith.constant 1 : i32
          %swap3A_665 = arith.index_cast %scan3A_580 : i32 to index
          %swap3A_666 = arith.index_cast %swap3A_664 : i32 to index
          %swap3A_667 = arith.constant 16 : index
          %swap3A_668 = tpu.vector_load %arg8[%swap3A_665, %swap3A_666, %swap3A_667] {strides = array<i32>} : memref<16x8x64xf32, #tpu.memory_space<vmem>>, vector<1x1x16xf32>,
          %swap3A_669 = vector.shape_cast %swap3A_668 : vector<1x1x16xf32> to vector<16xf32>
          %swap3A_670 = vector.shape_cast %get3A_663 : vector<16xf32> to vector<1x1x16xf32>
          tpu.vector_store %arg8[%swap3A_665, %swap3A_666, %swap3A_667], %swap3A_670 {strides = array<i32>} : memref<16x8x64xf32, #tpu.memory_space<vmem>>, vector<1x1x16xf32>,
          %mul3A_671 = arith.constant 8 : i32
          %mul3A_672 = arith.muli %scan3A_580, %mul3A_671 : i32
          %add3A_673 = arith.constant 1 : i32
          %add3A_674 = arith.addi %mul3A_672, %add3A_673 : i32
          %get3A_675 = arith.index_cast %add3A_674 : i32 to index
          %get3A_676 = arith.constant 32 : index
          %get3A_677 = tpu.vector_load %arg6[%get3A_675, %get3A_676] {strides = array<i32>} : memref<128x128xf32, #tpu.memory_space<vmem>>, vector<1x16xf32>,
          %get3A_678 = vector.shape_cast %get3A_677 : vector<1x16xf32> to vector<16xf32>
          %swap3A_679 = arith.constant 1 : i32
          %swap3A_680 = arith.index_cast %scan3A_580 : i32 to index
          %swap3A_681 = arith.index_cast %swap3A_679 : i32 to index
          %swap3A_682 = arith.constant 32 : index
          %swap3A_683 = tpu.vector_load %arg8[%swap3A_680, %swap3A_681, %swap3A_682] {strides = array<i32>} : memref<16x8x64xf32, #tpu.memory_space<vmem>>, vector<1x1x16xf32>,
          %swap3A_684 = vector.shape_cast %swap3A_683 : vector<1x1x16xf32> to vector<16xf32>
          %swap3A_685 = vector.shape_cast %get3A_678 : vector<16xf32> to vector<1x1x16xf32>
          tpu.vector_store %arg8[%swap3A_680, %swap3A_681, %swap3A_682], %swap3A_685 {strides = array<i32>} : memref<16x8x64xf32, #tpu.memory_space<vmem>>, vector<1x1x16xf32>,
          %mul3A_686 = arith.constant 8 : i32
          %mul3A_687 = arith.muli %scan3A_580, %mul3A_686 : i32
          %add3A_688 = arith.constant 1 : i32
          %add3A_689 = arith.addi %mul3A_687, %add3A_688 : i32
          %get3A_690 = arith.index_cast %add3A_689 : i32 to index
          %get3A_691 = arith.constant 48 : index
          %get3A_692 = tpu.vector_load %arg6[%get3A_690, %get3A_691] {strides = array<i32>} : memref<128x128xf32, #tpu.memory_space<vmem>>, vector<1x16xf32>,
          %get3A_693 = vector.shape_cast %get3A_692 : vector<1x16xf32> to vector<16xf32>
          %swap3A_694 = arith.constant 1 : i32
          %swap3A_695 = arith.index_cast %scan3A_580 : i32 to index
          %swap3A_696 = arith.index_cast %swap3A_694 : i32 to index
          %swap3A_697 = arith.constant 48 : index
          %swap3A_698 = tpu.vector_load %arg8[%swap3A_695, %swap3A_696, %swap3A_697] {strides = array<i32>} : memref<16x8x64xf32, #tpu.memory_space<vmem>>, vector<1x1x16xf32>,
          %swap3A_699 = vector.shape_cast %swap3A_698 : vector<1x1x16xf32> to vector<16xf32>
          %swap3A_700 = vector.shape_cast %get3A_693 : vector<16xf32> to vector<1x1x16xf32>
          tpu.vector_store %arg8[%swap3A_695, %swap3A_696, %swap3A_697], %swap3A_700 {strides = array<i32>} : memref<16x8x64xf32, #tpu.memory_space<vmem>>, vector<1x1x16xf32>,
          %mul3A_701 = arith.constant 8 : i32
          %mul3A_702 = arith.muli %scan3A_580, %mul3A_701 : i32
          %add3A_703 = arith.constant 2 : i32
          %add3A_704 = arith.addi %mul3A_702, %add3A_703 : i32
          %get3A_705 = arith.index_cast %add3A_704 : i32 to index
          %get3A_706 = arith.constant 0 : index
          %get3A_707 = tpu.vector_load %arg6[%get3A_705, %get3A_706] {strides = array<i32>} : memref<128x128xf32, #tpu.memory_space<vmem>>, vector<1x16xf32>,
          %get3A_708 = vector.shape_cast %get3A_707 : vector<1x16xf32> to vector<16xf32>
          %swap3A_709 = arith.constant 2 : i32
          %swap3A_710 = arith.index_cast %scan3A_580 : i32 to index
          %swap3A_711 = arith.index_cast %swap3A_709 : i32 to index
          %swap3A_712 = arith.constant 0 : index
          %swap3A_713 = tpu.vector_load %arg8[%swap3A_710, %swap3A_711, %swap3A_712] {strides = array<i32>} : memref<16x8x64xf32, #tpu.memory_space<vmem>>, vector<1x1x16xf32>,
          %swap3A_714 = vector.shape_cast %swap3A_713 : vector<1x1x16xf32> to vector<16xf32>
          %swap3A_715 = vector.shape_cast %get3A_708 : vector<16xf32> to vector<1x1x16xf32>
          tpu.vector_store %arg8[%swap3A_710, %swap3A_711, %swap3A_712], %swap3A_715 {strides = array<i32>} : memref<16x8x64xf32, #tpu.memory_space<vmem>>, vector<1x1x16xf32>,
          %mul3A_716 = arith.constant 8 : i32
          %mul3A_717 = arith.muli %scan3A_580, %mul3A_716 : i32
          %add3A_718 = arith.constant 2 : i32
          %add3A_719 = arith.addi %mul3A_717, %add3A_718 : i32
          %get3A_720 = arith.index_cast %add3A_719 : i32 to index
          %get3A_721 = arith.constant 16 : index
          %get3A_722 = tpu.vector_load %arg6[%get3A_720, %get3A_721] {strides = array<i32>} : memref<128x128xf32, #tpu.memory_space<vmem>>, vector<1x16xf32>,
          %get3A_723 = vector.shape_cast %get3A_722 : vector<1x16xf32> to vector<16xf32>
          %swap3A_724 = arith.constant 2 : i32
          %swap3A_725 = arith.index_cast %scan3A_580 : i32 to index
          %swap3A_726 = arith.index_cast %swap3A_724 : i32 to index
          %swap3A_727 = arith.constant 16 : index
          %swap3A_728 = tpu.vector_load %arg8[%swap3A_725, %swap3A_726, %swap3A_727] {strides = array<i32>} : memref<16x8x64xf32, #tpu.memory_space<vmem>>, vector<1x1x16xf32>,
          %swap3A_729 = vector.shape_cast %swap3A_728 : vector<1x1x16xf32> to vector<16xf32>
          %swap3A_730 = vector.shape_cast %get3A_723 : vector<16xf32> to vector<1x1x16xf32>
          tpu.vector_store %arg8[%swap3A_725, %swap3A_726, %swap3A_727], %swap3A_730 {strides = array<i32>} : memref<16x8x64xf32, #tpu.memory_space<vmem>>, vector<1x1x16xf32>,
          %mul3A_731 = arith.constant 8 : i32
          %mul3A_732 = arith.muli %scan3A_580, %mul3A_731 : i32
          %add3A_733 = arith.constant 2 : i32
          %add3A_734 = arith.addi %mul3A_732, %add3A_733 : i32
          %get3A_735 = arith.index_cast %add3A_734 : i32 to index
          %get3A_736 = arith.constant 32 : index
          %get3A_737 = tpu.vector_load %arg6[%get3A_735, %get3A_736] {strides = array<i32>} : memref<128x128xf32, #tpu.memory_space<vmem>>, vector<1x16xf32>,
          %get3A_738 = vector.shape_cast %get3A_737 : vector<1x16xf32> to vector<16xf32>
          %swap3A_739 = arith.constant 2 : i32
          %swap3A_740 = arith.index_cast %scan3A_580 : i32 to index
          %swap3A_741 = arith.index_cast %swap3A_739 : i32 to index
          %swap3A_742 = arith.constant 32 : index
          %swap3A_743 = tpu.vector_load %arg8[%swap3A_740, %swap3A_741, %swap3A_742] {strides = array<i32>} : memref<16x8x64xf32, #tpu.memory_space<vmem>>, vector<1x1x16xf32>,
          %swap3A_744 = vector.shape_cast %swap3A_743 : vector<1x1x16xf32> to vector<16xf32>
          %swap3A_745 = vector.shape_cast %get3A_738 : vector<16xf32> to vector<1x1x16xf32>
          tpu.vector_store %arg8[%swap3A_740, %swap3A_741, %swap3A_742], %swap3A_745 {strides = array<i32>} : memref<16x8x64xf32, #tpu.memory_space<vmem>>, vector<1x1x16xf32>,
          %mul3A_746 = arith.constant 8 : i32
          %mul3A_747 = arith.muli %scan3A_580, %mul3A_746 : i32
          %add3A_748 = arith.constant 2 : i32
          %add3A_749 = arith.addi %mul3A_747, %add3A_748 : i32
          %get3A_750 = arith.index_cast %add3A_749 : i32 to index
          %get3A_751 = arith.constant 48 : index
          %get3A_752 = tpu.vector_load %arg6[%get3A_750, %get3A_751] {strides = array<i32>} : memref<128x128xf32, #tpu.memory_space<vmem>>, vector<1x16xf32>,
          %get3A_753 = vector.shape_cast %get3A_752 : vector<1x16xf32> to vector<16xf32>
          %swap3A_754 = arith.constant 2 : i32
          %swap3A_755 = arith.index_cast %scan3A_580 : i32 to index
          %swap3A_756 = arith.index_cast %swap3A_754 : i32 to index
          %swap3A_757 = arith.constant 48 : index
          %swap3A_758 = tpu.vector_load %arg8[%swap3A_755, %swap3A_756, %swap3A_757] {strides = array<i32>} : memref<16x8x64xf32, #tpu.memory_space<vmem>>, vector<1x1x16xf32>,
          %swap3A_759 = vector.shape_cast %swap3A_758 : vector<1x1x16xf32> to vector<16xf32>
          %swap3A_760 = vector.shape_cast %get3A_753 : vector<16xf32> to vector<1x1x16xf32>
          tpu.vector_store %arg8[%swap3A_755, %swap3A_756, %swap3A_757], %swap3A_760 {strides = array<i32>} : memref<16x8x64xf32, #tpu.memory_space<vmem>>, vector<1x1x16xf32>,
          %mul3A_761 = arith.constant 8 : i32
          %mul3A_762 = arith.muli %scan3A_580, %mul3A_761 : i32
          %add3A_763 = arith.constant 3 : i32
          %add3A_764 = arith.addi %mul3A_762, %add3A_763 : i32
          %get3A_765 = arith.index_cast %add3A_764 : i32 to index
          %get3A_766 = arith.constant 0 : index
          %get3A_767 = tpu.vector_load %arg6[%get3A_765, %get3A_766] {strides = array<i32>} : memref<128x128xf32, #tpu.memory_space<vmem>>, vector<1x16xf32>,
          %get3A_768 = vector.shape_cast %get3A_767 : vector<1x16xf32> to vector<16xf32>
          %swap3A_769 = arith.constant 3 : i32
          %swap3A_770 = arith.index_cast %scan3A_580 : i32 to index
          %swap3A_771 = arith.index_cast %swap3A_769 : i32 to index
          %swap3A_772 = arith.constant 0 : index
          %swap3A_773 = tpu.vector_load %arg8[%swap3A_770, %swap3A_771, %swap3A_772] {strides = array<i32>} : memref<16x8x64xf32, #tpu.memory_space<vmem>>, vector<1x1x16xf32>,
          %swap3A_774 = vector.shape_cast %swap3A_773 : vector<1x1x16xf32> to vector<16xf32>
          %swap3A_775 = vector.shape_cast %get3A_768 : vector<16xf32> to vector<1x1x16xf32>
          tpu.vector_store %arg8[%swap3A_770, %swap3A_771, %swap3A_772], %swap3A_775 {strides = array<i32>} : memref<16x8x64xf32, #tpu.memory_space<vmem>>, vector<1x1x16xf32>,
          %mul3A_776 = arith.constant 8 : i32
          %mul3A_777 = arith.muli %scan3A_580, %mul3A_776 : i32
          %add3A_778 = arith.constant 3 : i32
          %add3A_779 = arith.addi %mul3A_777, %add3A_778 : i32
          %get3A_780 = arith.index_cast %add3A_779 : i32 to index
          %get3A_781 = arith.constant 16 : index
          %get3A_782 = tpu.vector_load %arg6[%get3A_780, %get3A_781] {strides = array<i32>} : memref<128x128xf32, #tpu.memory_space<vmem>>, vector<1x16xf32>,
          %get3A_783 = vector.shape_cast %get3A_782 : vector<1x16xf32> to vector<16xf32>
          %swap3A_784 = arith.constant 3 : i32
          %swap3A_785 = arith.index_cast %scan3A_580 : i32 to index
          %swap3A_786 = arith.index_cast %swap3A_784 : i32 to index
          %swap3A_787 = arith.constant 16 : index
          %swap3A_788 = tpu.vector_load %arg8[%swap3A_785, %swap3A_786, %swap3A_787] {strides = array<i32>} : memref<16x8x64xf32, #tpu.memory_space<vmem>>, vector<1x1x16xf32>,
          %swap3A_789 = vector.shape_cast %swap3A_788 : vector<1x1x16xf32> to vector<16xf32>
          %swap3A_790 = vector.shape_cast %get3A_783 : vector<16xf32> to vector<1x1x16xf32>
          tpu.vector_store %arg8[%swap3A_785, %swap3A_786, %swap3A_787], %swap3A_790 {strides = array<i32>} : memref<16x8x64xf32, #tpu.memory_space<vmem>>, vector<1x1x16xf32>,
          %mul3A_791 = arith.constant 8 : i32
          %mul3A_792 = arith.muli %scan3A_580, %mul3A_791 : i32
          %add3A_793 = arith.constant 3 : i32
          %add3A_794 = arith.addi %mul3A_792, %add3A_793 : i32
          %get3A_795 = arith.index_cast %add3A_794 : i32 to index
          %get3A_796 = arith.constant 32 : index
          %get3A_797 = tpu.vector_load %arg6[%get3A_795, %get3A_796] {strides = array<i32>} : memref<128x128xf32, #tpu.memory_space<vmem>>, vector<1x16xf32>,
          %get3A_798 = vector.shape_cast %get3A_797 : vector<1x16xf32> to vector<16xf32>
          %swap3A_799 = arith.constant 3 : i32
          %swap3A_800 = arith.index_cast %scan3A_580 : i32 to index
          %swap3A_801 = arith.index_cast %swap3A_799 : i32 to index
          %swap3A_802 = arith.constant 32 : index
          %swap3A_803 = tpu.vector_load %arg8[%swap3A_800, %swap3A_801, %swap3A_802] {strides = array<i32>} : memref<16x8x64xf32, #tpu.memory_space<vmem>>, vector<1x1x16xf32>,
          %swap3A_804 = vector.shape_cast %swap3A_803 : vector<1x1x16xf32> to vector<16xf32>
          %swap3A_805 = vector.shape_cast %get3A_798 : vector<16xf32> to vector<1x1x16xf32>
          tpu.vector_store %arg8[%swap3A_800, %swap3A_801, %swap3A_802], %swap3A_805 {strides = array<i32>} : memref<16x8x64xf32, #tpu.memory_space<vmem>>, vector<1x1x16xf32>,
          %mul3A_806 = arith.constant 8 : i32
          %mul3A_807 = arith.muli %scan3A_580, %mul3A_806 : i32
          %add3A_808 = arith.constant 3 : i32
          %add3A_809 = arith.addi %mul3A_807, %add3A_808 : i32
          %get3A_810 = arith.index_cast %add3A_809 : i32 to index
          %get3A_811 = arith.constant 48 : index
          %get3A_812 = tpu.vector_load %arg6[%get3A_810, %get3A_811] {strides = array<i32>} : memref<128x128xf32, #tpu.memory_space<vmem>>, vector<1x16xf32>,
          %get3A_813 = vector.shape_cast %get3A_812 : vector<1x16xf32> to vector<16xf32>
          %swap3A_814 = arith.constant 3 : i32
          %swap3A_815 = arith.index_cast %scan3A_580 : i32 to index
          %swap3A_816 = arith.index_cast %swap3A_814 : i32 to index
          %swap3A_817 = arith.constant 48 : index
          %swap3A_818 = tpu.vector_load %arg8[%swap3A_815, %swap3A_816, %swap3A_817] {strides = array<i32>} : memref<16x8x64xf32, #tpu.memory_space<vmem>>, vector<1x1x16xf32>,
          %swap3A_819 = vector.shape_cast %swap3A_818 : vector<1x1x16xf32> to vector<16xf32>
          %swap3A_820 = vector.shape_cast %get3A_813 : vector<16xf32> to vector<1x1x16xf32>
          tpu.vector_store %arg8[%swap3A_815, %swap3A_816, %swap3A_817], %swap3A_820 {strides = array<i32>} : memref<16x8x64xf32, #tpu.memory_space<vmem>>, vector<1x1x16xf32>,
          %mul3A_821 = arith.constant 8 : i32
          %mul3A_822 = arith.muli %scan3A_580, %mul3A_821 : i32
          %add3A_823 = arith.constant 4 : i32
          %add3A_824 = arith.addi %mul3A_822, %add3A_823 : i32
          %get3A_825 = arith.index_cast %add3A_824 : i32 to index
          %get3A_826 = arith.constant 0 : index
          %get3A_827 = tpu.vector_load %arg6[%get3A_825, %get3A_826] {strides = array<i32>} : memref<128x128xf32, #tpu.memory_space<vmem>>, vector<1x16xf32>,
          %get3A_828 = vector.shape_cast %get3A_827 : vector<1x16xf32> to vector<16xf32>
          %swap3A_829 = arith.constant 4 : i32
          %swap3A_830 = arith.index_cast %scan3A_580 : i32 to index
          %swap3A_831 = arith.index_cast %swap3A_829 : i32 to index
          %swap3A_832 = arith.constant 0 : index
          %swap3A_833 = tpu.vector_load %arg8[%swap3A_830, %swap3A_831, %swap3A_832] {strides = array<i32>} : memref<16x8x64xf32, #tpu.memory_space<vmem>>, vector<1x1x16xf32>,
          %swap3A_834 = vector.shape_cast %swap3A_833 : vector<1x1x16xf32> to vector<16xf32>
          %swap3A_835 = vector.shape_cast %get3A_828 : vector<16xf32> to vector<1x1x16xf32>
          tpu.vector_store %arg8[%swap3A_830, %swap3A_831, %swap3A_832], %swap3A_835 {strides = array<i32>} : memref<16x8x64xf32, #tpu.memory_space<vmem>>, vector<1x1x16xf32>,
          %mul3A_836 = arith.constant 8 : i32
          %mul3A_837 = arith.muli %scan3A_580, %mul3A_836 : i32
          %add3A_838 = arith.constant 4 : i32
          %add3A_839 = arith.addi %mul3A_837, %add3A_838 : i32
          %get3A_840 = arith.index_cast %add3A_839 : i32 to index
          %get3A_841 = arith.constant 16 : index
          %get3A_842 = tpu.vector_load %arg6[%get3A_840, %get3A_841] {strides = array<i32>} : memref<128x128xf32, #tpu.memory_space<vmem>>, vector<1x16xf32>,
          %get3A_843 = vector.shape_cast %get3A_842 : vector<1x16xf32> to vector<16xf32>
          %swap3A_844 = arith.constant 4 : i32
          %swap3A_845 = arith.index_cast %scan3A_580 : i32 to index
          %swap3A_846 = arith.index_cast %swap3A_844 : i32 to index
          %swap3A_847 = arith.constant 16 : index
          %swap3A_848 = tpu.vector_load %arg8[%swap3A_845, %swap3A_846, %swap3A_847] {strides = array<i32>} : memref<16x8x64xf32, #tpu.memory_space<vmem>>, vector<1x1x16xf32>,
          %swap3A_849 = vector.shape_cast %swap3A_848 : vector<1x1x16xf32> to vector<16xf32>
          %swap3A_850 = vector.shape_cast %get3A_843 : vector<16xf32> to vector<1x1x16xf32>
          tpu.vector_store %arg8[%swap3A_845, %swap3A_846, %swap3A_847], %swap3A_850 {strides = array<i32>} : memref<16x8x64xf32, #tpu.memory_space<vmem>>, vector<1x1x16xf32>,
          %mul3A_851 = arith.constant 8 : i32
          %mul3A_852 = arith.muli %scan3A_580, %mul3A_851 : i32
          %add3A_853 = arith.constant 4 : i32
          %add3A_854 = arith.addi %mul3A_852, %add3A_853 : i32
          %get3A_855 = arith.index_cast %add3A_854 : i32 to index
          %get3A_856 = arith.constant 32 : index
          %get3A_857 = tpu.vector_load %arg6[%get3A_855, %get3A_856] {strides = array<i32>} : memref<128x128xf32, #tpu.memory_space<vmem>>, vector<1x16xf32>,
          %get3A_858 = vector.shape_cast %get3A_857 : vector<1x16xf32> to vector<16xf32>
          %swap3A_859 = arith.constant 4 : i32
          %swap3A_860 = arith.index_cast %scan3A_580 : i32 to index
          %swap3A_861 = arith.index_cast %swap3A_859 : i32 to index
          %swap3A_862 = arith.constant 32 : index
          %swap3A_863 = tpu.vector_load %arg8[%swap3A_860, %swap3A_861, %swap3A_862] {strides = array<i32>} : memref<16x8x64xf32, #tpu.memory_space<vmem>>, vector<1x1x16xf32>,
          %swap3A_864 = vector.shape_cast %swap3A_863 : vector<1x1x16xf32> to vector<16xf32>
          %swap3A_865 = vector.shape_cast %get3A_858 : vector<16xf32> to vector<1x1x16xf32>
          tpu.vector_store %arg8[%swap3A_860, %swap3A_861, %swap3A_862], %swap3A_865 {strides = array<i32>} : memref<16x8x64xf32, #tpu.memory_space<vmem>>, vector<1x1x16xf32>,
          %mul3A_866 = arith.constant 8 : i32
          %mul3A_867 = arith.muli %scan3A_580, %mul3A_866 : i32
          %add3A_868 = arith.constant 4 : i32
          %add3A_869 = arith.addi %mul3A_867, %add3A_868 : i32
          %get3A_870 = arith.index_cast %add3A_869 : i32 to index
          %get3A_871 = arith.constant 48 : index
          %get3A_872 = tpu.vector_load %arg6[%get3A_870, %get3A_871] {strides = array<i32>} : memref<128x128xf32, #tpu.memory_space<vmem>>, vector<1x16xf32>,
          %get3A_873 = vector.shape_cast %get3A_872 : vector<1x16xf32> to vector<16xf32>
          %swap3A_874 = arith.constant 4 : i32
          %swap3A_875 = arith.index_cast %scan3A_580 : i32 to index
          %swap3A_876 = arith.index_cast %swap3A_874 : i32 to index
          %swap3A_877 = arith.constant 48 : index
          %swap3A_878 = tpu.vector_load %arg8[%swap3A_875, %swap3A_876, %swap3A_877] {strides = array<i32>} : memref<16x8x64xf32, #tpu.memory_space<vmem>>, vector<1x1x16xf32>,
          %swap3A_879 = vector.shape_cast %swap3A_878 : vector<1x1x16xf32> to vector<16xf32>
          %swap3A_880 = vector.shape_cast %get3A_873 : vector<16xf32> to vector<1x1x16xf32>
          tpu.vector_store %arg8[%swap3A_875, %swap3A_876, %swap3A_877], %swap3A_880 {strides = array<i32>} : memref<16x8x64xf32, #tpu.memory_space<vmem>>, vector<1x1x16xf32>,
          %mul3A_881 = arith.constant 8 : i32
          %mul3A_882 = arith.muli %scan3A_580, %mul3A_881 : i32
          %add3A_883 = arith.constant 5 : i32
          %add3A_884 = arith.addi %mul3A_882, %add3A_883 : i32
          %get3A_885 = arith.index_cast %add3A_884 : i32 to index
          %get3A_886 = arith.constant 0 : index
          %get3A_887 = tpu.vector_load %arg6[%get3A_885, %get3A_886] {strides = array<i32>} : memref<128x128xf32, #tpu.memory_space<vmem>>, vector<1x16xf32>,
          %get3A_888 = vector.shape_cast %get3A_887 : vector<1x16xf32> to vector<16xf32>
          %swap3A_889 = arith.constant 5 : i32
          %swap3A_890 = arith.index_cast %scan3A_580 : i32 to index
          %swap3A_891 = arith.index_cast %swap3A_889 : i32 to index
          %swap3A_892 = arith.constant 0 : index
          %swap3A_893 = tpu.vector_load %arg8[%swap3A_890, %swap3A_891, %swap3A_892] {strides = array<i32>} : memref<16x8x64xf32, #tpu.memory_space<vmem>>, vector<1x1x16xf32>,
          %swap3A_894 = vector.shape_cast %swap3A_893 : vector<1x1x16xf32> to vector<16xf32>
          %swap3A_895 = vector.shape_cast %get3A_888 : vector<16xf32> to vector<1x1x16xf32>
          tpu.vector_store %arg8[%swap3A_890, %swap3A_891, %swap3A_892], %swap3A_895 {strides = array<i32>} : memref<16x8x64xf32, #tpu.memory_space<vmem>>, vector<1x1x16xf32>,
          %mul3A_896 = arith.constant 8 : i32
          %mul3A_897 = arith.muli %scan3A_580, %mul3A_896 : i32
          %add3A_898 = arith.constant 5 : i32
          %add3A_899 = arith.addi %mul3A_897, %add3A_898 : i32
          %get3A_900 = arith.index_cast %add3A_899 : i32 to index
          %get3A_901 = arith.constant 16 : index
          %get3A_902 = tpu.vector_load %arg6[%get3A_900, %get3A_901] {strides = array<i32>} : memref<128x128xf32, #tpu.memory_space<vmem>>, vector<1x16xf32>,
          %get3A_903 = vector.shape_cast %get3A_902 : vector<1x16xf32> to vector<16xf32>
          %swap3A_904 = arith.constant 5 : i32
          %swap3A_905 = arith.index_cast %scan3A_580 : i32 to index
          %swap3A_906 = arith.index_cast %swap3A_904 : i32 to index
          %swap3A_907 = arith.constant 16 : index
          %swap3A_908 = tpu.vector_load %arg8[%swap3A_905, %swap3A_906, %swap3A_907] {strides = array<i32>} : memref<16x8x64xf32, #tpu.memory_space<vmem>>, vector<1x1x16xf32>,
          %swap3A_909 = vector.shape_cast %swap3A_908 : vector<1x1x16xf32> to vector<16xf32>
          %swap3A_910 = vector.shape_cast %get3A_903 : vector<16xf32> to vector<1x1x16xf32>
          tpu.vector_store %arg8[%swap3A_905, %swap3A_906, %swap3A_907], %swap3A_910 {strides = array<i32>} : memref<16x8x64xf32, #tpu.memory_space<vmem>>, vector<1x1x16xf32>,
          %mul3A_911 = arith.constant 8 : i32
          %mul3A_912 = arith.muli %scan3A_580, %mul3A_911 : i32
          %add3A_913 = arith.constant 5 : i32
          %add3A_914 = arith.addi %mul3A_912, %add3A_913 : i32
          %get3A_915 = arith.index_cast %add3A_914 : i32 to index
          %get3A_916 = arith.constant 32 : index
          %get3A_917 = tpu.vector_load %arg6[%get3A_915, %get3A_916] {strides = array<i32>} : memref<128x128xf32, #tpu.memory_space<vmem>>, vector<1x16xf32>,
          %get3A_918 = vector.shape_cast %get3A_917 : vector<1x16xf32> to vector<16xf32>
          %swap3A_919 = arith.constant 5 : i32
          %swap3A_920 = arith.index_cast %scan3A_580 : i32 to index
          %swap3A_921 = arith.index_cast %swap3A_919 : i32 to index
          %swap3A_922 = arith.constant 32 : index
          %swap3A_923 = tpu.vector_load %arg8[%swap3A_920, %swap3A_921, %swap3A_922] {strides = array<i32>} : memref<16x8x64xf32, #tpu.memory_space<vmem>>, vector<1x1x16xf32>,
          %swap3A_924 = vector.shape_cast %swap3A_923 : vector<1x1x16xf32> to vector<16xf32>
          %swap3A_925 = vector.shape_cast %get3A_918 : vector<16xf32> to vector<1x1x16xf32>
          tpu.vector_store %arg8[%swap3A_920, %swap3A_921, %swap3A_922], %swap3A_925 {strides = array<i32>} : memref<16x8x64xf32, #tpu.memory_space<vmem>>, vector<1x1x16xf32>,
          %mul3A_926 = arith.constant 8 : i32
          %mul3A_927 = arith.muli %scan3A_580, %mul3A_926 : i32
          %add3A_928 = arith.constant 5 : i32
          %add3A_929 = arith.addi %mul3A_927, %add3A_928 : i32
          %get3A_930 = arith.index_cast %add3A_929 : i32 to index
          %get3A_931 = arith.constant 48 : index
          %get3A_932 = tpu.vector_load %arg6[%get3A_930, %get3A_931] {strides = array<i32>} : memref<128x128xf32, #tpu.memory_space<vmem>>, vector<1x16xf32>,
          %get3A_933 = vector.shape_cast %get3A_932 : vector<1x16xf32> to vector<16xf32>
          %swap3A_934 = arith.constant 5 : i32
          %swap3A_935 = arith.index_cast %scan3A_580 : i32 to index
          %swap3A_936 = arith.index_cast %swap3A_934 : i32 to index
          %swap3A_937 = arith.constant 48 : index
          %swap3A_938 = tpu.vector_load %arg8[%swap3A_935, %swap3A_936, %swap3A_937] {strides = array<i32>} : memref<16x8x64xf32, #tpu.memory_space<vmem>>, vector<1x1x16xf32>,
          %swap3A_939 = vector.shape_cast %swap3A_938 : vector<1x1x16xf32> to vector<16xf32>
          %swap3A_940 = vector.shape_cast %get3A_933 : vector<16xf32> to vector<1x1x16xf32>
          tpu.vector_store %arg8[%swap3A_935, %swap3A_936, %swap3A_937], %swap3A_940 {strides = array<i32>} : memref<16x8x64xf32, #tpu.memory_space<vmem>>, vector<1x1x16xf32>,
          %mul3A_941 = arith.constant 8 : i32
          %mul3A_942 = arith.muli %scan3A_580, %mul3A_941 : i32
          %add3A_943 = arith.constant 6 : i32
          %add3A_944 = arith.addi %mul3A_942, %add3A_943 : i32
          %get3A_945 = arith.index_cast %add3A_944 : i32 to index
          %get3A_946 = arith.constant 0 : index
          %get3A_947 = tpu.vector_load %arg6[%get3A_945, %get3A_946] {strides = array<i32>} : memref<128x128xf32, #tpu.memory_space<vmem>>, vector<1x16xf32>,
          %get3A_948 = vector.shape_cast %get3A_947 : vector<1x16xf32> to vector<16xf32>
          %swap3A_949 = arith.constant 6 : i32
          %swap3A_950 = arith.index_cast %scan3A_580 : i32 to index
          %swap3A_951 = arith.index_cast %swap3A_949 : i32 to index
          %swap3A_952 = arith.constant 0 : index
          %swap3A_953 = tpu.vector_load %arg8[%swap3A_950, %swap3A_951, %swap3A_952] {strides = array<i32>} : memref<16x8x64xf32, #tpu.memory_space<vmem>>, vector<1x1x16xf32>,
          %swap3A_954 = vector.shape_cast %swap3A_953 : vector<1x1x16xf32> to vector<16xf32>
          %swap3A_955 = vector.shape_cast %get3A_948 : vector<16xf32> to vector<1x1x16xf32>
          tpu.vector_store %arg8[%swap3A_950, %swap3A_951, %swap3A_952], %swap3A_955 {strides = array<i32>} : memref<16x8x64xf32, #tpu.memory_space<vmem>>, vector<1x1x16xf32>,
          %mul3A_956 = arith.constant 8 : i32
          %mul3A_957 = arith.muli %scan3A_580, %mul3A_956 : i32
          %add3A_958 = arith.constant 6 : i32
          %add3A_959 = arith.addi %mul3A_957, %add3A_958 : i32
          %get3A_960 = arith.index_cast %add3A_959 : i32 to index
          %get3A_961 = arith.constant 16 : index
          %get3A_962 = tpu.vector_load %arg6[%get3A_960, %get3A_961] {strides = array<i32>} : memref<128x128xf32, #tpu.memory_space<vmem>>, vector<1x16xf32>,
          %get3A_963 = vector.shape_cast %get3A_962 : vector<1x16xf32> to vector<16xf32>
          %swap3A_964 = arith.constant 6 : i32
          %swap3A_965 = arith.index_cast %scan3A_580 : i32 to index
          %swap3A_966 = arith.index_cast %swap3A_964 : i32 to index
          %swap3A_967 = arith.constant 16 : index
          %swap3A_968 = tpu.vector_load %arg8[%swap3A_965, %swap3A_966, %swap3A_967] {strides = array<i32>} : memref<16x8x64xf32, #tpu.memory_space<vmem>>, vector<1x1x16xf32>,
          %swap3A_969 = vector.shape_cast %swap3A_968 : vector<1x1x16xf32> to vector<16xf32>
          %swap3A_970 = vector.shape_cast %get3A_963 : vector<16xf32> to vector<1x1x16xf32>
          tpu.vector_store %arg8[%swap3A_965, %swap3A_966, %swap3A_967], %swap3A_970 {strides = array<i32>} : memref<16x8x64xf32, #tpu.memory_space<vmem>>, vector<1x1x16xf32>,
          %mul3A_971 = arith.constant 8 : i32
          %mul3A_972 = arith.muli %scan3A_580, %mul3A_971 : i32
          %add3A_973 = arith.constant 6 : i32
          %add3A_974 = arith.addi %mul3A_972, %add3A_973 : i32
          %get3A_975 = arith.index_cast %add3A_974 : i32 to index
          %get3A_976 = arith.constant 32 : index
          %get3A_977 = tpu.vector_load %arg6[%get3A_975, %get3A_976] {strides = array<i32>} : memref<128x128xf32, #tpu.memory_space<vmem>>, vector<1x16xf32>,
          %get3A_978 = vector.shape_cast %get3A_977 : vector<1x16xf32> to vector<16xf32>
          %swap3A_979 = arith.constant 6 : i32
          %swap3A_980 = arith.index_cast %scan3A_580 : i32 to index
          %swap3A_981 = arith.index_cast %swap3A_979 : i32 to index
          %swap3A_982 = arith.constant 32 : index
          %swap3A_983 = tpu.vector_load %arg8[%swap3A_980, %swap3A_981, %swap3A_982] {strides = array<i32>} : memref<16x8x64xf32, #tpu.memory_space<vmem>>, vector<1x1x16xf32>,
          %swap3A_984 = vector.shape_cast %swap3A_983 : vector<1x1x16xf32> to vector<16xf32>
          %swap3A_985 = vector.shape_cast %get3A_978 : vector<16xf32> to vector<1x1x16xf32>
          tpu.vector_store %arg8[%swap3A_980, %swap3A_981, %swap3A_982], %swap3A_985 {strides = array<i32>} : memref<16x8x64xf32, #tpu.memory_space<vmem>>, vector<1x1x16xf32>,
          %mul3A_986 = arith.constant 8 : i32
          %mul3A_987 = arith.muli %scan3A_580, %mul3A_986 : i32
          %add3A_988 = arith.constant 6 : i32
          %add3A_989 = arith.addi %mul3A_987, %add3A_988 : i32
          %get3A_990 = arith.index_cast %add3A_989 : i32 to index
          %get3A_991 = arith.constant 48 : index
          %get3A_992 = tpu.vector_load %arg6[%get3A_990, %get3A_991] {strides = array<i32>} : memref<128x128xf32, #tpu.memory_space<vmem>>, vector<1x16xf32>,
          %get3A_993 = vector.shape_cast %get3A_992 : vector<1x16xf32> to vector<16xf32>
          %swap3A_994 = arith.constant 6 : i32
          %swap3A_995 = arith.index_cast %scan3A_580 : i32 to index
          %swap3A_996 = arith.index_cast %swap3A_994 : i32 to index
          %swap3A_997 = arith.constant 48 : index
          %swap3A_998 = tpu.vector_load %arg8[%swap3A_995, %swap3A_996, %swap3A_997] {strides = array<i32>} : memref<16x8x64xf32, #tpu.memory_space<vmem>>, vector<1x1x16xf32>,
          %swap3A_999 = vector.shape_cast %swap3A_998 : vector<1x1x16xf32> to vector<16xf32>
          %swap3A_1000 = vector.shape_cast %get3A_993 : vector<16xf32> to vector<1x1x16xf32>
          tpu.vector_store %arg8[%swap3A_995, %swap3A_996, %swap3A_997], %swap3A_1000 {strides = array<i32>} : memref<16x8x64xf32, #tpu.memory_space<vmem>>, vector<1x1x16xf32>,
          %mul3A_1001 = arith.constant 8 : i32
          %mul3A_1002 = arith.muli %scan3A_580, %mul3A_1001 : i32
          %add3A_1003 = arith.constant 7 : i32
          %add3A_1004 = arith.addi %mul3A_1002, %add3A_1003 : i32
          %get3A_1005 = arith.index_cast %add3A_1004 : i32 to index
          %get3A_1006 = arith.constant 0 : index
          %get3A_1007 = tpu.vector_load %arg6[%get3A_1005, %get3A_1006] {strides = array<i32>} : memref<128x128xf32, #tpu.memory_space<vmem>>, vector<1x16xf32>,
          %get3A_1008 = vector.shape_cast %get3A_1007 : vector<1x16xf32> to vector<16xf32>
          %swap3A_1009 = arith.constant 7 : i32
          %swap3A_1010 = arith.index_cast %scan3A_580 : i32 to index
          %swap3A_1011 = arith.index_cast %swap3A_1009 : i32 to index
          %swap3A_1012 = arith.constant 0 : index
          %swap3A_1013 = tpu.vector_load %arg8[%swap3A_1010, %swap3A_1011, %swap3A_1012] {strides = array<i32>} : memref<16x8x64xf32, #tpu.memory_space<vmem>>, vector<1x1x16xf32>,
          %swap3A_1014 = vector.shape_cast %swap3A_1013 : vector<1x1x16xf32> to vector<16xf32>
          %swap3A_1015 = vector.shape_cast %get3A_1008 : vector<16xf32> to vector<1x1x16xf32>
          tpu.vector_store %arg8[%swap3A_1010, %swap3A_1011, %swap3A_1012], %swap3A_1015 {strides = array<i32>} : memref<16x8x64xf32, #tpu.memory_space<vmem>>, vector<1x1x16xf32>,
          %mul3A_1016 = arith.constant 8 : i32
          %mul3A_1017 = arith.muli %scan3A_580, %mul3A_1016 : i32
          %add3A_1018 = arith.constant 7 : i32
          %add3A_1019 = arith.addi %mul3A_1017, %add3A_1018 : i32
          %get3A_1020 = arith.index_cast %add3A_1019 : i32 to index
          %get3A_1021 = arith.constant 16 : index
          %get3A_1022 = tpu.vector_load %arg6[%get3A_1020, %get3A_1021] {strides = array<i32>} : memref<128x128xf32, #tpu.memory_space<vmem>>, vector<1x16xf32>,
          %get3A_1023 = vector.shape_cast %get3A_1022 : vector<1x16xf32> to vector<16xf32>
          %swap3A_1024 = arith.constant 7 : i32
          %swap3A_1025 = arith.index_cast %scan3A_580 : i32 to index
          %swap3A_1026 = arith.index_cast %swap3A_1024 : i32 to index
          %swap3A_1027 = arith.constant 16 : index
          %swap3A_1028 = tpu.vector_load %arg8[%swap3A_1025, %swap3A_1026, %swap3A_1027] {strides = array<i32>} : memref<16x8x64xf32, #tpu.memory_space<vmem>>, vector<1x1x16xf32>,
          %swap3A_1029 = vector.shape_cast %swap3A_1028 : vector<1x1x16xf32> to vector<16xf32>
          %swap3A_1030 = vector.shape_cast %get3A_1023 : vector<16xf32> to vector<1x1x16xf32>
          tpu.vector_store %arg8[%swap3A_1025, %swap3A_1026, %swap3A_1027], %swap3A_1030 {strides = array<i32>} : memref<16x8x64xf32, #tpu.memory_space<vmem>>, vector<1x1x16xf32>,
          %mul3A_1031 = arith.constant 8 : i32
          %mul3A_1032 = arith.muli %scan3A_580, %mul3A_1031 : i32
          %add3A_1033 = arith.constant 7 : i32
          %add3A_1034 = arith.addi %mul3A_1032, %add3A_1033 : i32
          %get3A_1035 = arith.index_cast %add3A_1034 : i32 to index
          %get3A_1036 = arith.constant 32 : index
          %get3A_1037 = tpu.vector_load %arg6[%get3A_1035, %get3A_1036] {strides = array<i32>} : memref<128x128xf32, #tpu.memory_space<vmem>>, vector<1x16xf32>,
          %get3A_1038 = vector.shape_cast %get3A_1037 : vector<1x16xf32> to vector<16xf32>
          %swap3A_1039 = arith.constant 7 : i32
          %swap3A_1040 = arith.index_cast %scan3A_580 : i32 to index
          %swap3A_1041 = arith.index_cast %swap3A_1039 : i32 to index
          %swap3A_1042 = arith.constant 32 : index
          %swap3A_1043 = tpu.vector_load %arg8[%swap3A_1040, %swap3A_1041, %swap3A_1042] {strides = array<i32>} : memref<16x8x64xf32, #tpu.memory_space<vmem>>, vector<1x1x16xf32>,
          %swap3A_1044 = vector.shape_cast %swap3A_1043 : vector<1x1x16xf32> to vector<16xf32>
          %swap3A_1045 = vector.shape_cast %get3A_1038 : vector<16xf32> to vector<1x1x16xf32>
          tpu.vector_store %arg8[%swap3A_1040, %swap3A_1041, %swap3A_1042], %swap3A_1045 {strides = array<i32>} : memref<16x8x64xf32, #tpu.memory_space<vmem>>, vector<1x1x16xf32>,
          %mul3A_1046 = arith.constant 8 : i32
          %mul3A_1047 = arith.muli %scan3A_580, %mul3A_1046 : i32
          %add3A_1048 = arith.constant 7 : i32
          %add3A_1049 = arith.addi %mul3A_1047, %add3A_1048 : i32
          %get3A_1050 = arith.index_cast %add3A_1049 : i32 to index
          %get3A_1051 = arith.constant 48 : index
          %get3A_1052 = tpu.vector_load %arg6[%get3A_1050, %get3A_1051] {strides = array<i32>} : memref<128x128xf32, #tpu.memory_space<vmem>>, vector<1x16xf32>,
          %get3A_1053 = vector.shape_cast %get3A_1052 : vector<1x16xf32> to vector<16xf32>
          %swap3A_1054 = arith.constant 7 : i32
          %swap3A_1055 = arith.index_cast %scan3A_580 : i32 to index
          %swap3A_1056 = arith.index_cast %swap3A_1054 : i32 to index
          %swap3A_1057 = arith.constant 48 : index
          %swap3A_1058 = tpu.vector_load %arg8[%swap3A_1055, %swap3A_1056, %swap3A_1057] {strides = array<i32>} : memref<16x8x64xf32, #tpu.memory_space<vmem>>, vector<1x1x16xf32>,
          %swap3A_1059 = vector.shape_cast %swap3A_1058 : vector<1x1x16xf32> to vector<16xf32>
          %swap3A_1060 = vector.shape_cast %get3A_1053 : vector<16xf32> to vector<1x1x16xf32>
          tpu.vector_store %arg8[%swap3A_1055, %swap3A_1056, %swap3A_1057], %swap3A_1060 {strides = array<i32>} : memref<16x8x64xf32, #tpu.memory_space<vmem>>, vector<1x1x16xf32>,
        }
        %scan3A_387 = arith.constant 16 : i32
        %mul3A_388 = arith.constant 16 : i32
        %mul3A_389 = arith.muli %mul3A_203, %mul3A_388 : i32
        %add3A_390 = arith.addi %mul3A_2, %mul3A_389 : i32
        %dma_start3A_391 = arith.constant 0 : i32
        %dma_start3A_392 = arith.constant 0 : i32
        %dma_start3A_393 = tpu.memref_slice %arg4[%add3A_390, %dma_start3A_391, %dma_start3A_392] : memref<102400x8x64xf32, #tpu.memory_space<hbm>> -> memref<16x8x64xf32, #tpu.memory_space<hbm>>
        %dma_start3A_394 = arith.constant 0 : i32
        %dma_start3A_395 = arith.constant 0 : i32
        %dma_start3A_396 = tpu.memref_slice %arg4[%add3A_390, %dma_start3A_394, %dma_start3A_395] : memref<102400x8x64xf32, #tpu.memory_space<hbm>> -> memref<16x8x64xf32, #tpu.memory_space<hbm>>
        tpu.enqueue_dma source(%arg8 : memref<16x8x64xf32, #tpu.memory_space<vmem>>) target(%dma_start3A_396 : memref<16x8x64xf32, #tpu.memory_space<hbm>>) target_semaphore(%arg13 : memref<!tpu.dma_semaphore, #tpu.memory_space<semaphore_mem>>)
        %add3A_397 = arith.constant 1 : i32
        %add3A_398 = arith.addi %mul3A_203, %add3A_397 : i32
        %dma_wait3A_399 = arith.constant 0 : i32
        %dma_wait3A_400 = arith.constant 0 : i32
        %dma_wait3A_401 = tpu.memref_slice %arg2[%dma_wait3A_399, %dma_wait3A_400] : memref<200001x128xf32, #tpu.memory_space<hbm>> -> memref<128x128xf32, #tpu.memory_space<hbm>>
        %dma_wait3A_402 = arith.constant 0 : i32
        %dma_wait3A_403 = arith.constant 0 : i32
        %dma_wait3A_404 = tpu.memref_slice %arg2[%dma_wait3A_402, %dma_wait3A_403] : memref<200001x128xf32, #tpu.memory_space<hbm>> -> memref<128x128xf32, #tpu.memory_space<hbm>>
        tpu.wait_dma2 semaphore(%arg12 : memref<!tpu.dma_semaphore, #tpu.memory_space<semaphore_mem>>) src(%dma_wait3A_404 : memref<128x128xf32, #tpu.memory_space<hbm>>) dst(%arg7 : memref<128x128xf32, #tpu.memory_space<vmem>>)
        %dma_wait3A_405 = arith.constant 0 : i32
        %dma_wait3A_406 = arith.constant 0 : i32
        %dma_wait3A_407 = arith.constant 0 : i32
        %dma_wait3A_408 = tpu.memref_slice %arg4[%dma_wait3A_405, %dma_wait3A_406, %dma_wait3A_407] : memref<102400x8x64xf32, #tpu.memory_space<hbm>> -> memref<16x8x64xf32, #tpu.memory_space<hbm>>
        %dma_wait3A_409 = arith.constant 0 : i32
        %dma_wait3A_410 = arith.constant 0 : i32
        %dma_wait3A_411 = arith.constant 0 : i32
        %dma_wait3A_412 = tpu.memref_slice %arg4[%dma_wait3A_409, %dma_wait3A_410, %dma_wait3A_411] : memref<102400x8x64xf32, #tpu.memory_space<hbm>> -> memref<16x8x64xf32, #tpu.memory_space<hbm>>
        tpu.wait_dma2 semaphore(%arg14 : memref<!tpu.dma_semaphore, #tpu.memory_space<semaphore_mem>>) src(%arg9 : memref<16x8x64xf32, #tpu.memory_space<vmem>>) dst(%dma_wait3A_412 : memref<16x8x64xf32, #tpu.memory_space<hbm>>)
        %add3A_413 = arith.constant 1 : i32
        %add3A_414 = arith.addi %add3A_398, %add3A_413 : i32
        %get3A_415 = arith.index_cast %add3A_414 : i32 to index
        %get3A_416 = arith.constant 0 : index
        %get3A_417 = tpu.vector_load %arg5[%get3A_415, %get3A_416] {strides = array<i32>} : memref<200x128xi32, #tpu.memory_space<vmem>>, vector<1x16xi32>,
        %get3A_418 = vector.shape_cast %get3A_417 : vector<1x16xi32> to vector<16xi32>
        %max3A_419 = arith.constant -100000 : i32
        %max3A_420 = vector.broadcast %max3A_419 : i32 to vector<16xi32>
        %max3A_421 = arith.maxsi %get3A_418, %max3A_420 : vector<16xi32>
        %min3A_422 = arith.constant 100000 : i32
        %min3A_423 = vector.broadcast %min3A_422 : i32 to vector<16xi32>
        %min3A_424 = arith.minsi %max3A_421, %min3A_423 : vector<16xi32>
        %add3A_425 = arith.constant 100000 : i32
        %add3A_426 = vector.broadcast %add3A_425 : i32 to vector<16xi32>
        %add3A_427 = arith.addi %min3A_424, %add3A_426 : vector<16xi32>
        %swap3A_428 = arith.index_cast %add3A_414 : i32 to index
        %swap3A_429 = arith.constant 0 : index
        %swap3A_430 = tpu.vector_load %arg5[%swap3A_428, %swap3A_429] {strides = array<i32>} : memref<200x128xi32, #tpu.memory_space<vmem>>, vector<1x16xi32>,
        %swap3A_431 = vector.shape_cast %swap3A_430 : vector<1x16xi32> to vector<16xi32>
        %swap3A_432 = vector.shape_cast %add3A_427 : vector<16xi32> to vector<1x16xi32>
        tpu.vector_store %arg5[%swap3A_428, %swap3A_429], %swap3A_432 {strides = array<i32>} : memref<200x128xi32, #tpu.memory_space<vmem>>, vector<1x16xi32>,
        %get3A_433 = arith.index_cast %add3A_414 : i32 to index
        %get3A_434 = arith.constant 16 : index
        %get3A_435 = tpu.vector_load %arg5[%get3A_433, %get3A_434] {strides = array<i32>} : memref<200x128xi32, #tpu.memory_space<vmem>>, vector<1x16xi32>,
        %get3A_436 = vector.shape_cast %get3A_435 : vector<1x16xi32> to vector<16xi32>
        %max3A_437 = arith.constant -100000 : i32
        %max3A_438 = vector.broadcast %max3A_437 : i32 to vector<16xi32>
        %max3A_439 = arith.maxsi %get3A_436, %max3A_438 : vector<16xi32>
        %min3A_440 = arith.constant 100000 : i32
        %min3A_441 = vector.broadcast %min3A_440 : i32 to vector<16xi32>
        %min3A_442 = arith.minsi %max3A_439, %min3A_441 : vector<16xi32>
        %add3A_443 = arith.constant 100000 : i32
        %add3A_444 = vector.broadcast %add3A_443 : i32 to vector<16xi32>
        %add3A_445 = arith.addi %min3A_442, %add3A_444 : vector<16xi32>
        %swap3A_446 = arith.index_cast %add3A_414 : i32 to index
        %swap3A_447 = arith.constant 16 : index
        %swap3A_448 = tpu.vector_load %arg5[%swap3A_446, %swap3A_447] {strides = array<i32>} : memref<200x128xi32, #tpu.memory_space<vmem>>, vector<1x16xi32>,
        %swap3A_449 = vector.shape_cast %swap3A_448 : vector<1x16xi32> to vector<16xi32>
        %swap3A_450 = vector.shape_cast %add3A_445 : vector<16xi32> to vector<1x16xi32>
        tpu.vector_store %arg5[%swap3A_446, %swap3A_447], %swap3A_450 {strides = array<i32>} : memref<200x128xi32, #tpu.memory_space<vmem>>, vector<1x16xi32>,
        %get3A_451 = arith.index_cast %add3A_414 : i32 to index
        %get3A_452 = arith.constant 32 : index
        %get3A_453 = tpu.vector_load %arg5[%get3A_451, %get3A_452] {strides = array<i32>} : memref<200x128xi32, #tpu.memory_space<vmem>>, vector<1x16xi32>,
        %get3A_454 = vector.shape_cast %get3A_453 : vector<1x16xi32> to vector<16xi32>
        %max3A_455 = arith.constant -100000 : i32
        %max3A_456 = vector.broadcast %max3A_455 : i32 to vector<16xi32>
        %max3A_457 = arith.maxsi %get3A_454, %max3A_456 : vector<16xi32>
        %min3A_458 = arith.constant 100000 : i32
        %min3A_459 = vector.broadcast %min3A_458 : i32 to vector<16xi32>
        %min3A_460 = arith.minsi %max3A_457, %min3A_459 : vector<16xi32>
        %add3A_461 = arith.constant 100000 : i32
        %add3A_462 = vector.broadcast %add3A_461 : i32 to vector<16xi32>
        %add3A_463 = arith.addi %min3A_460, %add3A_462 : vector<16xi32>
        %swap3A_464 = arith.index_cast %add3A_414 : i32 to index
        %swap3A_465 = arith.constant 32 : index
        %swap3A_466 = tpu.vector_load %arg5[%swap3A_464, %swap3A_465] {strides = array<i32>} : memref<200x128xi32, #tpu.memory_space<vmem>>, vector<1x16xi32>,
        %swap3A_467 = vector.shape_cast %swap3A_466 : vector<1x16xi32> to vector<16xi32>
        %swap3A_468 = vector.shape_cast %add3A_463 : vector<16xi32> to vector<1x16xi32>
        tpu.vector_store %arg5[%swap3A_464, %swap3A_465], %swap3A_468 {strides = array<i32>} : memref<200x128xi32, #tpu.memory_space<vmem>>, vector<1x16xi32>,
        %get3A_469 = arith.index_cast %add3A_414 : i32 to index
        %get3A_470 = arith.constant 48 : index
        %get3A_471 = tpu.vector_load %arg5[%get3A_469, %get3A_470] {strides = array<i32>} : memref<200x128xi32, #tpu.memory_space<vmem>>, vector<1x16xi32>,
        %get3A_472 = vector.shape_cast %get3A_471 : vector<1x16xi32> to vector<16xi32>
        %max3A_473 = arith.constant -100000 : i32
        %max3A_474 = vector.broadcast %max3A_473 : i32 to vector<16xi32>
        %max3A_475 = arith.maxsi %get3A_472, %max3A_474 : vector<16xi32>
        %min3A_476 = arith.constant 100000 : i32
        %min3A_477 = vector.broadcast %min3A_476 : i32 to vector<16xi32>
        %min3A_478 = arith.minsi %max3A_475, %min3A_477 : vector<16xi32>
        %add3A_479 = arith.constant 100000 : i32
        %add3A_480 = vector.broadcast %add3A_479 : i32 to vector<16xi32>
        %add3A_481 = arith.addi %min3A_478, %add3A_480 : vector<16xi32>
        %swap3A_482 = arith.index_cast %add3A_414 : i32 to index
        %swap3A_483 = arith.constant 48 : index
        %swap3A_484 = tpu.vector_load %arg5[%swap3A_482, %swap3A_483] {strides = array<i32>} : memref<200x128xi32, #tpu.memory_space<vmem>>, vector<1x16xi32>,
        %swap3A_485 = vector.shape_cast %swap3A_484 : vector<1x16xi32> to vector<16xi32>
        %swap3A_486 = vector.shape_cast %add3A_481 : vector<16xi32> to vector<1x16xi32>
        tpu.vector_store %arg5[%swap3A_482, %swap3A_483], %swap3A_486 {strides = array<i32>} : memref<200x128xi32, #tpu.memory_space<vmem>>, vector<1x16xi32>,
        %get3A_487 = arith.index_cast %add3A_414 : i32 to index
        %get3A_488 = arith.constant 64 : index
        %get3A_489 = tpu.vector_load %arg5[%get3A_487, %get3A_488] {strides = array<i32>} : memref<200x128xi32, #tpu.memory_space<vmem>>, vector<1x16xi32>,
        %get3A_490 = vector.shape_cast %get3A_489 : vector<1x16xi32> to vector<16xi32>
        %max3A_491 = arith.constant -100000 : i32
        %max3A_492 = vector.broadcast %max3A_491 : i32 to vector<16xi32>
        %max3A_493 = arith.maxsi %get3A_490, %max3A_492 : vector<16xi32>
        %min3A_494 = arith.constant 100000 : i32
        %min3A_495 = vector.broadcast %min3A_494 : i32 to vector<16xi32>
        %min3A_496 = arith.minsi %max3A_493, %min3A_495 : vector<16xi32>
        %add3A_497 = arith.constant 100000 : i32
        %add3A_498 = vector.broadcast %add3A_497 : i32 to vector<16xi32>
        %add3A_499 = arith.addi %min3A_496, %add3A_498 : vector<16xi32>
        %swap3A_500 = arith.index_cast %add3A_414 : i32 to index
        %swap3A_501 = arith.constant 64 : index
        %swap3A_502 = tpu.vector_load %arg5[%swap3A_500, %swap3A_501] {strides = array<i32>} : memref<200x128xi32, #tpu.memory_space<vmem>>, vector<1x16xi32>,
        %swap3A_503 = vector.shape_cast %swap3A_502 : vector<1x16xi32> to vector<16xi32>
        %swap3A_504 = vector.shape_cast %add3A_499 : vector<16xi32> to vector<1x16xi32>
        tpu.vector_store %arg5[%swap3A_500, %swap3A_501], %swap3A_504 {strides = array<i32>} : memref<200x128xi32, #tpu.memory_space<vmem>>, vector<1x16xi32>,
        %get3A_505 = arith.index_cast %add3A_414 : i32 to index
        %get3A_506 = arith.constant 80 : index
        %get3A_507 = tpu.vector_load %arg5[%get3A_505, %get3A_506] {strides = array<i32>} : memref<200x128xi32, #tpu.memory_space<vmem>>, vector<1x16xi32>,
        %get3A_508 = vector.shape_cast %get3A_507 : vector<1x16xi32> to vector<16xi32>
        %max3A_509 = arith.constant -100000 : i32
        %max3A_510 = vector.broadcast %max3A_509 : i32 to vector<16xi32>
        %max3A_511 = arith.maxsi %get3A_508, %max3A_510 : vector<16xi32>
        %min3A_512 = arith.constant 100000 : i32
        %min3A_513 = vector.broadcast %min3A_512 : i32 to vector<16xi32>
        %min3A_514 = arith.minsi %max3A_511, %min3A_513 : vector<16xi32>
        %add3A_515 = arith.constant 100000 : i32
        %add3A_516 = vector.broadcast %add3A_515 : i32 to vector<16xi32>
        %add3A_517 = arith.addi %min3A_514, %add3A_516 : vector<16xi32>
        %swap3A_518 = arith.index_cast %add3A_414 : i32 to index
        %swap3A_519 = arith.constant 80 : index
        %swap3A_520 = tpu.vector_load %arg5[%swap3A_518, %swap3A_519] {strides = array<i32>} : memref<200x128xi32, #tpu.memory_space<vmem>>, vector<1x16xi32>,
        %swap3A_521 = vector.shape_cast %swap3A_520 : vector<1x16xi32> to vector<16xi32>
        %swap3A_522 = vector.shape_cast %add3A_517 : vector<16xi32> to vector<1x16xi32>
        tpu.vector_store %arg5[%swap3A_518, %swap3A_519], %swap3A_522 {strides = array<i32>} : memref<200x128xi32, #tpu.memory_space<vmem>>, vector<1x16xi32>,
        %get3A_523 = arith.index_cast %add3A_414 : i32 to index
        %get3A_524 = arith.constant 96 : index
        %get3A_525 = tpu.vector_load %arg5[%get3A_523, %get3A_524] {strides = array<i32>} : memref<200x128xi32, #tpu.memory_space<vmem>>, vector<1x16xi32>,
        %get3A_526 = vector.shape_cast %get3A_525 : vector<1x16xi32> to vector<16xi32>
        %max3A_527 = arith.constant -100000 : i32
        %max3A_528 = vector.broadcast %max3A_527 : i32 to vector<16xi32>
        %max3A_529 = arith.maxsi %get3A_526, %max3A_528 : vector<16xi32>
        %min3A_530 = arith.constant 100000 : i32
        %min3A_531 = vector.broadcast %min3A_530 : i32 to vector<16xi32>
        %min3A_532 = arith.minsi %max3A_529, %min3A_531 : vector<16xi32>
        %add3A_533 = arith.constant 100000 : i32
        %add3A_534 = vector.broadcast %add3A_533 : i32 to vector<16xi32>
        %add3A_535 = arith.addi %min3A_532, %add3A_534 : vector<16xi32>
        %swap3A_536 = arith.index_cast %add3A_414 : i32 to index
        %swap3A_537 = arith.constant 96 : index
        %swap3A_538 = tpu.vector_load %arg5[%swap3A_536, %swap3A_537] {strides = array<i32>} : memref<200x128xi32, #tpu.memory_space<vmem>>, vector<1x16xi32>,
        %swap3A_539 = vector.shape_cast %swap3A_538 : vector<1x16xi32> to vector<16xi32>
        %swap3A_540 = vector.shape_cast %add3A_535 : vector<16xi32> to vector<1x16xi32>
        tpu.vector_store %arg5[%swap3A_536, %swap3A_537], %swap3A_540 {strides = array<i32>} : memref<200x128xi32, #tpu.memory_space<vmem>>, vector<1x16xi32>,
        %get3A_541 = arith.index_cast %add3A_414 : i32 to index
        %get3A_542 = arith.constant 112 : index
        %get3A_543 = tpu.vector_load %arg5[%get3A_541, %get3A_542] {strides = array<i32>} : memref<200x128xi32, #tpu.memory_space<vmem>>, vector<1x16xi32>,
        %get3A_544 = vector.shape_cast %get3A_543 : vector<1x16xi32> to vector<16xi32>
        %max3A_545 = arith.constant -100000 : i32
        %max3A_546 = vector.broadcast %max3A_545 : i32 to vector<16xi32>
        %max3A_547 = arith.maxsi %get3A_544, %max3A_546 : vector<16xi32>
        %min3A_548 = arith.constant 100000 : i32
        %min3A_549 = vector.broadcast %min3A_548 : i32 to vector<16xi32>
        %min3A_550 = arith.minsi %max3A_547, %min3A_549 : vector<16xi32>
        %add3A_551 = arith.constant 100000 : i32
        %add3A_552 = vector.broadcast %add3A_551 : i32 to vector<16xi32>
        %add3A_553 = arith.addi %min3A_550, %add3A_552 : vector<16xi32>
        %swap3A_554 = arith.index_cast %add3A_414 : i32 to index
        %swap3A_555 = arith.constant 112 : index
        %swap3A_556 = tpu.vector_load %arg5[%swap3A_554, %swap3A_555] {strides = array<i32>} : memref<200x128xi32, #tpu.memory_space<vmem>>, vector<1x16xi32>,
        %swap3A_557 = vector.shape_cast %swap3A_556 : vector<1x16xi32> to vector<16xi32>
        %swap3A_558 = vector.shape_cast %add3A_553 : vector<16xi32> to vector<1x16xi32>
        tpu.vector_store %arg5[%swap3A_554, %swap3A_555], %swap3A_558 {strides = array<i32>} : memref<200x128xi32, #tpu.memory_space<vmem>>, vector<1x16xi32>,
        %dma_start3A_559 = arith.constant 0 : i32
        %dma_start3A_560 = tpu.memref_slice %arg5[%add3A_414, %dma_start3A_559] : memref<200x128xi32, #tpu.memory_space<vmem>> -> memref<1x128xi32, #tpu.memory_space<vmem>>
        %dma_start3A_561 = tpu.memref_squeeze %dma_start3A_560 : memref<1x128xi32, #tpu.memory_space<vmem>> -> memref<128xi32, #tpu.memory_space<vmem>>
        %dma_start3A_562 = arith.constant 0 : i32
        %dma_start3A_563 = arith.constant 0 : i32
        %dma_start3A_564 = tpu.memref_slice %arg2[%dma_start3A_562, %dma_start3A_563] : memref<200001x128xf32, #tpu.memory_space<hbm>> -> memref<200001x128xf32, #tpu.memory_space<hbm>>
        tpu.enqueue_indirect_dma source(%dma_start3A_564 : memref<200001x128xf32, #tpu.memory_space<hbm>>) target(%arg6 : memref<128x128xf32, #tpu.memory_space<vmem>>) offsets(%dma_start3A_561 : memref<128xi32, #tpu.memory_space<vmem>>) semaphore(%arg11 : memref<!tpu.dma_semaphore, #tpu.memory_space<semaphore_mem>>)
        %scan3A_565 = arith.constant 0 : i32
        %scan3A_566 = arith.constant 0 : i32
        %scan3A_567 = arith.constant 16 : i32
        %scan3A_568 = arith.addi %scan3A_566, %scan3A_567 : i32
        %scan3A_569 = arith.constant 1 : i32
        scf.for %scan3A_580 = %scan3A_566 to %scan3A_568 step %scan3A_569  : i32 {
          %mul3A_581 = arith.constant 8 : i32
          %mul3A_582 = arith.muli %scan3A_580, %mul3A_581 : i32
          %add3A_583 = arith.constant 0 : i32
          %add3A_584 = arith.addi %mul3A_582, %add3A_583 : i32
          %get3A_585 = arith.index_cast %add3A_584 : i32 to index
          %get3A_586 = arith.constant 0 : index
          %get3A_587 = tpu.vector_load %arg7[%get3A_585, %get3A_586] {strides = array<i32>} : memref<128x128xf32, #tpu.memory_space<vmem>>, vector<1x16xf32>,
          %get3A_588 = vector.shape_cast %get3A_587 : vector<1x16xf32> to vector<16xf32>
          %swap3A_589 = arith.constant 0 : i32
          %swap3A_590 = arith.index_cast %scan3A_580 : i32 to index
          %swap3A_591 = arith.index_cast %swap3A_589 : i32 to index
          %swap3A_592 = arith.constant 0 : index
          %swap3A_593 = tpu.vector_load %arg9[%swap3A_590, %swap3A_591, %swap3A_592] {strides = array<i32>} : memref<16x8x64xf32, #tpu.memory_space<vmem>>, vector<1x1x16xf32>,
          %swap3A_594 = vector.shape_cast %swap3A_593 : vector<1x1x16xf32> to vector<16xf32>
          %swap3A_595 = vector.shape_cast %get3A_588 : vector<16xf32> to vector<1x1x16xf32>
          tpu.vector_store %arg9[%swap3A_590, %swap3A_591, %swap3A_592], %swap3A_595 {strides = array<i32>} : memref<16x8x64xf32, #tpu.memory_space<vmem>>, vector<1x1x16xf32>,
          %mul3A_596 = arith.constant 8 : i32
          %mul3A_597 = arith.muli %scan3A_580, %mul3A_596 : i32
          %add3A_598 = arith.constant 0 : i32
          %add3A_599 = arith.addi %mul3A_597, %add3A_598 : i32
          %get3A_600 = arith.index_cast %add3A_599 : i32 to index
          %get3A_601 = arith.constant 16 : index
          %get3A_602 = tpu.vector_load %arg7[%get3A_600, %get3A_601] {strides = array<i32>} : memref<128x128xf32, #tpu.memory_space<vmem>>, vector<1x16xf32>,
          %get3A_603 = vector.shape_cast %get3A_602 : vector<1x16xf32> to vector<16xf32>
          %swap3A_604 = arith.constant 0 : i32
          %swap3A_605 = arith.index_cast %scan3A_580 : i32 to index
          %swap3A_606 = arith.index_cast %swap3A_604 : i32 to index
          %swap3A_607 = arith.constant 16 : index
          %swap3A_608 = tpu.vector_load %arg9[%swap3A_605, %swap3A_606, %swap3A_607] {strides = array<i32>} : memref<16x8x64xf32, #tpu.memory_space<vmem>>, vector<1x1x16xf32>,
          %swap3A_609 = vector.shape_cast %swap3A_608 : vector<1x1x16xf32> to vector<16xf32>
          %swap3A_610 = vector.shape_cast %get3A_603 : vector<16xf32> to vector<1x1x16xf32>
          tpu.vector_store %arg9[%swap3A_605, %swap3A_606, %swap3A_607], %swap3A_610 {strides = array<i32>} : memref<16x8x64xf32, #tpu.memory_space<vmem>>, vector<1x1x16xf32>,
          %mul3A_611 = arith.constant 8 : i32
          %mul3A_612 = arith.muli %scan3A_580, %mul3A_611 : i32
          %add3A_613 = arith.constant 0 : i32
          %add3A_614 = arith.addi %mul3A_612, %add3A_613 : i32
          %get3A_615 = arith.index_cast %add3A_614 : i32 to index
          %get3A_616 = arith.constant 32 : index
          %get3A_617 = tpu.vector_load %arg7[%get3A_615, %get3A_616] {strides = array<i32>} : memref<128x128xf32, #tpu.memory_space<vmem>>, vector<1x16xf32>,
          %get3A_618 = vector.shape_cast %get3A_617 : vector<1x16xf32> to vector<16xf32>
          %swap3A_619 = arith.constant 0 : i32
          %swap3A_620 = arith.index_cast %scan3A_580 : i32 to index
          %swap3A_621 = arith.index_cast %swap3A_619 : i32 to index
          %swap3A_622 = arith.constant 32 : index
          %swap3A_623 = tpu.vector_load %arg9[%swap3A_620, %swap3A_621, %swap3A_622] {strides = array<i32>} : memref<16x8x64xf32, #tpu.memory_space<vmem>>, vector<1x1x16xf32>,
          %swap3A_624 = vector.shape_cast %swap3A_623 : vector<1x1x16xf32> to vector<16xf32>
          %swap3A_625 = vector.shape_cast %get3A_618 : vector<16xf32> to vector<1x1x16xf32>
          tpu.vector_store %arg9[%swap3A_620, %swap3A_621, %swap3A_622], %swap3A_625 {strides = array<i32>} : memref<16x8x64xf32, #tpu.memory_space<vmem>>, vector<1x1x16xf32>,
          %mul3A_626 = arith.constant 8 : i32
          %mul3A_627 = arith.muli %scan3A_580, %mul3A_626 : i32
          %add3A_628 = arith.constant 0 : i32
          %add3A_629 = arith.addi %mul3A_627, %add3A_628 : i32
          %get3A_630 = arith.index_cast %add3A_629 : i32 to index
          %get3A_631 = arith.constant 48 : index
          %get3A_632 = tpu.vector_load %arg7[%get3A_630, %get3A_631] {strides = array<i32>} : memref<128x128xf32, #tpu.memory_space<vmem>>, vector<1x16xf32>,
          %get3A_633 = vector.shape_cast %get3A_632 : vector<1x16xf32> to vector<16xf32>
          %swap3A_634 = arith.constant 0 : i32
          %swap3A_635 = arith.index_cast %scan3A_580 : i32 to index
          %swap3A_636 = arith.index_cast %swap3A_634 : i32 to index
          %swap3A_637 = arith.constant 48 : index
          %swap3A_638 = tpu.vector_load %arg9[%swap3A_635, %swap3A_636, %swap3A_637] {strides = array<i32>} : memref<16x8x64xf32, #tpu.memory_space<vmem>>, vector<1x1x16xf32>,
          %swap3A_639 = vector.shape_cast %swap3A_638 : vector<1x1x16xf32> to vector<16xf32>
          %swap3A_640 = vector.shape_cast %get3A_633 : vector<16xf32> to vector<1x1x16xf32>
          tpu.vector_store %arg9[%swap3A_635, %swap3A_636, %swap3A_637], %swap3A_640 {strides = array<i32>} : memref<16x8x64xf32, #tpu.memory_space<vmem>>, vector<1x1x16xf32>,
          %mul3A_641 = arith.constant 8 : i32
          %mul3A_642 = arith.muli %scan3A_580, %mul3A_641 : i32
          %add3A_643 = arith.constant 1 : i32
          %add3A_644 = arith.addi %mul3A_642, %add3A_643 : i32
          %get3A_645 = arith.index_cast %add3A_644 : i32 to index
          %get3A_646 = arith.constant 0 : index
          %get3A_647 = tpu.vector_load %arg7[%get3A_645, %get3A_646] {strides = array<i32>} : memref<128x128xf32, #tpu.memory_space<vmem>>, vector<1x16xf32>,
          %get3A_648 = vector.shape_cast %get3A_647 : vector<1x16xf32> to vector<16xf32>
          %swap3A_649 = arith.constant 1 : i32
          %swap3A_650 = arith.index_cast %scan3A_580 : i32 to index
          %swap3A_651 = arith.index_cast %swap3A_649 : i32 to index
          %swap3A_652 = arith.constant 0 : index
          %swap3A_653 = tpu.vector_load %arg9[%swap3A_650, %swap3A_651, %swap3A_652] {strides = array<i32>} : memref<16x8x64xf32, #tpu.memory_space<vmem>>, vector<1x1x16xf32>,
          %swap3A_654 = vector.shape_cast %swap3A_653 : vector<1x1x16xf32> to vector<16xf32>
          %swap3A_655 = vector.shape_cast %get3A_648 : vector<16xf32> to vector<1x1x16xf32>
          tpu.vector_store %arg9[%swap3A_650, %swap3A_651, %swap3A_652], %swap3A_655 {strides = array<i32>} : memref<16x8x64xf32, #tpu.memory_space<vmem>>, vector<1x1x16xf32>,
          %mul3A_656 = arith.constant 8 : i32
          %mul3A_657 = arith.muli %scan3A_580, %mul3A_656 : i32
          %add3A_658 = arith.constant 1 : i32
          %add3A_659 = arith.addi %mul3A_657, %add3A_658 : i32
          %get3A_660 = arith.index_cast %add3A_659 : i32 to index
          %get3A_661 = arith.constant 16 : index
          %get3A_662 = tpu.vector_load %arg7[%get3A_660, %get3A_661] {strides = array<i32>} : memref<128x128xf32, #tpu.memory_space<vmem>>, vector<1x16xf32>,
          %get3A_663 = vector.shape_cast %get3A_662 : vector<1x16xf32> to vector<16xf32>
          %swap3A_664 = arith.constant 1 : i32
          %swap3A_665 = arith.index_cast %scan3A_580 : i32 to index
          %swap3A_666 = arith.index_cast %swap3A_664 : i32 to index
          %swap3A_667 = arith.constant 16 : index
          %swap3A_668 = tpu.vector_load %arg9[%swap3A_665, %swap3A_666, %swap3A_667] {strides = array<i32>} : memref<16x8x64xf32, #tpu.memory_space<vmem>>, vector<1x1x16xf32>,
          %swap3A_669 = vector.shape_cast %swap3A_668 : vector<1x1x16xf32> to vector<16xf32>
          %swap3A_670 = vector.shape_cast %get3A_663 : vector<16xf32> to vector<1x1x16xf32>
          tpu.vector_store %arg9[%swap3A_665, %swap3A_666, %swap3A_667], %swap3A_670 {strides = array<i32>} : memref<16x8x64xf32, #tpu.memory_space<vmem>>, vector<1x1x16xf32>,
          %mul3A_671 = arith.constant 8 : i32
          %mul3A_672 = arith.muli %scan3A_580, %mul3A_671 : i32
          %add3A_673 = arith.constant 1 : i32
          %add3A_674 = arith.addi %mul3A_672, %add3A_673 : i32
          %get3A_675 = arith.index_cast %add3A_674 : i32 to index
          %get3A_676 = arith.constant 32 : index
          %get3A_677 = tpu.vector_load %arg7[%get3A_675, %get3A_676] {strides = array<i32>} : memref<128x128xf32, #tpu.memory_space<vmem>>, vector<1x16xf32>,
          %get3A_678 = vector.shape_cast %get3A_677 : vector<1x16xf32> to vector<16xf32>
          %swap3A_679 = arith.constant 1 : i32
          %swap3A_680 = arith.index_cast %scan3A_580 : i32 to index
          %swap3A_681 = arith.index_cast %swap3A_679 : i32 to index
          %swap3A_682 = arith.constant 32 : index
          %swap3A_683 = tpu.vector_load %arg9[%swap3A_680, %swap3A_681, %swap3A_682] {strides = array<i32>} : memref<16x8x64xf32, #tpu.memory_space<vmem>>, vector<1x1x16xf32>,
          %swap3A_684 = vector.shape_cast %swap3A_683 : vector<1x1x16xf32> to vector<16xf32>
          %swap3A_685 = vector.shape_cast %get3A_678 : vector<16xf32> to vector<1x1x16xf32>
          tpu.vector_store %arg9[%swap3A_680, %swap3A_681, %swap3A_682], %swap3A_685 {strides = array<i32>} : memref<16x8x64xf32, #tpu.memory_space<vmem>>, vector<1x1x16xf32>,
          %mul3A_686 = arith.constant 8 : i32
          %mul3A_687 = arith.muli %scan3A_580, %mul3A_686 : i32
          %add3A_688 = arith.constant 1 : i32
          %add3A_689 = arith.addi %mul3A_687, %add3A_688 : i32
          %get3A_690 = arith.index_cast %add3A_689 : i32 to index
          %get3A_691 = arith.constant 48 : index
          %get3A_692 = tpu.vector_load %arg7[%get3A_690, %get3A_691] {strides = array<i32>} : memref<128x128xf32, #tpu.memory_space<vmem>>, vector<1x16xf32>,
          %get3A_693 = vector.shape_cast %get3A_692 : vector<1x16xf32> to vector<16xf32>
          %swap3A_694 = arith.constant 1 : i32
          %swap3A_695 = arith.index_cast %scan3A_580 : i32 to index
          %swap3A_696 = arith.index_cast %swap3A_694 : i32 to index
          %swap3A_697 = arith.constant 48 : index
          %swap3A_698 = tpu.vector_load %arg9[%swap3A_695, %swap3A_696, %swap3A_697] {strides = array<i32>} : memref<16x8x64xf32, #tpu.memory_space<vmem>>, vector<1x1x16xf32>,
          %swap3A_699 = vector.shape_cast %swap3A_698 : vector<1x1x16xf32> to vector<16xf32>
          %swap3A_700 = vector.shape_cast %get3A_693 : vector<16xf32> to vector<1x1x16xf32>
          tpu.vector_store %arg9[%swap3A_695, %swap3A_696, %swap3A_697], %swap3A_700 {strides = array<i32>} : memref<16x8x64xf32, #tpu.memory_space<vmem>>, vector<1x1x16xf32>,
          %mul3A_701 = arith.constant 8 : i32
          %mul3A_702 = arith.muli %scan3A_580, %mul3A_701 : i32
          %add3A_703 = arith.constant 2 : i32
          %add3A_704 = arith.addi %mul3A_702, %add3A_703 : i32
          %get3A_705 = arith.index_cast %add3A_704 : i32 to index
          %get3A_706 = arith.constant 0 : index
          %get3A_707 = tpu.vector_load %arg7[%get3A_705, %get3A_706] {strides = array<i32>} : memref<128x128xf32, #tpu.memory_space<vmem>>, vector<1x16xf32>,
          %get3A_708 = vector.shape_cast %get3A_707 : vector<1x16xf32> to vector<16xf32>
          %swap3A_709 = arith.constant 2 : i32
          %swap3A_710 = arith.index_cast %scan3A_580 : i32 to index
          %swap3A_711 = arith.index_cast %swap3A_709 : i32 to index
          %swap3A_712 = arith.constant 0 : index
          %swap3A_713 = tpu.vector_load %arg9[%swap3A_710, %swap3A_711, %swap3A_712] {strides = array<i32>} : memref<16x8x64xf32, #tpu.memory_space<vmem>>, vector<1x1x16xf32>,
          %swap3A_714 = vector.shape_cast %swap3A_713 : vector<1x1x16xf32> to vector<16xf32>
          %swap3A_715 = vector.shape_cast %get3A_708 : vector<16xf32> to vector<1x1x16xf32>
          tpu.vector_store %arg9[%swap3A_710, %swap3A_711, %swap3A_712], %swap3A_715 {strides = array<i32>} : memref<16x8x64xf32, #tpu.memory_space<vmem>>, vector<1x1x16xf32>,
          %mul3A_716 = arith.constant 8 : i32
          %mul3A_717 = arith.muli %scan3A_580, %mul3A_716 : i32
          %add3A_718 = arith.constant 2 : i32
          %add3A_719 = arith.addi %mul3A_717, %add3A_718 : i32
          %get3A_720 = arith.index_cast %add3A_719 : i32 to index
          %get3A_721 = arith.constant 16 : index
          %get3A_722 = tpu.vector_load %arg7[%get3A_720, %get3A_721] {strides = array<i32>} : memref<128x128xf32, #tpu.memory_space<vmem>>, vector<1x16xf32>,
          %get3A_723 = vector.shape_cast %get3A_722 : vector<1x16xf32> to vector<16xf32>
          %swap3A_724 = arith.constant 2 : i32
          %swap3A_725 = arith.index_cast %scan3A_580 : i32 to index
          %swap3A_726 = arith.index_cast %swap3A_724 : i32 to index
          %swap3A_727 = arith.constant 16 : index
          %swap3A_728 = tpu.vector_load %arg9[%swap3A_725, %swap3A_726, %swap3A_727] {strides = array<i32>} : memref<16x8x64xf32, #tpu.memory_space<vmem>>, vector<1x1x16xf32>,
          %swap3A_729 = vector.shape_cast %swap3A_728 : vector<1x1x16xf32> to vector<16xf32>
          %swap3A_730 = vector.shape_cast %get3A_723 : vector<16xf32> to vector<1x1x16xf32>
          tpu.vector_store %arg9[%swap3A_725, %swap3A_726, %swap3A_727], %swap3A_730 {strides = array<i32>} : memref<16x8x64xf32, #tpu.memory_space<vmem>>, vector<1x1x16xf32>,
          %mul3A_731 = arith.constant 8 : i32
          %mul3A_732 = arith.muli %scan3A_580, %mul3A_731 : i32
          %add3A_733 = arith.constant 2 : i32
          %add3A_734 = arith.addi %mul3A_732, %add3A_733 : i32
          %get3A_735 = arith.index_cast %add3A_734 : i32 to index
          %get3A_736 = arith.constant 32 : index
          %get3A_737 = tpu.vector_load %arg7[%get3A_735, %get3A_736] {strides = array<i32>} : memref<128x128xf32, #tpu.memory_space<vmem>>, vector<1x16xf32>,
          %get3A_738 = vector.shape_cast %get3A_737 : vector<1x16xf32> to vector<16xf32>
          %swap3A_739 = arith.constant 2 : i32
          %swap3A_740 = arith.index_cast %scan3A_580 : i32 to index
          %swap3A_741 = arith.index_cast %swap3A_739 : i32 to index
          %swap3A_742 = arith.constant 32 : index
          %swap3A_743 = tpu.vector_load %arg9[%swap3A_740, %swap3A_741, %swap3A_742] {strides = array<i32>} : memref<16x8x64xf32, #tpu.memory_space<vmem>>, vector<1x1x16xf32>,
          %swap3A_744 = vector.shape_cast %swap3A_743 : vector<1x1x16xf32> to vector<16xf32>
          %swap3A_745 = vector.shape_cast %get3A_738 : vector<16xf32> to vector<1x1x16xf32>
          tpu.vector_store %arg9[%swap3A_740, %swap3A_741, %swap3A_742], %swap3A_745 {strides = array<i32>} : memref<16x8x64xf32, #tpu.memory_space<vmem>>, vector<1x1x16xf32>,
          %mul3A_746 = arith.constant 8 : i32
          %mul3A_747 = arith.muli %scan3A_580, %mul3A_746 : i32
          %add3A_748 = arith.constant 2 : i32
          %add3A_749 = arith.addi %mul3A_747, %add3A_748 : i32
          %get3A_750 = arith.index_cast %add3A_749 : i32 to index
          %get3A_751 = arith.constant 48 : index
          %get3A_752 = tpu.vector_load %arg7[%get3A_750, %get3A_751] {strides = array<i32>} : memref<128x128xf32, #tpu.memory_space<vmem>>, vector<1x16xf32>,
          %get3A_753 = vector.shape_cast %get3A_752 : vector<1x16xf32> to vector<16xf32>
          %swap3A_754 = arith.constant 2 : i32
          %swap3A_755 = arith.index_cast %scan3A_580 : i32 to index
          %swap3A_756 = arith.index_cast %swap3A_754 : i32 to index
          %swap3A_757 = arith.constant 48 : index
          %swap3A_758 = tpu.vector_load %arg9[%swap3A_755, %swap3A_756, %swap3A_757] {strides = array<i32>} : memref<16x8x64xf32, #tpu.memory_space<vmem>>, vector<1x1x16xf32>,
          %swap3A_759 = vector.shape_cast %swap3A_758 : vector<1x1x16xf32> to vector<16xf32>
          %swap3A_760 = vector.shape_cast %get3A_753 : vector<16xf32> to vector<1x1x16xf32>
          tpu.vector_store %arg9[%swap3A_755, %swap3A_756, %swap3A_757], %swap3A_760 {strides = array<i32>} : memref<16x8x64xf32, #tpu.memory_space<vmem>>, vector<1x1x16xf32>,
          %mul3A_761 = arith.constant 8 : i32
          %mul3A_762 = arith.muli %scan3A_580, %mul3A_761 : i32
          %add3A_763 = arith.constant 3 : i32
          %add3A_764 = arith.addi %mul3A_762, %add3A_763 : i32
          %get3A_765 = arith.index_cast %add3A_764 : i32 to index
          %get3A_766 = arith.constant 0 : index
          %get3A_767 = tpu.vector_load %arg7[%get3A_765, %get3A_766] {strides = array<i32>} : memref<128x128xf32, #tpu.memory_space<vmem>>, vector<1x16xf32>,
          %get3A_768 = vector.shape_cast %get3A_767 : vector<1x16xf32> to vector<16xf32>
          %swap3A_769 = arith.constant 3 : i32
          %swap3A_770 = arith.index_cast %scan3A_580 : i32 to index
          %swap3A_771 = arith.index_cast %swap3A_769 : i32 to index
          %swap3A_772 = arith.constant 0 : index
          %swap3A_773 = tpu.vector_load %arg9[%swap3A_770, %swap3A_771, %swap3A_772] {strides = array<i32>} : memref<16x8x64xf32, #tpu.memory_space<vmem>>, vector<1x1x16xf32>,
          %swap3A_774 = vector.shape_cast %swap3A_773 : vector<1x1x16xf32> to vector<16xf32>
          %swap3A_775 = vector.shape_cast %get3A_768 : vector<16xf32> to vector<1x1x16xf32>
          tpu.vector_store %arg9[%swap3A_770, %swap3A_771, %swap3A_772], %swap3A_775 {strides = array<i32>} : memref<16x8x64xf32, #tpu.memory_space<vmem>>, vector<1x1x16xf32>,
          %mul3A_776 = arith.constant 8 : i32
          %mul3A_777 = arith.muli %scan3A_580, %mul3A_776 : i32
          %add3A_778 = arith.constant 3 : i32
          %add3A_779 = arith.addi %mul3A_777, %add3A_778 : i32
          %get3A_780 = arith.index_cast %add3A_779 : i32 to index
          %get3A_781 = arith.constant 16 : index
          %get3A_782 = tpu.vector_load %arg7[%get3A_780, %get3A_781] {strides = array<i32>} : memref<128x128xf32, #tpu.memory_space<vmem>>, vector<1x16xf32>,
          %get3A_783 = vector.shape_cast %get3A_782 : vector<1x16xf32> to vector<16xf32>
          %swap3A_784 = arith.constant 3 : i32
          %swap3A_785 = arith.index_cast %scan3A_580 : i32 to index
          %swap3A_786 = arith.index_cast %swap3A_784 : i32 to index
          %swap3A_787 = arith.constant 16 : index
          %swap3A_788 = tpu.vector_load %arg9[%swap3A_785, %swap3A_786, %swap3A_787] {strides = array<i32>} : memref<16x8x64xf32, #tpu.memory_space<vmem>>, vector<1x1x16xf32>,
          %swap3A_789 = vector.shape_cast %swap3A_788 : vector<1x1x16xf32> to vector<16xf32>
          %swap3A_790 = vector.shape_cast %get3A_783 : vector<16xf32> to vector<1x1x16xf32>
          tpu.vector_store %arg9[%swap3A_785, %swap3A_786, %swap3A_787], %swap3A_790 {strides = array<i32>} : memref<16x8x64xf32, #tpu.memory_space<vmem>>, vector<1x1x16xf32>,
          %mul3A_791 = arith.constant 8 : i32
          %mul3A_792 = arith.muli %scan3A_580, %mul3A_791 : i32
          %add3A_793 = arith.constant 3 : i32
          %add3A_794 = arith.addi %mul3A_792, %add3A_793 : i32
          %get3A_795 = arith.index_cast %add3A_794 : i32 to index
          %get3A_796 = arith.constant 32 : index
          %get3A_797 = tpu.vector_load %arg7[%get3A_795, %get3A_796] {strides = array<i32>} : memref<128x128xf32, #tpu.memory_space<vmem>>, vector<1x16xf32>,
          %get3A_798 = vector.shape_cast %get3A_797 : vector<1x16xf32> to vector<16xf32>
          %swap3A_799 = arith.constant 3 : i32
          %swap3A_800 = arith.index_cast %scan3A_580 : i32 to index
          %swap3A_801 = arith.index_cast %swap3A_799 : i32 to index
          %swap3A_802 = arith.constant 32 : index
          %swap3A_803 = tpu.vector_load %arg9[%swap3A_800, %swap3A_801, %swap3A_802] {strides = array<i32>} : memref<16x8x64xf32, #tpu.memory_space<vmem>>, vector<1x1x16xf32>,
          %swap3A_804 = vector.shape_cast %swap3A_803 : vector<1x1x16xf32> to vector<16xf32>
          %swap3A_805 = vector.shape_cast %get3A_798 : vector<16xf32> to vector<1x1x16xf32>
          tpu.vector_store %arg9[%swap3A_800, %swap3A_801, %swap3A_802], %swap3A_805 {strides = array<i32>} : memref<16x8x64xf32, #tpu.memory_space<vmem>>, vector<1x1x16xf32>,
          %mul3A_806 = arith.constant 8 : i32
          %mul3A_807 = arith.muli %scan3A_580, %mul3A_806 : i32
          %add3A_808 = arith.constant 3 : i32
          %add3A_809 = arith.addi %mul3A_807, %add3A_808 : i32
          %get3A_810 = arith.index_cast %add3A_809 : i32 to index
          %get3A_811 = arith.constant 48 : index
          %get3A_812 = tpu.vector_load %arg7[%get3A_810, %get3A_811] {strides = array<i32>} : memref<128x128xf32, #tpu.memory_space<vmem>>, vector<1x16xf32>,
          %get3A_813 = vector.shape_cast %get3A_812 : vector<1x16xf32> to vector<16xf32>
          %swap3A_814 = arith.constant 3 : i32
          %swap3A_815 = arith.index_cast %scan3A_580 : i32 to index
          %swap3A_816 = arith.index_cast %swap3A_814 : i32 to index
          %swap3A_817 = arith.constant 48 : index
          %swap3A_818 = tpu.vector_load %arg9[%swap3A_815, %swap3A_816, %swap3A_817] {strides = array<i32>} : memref<16x8x64xf32, #tpu.memory_space<vmem>>, vector<1x1x16xf32>,
          %swap3A_819 = vector.shape_cast %swap3A_818 : vector<1x1x16xf32> to vector<16xf32>
          %swap3A_820 = vector.shape_cast %get3A_813 : vector<16xf32> to vector<1x1x16xf32>
          tpu.vector_store %arg9[%swap3A_815, %swap3A_816, %swap3A_817], %swap3A_820 {strides = array<i32>} : memref<16x8x64xf32, #tpu.memory_space<vmem>>, vector<1x1x16xf32>,
          %mul3A_821 = arith.constant 8 : i32
          %mul3A_822 = arith.muli %scan3A_580, %mul3A_821 : i32
          %add3A_823 = arith.constant 4 : i32
          %add3A_824 = arith.addi %mul3A_822, %add3A_823 : i32
          %get3A_825 = arith.index_cast %add3A_824 : i32 to index
          %get3A_826 = arith.constant 0 : index
          %get3A_827 = tpu.vector_load %arg7[%get3A_825, %get3A_826] {strides = array<i32>} : memref<128x128xf32, #tpu.memory_space<vmem>>, vector<1x16xf32>,
          %get3A_828 = vector.shape_cast %get3A_827 : vector<1x16xf32> to vector<16xf32>
          %swap3A_829 = arith.constant 4 : i32
          %swap3A_830 = arith.index_cast %scan3A_580 : i32 to index
          %swap3A_831 = arith.index_cast %swap3A_829 : i32 to index
          %swap3A_832 = arith.constant 0 : index
          %swap3A_833 = tpu.vector_load %arg9[%swap3A_830, %swap3A_831, %swap3A_832] {strides = array<i32>} : memref<16x8x64xf32, #tpu.memory_space<vmem>>, vector<1x1x16xf32>,
          %swap3A_834 = vector.shape_cast %swap3A_833 : vector<1x1x16xf32> to vector<16xf32>
          %swap3A_835 = vector.shape_cast %get3A_828 : vector<16xf32> to vector<1x1x16xf32>
          tpu.vector_store %arg9[%swap3A_830, %swap3A_831, %swap3A_832], %swap3A_835 {strides = array<i32>} : memref<16x8x64xf32, #tpu.memory_space<vmem>>, vector<1x1x16xf32>,
          %mul3A_836 = arith.constant 8 : i32
          %mul3A_837 = arith.muli %scan3A_580, %mul3A_836 : i32
          %add3A_838 = arith.constant 4 : i32
          %add3A_839 = arith.addi %mul3A_837, %add3A_838 : i32
          %get3A_840 = arith.index_cast %add3A_839 : i32 to index
          %get3A_841 = arith.constant 16 : index
          %get3A_842 = tpu.vector_load %arg7[%get3A_840, %get3A_841] {strides = array<i32>} : memref<128x128xf32, #tpu.memory_space<vmem>>, vector<1x16xf32>,
          %get3A_843 = vector.shape_cast %get3A_842 : vector<1x16xf32> to vector<16xf32>
          %swap3A_844 = arith.constant 4 : i32
          %swap3A_845 = arith.index_cast %scan3A_580 : i32 to index
          %swap3A_846 = arith.index_cast %swap3A_844 : i32 to index
          %swap3A_847 = arith.constant 16 : index
          %swap3A_848 = tpu.vector_load %arg9[%swap3A_845, %swap3A_846, %swap3A_847] {strides = array<i32>} : memref<16x8x64xf32, #tpu.memory_space<vmem>>, vector<1x1x16xf32>,
          %swap3A_849 = vector.shape_cast %swap3A_848 : vector<1x1x16xf32> to vector<16xf32>
          %swap3A_850 = vector.shape_cast %get3A_843 : vector<16xf32> to vector<1x1x16xf32>
          tpu.vector_store %arg9[%swap3A_845, %swap3A_846, %swap3A_847], %swap3A_850 {strides = array<i32>} : memref<16x8x64xf32, #tpu.memory_space<vmem>>, vector<1x1x16xf32>,
          %mul3A_851 = arith.constant 8 : i32
          %mul3A_852 = arith.muli %scan3A_580, %mul3A_851 : i32
          %add3A_853 = arith.constant 4 : i32
          %add3A_854 = arith.addi %mul3A_852, %add3A_853 : i32
          %get3A_855 = arith.index_cast %add3A_854 : i32 to index
          %get3A_856 = arith.constant 32 : index
          %get3A_857 = tpu.vector_load %arg7[%get3A_855, %get3A_856] {strides = array<i32>} : memref<128x128xf32, #tpu.memory_space<vmem>>, vector<1x16xf32>,
          %get3A_858 = vector.shape_cast %get3A_857 : vector<1x16xf32> to vector<16xf32>
          %swap3A_859 = arith.constant 4 : i32
          %swap3A_860 = arith.index_cast %scan3A_580 : i32 to index
          %swap3A_861 = arith.index_cast %swap3A_859 : i32 to index
          %swap3A_862 = arith.constant 32 : index
          %swap3A_863 = tpu.vector_load %arg9[%swap3A_860, %swap3A_861, %swap3A_862] {strides = array<i32>} : memref<16x8x64xf32, #tpu.memory_space<vmem>>, vector<1x1x16xf32>,
          %swap3A_864 = vector.shape_cast %swap3A_863 : vector<1x1x16xf32> to vector<16xf32>
          %swap3A_865 = vector.shape_cast %get3A_858 : vector<16xf32> to vector<1x1x16xf32>
          tpu.vector_store %arg9[%swap3A_860, %swap3A_861, %swap3A_862], %swap3A_865 {strides = array<i32>} : memref<16x8x64xf32, #tpu.memory_space<vmem>>, vector<1x1x16xf32>,
          %mul3A_866 = arith.constant 8 : i32
          %mul3A_867 = arith.muli %scan3A_580, %mul3A_866 : i32
          %add3A_868 = arith.constant 4 : i32
          %add3A_869 = arith.addi %mul3A_867, %add3A_868 : i32
          %get3A_870 = arith.index_cast %add3A_869 : i32 to index
          %get3A_871 = arith.constant 48 : index
          %get3A_872 = tpu.vector_load %arg7[%get3A_870, %get3A_871] {strides = array<i32>} : memref<128x128xf32, #tpu.memory_space<vmem>>, vector<1x16xf32>,
          %get3A_873 = vector.shape_cast %get3A_872 : vector<1x16xf32> to vector<16xf32>
          %swap3A_874 = arith.constant 4 : i32
          %swap3A_875 = arith.index_cast %scan3A_580 : i32 to index
          %swap3A_876 = arith.index_cast %swap3A_874 : i32 to index
          %swap3A_877 = arith.constant 48 : index
          %swap3A_878 = tpu.vector_load %arg9[%swap3A_875, %swap3A_876, %swap3A_877] {strides = array<i32>} : memref<16x8x64xf32, #tpu.memory_space<vmem>>, vector<1x1x16xf32>,
          %swap3A_879 = vector.shape_cast %swap3A_878 : vector<1x1x16xf32> to vector<16xf32>
          %swap3A_880 = vector.shape_cast %get3A_873 : vector<16xf32> to vector<1x1x16xf32>
          tpu.vector_store %arg9[%swap3A_875, %swap3A_876, %swap3A_877], %swap3A_880 {strides = array<i32>} : memref<16x8x64xf32, #tpu.memory_space<vmem>>, vector<1x1x16xf32>,
          %mul3A_881 = arith.constant 8 : i32
          %mul3A_882 = arith.muli %scan3A_580, %mul3A_881 : i32
          %add3A_883 = arith.constant 5 : i32
          %add3A_884 = arith.addi %mul3A_882, %add3A_883 : i32
          %get3A_885 = arith.index_cast %add3A_884 : i32 to index
          %get3A_886 = arith.constant 0 : index
          %get3A_887 = tpu.vector_load %arg7[%get3A_885, %get3A_886] {strides = array<i32>} : memref<128x128xf32, #tpu.memory_space<vmem>>, vector<1x16xf32>,
          %get3A_888 = vector.shape_cast %get3A_887 : vector<1x16xf32> to vector<16xf32>
          %swap3A_889 = arith.constant 5 : i32
          %swap3A_890 = arith.index_cast %scan3A_580 : i32 to index
          %swap3A_891 = arith.index_cast %swap3A_889 : i32 to index
          %swap3A_892 = arith.constant 0 : index
          %swap3A_893 = tpu.vector_load %arg9[%swap3A_890, %swap3A_891, %swap3A_892] {strides = array<i32>} : memref<16x8x64xf32, #tpu.memory_space<vmem>>, vector<1x1x16xf32>,
          %swap3A_894 = vector.shape_cast %swap3A_893 : vector<1x1x16xf32> to vector<16xf32>
          %swap3A_895 = vector.shape_cast %get3A_888 : vector<16xf32> to vector<1x1x16xf32>
          tpu.vector_store %arg9[%swap3A_890, %swap3A_891, %swap3A_892], %swap3A_895 {strides = array<i32>} : memref<16x8x64xf32, #tpu.memory_space<vmem>>, vector<1x1x16xf32>,
          %mul3A_896 = arith.constant 8 : i32
          %mul3A_897 = arith.muli %scan3A_580, %mul3A_896 : i32
          %add3A_898 = arith.constant 5 : i32
          %add3A_899 = arith.addi %mul3A_897, %add3A_898 : i32
          %get3A_900 = arith.index_cast %add3A_899 : i32 to index
          %get3A_901 = arith.constant 16 : index
          %get3A_902 = tpu.vector_load %arg7[%get3A_900, %get3A_901] {strides = array<i32>} : memref<128x128xf32, #tpu.memory_space<vmem>>, vector<1x16xf32>,
          %get3A_903 = vector.shape_cast %get3A_902 : vector<1x16xf32> to vector<16xf32>
          %swap3A_904 = arith.constant 5 : i32
          %swap3A_905 = arith.index_cast %scan3A_580 : i32 to index
          %swap3A_906 = arith.index_cast %swap3A_904 : i32 to index
          %swap3A_907 = arith.constant 16 : index
          %swap3A_908 = tpu.vector_load %arg9[%swap3A_905, %swap3A_906, %swap3A_907] {strides = array<i32>} : memref<16x8x64xf32, #tpu.memory_space<vmem>>, vector<1x1x16xf32>,
          %swap3A_909 = vector.shape_cast %swap3A_908 : vector<1x1x16xf32> to vector<16xf32>
          %swap3A_910 = vector.shape_cast %get3A_903 : vector<16xf32> to vector<1x1x16xf32>
          tpu.vector_store %arg9[%swap3A_905, %swap3A_906, %swap3A_907], %swap3A_910 {strides = array<i32>} : memref<16x8x64xf32, #tpu.memory_space<vmem>>, vector<1x1x16xf32>,
          %mul3A_911 = arith.constant 8 : i32
          %mul3A_912 = arith.muli %scan3A_580, %mul3A_911 : i32
          %add3A_913 = arith.constant 5 : i32
          %add3A_914 = arith.addi %mul3A_912, %add3A_913 : i32
          %get3A_915 = arith.index_cast %add3A_914 : i32 to index
          %get3A_916 = arith.constant 32 : index
          %get3A_917 = tpu.vector_load %arg7[%get3A_915, %get3A_916] {strides = array<i32>} : memref<128x128xf32, #tpu.memory_space<vmem>>, vector<1x16xf32>,
          %get3A_918 = vector.shape_cast %get3A_917 : vector<1x16xf32> to vector<16xf32>
          %swap3A_919 = arith.constant 5 : i32
          %swap3A_920 = arith.index_cast %scan3A_580 : i32 to index
          %swap3A_921 = arith.index_cast %swap3A_919 : i32 to index
          %swap3A_922 = arith.constant 32 : index
          %swap3A_923 = tpu.vector_load %arg9[%swap3A_920, %swap3A_921, %swap3A_922] {strides = array<i32>} : memref<16x8x64xf32, #tpu.memory_space<vmem>>, vector<1x1x16xf32>,
          %swap3A_924 = vector.shape_cast %swap3A_923 : vector<1x1x16xf32> to vector<16xf32>
          %swap3A_925 = vector.shape_cast %get3A_918 : vector<16xf32> to vector<1x1x16xf32>
          tpu.vector_store %arg9[%swap3A_920, %swap3A_921, %swap3A_922], %swap3A_925 {strides = array<i32>} : memref<16x8x64xf32, #tpu.memory_space<vmem>>, vector<1x1x16xf32>,
          %mul3A_926 = arith.constant 8 : i32
          %mul3A_927 = arith.muli %scan3A_580, %mul3A_926 : i32
          %add3A_928 = arith.constant 5 : i32
          %add3A_929 = arith.addi %mul3A_927, %add3A_928 : i32
          %get3A_930 = arith.index_cast %add3A_929 : i32 to index
          %get3A_931 = arith.constant 48 : index
          %get3A_932 = tpu.vector_load %arg7[%get3A_930, %get3A_931] {strides = array<i32>} : memref<128x128xf32, #tpu.memory_space<vmem>>, vector<1x16xf32>,
          %get3A_933 = vector.shape_cast %get3A_932 : vector<1x16xf32> to vector<16xf32>
          %swap3A_934 = arith.constant 5 : i32
          %swap3A_935 = arith.index_cast %scan3A_580 : i32 to index
          %swap3A_936 = arith.index_cast %swap3A_934 : i32 to index
          %swap3A_937 = arith.constant 48 : index
          %swap3A_938 = tpu.vector_load %arg9[%swap3A_935, %swap3A_936, %swap3A_937] {strides = array<i32>} : memref<16x8x64xf32, #tpu.memory_space<vmem>>, vector<1x1x16xf32>,
          %swap3A_939 = vector.shape_cast %swap3A_938 : vector<1x1x16xf32> to vector<16xf32>
          %swap3A_940 = vector.shape_cast %get3A_933 : vector<16xf32> to vector<1x1x16xf32>
          tpu.vector_store %arg9[%swap3A_935, %swap3A_936, %swap3A_937], %swap3A_940 {strides = array<i32>} : memref<16x8x64xf32, #tpu.memory_space<vmem>>, vector<1x1x16xf32>,
          %mul3A_941 = arith.constant 8 : i32
          %mul3A_942 = arith.muli %scan3A_580, %mul3A_941 : i32
          %add3A_943 = arith.constant 6 : i32
          %add3A_944 = arith.addi %mul3A_942, %add3A_943 : i32
          %get3A_945 = arith.index_cast %add3A_944 : i32 to index
          %get3A_946 = arith.constant 0 : index
          %get3A_947 = tpu.vector_load %arg7[%get3A_945, %get3A_946] {strides = array<i32>} : memref<128x128xf32, #tpu.memory_space<vmem>>, vector<1x16xf32>,
          %get3A_948 = vector.shape_cast %get3A_947 : vector<1x16xf32> to vector<16xf32>
          %swap3A_949 = arith.constant 6 : i32
          %swap3A_950 = arith.index_cast %scan3A_580 : i32 to index
          %swap3A_951 = arith.index_cast %swap3A_949 : i32 to index
          %swap3A_952 = arith.constant 0 : index
          %swap3A_953 = tpu.vector_load %arg9[%swap3A_950, %swap3A_951, %swap3A_952] {strides = array<i32>} : memref<16x8x64xf32, #tpu.memory_space<vmem>>, vector<1x1x16xf32>,
          %swap3A_954 = vector.shape_cast %swap3A_953 : vector<1x1x16xf32> to vector<16xf32>
          %swap3A_955 = vector.shape_cast %get3A_948 : vector<16xf32> to vector<1x1x16xf32>
          tpu.vector_store %arg9[%swap3A_950, %swap3A_951, %swap3A_952], %swap3A_955 {strides = array<i32>} : memref<16x8x64xf32, #tpu.memory_space<vmem>>, vector<1x1x16xf32>,
          %mul3A_956 = arith.constant 8 : i32
          %mul3A_957 = arith.muli %scan3A_580, %mul3A_956 : i32
          %add3A_958 = arith.constant 6 : i32
          %add3A_959 = arith.addi %mul3A_957, %add3A_958 : i32
          %get3A_960 = arith.index_cast %add3A_959 : i32 to index
          %get3A_961 = arith.constant 16 : index
          %get3A_962 = tpu.vector_load %arg7[%get3A_960, %get3A_961] {strides = array<i32>} : memref<128x128xf32, #tpu.memory_space<vmem>>, vector<1x16xf32>,
          %get3A_963 = vector.shape_cast %get3A_962 : vector<1x16xf32> to vector<16xf32>
          %swap3A_964 = arith.constant 6 : i32
          %swap3A_965 = arith.index_cast %scan3A_580 : i32 to index
          %swap3A_966 = arith.index_cast %swap3A_964 : i32 to index
          %swap3A_967 = arith.constant 16 : index
          %swap3A_968 = tpu.vector_load %arg9[%swap3A_965, %swap3A_966, %swap3A_967] {strides = array<i32>} : memref<16x8x64xf32, #tpu.memory_space<vmem>>, vector<1x1x16xf32>,
          %swap3A_969 = vector.shape_cast %swap3A_968 : vector<1x1x16xf32> to vector<16xf32>
          %swap3A_970 = vector.shape_cast %get3A_963 : vector<16xf32> to vector<1x1x16xf32>
          tpu.vector_store %arg9[%swap3A_965, %swap3A_966, %swap3A_967], %swap3A_970 {strides = array<i32>} : memref<16x8x64xf32, #tpu.memory_space<vmem>>, vector<1x1x16xf32>,
          %mul3A_971 = arith.constant 8 : i32
          %mul3A_972 = arith.muli %scan3A_580, %mul3A_971 : i32
          %add3A_973 = arith.constant 6 : i32
          %add3A_974 = arith.addi %mul3A_972, %add3A_973 : i32
          %get3A_975 = arith.index_cast %add3A_974 : i32 to index
          %get3A_976 = arith.constant 32 : index
          %get3A_977 = tpu.vector_load %arg7[%get3A_975, %get3A_976] {strides = array<i32>} : memref<128x128xf32, #tpu.memory_space<vmem>>, vector<1x16xf32>,
          %get3A_978 = vector.shape_cast %get3A_977 : vector<1x16xf32> to vector<16xf32>
          %swap3A_979 = arith.constant 6 : i32
          %swap3A_980 = arith.index_cast %scan3A_580 : i32 to index
          %swap3A_981 = arith.index_cast %swap3A_979 : i32 to index
          %swap3A_982 = arith.constant 32 : index
          %swap3A_983 = tpu.vector_load %arg9[%swap3A_980, %swap3A_981, %swap3A_982] {strides = array<i32>} : memref<16x8x64xf32, #tpu.memory_space<vmem>>, vector<1x1x16xf32>,
          %swap3A_984 = vector.shape_cast %swap3A_983 : vector<1x1x16xf32> to vector<16xf32>
          %swap3A_985 = vector.shape_cast %get3A_978 : vector<16xf32> to vector<1x1x16xf32>
          tpu.vector_store %arg9[%swap3A_980, %swap3A_981, %swap3A_982], %swap3A_985 {strides = array<i32>} : memref<16x8x64xf32, #tpu.memory_space<vmem>>, vector<1x1x16xf32>,
          %mul3A_986 = arith.constant 8 : i32
          %mul3A_987 = arith.muli %scan3A_580, %mul3A_986 : i32
          %add3A_988 = arith.constant 6 : i32
          %add3A_989 = arith.addi %mul3A_987, %add3A_988 : i32
          %get3A_990 = arith.index_cast %add3A_989 : i32 to index
          %get3A_991 = arith.constant 48 : index
          %get3A_992 = tpu.vector_load %arg7[%get3A_990, %get3A_991] {strides = array<i32>} : memref<128x128xf32, #tpu.memory_space<vmem>>, vector<1x16xf32>,
          %get3A_993 = vector.shape_cast %get3A_992 : vector<1x16xf32> to vector<16xf32>
          %swap3A_994 = arith.constant 6 : i32
          %swap3A_995 = arith.index_cast %scan3A_580 : i32 to index
          %swap3A_996 = arith.index_cast %swap3A_994 : i32 to index
          %swap3A_997 = arith.constant 48 : index
          %swap3A_998 = tpu.vector_load %arg9[%swap3A_995, %swap3A_996, %swap3A_997] {strides = array<i32>} : memref<16x8x64xf32, #tpu.memory_space<vmem>>, vector<1x1x16xf32>,
          %swap3A_999 = vector.shape_cast %swap3A_998 : vector<1x1x16xf32> to vector<16xf32>
          %swap3A_1000 = vector.shape_cast %get3A_993 : vector<16xf32> to vector<1x1x16xf32>
          tpu.vector_store %arg9[%swap3A_995, %swap3A_996, %swap3A_997], %swap3A_1000 {strides = array<i32>} : memref<16x8x64xf32, #tpu.memory_space<vmem>>, vector<1x1x16xf32>,
          %mul3A_1001 = arith.constant 8 : i32
          %mul3A_1002 = arith.muli %scan3A_580, %mul3A_1001 : i32
          %add3A_1003 = arith.constant 7 : i32
          %add3A_1004 = arith.addi %mul3A_1002, %add3A_1003 : i32
          %get3A_1005 = arith.index_cast %add3A_1004 : i32 to index
          %get3A_1006 = arith.constant 0 : index
          %get3A_1007 = tpu.vector_load %arg7[%get3A_1005, %get3A_1006] {strides = array<i32>} : memref<128x128xf32, #tpu.memory_space<vmem>>, vector<1x16xf32>,
          %get3A_1008 = vector.shape_cast %get3A_1007 : vector<1x16xf32> to vector<16xf32>
          %swap3A_1009 = arith.constant 7 : i32
          %swap3A_1010 = arith.index_cast %scan3A_580 : i32 to index
          %swap3A_1011 = arith.index_cast %swap3A_1009 : i32 to index
          %swap3A_1012 = arith.constant 0 : index
          %swap3A_1013 = tpu.vector_load %arg9[%swap3A_1010, %swap3A_1011, %swap3A_1012] {strides = array<i32>} : memref<16x8x64xf32, #tpu.memory_space<vmem>>, vector<1x1x16xf32>,
          %swap3A_1014 = vector.shape_cast %swap3A_1013 : vector<1x1x16xf32> to vector<16xf32>
          %swap3A_1015 = vector.shape_cast %get3A_1008 : vector<16xf32> to vector<1x1x16xf32>
          tpu.vector_store %arg9[%swap3A_1010, %swap3A_1011, %swap3A_1012], %swap3A_1015 {strides = array<i32>} : memref<16x8x64xf32, #tpu.memory_space<vmem>>, vector<1x1x16xf32>,
          %mul3A_1016 = arith.constant 8 : i32
          %mul3A_1017 = arith.muli %scan3A_580, %mul3A_1016 : i32
          %add3A_1018 = arith.constant 7 : i32
          %add3A_1019 = arith.addi %mul3A_1017, %add3A_1018 : i32
          %get3A_1020 = arith.index_cast %add3A_1019 : i32 to index
          %get3A_1021 = arith.constant 16 : index
          %get3A_1022 = tpu.vector_load %arg7[%get3A_1020, %get3A_1021] {strides = array<i32>} : memref<128x128xf32, #tpu.memory_space<vmem>>, vector<1x16xf32>,
          %get3A_1023 = vector.shape_cast %get3A_1022 : vector<1x16xf32> to vector<16xf32>
          %swap3A_1024 = arith.constant 7 : i32
          %swap3A_1025 = arith.index_cast %scan3A_580 : i32 to index
          %swap3A_1026 = arith.index_cast %swap3A_1024 : i32 to index
          %swap3A_1027 = arith.constant 16 : index
          %swap3A_1028 = tpu.vector_load %arg9[%swap3A_1025, %swap3A_1026, %swap3A_1027] {strides = array<i32>} : memref<16x8x64xf32, #tpu.memory_space<vmem>>, vector<1x1x16xf32>,
          %swap3A_1029 = vector.shape_cast %swap3A_1028 : vector<1x1x16xf32> to vector<16xf32>
          %swap3A_1030 = vector.shape_cast %get3A_1023 : vector<16xf32> to vector<1x1x16xf32>
          tpu.vector_store %arg9[%swap3A_1025, %swap3A_1026, %swap3A_1027], %swap3A_1030 {strides = array<i32>} : memref<16x8x64xf32, #tpu.memory_space<vmem>>, vector<1x1x16xf32>,
          %mul3A_1031 = arith.constant 8 : i32
          %mul3A_1032 = arith.muli %scan3A_580, %mul3A_1031 : i32
          %add3A_1033 = arith.constant 7 : i32
          %add3A_1034 = arith.addi %mul3A_1032, %add3A_1033 : i32
          %get3A_1035 = arith.index_cast %add3A_1034 : i32 to index
          %get3A_1036 = arith.constant 32 : index
          %get3A_1037 = tpu.vector_load %arg7[%get3A_1035, %get3A_1036] {strides = array<i32>} : memref<128x128xf32, #tpu.memory_space<vmem>>, vector<1x16xf32>,
          %get3A_1038 = vector.shape_cast %get3A_1037 : vector<1x16xf32> to vector<16xf32>
          %swap3A_1039 = arith.constant 7 : i32
          %swap3A_1040 = arith.index_cast %scan3A_580 : i32 to index
          %swap3A_1041 = arith.index_cast %swap3A_1039 : i32 to index
          %swap3A_1042 = arith.constant 32 : index
          %swap3A_1043 = tpu.vector_load %arg9[%swap3A_1040, %swap3A_1041, %swap3A_1042] {strides = array<i32>} : memref<16x8x64xf32, #tpu.memory_space<vmem>>, vector<1x1x16xf32>,
          %swap3A_1044 = vector.shape_cast %swap3A_1043 : vector<1x1x16xf32> to vector<16xf32>
          %swap3A_1045 = vector.shape_cast %get3A_1038 : vector<16xf32> to vector<1x1x16xf32>
          tpu.vector_store %arg9[%swap3A_1040, %swap3A_1041, %swap3A_1042], %swap3A_1045 {strides = array<i32>} : memref<16x8x64xf32, #tpu.memory_space<vmem>>, vector<1x1x16xf32>,
          %mul3A_1046 = arith.constant 8 : i32
          %mul3A_1047 = arith.muli %scan3A_580, %mul3A_1046 : i32
          %add3A_1048 = arith.constant 7 : i32
          %add3A_1049 = arith.addi %mul3A_1047, %add3A_1048 : i32
          %get3A_1050 = arith.index_cast %add3A_1049 : i32 to index
          %get3A_1051 = arith.constant 48 : index
          %get3A_1052 = tpu.vector_load %arg7[%get3A_1050, %get3A_1051] {strides = array<i32>} : memref<128x128xf32, #tpu.memory_space<vmem>>, vector<1x16xf32>,
          %get3A_1053 = vector.shape_cast %get3A_1052 : vector<1x16xf32> to vector<16xf32>
          %swap3A_1054 = arith.constant 7 : i32
          %swap3A_1055 = arith.index_cast %scan3A_580 : i32 to index
          %swap3A_1056 = arith.index_cast %swap3A_1054 : i32 to index
          %swap3A_1057 = arith.constant 48 : index
          %swap3A_1058 = tpu.vector_load %arg9[%swap3A_1055, %swap3A_1056, %swap3A_1057] {strides = array<i32>} : memref<16x8x64xf32, #tpu.memory_space<vmem>>, vector<1x1x16xf32>,
          %swap3A_1059 = vector.shape_cast %swap3A_1058 : vector<1x1x16xf32> to vector<16xf32>
          %swap3A_1060 = vector.shape_cast %get3A_1053 : vector<16xf32> to vector<1x1x16xf32>
          tpu.vector_store %arg9[%swap3A_1055, %swap3A_1056, %swap3A_1057], %swap3A_1060 {strides = array<i32>} : memref<16x8x64xf32, #tpu.memory_space<vmem>>, vector<1x1x16xf32>,
        }
        %scan3A_570 = arith.constant 16 : i32
        %mul3A_571 = arith.constant 16 : i32
        %mul3A_572 = arith.muli %add3A_398, %mul3A_571 : i32
        %add3A_573 = arith.addi %mul3A_2, %mul3A_572 : i32
        %dma_start3A_574 = arith.constant 0 : i32
        %dma_start3A_575 = arith.constant 0 : i32
        %dma_start3A_576 = tpu.memref_slice %arg4[%add3A_573, %dma_start3A_574, %dma_start3A_575] : memref<102400x8x64xf32, #tpu.memory_space<hbm>> -> memref<16x8x64xf32, #tpu.memory_space<hbm>>
        %dma_start3A_577 = arith.constant 0 : i32
        %dma_start3A_578 = arith.constant 0 : i32
        %dma_start3A_579 = tpu.memref_slice %arg4[%add3A_573, %dma_start3A_577, %dma_start3A_578] : memref<102400x8x64xf32, #tpu.memory_space<hbm>> -> memref<16x8x64xf32, #tpu.memory_space<hbm>>
        tpu.enqueue_dma source(%arg9 : memref<16x8x64xf32, #tpu.memory_space<vmem>>) target(%dma_start3A_579 : memref<16x8x64xf32, #tpu.memory_space<hbm>>) target_semaphore(%arg14 : memref<!tpu.dma_semaphore, #tpu.memory_space<semaphore_mem>>)
      } else {
      }
      %eq3A_211 = arith.constant 99 : i32
      %eq3A_212 = arith.cmpi eq, %scan3A_201, %eq3A_211 : i32
      %convert_element_type3A_213 = arith.extui %eq3A_212 : i1 to i32
      %cond3A_214 = arith.constant 0 : i32
      %cond3A_215 = arith.cmpi ne, %convert_element_type3A_213, %cond3A_214 : i32
      scf.if %cond3A_215 {
        %dma_wait3A_216 = arith.constant 0 : i32
        %dma_wait3A_217 = arith.constant 0 : i32
        %dma_wait3A_218 = tpu.memref_slice %arg2[%dma_wait3A_216, %dma_wait3A_217] : memref<200001x128xf32, #tpu.memory_space<hbm>> -> memref<128x128xf32, #tpu.memory_space<hbm>>
        %dma_wait3A_219 = arith.constant 0 : i32
        %dma_wait3A_220 = arith.constant 0 : i32
        %dma_wait3A_221 = tpu.memref_slice %arg2[%dma_wait3A_219, %dma_wait3A_220] : memref<200001x128xf32, #tpu.memory_space<hbm>> -> memref<128x128xf32, #tpu.memory_space<hbm>>
        tpu.wait_dma2 semaphore(%arg11 : memref<!tpu.dma_semaphore, #tpu.memory_space<semaphore_mem>>) src(%dma_wait3A_221 : memref<128x128xf32, #tpu.memory_space<hbm>>) dst(%arg6 : memref<128x128xf32, #tpu.memory_space<vmem>>)
        %dma_wait3A_222 = arith.constant 0 : i32
        %dma_wait3A_223 = arith.constant 0 : i32
        %dma_wait3A_224 = arith.constant 0 : i32
        %dma_wait3A_225 = tpu.memref_slice %arg4[%dma_wait3A_222, %dma_wait3A_223, %dma_wait3A_224] : memref<102400x8x64xf32, #tpu.memory_space<hbm>> -> memref<16x8x64xf32, #tpu.memory_space<hbm>>
        %dma_wait3A_226 = arith.constant 0 : i32
        %dma_wait3A_227 = arith.constant 0 : i32
        %dma_wait3A_228 = arith.constant 0 : i32
        %dma_wait3A_229 = tpu.memref_slice %arg4[%dma_wait3A_226, %dma_wait3A_227, %dma_wait3A_228] : memref<102400x8x64xf32, #tpu.memory_space<hbm>> -> memref<16x8x64xf32, #tpu.memory_space<hbm>>
        tpu.wait_dma2 semaphore(%arg13 : memref<!tpu.dma_semaphore, #tpu.memory_space<semaphore_mem>>) src(%arg8 : memref<16x8x64xf32, #tpu.memory_space<vmem>>) dst(%dma_wait3A_229 : memref<16x8x64xf32, #tpu.memory_space<hbm>>)
        %add3A_230 = arith.constant 1 : i32
        %add3A_231 = arith.addi %mul3A_203, %add3A_230 : i32
        %get3A_232 = arith.index_cast %add3A_231 : i32 to index
        %get3A_233 = arith.constant 0 : index
        %get3A_234 = tpu.vector_load %arg5[%get3A_232, %get3A_233] {strides = array<i32>} : memref<200x128xi32, #tpu.memory_space<vmem>>, vector<1x16xi32>,
        %get3A_235 = vector.shape_cast %get3A_234 : vector<1x16xi32> to vector<16xi32>
        %max3A_236 = arith.constant -100000 : i32
        %max3A_237 = vector.broadcast %max3A_236 : i32 to vector<16xi32>
        %max3A_238 = arith.maxsi %get3A_235, %max3A_237 : vector<16xi32>
        %min3A_239 = arith.constant 100000 : i32
        %min3A_240 = vector.broadcast %min3A_239 : i32 to vector<16xi32>
        %min3A_241 = arith.minsi %max3A_238, %min3A_240 : vector<16xi32>
        %add3A_242 = arith.constant 100000 : i32
        %add3A_243 = vector.broadcast %add3A_242 : i32 to vector<16xi32>
        %add3A_244 = arith.addi %min3A_241, %add3A_243 : vector<16xi32>
        %swap3A_245 = arith.index_cast %add3A_231 : i32 to index
        %swap3A_246 = arith.constant 0 : index
        %swap3A_247 = tpu.vector_load %arg5[%swap3A_245, %swap3A_246] {strides = array<i32>} : memref<200x128xi32, #tpu.memory_space<vmem>>, vector<1x16xi32>,
        %swap3A_248 = vector.shape_cast %swap3A_247 : vector<1x16xi32> to vector<16xi32>
        %swap3A_249 = vector.shape_cast %add3A_244 : vector<16xi32> to vector<1x16xi32>
        tpu.vector_store %arg5[%swap3A_245, %swap3A_246], %swap3A_249 {strides = array<i32>} : memref<200x128xi32, #tpu.memory_space<vmem>>, vector<1x16xi32>,
        %get3A_250 = arith.index_cast %add3A_231 : i32 to index
        %get3A_251 = arith.constant 16 : index
        %get3A_252 = tpu.vector_load %arg5[%get3A_250, %get3A_251] {strides = array<i32>} : memref<200x128xi32, #tpu.memory_space<vmem>>, vector<1x16xi32>,
        %get3A_253 = vector.shape_cast %get3A_252 : vector<1x16xi32> to vector<16xi32>
        %max3A_254 = arith.constant -100000 : i32
        %max3A_255 = vector.broadcast %max3A_254 : i32 to vector<16xi32>
        %max3A_256 = arith.maxsi %get3A_253, %max3A_255 : vector<16xi32>
        %min3A_257 = arith.constant 100000 : i32
        %min3A_258 = vector.broadcast %min3A_257 : i32 to vector<16xi32>
        %min3A_259 = arith.minsi %max3A_256, %min3A_258 : vector<16xi32>
        %add3A_260 = arith.constant 100000 : i32
        %add3A_261 = vector.broadcast %add3A_260 : i32 to vector<16xi32>
        %add3A_262 = arith.addi %min3A_259, %add3A_261 : vector<16xi32>
        %swap3A_263 = arith.index_cast %add3A_231 : i32 to index
        %swap3A_264 = arith.constant 16 : index
        %swap3A_265 = tpu.vector_load %arg5[%swap3A_263, %swap3A_264] {strides = array<i32>} : memref<200x128xi32, #tpu.memory_space<vmem>>, vector<1x16xi32>,
        %swap3A_266 = vector.shape_cast %swap3A_265 : vector<1x16xi32> to vector<16xi32>
        %swap3A_267 = vector.shape_cast %add3A_262 : vector<16xi32> to vector<1x16xi32>
        tpu.vector_store %arg5[%swap3A_263, %swap3A_264], %swap3A_267 {strides = array<i32>} : memref<200x128xi32, #tpu.memory_space<vmem>>, vector<1x16xi32>,
        %get3A_268 = arith.index_cast %add3A_231 : i32 to index
        %get3A_269 = arith.constant 32 : index
        %get3A_270 = tpu.vector_load %arg5[%get3A_268, %get3A_269] {strides = array<i32>} : memref<200x128xi32, #tpu.memory_space<vmem>>, vector<1x16xi32>,
        %get3A_271 = vector.shape_cast %get3A_270 : vector<1x16xi32> to vector<16xi32>
        %max3A_272 = arith.constant -100000 : i32
        %max3A_273 = vector.broadcast %max3A_272 : i32 to vector<16xi32>
        %max3A_274 = arith.maxsi %get3A_271, %max3A_273 : vector<16xi32>
        %min3A_275 = arith.constant 100000 : i32
        %min3A_276 = vector.broadcast %min3A_275 : i32 to vector<16xi32>
        %min3A_277 = arith.minsi %max3A_274, %min3A_276 : vector<16xi32>
        %add3A_278 = arith.constant 100000 : i32
        %add3A_279 = vector.broadcast %add3A_278 : i32 to vector<16xi32>
        %add3A_280 = arith.addi %min3A_277, %add3A_279 : vector<16xi32>
        %swap3A_281 = arith.index_cast %add3A_231 : i32 to index
        %swap3A_282 = arith.constant 32 : index
        %swap3A_283 = tpu.vector_load %arg5[%swap3A_281, %swap3A_282] {strides = array<i32>} : memref<200x128xi32, #tpu.memory_space<vmem>>, vector<1x16xi32>,
        %swap3A_284 = vector.shape_cast %swap3A_283 : vector<1x16xi32> to vector<16xi32>
        %swap3A_285 = vector.shape_cast %add3A_280 : vector<16xi32> to vector<1x16xi32>
        tpu.vector_store %arg5[%swap3A_281, %swap3A_282], %swap3A_285 {strides = array<i32>} : memref<200x128xi32, #tpu.memory_space<vmem>>, vector<1x16xi32>,
        %get3A_286 = arith.index_cast %add3A_231 : i32 to index
        %get3A_287 = arith.constant 48 : index
        %get3A_288 = tpu.vector_load %arg5[%get3A_286, %get3A_287] {strides = array<i32>} : memref<200x128xi32, #tpu.memory_space<vmem>>, vector<1x16xi32>,
        %get3A_289 = vector.shape_cast %get3A_288 : vector<1x16xi32> to vector<16xi32>
        %max3A_290 = arith.constant -100000 : i32
        %max3A_291 = vector.broadcast %max3A_290 : i32 to vector<16xi32>
        %max3A_292 = arith.maxsi %get3A_289, %max3A_291 : vector<16xi32>
        %min3A_293 = arith.constant 100000 : i32
        %min3A_294 = vector.broadcast %min3A_293 : i32 to vector<16xi32>
        %min3A_295 = arith.minsi %max3A_292, %min3A_294 : vector<16xi32>
        %add3A_296 = arith.constant 100000 : i32
        %add3A_297 = vector.broadcast %add3A_296 : i32 to vector<16xi32>
        %add3A_298 = arith.addi %min3A_295, %add3A_297 : vector<16xi32>
        %swap3A_299 = arith.index_cast %add3A_231 : i32 to index
        %swap3A_300 = arith.constant 48 : index
        %swap3A_301 = tpu.vector_load %arg5[%swap3A_299, %swap3A_300] {strides = array<i32>} : memref<200x128xi32, #tpu.memory_space<vmem>>, vector<1x16xi32>,
        %swap3A_302 = vector.shape_cast %swap3A_301 : vector<1x16xi32> to vector<16xi32>
        %swap3A_303 = vector.shape_cast %add3A_298 : vector<16xi32> to vector<1x16xi32>
        tpu.vector_store %arg5[%swap3A_299, %swap3A_300], %swap3A_303 {strides = array<i32>} : memref<200x128xi32, #tpu.memory_space<vmem>>, vector<1x16xi32>,
        %get3A_304 = arith.index_cast %add3A_231 : i32 to index
        %get3A_305 = arith.constant 64 : index
        %get3A_306 = tpu.vector_load %arg5[%get3A_304, %get3A_305] {strides = array<i32>} : memref<200x128xi32, #tpu.memory_space<vmem>>, vector<1x16xi32>,
        %get3A_307 = vector.shape_cast %get3A_306 : vector<1x16xi32> to vector<16xi32>
        %max3A_308 = arith.constant -100000 : i32
        %max3A_309 = vector.broadcast %max3A_308 : i32 to vector<16xi32>
        %max3A_310 = arith.maxsi %get3A_307, %max3A_309 : vector<16xi32>
        %min3A_311 = arith.constant 100000 : i32
        %min3A_312 = vector.broadcast %min3A_311 : i32 to vector<16xi32>
        %min3A_313 = arith.minsi %max3A_310, %min3A_312 : vector<16xi32>
        %add3A_314 = arith.constant 100000 : i32
        %add3A_315 = vector.broadcast %add3A_314 : i32 to vector<16xi32>
        %add3A_316 = arith.addi %min3A_313, %add3A_315 : vector<16xi32>
        %swap3A_317 = arith.index_cast %add3A_231 : i32 to index
        %swap3A_318 = arith.constant 64 : index
        %swap3A_319 = tpu.vector_load %arg5[%swap3A_317, %swap3A_318] {strides = array<i32>} : memref<200x128xi32, #tpu.memory_space<vmem>>, vector<1x16xi32>,
        %swap3A_320 = vector.shape_cast %swap3A_319 : vector<1x16xi32> to vector<16xi32>
        %swap3A_321 = vector.shape_cast %add3A_316 : vector<16xi32> to vector<1x16xi32>
        tpu.vector_store %arg5[%swap3A_317, %swap3A_318], %swap3A_321 {strides = array<i32>} : memref<200x128xi32, #tpu.memory_space<vmem>>, vector<1x16xi32>,
        %get3A_322 = arith.index_cast %add3A_231 : i32 to index
        %get3A_323 = arith.constant 80 : index
        %get3A_324 = tpu.vector_load %arg5[%get3A_322, %get3A_323] {strides = array<i32>} : memref<200x128xi32, #tpu.memory_space<vmem>>, vector<1x16xi32>,
        %get3A_325 = vector.shape_cast %get3A_324 : vector<1x16xi32> to vector<16xi32>
        %max3A_326 = arith.constant -100000 : i32
        %max3A_327 = vector.broadcast %max3A_326 : i32 to vector<16xi32>
        %max3A_328 = arith.maxsi %get3A_325, %max3A_327 : vector<16xi32>
        %min3A_329 = arith.constant 100000 : i32
        %min3A_330 = vector.broadcast %min3A_329 : i32 to vector<16xi32>
        %min3A_331 = arith.minsi %max3A_328, %min3A_330 : vector<16xi32>
        %add3A_332 = arith.constant 100000 : i32
        %add3A_333 = vector.broadcast %add3A_332 : i32 to vector<16xi32>
        %add3A_334 = arith.addi %min3A_331, %add3A_333 : vector<16xi32>
        %swap3A_335 = arith.index_cast %add3A_231 : i32 to index
        %swap3A_336 = arith.constant 80 : index
        %swap3A_337 = tpu.vector_load %arg5[%swap3A_335, %swap3A_336] {strides = array<i32>} : memref<200x128xi32, #tpu.memory_space<vmem>>, vector<1x16xi32>,
        %swap3A_338 = vector.shape_cast %swap3A_337 : vector<1x16xi32> to vector<16xi32>
        %swap3A_339 = vector.shape_cast %add3A_334 : vector<16xi32> to vector<1x16xi32>
        tpu.vector_store %arg5[%swap3A_335, %swap3A_336], %swap3A_339 {strides = array<i32>} : memref<200x128xi32, #tpu.memory_space<vmem>>, vector<1x16xi32>,
        %get3A_340 = arith.index_cast %add3A_231 : i32 to index
        %get3A_341 = arith.constant 96 : index
        %get3A_342 = tpu.vector_load %arg5[%get3A_340, %get3A_341] {strides = array<i32>} : memref<200x128xi32, #tpu.memory_space<vmem>>, vector<1x16xi32>,
        %get3A_343 = vector.shape_cast %get3A_342 : vector<1x16xi32> to vector<16xi32>
        %max3A_344 = arith.constant -100000 : i32
        %max3A_345 = vector.broadcast %max3A_344 : i32 to vector<16xi32>
        %max3A_346 = arith.maxsi %get3A_343, %max3A_345 : vector<16xi32>
        %min3A_347 = arith.constant 100000 : i32
        %min3A_348 = vector.broadcast %min3A_347 : i32 to vector<16xi32>
        %min3A_349 = arith.minsi %max3A_346, %min3A_348 : vector<16xi32>
        %add3A_350 = arith.constant 100000 : i32
        %add3A_351 = vector.broadcast %add3A_350 : i32 to vector<16xi32>
        %add3A_352 = arith.addi %min3A_349, %add3A_351 : vector<16xi32>
        %swap3A_353 = arith.index_cast %add3A_231 : i32 to index
        %swap3A_354 = arith.constant 96 : index
        %swap3A_355 = tpu.vector_load %arg5[%swap3A_353, %swap3A_354] {strides = array<i32>} : memref<200x128xi32, #tpu.memory_space<vmem>>, vector<1x16xi32>,
        %swap3A_356 = vector.shape_cast %swap3A_355 : vector<1x16xi32> to vector<16xi32>
        %swap3A_357 = vector.shape_cast %add3A_352 : vector<16xi32> to vector<1x16xi32>
        tpu.vector_store %arg5[%swap3A_353, %swap3A_354], %swap3A_357 {strides = array<i32>} : memref<200x128xi32, #tpu.memory_space<vmem>>, vector<1x16xi32>,
        %get3A_358 = arith.index_cast %add3A_231 : i32 to index
        %get3A_359 = arith.constant 112 : index
        %get3A_360 = tpu.vector_load %arg5[%get3A_358, %get3A_359] {strides = array<i32>} : memref<200x128xi32, #tpu.memory_space<vmem>>, vector<1x16xi32>,
        %get3A_361 = vector.shape_cast %get3A_360 : vector<1x16xi32> to vector<16xi32>
        %max3A_362 = arith.constant -100000 : i32
        %max3A_363 = vector.broadcast %max3A_362 : i32 to vector<16xi32>
        %max3A_364 = arith.maxsi %get3A_361, %max3A_363 : vector<16xi32>
        %min3A_365 = arith.constant 100000 : i32
        %min3A_366 = vector.broadcast %min3A_365 : i32 to vector<16xi32>
        %min3A_367 = arith.minsi %max3A_364, %min3A_366 : vector<16xi32>
        %add3A_368 = arith.constant 100000 : i32
        %add3A_369 = vector.broadcast %add3A_368 : i32 to vector<16xi32>
        %add3A_370 = arith.addi %min3A_367, %add3A_369 : vector<16xi32>
        %swap3A_371 = arith.index_cast %add3A_231 : i32 to index
        %swap3A_372 = arith.constant 112 : index
        %swap3A_373 = tpu.vector_load %arg5[%swap3A_371, %swap3A_372] {strides = array<i32>} : memref<200x128xi32, #tpu.memory_space<vmem>>, vector<1x16xi32>,
        %swap3A_374 = vector.shape_cast %swap3A_373 : vector<1x16xi32> to vector<16xi32>
        %swap3A_375 = vector.shape_cast %add3A_370 : vector<16xi32> to vector<1x16xi32>
        tpu.vector_store %arg5[%swap3A_371, %swap3A_372], %swap3A_375 {strides = array<i32>} : memref<200x128xi32, #tpu.memory_space<vmem>>, vector<1x16xi32>,
        %dma_start3A_376 = arith.constant 0 : i32
        %dma_start3A_377 = tpu.memref_slice %arg5[%add3A_231, %dma_start3A_376] : memref<200x128xi32, #tpu.memory_space<vmem>> -> memref<1x128xi32, #tpu.memory_space<vmem>>
        %dma_start3A_378 = tpu.memref_squeeze %dma_start3A_377 : memref<1x128xi32, #tpu.memory_space<vmem>> -> memref<128xi32, #tpu.memory_space<vmem>>
        %dma_start3A_379 = arith.constant 0 : i32
        %dma_start3A_380 = arith.constant 0 : i32
        %dma_start3A_381 = tpu.memref_slice %arg2[%dma_start3A_379, %dma_start3A_380] : memref<200001x128xf32, #tpu.memory_space<hbm>> -> memref<200001x128xf32, #tpu.memory_space<hbm>>
        tpu.enqueue_indirect_dma source(%dma_start3A_381 : memref<200001x128xf32, #tpu.memory_space<hbm>>) target(%arg7 : memref<128x128xf32, #tpu.memory_space<vmem>>) offsets(%dma_start3A_378 : memref<128xi32, #tpu.memory_space<vmem>>) semaphore(%arg12 : memref<!tpu.dma_semaphore, #tpu.memory_space<semaphore_mem>>)
        %scan3A_382 = arith.constant 0 : i32
        %scan3A_383 = arith.constant 0 : i32
        %scan3A_384 = arith.constant 16 : i32
        %scan3A_385 = arith.addi %scan3A_383, %scan3A_384 : i32
        %scan3A_386 = arith.constant 1 : i32
        scf.for %scan3A_428 = %scan3A_383 to %scan3A_385 step %scan3A_386  : i32 {
          %mul3A_429 = arith.constant 8 : i32
          %mul3A_430 = arith.muli %scan3A_428, %mul3A_429 : i32
          %add3A_431 = arith.constant 0 : i32
          %add3A_432 = arith.addi %mul3A_430, %add3A_431 : i32
          %get3A_433 = arith.index_cast %add3A_432 : i32 to index
          %get3A_434 = arith.constant 0 : index
          %get3A_435 = tpu.vector_load %arg6[%get3A_433, %get3A_434] {strides = array<i32>} : memref<128x128xf32, #tpu.memory_space<vmem>>, vector<1x16xf32>,
          %get3A_436 = vector.shape_cast %get3A_435 : vector<1x16xf32> to vector<16xf32>
          %swap3A_437 = arith.constant 0 : i32
          %swap3A_438 = arith.index_cast %scan3A_428 : i32 to index
          %swap3A_439 = arith.index_cast %swap3A_437 : i32 to index
          %swap3A_440 = arith.constant 0 : index
          %swap3A_441 = tpu.vector_load %arg8[%swap3A_438, %swap3A_439, %swap3A_440] {strides = array<i32>} : memref<16x8x64xf32, #tpu.memory_space<vmem>>, vector<1x1x16xf32>,
          %swap3A_442 = vector.shape_cast %swap3A_441 : vector<1x1x16xf32> to vector<16xf32>
          %swap3A_443 = vector.shape_cast %get3A_436 : vector<16xf32> to vector<1x1x16xf32>
          tpu.vector_store %arg8[%swap3A_438, %swap3A_439, %swap3A_440], %swap3A_443 {strides = array<i32>} : memref<16x8x64xf32, #tpu.memory_space<vmem>>, vector<1x1x16xf32>,
          %mul3A_444 = arith.constant 8 : i32
          %mul3A_445 = arith.muli %scan3A_428, %mul3A_444 : i32
          %add3A_446 = arith.constant 0 : i32
          %add3A_447 = arith.addi %mul3A_445, %add3A_446 : i32
          %get3A_448 = arith.index_cast %add3A_447 : i32 to index
          %get3A_449 = arith.constant 16 : index
          %get3A_450 = tpu.vector_load %arg6[%get3A_448, %get3A_449] {strides = array<i32>} : memref<128x128xf32, #tpu.memory_space<vmem>>, vector<1x16xf32>,
          %get3A_451 = vector.shape_cast %get3A_450 : vector<1x16xf32> to vector<16xf32>
          %swap3A_452 = arith.constant 0 : i32
          %swap3A_453 = arith.index_cast %scan3A_428 : i32 to index
          %swap3A_454 = arith.index_cast %swap3A_452 : i32 to index
          %swap3A_455 = arith.constant 16 : index
          %swap3A_456 = tpu.vector_load %arg8[%swap3A_453, %swap3A_454, %swap3A_455] {strides = array<i32>} : memref<16x8x64xf32, #tpu.memory_space<vmem>>, vector<1x1x16xf32>,
          %swap3A_457 = vector.shape_cast %swap3A_456 : vector<1x1x16xf32> to vector<16xf32>
          %swap3A_458 = vector.shape_cast %get3A_451 : vector<16xf32> to vector<1x1x16xf32>
          tpu.vector_store %arg8[%swap3A_453, %swap3A_454, %swap3A_455], %swap3A_458 {strides = array<i32>} : memref<16x8x64xf32, #tpu.memory_space<vmem>>, vector<1x1x16xf32>,
          %mul3A_459 = arith.constant 8 : i32
          %mul3A_460 = arith.muli %scan3A_428, %mul3A_459 : i32
          %add3A_461 = arith.constant 0 : i32
          %add3A_462 = arith.addi %mul3A_460, %add3A_461 : i32
          %get3A_463 = arith.index_cast %add3A_462 : i32 to index
          %get3A_464 = arith.constant 32 : index
          %get3A_465 = tpu.vector_load %arg6[%get3A_463, %get3A_464] {strides = array<i32>} : memref<128x128xf32, #tpu.memory_space<vmem>>, vector<1x16xf32>,
          %get3A_466 = vector.shape_cast %get3A_465 : vector<1x16xf32> to vector<16xf32>
          %swap3A_467 = arith.constant 0 : i32
          %swap3A_468 = arith.index_cast %scan3A_428 : i32 to index
          %swap3A_469 = arith.index_cast %swap3A_467 : i32 to index
          %swap3A_470 = arith.constant 32 : index
          %swap3A_471 = tpu.vector_load %arg8[%swap3A_468, %swap3A_469, %swap3A_470] {strides = array<i32>} : memref<16x8x64xf32, #tpu.memory_space<vmem>>, vector<1x1x16xf32>,
          %swap3A_472 = vector.shape_cast %swap3A_471 : vector<1x1x16xf32> to vector<16xf32>
          %swap3A_473 = vector.shape_cast %get3A_466 : vector<16xf32> to vector<1x1x16xf32>
          tpu.vector_store %arg8[%swap3A_468, %swap3A_469, %swap3A_470], %swap3A_473 {strides = array<i32>} : memref<16x8x64xf32, #tpu.memory_space<vmem>>, vector<1x1x16xf32>,
          %mul3A_474 = arith.constant 8 : i32
          %mul3A_475 = arith.muli %scan3A_428, %mul3A_474 : i32
          %add3A_476 = arith.constant 0 : i32
          %add3A_477 = arith.addi %mul3A_475, %add3A_476 : i32
          %get3A_478 = arith.index_cast %add3A_477 : i32 to index
          %get3A_479 = arith.constant 48 : index
          %get3A_480 = tpu.vector_load %arg6[%get3A_478, %get3A_479] {strides = array<i32>} : memref<128x128xf32, #tpu.memory_space<vmem>>, vector<1x16xf32>,
          %get3A_481 = vector.shape_cast %get3A_480 : vector<1x16xf32> to vector<16xf32>
          %swap3A_482 = arith.constant 0 : i32
          %swap3A_483 = arith.index_cast %scan3A_428 : i32 to index
          %swap3A_484 = arith.index_cast %swap3A_482 : i32 to index
          %swap3A_485 = arith.constant 48 : index
          %swap3A_486 = tpu.vector_load %arg8[%swap3A_483, %swap3A_484, %swap3A_485] {strides = array<i32>} : memref<16x8x64xf32, #tpu.memory_space<vmem>>, vector<1x1x16xf32>,
          %swap3A_487 = vector.shape_cast %swap3A_486 : vector<1x1x16xf32> to vector<16xf32>
          %swap3A_488 = vector.shape_cast %get3A_481 : vector<16xf32> to vector<1x1x16xf32>
          tpu.vector_store %arg8[%swap3A_483, %swap3A_484, %swap3A_485], %swap3A_488 {strides = array<i32>} : memref<16x8x64xf32, #tpu.memory_space<vmem>>, vector<1x1x16xf32>,
          %mul3A_489 = arith.constant 8 : i32
          %mul3A_490 = arith.muli %scan3A_428, %mul3A_489 : i32
          %add3A_491 = arith.constant 1 : i32
          %add3A_492 = arith.addi %mul3A_490, %add3A_491 : i32
          %get3A_493 = arith.index_cast %add3A_492 : i32 to index
          %get3A_494 = arith.constant 0 : index
          %get3A_495 = tpu.vector_load %arg6[%get3A_493, %get3A_494] {strides = array<i32>} : memref<128x128xf32, #tpu.memory_space<vmem>>, vector<1x16xf32>,
          %get3A_496 = vector.shape_cast %get3A_495 : vector<1x16xf32> to vector<16xf32>
          %swap3A_497 = arith.constant 1 : i32
          %swap3A_498 = arith.index_cast %scan3A_428 : i32 to index
          %swap3A_499 = arith.index_cast %swap3A_497 : i32 to index
          %swap3A_500 = arith.constant 0 : index
          %swap3A_501 = tpu.vector_load %arg8[%swap3A_498, %swap3A_499, %swap3A_500] {strides = array<i32>} : memref<16x8x64xf32, #tpu.memory_space<vmem>>, vector<1x1x16xf32>,
          %swap3A_502 = vector.shape_cast %swap3A_501 : vector<1x1x16xf32> to vector<16xf32>
          %swap3A_503 = vector.shape_cast %get3A_496 : vector<16xf32> to vector<1x1x16xf32>
          tpu.vector_store %arg8[%swap3A_498, %swap3A_499, %swap3A_500], %swap3A_503 {strides = array<i32>} : memref<16x8x64xf32, #tpu.memory_space<vmem>>, vector<1x1x16xf32>,
          %mul3A_504 = arith.constant 8 : i32
          %mul3A_505 = arith.muli %scan3A_428, %mul3A_504 : i32
          %add3A_506 = arith.constant 1 : i32
          %add3A_507 = arith.addi %mul3A_505, %add3A_506 : i32
          %get3A_508 = arith.index_cast %add3A_507 : i32 to index
          %get3A_509 = arith.constant 16 : index
          %get3A_510 = tpu.vector_load %arg6[%get3A_508, %get3A_509] {strides = array<i32>} : memref<128x128xf32, #tpu.memory_space<vmem>>, vector<1x16xf32>,
          %get3A_511 = vector.shape_cast %get3A_510 : vector<1x16xf32> to vector<16xf32>
          %swap3A_512 = arith.constant 1 : i32
          %swap3A_513 = arith.index_cast %scan3A_428 : i32 to index
          %swap3A_514 = arith.index_cast %swap3A_512 : i32 to index
          %swap3A_515 = arith.constant 16 : index
          %swap3A_516 = tpu.vector_load %arg8[%swap3A_513, %swap3A_514, %swap3A_515] {strides = array<i32>} : memref<16x8x64xf32, #tpu.memory_space<vmem>>, vector<1x1x16xf32>,
          %swap3A_517 = vector.shape_cast %swap3A_516 : vector<1x1x16xf32> to vector<16xf32>
          %swap3A_518 = vector.shape_cast %get3A_511 : vector<16xf32> to vector<1x1x16xf32>
          tpu.vector_store %arg8[%swap3A_513, %swap3A_514, %swap3A_515], %swap3A_518 {strides = array<i32>} : memref<16x8x64xf32, #tpu.memory_space<vmem>>, vector<1x1x16xf32>,
          %mul3A_519 = arith.constant 8 : i32
          %mul3A_520 = arith.muli %scan3A_428, %mul3A_519 : i32
          %add3A_521 = arith.constant 1 : i32
          %add3A_522 = arith.addi %mul3A_520, %add3A_521 : i32
          %get3A_523 = arith.index_cast %add3A_522 : i32 to index
          %get3A_524 = arith.constant 32 : index
          %get3A_525 = tpu.vector_load %arg6[%get3A_523, %get3A_524] {strides = array<i32>} : memref<128x128xf32, #tpu.memory_space<vmem>>, vector<1x16xf32>,
          %get3A_526 = vector.shape_cast %get3A_525 : vector<1x16xf32> to vector<16xf32>
          %swap3A_527 = arith.constant 1 : i32
          %swap3A_528 = arith.index_cast %scan3A_428 : i32 to index
          %swap3A_529 = arith.index_cast %swap3A_527 : i32 to index
          %swap3A_530 = arith.constant 32 : index
          %swap3A_531 = tpu.vector_load %arg8[%swap3A_528, %swap3A_529, %swap3A_530] {strides = array<i32>} : memref<16x8x64xf32, #tpu.memory_space<vmem>>, vector<1x1x16xf32>,
          %swap3A_532 = vector.shape_cast %swap3A_531 : vector<1x1x16xf32> to vector<16xf32>
          %swap3A_533 = vector.shape_cast %get3A_526 : vector<16xf32> to vector<1x1x16xf32>
          tpu.vector_store %arg8[%swap3A_528, %swap3A_529, %swap3A_530], %swap3A_533 {strides = array<i32>} : memref<16x8x64xf32, #tpu.memory_space<vmem>>, vector<1x1x16xf32>,
          %mul3A_534 = arith.constant 8 : i32
          %mul3A_535 = arith.muli %scan3A_428, %mul3A_534 : i32
          %add3A_536 = arith.constant 1 : i32
          %add3A_537 = arith.addi %mul3A_535, %add3A_536 : i32
          %get3A_538 = arith.index_cast %add3A_537 : i32 to index
          %get3A_539 = arith.constant 48 : index
          %get3A_540 = tpu.vector_load %arg6[%get3A_538, %get3A_539] {strides = array<i32>} : memref<128x128xf32, #tpu.memory_space<vmem>>, vector<1x16xf32>,
          %get3A_541 = vector.shape_cast %get3A_540 : vector<1x16xf32> to vector<16xf32>
          %swap3A_542 = arith.constant 1 : i32
          %swap3A_543 = arith.index_cast %scan3A_428 : i32 to index
          %swap3A_544 = arith.index_cast %swap3A_542 : i32 to index
          %swap3A_545 = arith.constant 48 : index
          %swap3A_546 = tpu.vector_load %arg8[%swap3A_543, %swap3A_544, %swap3A_545] {strides = array<i32>} : memref<16x8x64xf32, #tpu.memory_space<vmem>>, vector<1x1x16xf32>,
          %swap3A_547 = vector.shape_cast %swap3A_546 : vector<1x1x16xf32> to vector<16xf32>
          %swap3A_548 = vector.shape_cast %get3A_541 : vector<16xf32> to vector<1x1x16xf32>
          tpu.vector_store %arg8[%swap3A_543, %swap3A_544, %swap3A_545], %swap3A_548 {strides = array<i32>} : memref<16x8x64xf32, #tpu.memory_space<vmem>>, vector<1x1x16xf32>,
          %mul3A_549 = arith.constant 8 : i32
          %mul3A_550 = arith.muli %scan3A_428, %mul3A_549 : i32
          %add3A_551 = arith.constant 2 : i32
          %add3A_552 = arith.addi %mul3A_550, %add3A_551 : i32
          %get3A_553 = arith.index_cast %add3A_552 : i32 to index
          %get3A_554 = arith.constant 0 : index
          %get3A_555 = tpu.vector_load %arg6[%get3A_553, %get3A_554] {strides = array<i32>} : memref<128x128xf32, #tpu.memory_space<vmem>>, vector<1x16xf32>,
          %get3A_556 = vector.shape_cast %get3A_555 : vector<1x16xf32> to vector<16xf32>
          %swap3A_557 = arith.constant 2 : i32
          %swap3A_558 = arith.index_cast %scan3A_428 : i32 to index
          %swap3A_559 = arith.index_cast %swap3A_557 : i32 to index
          %swap3A_560 = arith.constant 0 : index
          %swap3A_561 = tpu.vector_load %arg8[%swap3A_558, %swap3A_559, %swap3A_560] {strides = array<i32>} : memref<16x8x64xf32, #tpu.memory_space<vmem>>, vector<1x1x16xf32>,
          %swap3A_562 = vector.shape_cast %swap3A_561 : vector<1x1x16xf32> to vector<16xf32>
          %swap3A_563 = vector.shape_cast %get3A_556 : vector<16xf32> to vector<1x1x16xf32>
          tpu.vector_store %arg8[%swap3A_558, %swap3A_559, %swap3A_560], %swap3A_563 {strides = array<i32>} : memref<16x8x64xf32, #tpu.memory_space<vmem>>, vector<1x1x16xf32>,
          %mul3A_564 = arith.constant 8 : i32
          %mul3A_565 = arith.muli %scan3A_428, %mul3A_564 : i32
          %add3A_566 = arith.constant 2 : i32
          %add3A_567 = arith.addi %mul3A_565, %add3A_566 : i32
          %get3A_568 = arith.index_cast %add3A_567 : i32 to index
          %get3A_569 = arith.constant 16 : index
          %get3A_570 = tpu.vector_load %arg6[%get3A_568, %get3A_569] {strides = array<i32>} : memref<128x128xf32, #tpu.memory_space<vmem>>, vector<1x16xf32>,
          %get3A_571 = vector.shape_cast %get3A_570 : vector<1x16xf32> to vector<16xf32>
          %swap3A_572 = arith.constant 2 : i32
          %swap3A_573 = arith.index_cast %scan3A_428 : i32 to index
          %swap3A_574 = arith.index_cast %swap3A_572 : i32 to index
          %swap3A_575 = arith.constant 16 : index
          %swap3A_576 = tpu.vector_load %arg8[%swap3A_573, %swap3A_574, %swap3A_575] {strides = array<i32>} : memref<16x8x64xf32, #tpu.memory_space<vmem>>, vector<1x1x16xf32>,
          %swap3A_577 = vector.shape_cast %swap3A_576 : vector<1x1x16xf32> to vector<16xf32>
          %swap3A_578 = vector.shape_cast %get3A_571 : vector<16xf32> to vector<1x1x16xf32>
          tpu.vector_store %arg8[%swap3A_573, %swap3A_574, %swap3A_575], %swap3A_578 {strides = array<i32>} : memref<16x8x64xf32, #tpu.memory_space<vmem>>, vector<1x1x16xf32>,
          %mul3A_579 = arith.constant 8 : i32
          %mul3A_580 = arith.muli %scan3A_428, %mul3A_579 : i32
          %add3A_581 = arith.constant 2 : i32
          %add3A_582 = arith.addi %mul3A_580, %add3A_581 : i32
          %get3A_583 = arith.index_cast %add3A_582 : i32 to index
          %get3A_584 = arith.constant 32 : index
          %get3A_585 = tpu.vector_load %arg6[%get3A_583, %get3A_584] {strides = array<i32>} : memref<128x128xf32, #tpu.memory_space<vmem>>, vector<1x16xf32>,
          %get3A_586 = vector.shape_cast %get3A_585 : vector<1x16xf32> to vector<16xf32>
          %swap3A_587 = arith.constant 2 : i32
          %swap3A_588 = arith.index_cast %scan3A_428 : i32 to index
          %swap3A_589 = arith.index_cast %swap3A_587 : i32 to index
          %swap3A_590 = arith.constant 32 : index
          %swap3A_591 = tpu.vector_load %arg8[%swap3A_588, %swap3A_589, %swap3A_590] {strides = array<i32>} : memref<16x8x64xf32, #tpu.memory_space<vmem>>, vector<1x1x16xf32>,
          %swap3A_592 = vector.shape_cast %swap3A_591 : vector<1x1x16xf32> to vector<16xf32>
          %swap3A_593 = vector.shape_cast %get3A_586 : vector<16xf32> to vector<1x1x16xf32>
          tpu.vector_store %arg8[%swap3A_588, %swap3A_589, %swap3A_590], %swap3A_593 {strides = array<i32>} : memref<16x8x64xf32, #tpu.memory_space<vmem>>, vector<1x1x16xf32>,
          %mul3A_594 = arith.constant 8 : i32
          %mul3A_595 = arith.muli %scan3A_428, %mul3A_594 : i32
          %add3A_596 = arith.constant 2 : i32
          %add3A_597 = arith.addi %mul3A_595, %add3A_596 : i32
          %get3A_598 = arith.index_cast %add3A_597 : i32 to index
          %get3A_599 = arith.constant 48 : index
          %get3A_600 = tpu.vector_load %arg6[%get3A_598, %get3A_599] {strides = array<i32>} : memref<128x128xf32, #tpu.memory_space<vmem>>, vector<1x16xf32>,
          %get3A_601 = vector.shape_cast %get3A_600 : vector<1x16xf32> to vector<16xf32>
          %swap3A_602 = arith.constant 2 : i32
          %swap3A_603 = arith.index_cast %scan3A_428 : i32 to index
          %swap3A_604 = arith.index_cast %swap3A_602 : i32 to index
          %swap3A_605 = arith.constant 48 : index
          %swap3A_606 = tpu.vector_load %arg8[%swap3A_603, %swap3A_604, %swap3A_605] {strides = array<i32>} : memref<16x8x64xf32, #tpu.memory_space<vmem>>, vector<1x1x16xf32>,
          %swap3A_607 = vector.shape_cast %swap3A_606 : vector<1x1x16xf32> to vector<16xf32>
          %swap3A_608 = vector.shape_cast %get3A_601 : vector<16xf32> to vector<1x1x16xf32>
          tpu.vector_store %arg8[%swap3A_603, %swap3A_604, %swap3A_605], %swap3A_608 {strides = array<i32>} : memref<16x8x64xf32, #tpu.memory_space<vmem>>, vector<1x1x16xf32>,
          %mul3A_609 = arith.constant 8 : i32
          %mul3A_610 = arith.muli %scan3A_428, %mul3A_609 : i32
          %add3A_611 = arith.constant 3 : i32
          %add3A_612 = arith.addi %mul3A_610, %add3A_611 : i32
          %get3A_613 = arith.index_cast %add3A_612 : i32 to index
          %get3A_614 = arith.constant 0 : index
          %get3A_615 = tpu.vector_load %arg6[%get3A_613, %get3A_614] {strides = array<i32>} : memref<128x128xf32, #tpu.memory_space<vmem>>, vector<1x16xf32>,
          %get3A_616 = vector.shape_cast %get3A_615 : vector<1x16xf32> to vector<16xf32>
          %swap3A_617 = arith.constant 3 : i32
          %swap3A_618 = arith.index_cast %scan3A_428 : i32 to index
          %swap3A_619 = arith.index_cast %swap3A_617 : i32 to index
          %swap3A_620 = arith.constant 0 : index
          %swap3A_621 = tpu.vector_load %arg8[%swap3A_618, %swap3A_619, %swap3A_620] {strides = array<i32>} : memref<16x8x64xf32, #tpu.memory_space<vmem>>, vector<1x1x16xf32>,
          %swap3A_622 = vector.shape_cast %swap3A_621 : vector<1x1x16xf32> to vector<16xf32>
          %swap3A_623 = vector.shape_cast %get3A_616 : vector<16xf32> to vector<1x1x16xf32>
          tpu.vector_store %arg8[%swap3A_618, %swap3A_619, %swap3A_620], %swap3A_623 {strides = array<i32>} : memref<16x8x64xf32, #tpu.memory_space<vmem>>, vector<1x1x16xf32>,
          %mul3A_624 = arith.constant 8 : i32
          %mul3A_625 = arith.muli %scan3A_428, %mul3A_624 : i32
          %add3A_626 = arith.constant 3 : i32
          %add3A_627 = arith.addi %mul3A_625, %add3A_626 : i32
          %get3A_628 = arith.index_cast %add3A_627 : i32 to index
          %get3A_629 = arith.constant 16 : index
          %get3A_630 = tpu.vector_load %arg6[%get3A_628, %get3A_629] {strides = array<i32>} : memref<128x128xf32, #tpu.memory_space<vmem>>, vector<1x16xf32>,
          %get3A_631 = vector.shape_cast %get3A_630 : vector<1x16xf32> to vector<16xf32>
          %swap3A_632 = arith.constant 3 : i32
          %swap3A_633 = arith.index_cast %scan3A_428 : i32 to index
          %swap3A_634 = arith.index_cast %swap3A_632 : i32 to index
          %swap3A_635 = arith.constant 16 : index
          %swap3A_636 = tpu.vector_load %arg8[%swap3A_633, %swap3A_634, %swap3A_635] {strides = array<i32>} : memref<16x8x64xf32, #tpu.memory_space<vmem>>, vector<1x1x16xf32>,
          %swap3A_637 = vector.shape_cast %swap3A_636 : vector<1x1x16xf32> to vector<16xf32>
          %swap3A_638 = vector.shape_cast %get3A_631 : vector<16xf32> to vector<1x1x16xf32>
          tpu.vector_store %arg8[%swap3A_633, %swap3A_634, %swap3A_635], %swap3A_638 {strides = array<i32>} : memref<16x8x64xf32, #tpu.memory_space<vmem>>, vector<1x1x16xf32>,
          %mul3A_639 = arith.constant 8 : i32
          %mul3A_640 = arith.muli %scan3A_428, %mul3A_639 : i32
          %add3A_641 = arith.constant 3 : i32
          %add3A_642 = arith.addi %mul3A_640, %add3A_641 : i32
          %get3A_643 = arith.index_cast %add3A_642 : i32 to index
          %get3A_644 = arith.constant 32 : index
          %get3A_645 = tpu.vector_load %arg6[%get3A_643, %get3A_644] {strides = array<i32>} : memref<128x128xf32, #tpu.memory_space<vmem>>, vector<1x16xf32>,
          %get3A_646 = vector.shape_cast %get3A_645 : vector<1x16xf32> to vector<16xf32>
          %swap3A_647 = arith.constant 3 : i32
          %swap3A_648 = arith.index_cast %scan3A_428 : i32 to index
          %swap3A_649 = arith.index_cast %swap3A_647 : i32 to index
          %swap3A_650 = arith.constant 32 : index
          %swap3A_651 = tpu.vector_load %arg8[%swap3A_648, %swap3A_649, %swap3A_650] {strides = array<i32>} : memref<16x8x64xf32, #tpu.memory_space<vmem>>, vector<1x1x16xf32>,
          %swap3A_652 = vector.shape_cast %swap3A_651 : vector<1x1x16xf32> to vector<16xf32>
          %swap3A_653 = vector.shape_cast %get3A_646 : vector<16xf32> to vector<1x1x16xf32>
          tpu.vector_store %arg8[%swap3A_648, %swap3A_649, %swap3A_650], %swap3A_653 {strides = array<i32>} : memref<16x8x64xf32, #tpu.memory_space<vmem>>, vector<1x1x16xf32>,
          %mul3A_654 = arith.constant 8 : i32
          %mul3A_655 = arith.muli %scan3A_428, %mul3A_654 : i32
          %add3A_656 = arith.constant 3 : i32
          %add3A_657 = arith.addi %mul3A_655, %add3A_656 : i32
          %get3A_658 = arith.index_cast %add3A_657 : i32 to index
          %get3A_659 = arith.constant 48 : index
          %get3A_660 = tpu.vector_load %arg6[%get3A_658, %get3A_659] {strides = array<i32>} : memref<128x128xf32, #tpu.memory_space<vmem>>, vector<1x16xf32>,
          %get3A_661 = vector.shape_cast %get3A_660 : vector<1x16xf32> to vector<16xf32>
          %swap3A_662 = arith.constant 3 : i32
          %swap3A_663 = arith.index_cast %scan3A_428 : i32 to index
          %swap3A_664 = arith.index_cast %swap3A_662 : i32 to index
          %swap3A_665 = arith.constant 48 : index
          %swap3A_666 = tpu.vector_load %arg8[%swap3A_663, %swap3A_664, %swap3A_665] {strides = array<i32>} : memref<16x8x64xf32, #tpu.memory_space<vmem>>, vector<1x1x16xf32>,
          %swap3A_667 = vector.shape_cast %swap3A_666 : vector<1x1x16xf32> to vector<16xf32>
          %swap3A_668 = vector.shape_cast %get3A_661 : vector<16xf32> to vector<1x1x16xf32>
          tpu.vector_store %arg8[%swap3A_663, %swap3A_664, %swap3A_665], %swap3A_668 {strides = array<i32>} : memref<16x8x64xf32, #tpu.memory_space<vmem>>, vector<1x1x16xf32>,
          %mul3A_669 = arith.constant 8 : i32
          %mul3A_670 = arith.muli %scan3A_428, %mul3A_669 : i32
          %add3A_671 = arith.constant 4 : i32
          %add3A_672 = arith.addi %mul3A_670, %add3A_671 : i32
          %get3A_673 = arith.index_cast %add3A_672 : i32 to index
          %get3A_674 = arith.constant 0 : index
          %get3A_675 = tpu.vector_load %arg6[%get3A_673, %get3A_674] {strides = array<i32>} : memref<128x128xf32, #tpu.memory_space<vmem>>, vector<1x16xf32>,
          %get3A_676 = vector.shape_cast %get3A_675 : vector<1x16xf32> to vector<16xf32>
          %swap3A_677 = arith.constant 4 : i32
          %swap3A_678 = arith.index_cast %scan3A_428 : i32 to index
          %swap3A_679 = arith.index_cast %swap3A_677 : i32 to index
          %swap3A_680 = arith.constant 0 : index
          %swap3A_681 = tpu.vector_load %arg8[%swap3A_678, %swap3A_679, %swap3A_680] {strides = array<i32>} : memref<16x8x64xf32, #tpu.memory_space<vmem>>, vector<1x1x16xf32>,
          %swap3A_682 = vector.shape_cast %swap3A_681 : vector<1x1x16xf32> to vector<16xf32>
          %swap3A_683 = vector.shape_cast %get3A_676 : vector<16xf32> to vector<1x1x16xf32>
          tpu.vector_store %arg8[%swap3A_678, %swap3A_679, %swap3A_680], %swap3A_683 {strides = array<i32>} : memref<16x8x64xf32, #tpu.memory_space<vmem>>, vector<1x1x16xf32>,
          %mul3A_684 = arith.constant 8 : i32
          %mul3A_685 = arith.muli %scan3A_428, %mul3A_684 : i32
          %add3A_686 = arith.constant 4 : i32
          %add3A_687 = arith.addi %mul3A_685, %add3A_686 : i32
          %get3A_688 = arith.index_cast %add3A_687 : i32 to index
          %get3A_689 = arith.constant 16 : index
          %get3A_690 = tpu.vector_load %arg6[%get3A_688, %get3A_689] {strides = array<i32>} : memref<128x128xf32, #tpu.memory_space<vmem>>, vector<1x16xf32>,
          %get3A_691 = vector.shape_cast %get3A_690 : vector<1x16xf32> to vector<16xf32>
          %swap3A_692 = arith.constant 4 : i32
          %swap3A_693 = arith.index_cast %scan3A_428 : i32 to index
          %swap3A_694 = arith.index_cast %swap3A_692 : i32 to index
          %swap3A_695 = arith.constant 16 : index
          %swap3A_696 = tpu.vector_load %arg8[%swap3A_693, %swap3A_694, %swap3A_695] {strides = array<i32>} : memref<16x8x64xf32, #tpu.memory_space<vmem>>, vector<1x1x16xf32>,
          %swap3A_697 = vector.shape_cast %swap3A_696 : vector<1x1x16xf32> to vector<16xf32>
          %swap3A_698 = vector.shape_cast %get3A_691 : vector<16xf32> to vector<1x1x16xf32>
          tpu.vector_store %arg8[%swap3A_693, %swap3A_694, %swap3A_695], %swap3A_698 {strides = array<i32>} : memref<16x8x64xf32, #tpu.memory_space<vmem>>, vector<1x1x16xf32>,
          %mul3A_699 = arith.constant 8 : i32
          %mul3A_700 = arith.muli %scan3A_428, %mul3A_699 : i32
          %add3A_701 = arith.constant 4 : i32
          %add3A_702 = arith.addi %mul3A_700, %add3A_701 : i32
          %get3A_703 = arith.index_cast %add3A_702 : i32 to index
          %get3A_704 = arith.constant 32 : index
          %get3A_705 = tpu.vector_load %arg6[%get3A_703, %get3A_704] {strides = array<i32>} : memref<128x128xf32, #tpu.memory_space<vmem>>, vector<1x16xf32>,
          %get3A_706 = vector.shape_cast %get3A_705 : vector<1x16xf32> to vector<16xf32>
          %swap3A_707 = arith.constant 4 : i32
          %swap3A_708 = arith.index_cast %scan3A_428 : i32 to index
          %swap3A_709 = arith.index_cast %swap3A_707 : i32 to index
          %swap3A_710 = arith.constant 32 : index
          %swap3A_711 = tpu.vector_load %arg8[%swap3A_708, %swap3A_709, %swap3A_710] {strides = array<i32>} : memref<16x8x64xf32, #tpu.memory_space<vmem>>, vector<1x1x16xf32>,
          %swap3A_712 = vector.shape_cast %swap3A_711 : vector<1x1x16xf32> to vector<16xf32>
          %swap3A_713 = vector.shape_cast %get3A_706 : vector<16xf32> to vector<1x1x16xf32>
          tpu.vector_store %arg8[%swap3A_708, %swap3A_709, %swap3A_710], %swap3A_713 {strides = array<i32>} : memref<16x8x64xf32, #tpu.memory_space<vmem>>, vector<1x1x16xf32>,
          %mul3A_714 = arith.constant 8 : i32
          %mul3A_715 = arith.muli %scan3A_428, %mul3A_714 : i32
          %add3A_716 = arith.constant 4 : i32
          %add3A_717 = arith.addi %mul3A_715, %add3A_716 : i32
          %get3A_718 = arith.index_cast %add3A_717 : i32 to index
          %get3A_719 = arith.constant 48 : index
          %get3A_720 = tpu.vector_load %arg6[%get3A_718, %get3A_719] {strides = array<i32>} : memref<128x128xf32, #tpu.memory_space<vmem>>, vector<1x16xf32>,
          %get3A_721 = vector.shape_cast %get3A_720 : vector<1x16xf32> to vector<16xf32>
          %swap3A_722 = arith.constant 4 : i32
          %swap3A_723 = arith.index_cast %scan3A_428 : i32 to index
          %swap3A_724 = arith.index_cast %swap3A_722 : i32 to index
          %swap3A_725 = arith.constant 48 : index
          %swap3A_726 = tpu.vector_load %arg8[%swap3A_723, %swap3A_724, %swap3A_725] {strides = array<i32>} : memref<16x8x64xf32, #tpu.memory_space<vmem>>, vector<1x1x16xf32>,
          %swap3A_727 = vector.shape_cast %swap3A_726 : vector<1x1x16xf32> to vector<16xf32>
          %swap3A_728 = vector.shape_cast %get3A_721 : vector<16xf32> to vector<1x1x16xf32>
          tpu.vector_store %arg8[%swap3A_723, %swap3A_724, %swap3A_725], %swap3A_728 {strides = array<i32>} : memref<16x8x64xf32, #tpu.memory_space<vmem>>, vector<1x1x16xf32>,
          %mul3A_729 = arith.constant 8 : i32
          %mul3A_730 = arith.muli %scan3A_428, %mul3A_729 : i32
          %add3A_731 = arith.constant 5 : i32
          %add3A_732 = arith.addi %mul3A_730, %add3A_731 : i32
          %get3A_733 = arith.index_cast %add3A_732 : i32 to index
          %get3A_734 = arith.constant 0 : index
          %get3A_735 = tpu.vector_load %arg6[%get3A_733, %get3A_734] {strides = array<i32>} : memref<128x128xf32, #tpu.memory_space<vmem>>, vector<1x16xf32>,
          %get3A_736 = vector.shape_cast %get3A_735 : vector<1x16xf32> to vector<16xf32>
          %swap3A_737 = arith.constant 5 : i32
          %swap3A_738 = arith.index_cast %scan3A_428 : i32 to index
          %swap3A_739 = arith.index_cast %swap3A_737 : i32 to index
          %swap3A_740 = arith.constant 0 : index
          %swap3A_741 = tpu.vector_load %arg8[%swap3A_738, %swap3A_739, %swap3A_740] {strides = array<i32>} : memref<16x8x64xf32, #tpu.memory_space<vmem>>, vector<1x1x16xf32>,
          %swap3A_742 = vector.shape_cast %swap3A_741 : vector<1x1x16xf32> to vector<16xf32>
          %swap3A_743 = vector.shape_cast %get3A_736 : vector<16xf32> to vector<1x1x16xf32>
          tpu.vector_store %arg8[%swap3A_738, %swap3A_739, %swap3A_740], %swap3A_743 {strides = array<i32>} : memref<16x8x64xf32, #tpu.memory_space<vmem>>, vector<1x1x16xf32>,
          %mul3A_744 = arith.constant 8 : i32
          %mul3A_745 = arith.muli %scan3A_428, %mul3A_744 : i32
          %add3A_746 = arith.constant 5 : i32
          %add3A_747 = arith.addi %mul3A_745, %add3A_746 : i32
          %get3A_748 = arith.index_cast %add3A_747 : i32 to index
          %get3A_749 = arith.constant 16 : index
          %get3A_750 = tpu.vector_load %arg6[%get3A_748, %get3A_749] {strides = array<i32>} : memref<128x128xf32, #tpu.memory_space<vmem>>, vector<1x16xf32>,
          %get3A_751 = vector.shape_cast %get3A_750 : vector<1x16xf32> to vector<16xf32>
          %swap3A_752 = arith.constant 5 : i32
          %swap3A_753 = arith.index_cast %scan3A_428 : i32 to index
          %swap3A_754 = arith.index_cast %swap3A_752 : i32 to index
          %swap3A_755 = arith.constant 16 : index
          %swap3A_756 = tpu.vector_load %arg8[%swap3A_753, %swap3A_754, %swap3A_755] {strides = array<i32>} : memref<16x8x64xf32, #tpu.memory_space<vmem>>, vector<1x1x16xf32>,
          %swap3A_757 = vector.shape_cast %swap3A_756 : vector<1x1x16xf32> to vector<16xf32>
          %swap3A_758 = vector.shape_cast %get3A_751 : vector<16xf32> to vector<1x1x16xf32>
          tpu.vector_store %arg8[%swap3A_753, %swap3A_754, %swap3A_755], %swap3A_758 {strides = array<i32>} : memref<16x8x64xf32, #tpu.memory_space<vmem>>, vector<1x1x16xf32>,
          %mul3A_759 = arith.constant 8 : i32
          %mul3A_760 = arith.muli %scan3A_428, %mul3A_759 : i32
          %add3A_761 = arith.constant 5 : i32
          %add3A_762 = arith.addi %mul3A_760, %add3A_761 : i32
          %get3A_763 = arith.index_cast %add3A_762 : i32 to index
          %get3A_764 = arith.constant 32 : index
          %get3A_765 = tpu.vector_load %arg6[%get3A_763, %get3A_764] {strides = array<i32>} : memref<128x128xf32, #tpu.memory_space<vmem>>, vector<1x16xf32>,
          %get3A_766 = vector.shape_cast %get3A_765 : vector<1x16xf32> to vector<16xf32>
          %swap3A_767 = arith.constant 5 : i32
          %swap3A_768 = arith.index_cast %scan3A_428 : i32 to index
          %swap3A_769 = arith.index_cast %swap3A_767 : i32 to index
          %swap3A_770 = arith.constant 32 : index
          %swap3A_771 = tpu.vector_load %arg8[%swap3A_768, %swap3A_769, %swap3A_770] {strides = array<i32>} : memref<16x8x64xf32, #tpu.memory_space<vmem>>, vector<1x1x16xf32>,
          %swap3A_772 = vector.shape_cast %swap3A_771 : vector<1x1x16xf32> to vector<16xf32>
          %swap3A_773 = vector.shape_cast %get3A_766 : vector<16xf32> to vector<1x1x16xf32>
          tpu.vector_store %arg8[%swap3A_768, %swap3A_769, %swap3A_770], %swap3A_773 {strides = array<i32>} : memref<16x8x64xf32, #tpu.memory_space<vmem>>, vector<1x1x16xf32>,
          %mul3A_774 = arith.constant 8 : i32
          %mul3A_775 = arith.muli %scan3A_428, %mul3A_774 : i32
          %add3A_776 = arith.constant 5 : i32
          %add3A_777 = arith.addi %mul3A_775, %add3A_776 : i32
          %get3A_778 = arith.index_cast %add3A_777 : i32 to index
          %get3A_779 = arith.constant 48 : index
          %get3A_780 = tpu.vector_load %arg6[%get3A_778, %get3A_779] {strides = array<i32>} : memref<128x128xf32, #tpu.memory_space<vmem>>, vector<1x16xf32>,
          %get3A_781 = vector.shape_cast %get3A_780 : vector<1x16xf32> to vector<16xf32>
          %swap3A_782 = arith.constant 5 : i32
          %swap3A_783 = arith.index_cast %scan3A_428 : i32 to index
          %swap3A_784 = arith.index_cast %swap3A_782 : i32 to index
          %swap3A_785 = arith.constant 48 : index
          %swap3A_786 = tpu.vector_load %arg8[%swap3A_783, %swap3A_784, %swap3A_785] {strides = array<i32>} : memref<16x8x64xf32, #tpu.memory_space<vmem>>, vector<1x1x16xf32>,
          %swap3A_787 = vector.shape_cast %swap3A_786 : vector<1x1x16xf32> to vector<16xf32>
          %swap3A_788 = vector.shape_cast %get3A_781 : vector<16xf32> to vector<1x1x16xf32>
          tpu.vector_store %arg8[%swap3A_783, %swap3A_784, %swap3A_785], %swap3A_788 {strides = array<i32>} : memref<16x8x64xf32, #tpu.memory_space<vmem>>, vector<1x1x16xf32>,
          %mul3A_789 = arith.constant 8 : i32
          %mul3A_790 = arith.muli %scan3A_428, %mul3A_789 : i32
          %add3A_791 = arith.constant 6 : i32
          %add3A_792 = arith.addi %mul3A_790, %add3A_791 : i32
          %get3A_793 = arith.index_cast %add3A_792 : i32 to index
          %get3A_794 = arith.constant 0 : index
          %get3A_795 = tpu.vector_load %arg6[%get3A_793, %get3A_794] {strides = array<i32>} : memref<128x128xf32, #tpu.memory_space<vmem>>, vector<1x16xf32>,
          %get3A_796 = vector.shape_cast %get3A_795 : vector<1x16xf32> to vector<16xf32>
          %swap3A_797 = arith.constant 6 : i32
          %swap3A_798 = arith.index_cast %scan3A_428 : i32 to index
          %swap3A_799 = arith.index_cast %swap3A_797 : i32 to index
          %swap3A_800 = arith.constant 0 : index
          %swap3A_801 = tpu.vector_load %arg8[%swap3A_798, %swap3A_799, %swap3A_800] {strides = array<i32>} : memref<16x8x64xf32, #tpu.memory_space<vmem>>, vector<1x1x16xf32>,
          %swap3A_802 = vector.shape_cast %swap3A_801 : vector<1x1x16xf32> to vector<16xf32>
          %swap3A_803 = vector.shape_cast %get3A_796 : vector<16xf32> to vector<1x1x16xf32>
          tpu.vector_store %arg8[%swap3A_798, %swap3A_799, %swap3A_800], %swap3A_803 {strides = array<i32>} : memref<16x8x64xf32, #tpu.memory_space<vmem>>, vector<1x1x16xf32>,
          %mul3A_804 = arith.constant 8 : i32
          %mul3A_805 = arith.muli %scan3A_428, %mul3A_804 : i32
          %add3A_806 = arith.constant 6 : i32
          %add3A_807 = arith.addi %mul3A_805, %add3A_806 : i32
          %get3A_808 = arith.index_cast %add3A_807 : i32 to index
          %get3A_809 = arith.constant 16 : index
          %get3A_810 = tpu.vector_load %arg6[%get3A_808, %get3A_809] {strides = array<i32>} : memref<128x128xf32, #tpu.memory_space<vmem>>, vector<1x16xf32>,
          %get3A_811 = vector.shape_cast %get3A_810 : vector<1x16xf32> to vector<16xf32>
          %swap3A_812 = arith.constant 6 : i32
          %swap3A_813 = arith.index_cast %scan3A_428 : i32 to index
          %swap3A_814 = arith.index_cast %swap3A_812 : i32 to index
          %swap3A_815 = arith.constant 16 : index
          %swap3A_816 = tpu.vector_load %arg8[%swap3A_813, %swap3A_814, %swap3A_815] {strides = array<i32>} : memref<16x8x64xf32, #tpu.memory_space<vmem>>, vector<1x1x16xf32>,
          %swap3A_817 = vector.shape_cast %swap3A_816 : vector<1x1x16xf32> to vector<16xf32>
          %swap3A_818 = vector.shape_cast %get3A_811 : vector<16xf32> to vector<1x1x16xf32>
          tpu.vector_store %arg8[%swap3A_813, %swap3A_814, %swap3A_815], %swap3A_818 {strides = array<i32>} : memref<16x8x64xf32, #tpu.memory_space<vmem>>, vector<1x1x16xf32>,
          %mul3A_819 = arith.constant 8 : i32
          %mul3A_820 = arith.muli %scan3A_428, %mul3A_819 : i32
          %add3A_821 = arith.constant 6 : i32
          %add3A_822 = arith.addi %mul3A_820, %add3A_821 : i32
          %get3A_823 = arith.index_cast %add3A_822 : i32 to index
          %get3A_824 = arith.constant 32 : index
          %get3A_825 = tpu.vector_load %arg6[%get3A_823, %get3A_824] {strides = array<i32>} : memref<128x128xf32, #tpu.memory_space<vmem>>, vector<1x16xf32>,
          %get3A_826 = vector.shape_cast %get3A_825 : vector<1x16xf32> to vector<16xf32>
          %swap3A_827 = arith.constant 6 : i32
          %swap3A_828 = arith.index_cast %scan3A_428 : i32 to index
          %swap3A_829 = arith.index_cast %swap3A_827 : i32 to index
          %swap3A_830 = arith.constant 32 : index
          %swap3A_831 = tpu.vector_load %arg8[%swap3A_828, %swap3A_829, %swap3A_830] {strides = array<i32>} : memref<16x8x64xf32, #tpu.memory_space<vmem>>, vector<1x1x16xf32>,
          %swap3A_832 = vector.shape_cast %swap3A_831 : vector<1x1x16xf32> to vector<16xf32>
          %swap3A_833 = vector.shape_cast %get3A_826 : vector<16xf32> to vector<1x1x16xf32>
          tpu.vector_store %arg8[%swap3A_828, %swap3A_829, %swap3A_830], %swap3A_833 {strides = array<i32>} : memref<16x8x64xf32, #tpu.memory_space<vmem>>, vector<1x1x16xf32>,
          %mul3A_834 = arith.constant 8 : i32
          %mul3A_835 = arith.muli %scan3A_428, %mul3A_834 : i32
          %add3A_836 = arith.constant 6 : i32
          %add3A_837 = arith.addi %mul3A_835, %add3A_836 : i32
          %get3A_838 = arith.index_cast %add3A_837 : i32 to index
          %get3A_839 = arith.constant 48 : index
          %get3A_840 = tpu.vector_load %arg6[%get3A_838, %get3A_839] {strides = array<i32>} : memref<128x128xf32, #tpu.memory_space<vmem>>, vector<1x16xf32>,
          %get3A_841 = vector.shape_cast %get3A_840 : vector<1x16xf32> to vector<16xf32>
          %swap3A_842 = arith.constant 6 : i32
          %swap3A_843 = arith.index_cast %scan3A_428 : i32 to index
          %swap3A_844 = arith.index_cast %swap3A_842 : i32 to index
          %swap3A_845 = arith.constant 48 : index
          %swap3A_846 = tpu.vector_load %arg8[%swap3A_843, %swap3A_844, %swap3A_845] {strides = array<i32>} : memref<16x8x64xf32, #tpu.memory_space<vmem>>, vector<1x1x16xf32>,
          %swap3A_847 = vector.shape_cast %swap3A_846 : vector<1x1x16xf32> to vector<16xf32>
          %swap3A_848 = vector.shape_cast %get3A_841 : vector<16xf32> to vector<1x1x16xf32>
          tpu.vector_store %arg8[%swap3A_843, %swap3A_844, %swap3A_845], %swap3A_848 {strides = array<i32>} : memref<16x8x64xf32, #tpu.memory_space<vmem>>, vector<1x1x16xf32>,
          %mul3A_849 = arith.constant 8 : i32
          %mul3A_850 = arith.muli %scan3A_428, %mul3A_849 : i32
          %add3A_851 = arith.constant 7 : i32
          %add3A_852 = arith.addi %mul3A_850, %add3A_851 : i32
          %get3A_853 = arith.index_cast %add3A_852 : i32 to index
          %get3A_854 = arith.constant 0 : index
          %get3A_855 = tpu.vector_load %arg6[%get3A_853, %get3A_854] {strides = array<i32>} : memref<128x128xf32, #tpu.memory_space<vmem>>, vector<1x16xf32>,
          %get3A_856 = vector.shape_cast %get3A_855 : vector<1x16xf32> to vector<16xf32>
          %swap3A_857 = arith.constant 7 : i32
          %swap3A_858 = arith.index_cast %scan3A_428 : i32 to index
          %swap3A_859 = arith.index_cast %swap3A_857 : i32 to index
          %swap3A_860 = arith.constant 0 : index
          %swap3A_861 = tpu.vector_load %arg8[%swap3A_858, %swap3A_859, %swap3A_860] {strides = array<i32>} : memref<16x8x64xf32, #tpu.memory_space<vmem>>, vector<1x1x16xf32>,
          %swap3A_862 = vector.shape_cast %swap3A_861 : vector<1x1x16xf32> to vector<16xf32>
          %swap3A_863 = vector.shape_cast %get3A_856 : vector<16xf32> to vector<1x1x16xf32>
          tpu.vector_store %arg8[%swap3A_858, %swap3A_859, %swap3A_860], %swap3A_863 {strides = array<i32>} : memref<16x8x64xf32, #tpu.memory_space<vmem>>, vector<1x1x16xf32>,
          %mul3A_864 = arith.constant 8 : i32
          %mul3A_865 = arith.muli %scan3A_428, %mul3A_864 : i32
          %add3A_866 = arith.constant 7 : i32
          %add3A_867 = arith.addi %mul3A_865, %add3A_866 : i32
          %get3A_868 = arith.index_cast %add3A_867 : i32 to index
          %get3A_869 = arith.constant 16 : index
          %get3A_870 = tpu.vector_load %arg6[%get3A_868, %get3A_869] {strides = array<i32>} : memref<128x128xf32, #tpu.memory_space<vmem>>, vector<1x16xf32>,
          %get3A_871 = vector.shape_cast %get3A_870 : vector<1x16xf32> to vector<16xf32>
          %swap3A_872 = arith.constant 7 : i32
          %swap3A_873 = arith.index_cast %scan3A_428 : i32 to index
          %swap3A_874 = arith.index_cast %swap3A_872 : i32 to index
          %swap3A_875 = arith.constant 16 : index
          %swap3A_876 = tpu.vector_load %arg8[%swap3A_873, %swap3A_874, %swap3A_875] {strides = array<i32>} : memref<16x8x64xf32, #tpu.memory_space<vmem>>, vector<1x1x16xf32>,
          %swap3A_877 = vector.shape_cast %swap3A_876 : vector<1x1x16xf32> to vector<16xf32>
          %swap3A_878 = vector.shape_cast %get3A_871 : vector<16xf32> to vector<1x1x16xf32>
          tpu.vector_store %arg8[%swap3A_873, %swap3A_874, %swap3A_875], %swap3A_878 {strides = array<i32>} : memref<16x8x64xf32, #tpu.memory_space<vmem>>, vector<1x1x16xf32>,
          %mul3A_879 = arith.constant 8 : i32
          %mul3A_880 = arith.muli %scan3A_428, %mul3A_879 : i32
          %add3A_881 = arith.constant 7 : i32
          %add3A_882 = arith.addi %mul3A_880, %add3A_881 : i32
          %get3A_883 = arith.index_cast %add3A_882 : i32 to index
          %get3A_884 = arith.constant 32 : index
          %get3A_885 = tpu.vector_load %arg6[%get3A_883, %get3A_884] {strides = array<i32>} : memref<128x128xf32, #tpu.memory_space<vmem>>, vector<1x16xf32>,
          %get3A_886 = vector.shape_cast %get3A_885 : vector<1x16xf32> to vector<16xf32>
          %swap3A_887 = arith.constant 7 : i32
          %swap3A_888 = arith.index_cast %scan3A_428 : i32 to index
          %swap3A_889 = arith.index_cast %swap3A_887 : i32 to index
          %swap3A_890 = arith.constant 32 : index
          %swap3A_891 = tpu.vector_load %arg8[%swap3A_888, %swap3A_889, %swap3A_890] {strides = array<i32>} : memref<16x8x64xf32, #tpu.memory_space<vmem>>, vector<1x1x16xf32>,
          %swap3A_892 = vector.shape_cast %swap3A_891 : vector<1x1x16xf32> to vector<16xf32>
          %swap3A_893 = vector.shape_cast %get3A_886 : vector<16xf32> to vector<1x1x16xf32>
          tpu.vector_store %arg8[%swap3A_888, %swap3A_889, %swap3A_890], %swap3A_893 {strides = array<i32>} : memref<16x8x64xf32, #tpu.memory_space<vmem>>, vector<1x1x16xf32>,
          %mul3A_894 = arith.constant 8 : i32
          %mul3A_895 = arith.muli %scan3A_428, %mul3A_894 : i32
          %add3A_896 = arith.constant 7 : i32
          %add3A_897 = arith.addi %mul3A_895, %add3A_896 : i32
          %get3A_898 = arith.index_cast %add3A_897 : i32 to index
          %get3A_899 = arith.constant 48 : index
          %get3A_900 = tpu.vector_load %arg6[%get3A_898, %get3A_899] {strides = array<i32>} : memref<128x128xf32, #tpu.memory_space<vmem>>, vector<1x16xf32>,
          %get3A_901 = vector.shape_cast %get3A_900 : vector<1x16xf32> to vector<16xf32>
          %swap3A_902 = arith.constant 7 : i32
          %swap3A_903 = arith.index_cast %scan3A_428 : i32 to index
          %swap3A_904 = arith.index_cast %swap3A_902 : i32 to index
          %swap3A_905 = arith.constant 48 : index
          %swap3A_906 = tpu.vector_load %arg8[%swap3A_903, %swap3A_904, %swap3A_905] {strides = array<i32>} : memref<16x8x64xf32, #tpu.memory_space<vmem>>, vector<1x1x16xf32>,
          %swap3A_907 = vector.shape_cast %swap3A_906 : vector<1x1x16xf32> to vector<16xf32>
          %swap3A_908 = vector.shape_cast %get3A_901 : vector<16xf32> to vector<1x1x16xf32>
          tpu.vector_store %arg8[%swap3A_903, %swap3A_904, %swap3A_905], %swap3A_908 {strides = array<i32>} : memref<16x8x64xf32, #tpu.memory_space<vmem>>, vector<1x1x16xf32>,
        }
        %scan3A_387 = arith.constant 16 : i32
        %mul3A_388 = arith.constant 16 : i32
        %mul3A_389 = arith.muli %mul3A_203, %mul3A_388 : i32
        %add3A_390 = arith.addi %mul3A_2, %mul3A_389 : i32
        %dma_start3A_391 = arith.constant 0 : i32
        %dma_start3A_392 = arith.constant 0 : i32
        %dma_start3A_393 = tpu.memref_slice %arg4[%add3A_390, %dma_start3A_391, %dma_start3A_392] : memref<102400x8x64xf32, #tpu.memory_space<hbm>> -> memref<16x8x64xf32, #tpu.memory_space<hbm>>
        %dma_start3A_394 = arith.constant 0 : i32
        %dma_start3A_395 = arith.constant 0 : i32
        %dma_start3A_396 = tpu.memref_slice %arg4[%add3A_390, %dma_start3A_394, %dma_start3A_395] : memref<102400x8x64xf32, #tpu.memory_space<hbm>> -> memref<16x8x64xf32, #tpu.memory_space<hbm>>
        tpu.enqueue_dma source(%arg8 : memref<16x8x64xf32, #tpu.memory_space<vmem>>) target(%dma_start3A_396 : memref<16x8x64xf32, #tpu.memory_space<hbm>>) target_semaphore(%arg13 : memref<!tpu.dma_semaphore, #tpu.memory_space<semaphore_mem>>)
        %add3A_397 = arith.constant 1 : i32
        %add3A_398 = arith.addi %mul3A_203, %add3A_397 : i32
        %dma_wait3A_399 = arith.constant 0 : i32
        %dma_wait3A_400 = arith.constant 0 : i32
        %dma_wait3A_401 = tpu.memref_slice %arg2[%dma_wait3A_399, %dma_wait3A_400] : memref<200001x128xf32, #tpu.memory_space<hbm>> -> memref<128x128xf32, #tpu.memory_space<hbm>>
        %dma_wait3A_402 = arith.constant 0 : i32
        %dma_wait3A_403 = arith.constant 0 : i32
        %dma_wait3A_404 = tpu.memref_slice %arg2[%dma_wait3A_402, %dma_wait3A_403] : memref<200001x128xf32, #tpu.memory_space<hbm>> -> memref<128x128xf32, #tpu.memory_space<hbm>>
        tpu.wait_dma2 semaphore(%arg12 : memref<!tpu.dma_semaphore, #tpu.memory_space<semaphore_mem>>) src(%dma_wait3A_404 : memref<128x128xf32, #tpu.memory_space<hbm>>) dst(%arg7 : memref<128x128xf32, #tpu.memory_space<vmem>>)
        %dma_wait3A_405 = arith.constant 0 : i32
        %dma_wait3A_406 = arith.constant 0 : i32
        %dma_wait3A_407 = arith.constant 0 : i32
        %dma_wait3A_408 = tpu.memref_slice %arg4[%dma_wait3A_405, %dma_wait3A_406, %dma_wait3A_407] : memref<102400x8x64xf32, #tpu.memory_space<hbm>> -> memref<16x8x64xf32, #tpu.memory_space<hbm>>
        %dma_wait3A_409 = arith.constant 0 : i32
        %dma_wait3A_410 = arith.constant 0 : i32
        %dma_wait3A_411 = arith.constant 0 : i32
        %dma_wait3A_412 = tpu.memref_slice %arg4[%dma_wait3A_409, %dma_wait3A_410, %dma_wait3A_411] : memref<102400x8x64xf32, #tpu.memory_space<hbm>> -> memref<16x8x64xf32, #tpu.memory_space<hbm>>
        tpu.wait_dma2 semaphore(%arg14 : memref<!tpu.dma_semaphore, #tpu.memory_space<semaphore_mem>>) src(%arg9 : memref<16x8x64xf32, #tpu.memory_space<vmem>>) dst(%dma_wait3A_412 : memref<16x8x64xf32, #tpu.memory_space<hbm>>)
        %scan3A_413 = arith.constant 0 : i32
        %scan3A_414 = arith.constant 0 : i32
        %scan3A_415 = arith.constant 16 : i32
        %scan3A_416 = arith.addi %scan3A_414, %scan3A_415 : i32
        %scan3A_417 = arith.constant 1 : i32
        scf.for %scan3A_428 = %scan3A_414 to %scan3A_416 step %scan3A_417  : i32 {
          %mul3A_429 = arith.constant 8 : i32
          %mul3A_430 = arith.muli %scan3A_428, %mul3A_429 : i32
          %add3A_431 = arith.constant 0 : i32
          %add3A_432 = arith.addi %mul3A_430, %add3A_431 : i32
          %get3A_433 = arith.index_cast %add3A_432 : i32 to index
          %get3A_434 = arith.constant 0 : index
          %get3A_435 = tpu.vector_load %arg7[%get3A_433, %get3A_434] {strides = array<i32>} : memref<128x128xf32, #tpu.memory_space<vmem>>, vector<1x16xf32>,
          %get3A_436 = vector.shape_cast %get3A_435 : vector<1x16xf32> to vector<16xf32>
          %swap3A_437 = arith.constant 0 : i32
          %swap3A_438 = arith.index_cast %scan3A_428 : i32 to index
          %swap3A_439 = arith.index_cast %swap3A_437 : i32 to index
          %swap3A_440 = arith.constant 0 : index
          %swap3A_441 = tpu.vector_load %arg9[%swap3A_438, %swap3A_439, %swap3A_440] {strides = array<i32>} : memref<16x8x64xf32, #tpu.memory_space<vmem>>, vector<1x1x16xf32>,
          %swap3A_442 = vector.shape_cast %swap3A_441 : vector<1x1x16xf32> to vector<16xf32>
          %swap3A_443 = vector.shape_cast %get3A_436 : vector<16xf32> to vector<1x1x16xf32>
          tpu.vector_store %arg9[%swap3A_438, %swap3A_439, %swap3A_440], %swap3A_443 {strides = array<i32>} : memref<16x8x64xf32, #tpu.memory_space<vmem>>, vector<1x1x16xf32>,
          %mul3A_444 = arith.constant 8 : i32
          %mul3A_445 = arith.muli %scan3A_428, %mul3A_444 : i32
          %add3A_446 = arith.constant 0 : i32
          %add3A_447 = arith.addi %mul3A_445, %add3A_446 : i32
          %get3A_448 = arith.index_cast %add3A_447 : i32 to index
          %get3A_449 = arith.constant 16 : index
          %get3A_450 = tpu.vector_load %arg7[%get3A_448, %get3A_449] {strides = array<i32>} : memref<128x128xf32, #tpu.memory_space<vmem>>, vector<1x16xf32>,
          %get3A_451 = vector.shape_cast %get3A_450 : vector<1x16xf32> to vector<16xf32>
          %swap3A_452 = arith.constant 0 : i32
          %swap3A_453 = arith.index_cast %scan3A_428 : i32 to index
          %swap3A_454 = arith.index_cast %swap3A_452 : i32 to index
          %swap3A_455 = arith.constant 16 : index
          %swap3A_456 = tpu.vector_load %arg9[%swap3A_453, %swap3A_454, %swap3A_455] {strides = array<i32>} : memref<16x8x64xf32, #tpu.memory_space<vmem>>, vector<1x1x16xf32>,
          %swap3A_457 = vector.shape_cast %swap3A_456 : vector<1x1x16xf32> to vector<16xf32>
          %swap3A_458 = vector.shape_cast %get3A_451 : vector<16xf32> to vector<1x1x16xf32>
          tpu.vector_store %arg9[%swap3A_453, %swap3A_454, %swap3A_455], %swap3A_458 {strides = array<i32>} : memref<16x8x64xf32, #tpu.memory_space<vmem>>, vector<1x1x16xf32>,
          %mul3A_459 = arith.constant 8 : i32
          %mul3A_460 = arith.muli %scan3A_428, %mul3A_459 : i32
          %add3A_461 = arith.constant 0 : i32
          %add3A_462 = arith.addi %mul3A_460, %add3A_461 : i32
          %get3A_463 = arith.index_cast %add3A_462 : i32 to index
          %get3A_464 = arith.constant 32 : index
          %get3A_465 = tpu.vector_load %arg7[%get3A_463, %get3A_464] {strides = array<i32>} : memref<128x128xf32, #tpu.memory_space<vmem>>, vector<1x16xf32>,
          %get3A_466 = vector.shape_cast %get3A_465 : vector<1x16xf32> to vector<16xf32>
          %swap3A_467 = arith.constant 0 : i32
          %swap3A_468 = arith.index_cast %scan3A_428 : i32 to index
          %swap3A_469 = arith.index_cast %swap3A_467 : i32 to index
          %swap3A_470 = arith.constant 32 : index
          %swap3A_471 = tpu.vector_load %arg9[%swap3A_468, %swap3A_469, %swap3A_470] {strides = array<i32>} : memref<16x8x64xf32, #tpu.memory_space<vmem>>, vector<1x1x16xf32>,
          %swap3A_472 = vector.shape_cast %swap3A_471 : vector<1x1x16xf32> to vector<16xf32>
          %swap3A_473 = vector.shape_cast %get3A_466 : vector<16xf32> to vector<1x1x16xf32>
          tpu.vector_store %arg9[%swap3A_468, %swap3A_469, %swap3A_470], %swap3A_473 {strides = array<i32>} : memref<16x8x64xf32, #tpu.memory_space<vmem>>, vector<1x1x16xf32>,
          %mul3A_474 = arith.constant 8 : i32
          %mul3A_475 = arith.muli %scan3A_428, %mul3A_474 : i32
          %add3A_476 = arith.constant 0 : i32
          %add3A_477 = arith.addi %mul3A_475, %add3A_476 : i32
          %get3A_478 = arith.index_cast %add3A_477 : i32 to index
          %get3A_479 = arith.constant 48 : index
          %get3A_480 = tpu.vector_load %arg7[%get3A_478, %get3A_479] {strides = array<i32>} : memref<128x128xf32, #tpu.memory_space<vmem>>, vector<1x16xf32>,
          %get3A_481 = vector.shape_cast %get3A_480 : vector<1x16xf32> to vector<16xf32>
          %swap3A_482 = arith.constant 0 : i32
          %swap3A_483 = arith.index_cast %scan3A_428 : i32 to index
          %swap3A_484 = arith.index_cast %swap3A_482 : i32 to index
          %swap3A_485 = arith.constant 48 : index
          %swap3A_486 = tpu.vector_load %arg9[%swap3A_483, %swap3A_484, %swap3A_485] {strides = array<i32>} : memref<16x8x64xf32, #tpu.memory_space<vmem>>, vector<1x1x16xf32>,
          %swap3A_487 = vector.shape_cast %swap3A_486 : vector<1x1x16xf32> to vector<16xf32>
          %swap3A_488 = vector.shape_cast %get3A_481 : vector<16xf32> to vector<1x1x16xf32>
          tpu.vector_store %arg9[%swap3A_483, %swap3A_484, %swap3A_485], %swap3A_488 {strides = array<i32>} : memref<16x8x64xf32, #tpu.memory_space<vmem>>, vector<1x1x16xf32>,
          %mul3A_489 = arith.constant 8 : i32
          %mul3A_490 = arith.muli %scan3A_428, %mul3A_489 : i32
          %add3A_491 = arith.constant 1 : i32
          %add3A_492 = arith.addi %mul3A_490, %add3A_491 : i32
          %get3A_493 = arith.index_cast %add3A_492 : i32 to index
          %get3A_494 = arith.constant 0 : index
          %get3A_495 = tpu.vector_load %arg7[%get3A_493, %get3A_494] {strides = array<i32>} : memref<128x128xf32, #tpu.memory_space<vmem>>, vector<1x16xf32>,
          %get3A_496 = vector.shape_cast %get3A_495 : vector<1x16xf32> to vector<16xf32>
          %swap3A_497 = arith.constant 1 : i32
          %swap3A_498 = arith.index_cast %scan3A_428 : i32 to index
          %swap3A_499 = arith.index_cast %swap3A_497 : i32 to index
          %swap3A_500 = arith.constant 0 : index
          %swap3A_501 = tpu.vector_load %arg9[%swap3A_498, %swap3A_499, %swap3A_500] {strides = array<i32>} : memref<16x8x64xf32, #tpu.memory_space<vmem>>, vector<1x1x16xf32>,
          %swap3A_502 = vector.shape_cast %swap3A_501 : vector<1x1x16xf32> to vector<16xf32>
          %swap3A_503 = vector.shape_cast %get3A_496 : vector<16xf32> to vector<1x1x16xf32>
          tpu.vector_store %arg9[%swap3A_498, %swap3A_499, %swap3A_500], %swap3A_503 {strides = array<i32>} : memref<16x8x64xf32, #tpu.memory_space<vmem>>, vector<1x1x16xf32>,
          %mul3A_504 = arith.constant 8 : i32
          %mul3A_505 = arith.muli %scan3A_428, %mul3A_504 : i32
          %add3A_506 = arith.constant 1 : i32
          %add3A_507 = arith.addi %mul3A_505, %add3A_506 : i32
          %get3A_508 = arith.index_cast %add3A_507 : i32 to index
          %get3A_509 = arith.constant 16 : index
          %get3A_510 = tpu.vector_load %arg7[%get3A_508, %get3A_509] {strides = array<i32>} : memref<128x128xf32, #tpu.memory_space<vmem>>, vector<1x16xf32>,
          %get3A_511 = vector.shape_cast %get3A_510 : vector<1x16xf32> to vector<16xf32>
          %swap3A_512 = arith.constant 1 : i32
          %swap3A_513 = arith.index_cast %scan3A_428 : i32 to index
          %swap3A_514 = arith.index_cast %swap3A_512 : i32 to index
          %swap3A_515 = arith.constant 16 : index
          %swap3A_516 = tpu.vector_load %arg9[%swap3A_513, %swap3A_514, %swap3A_515] {strides = array<i32>} : memref<16x8x64xf32, #tpu.memory_space<vmem>>, vector<1x1x16xf32>,
          %swap3A_517 = vector.shape_cast %swap3A_516 : vector<1x1x16xf32> to vector<16xf32>
          %swap3A_518 = vector.shape_cast %get3A_511 : vector<16xf32> to vector<1x1x16xf32>
          tpu.vector_store %arg9[%swap3A_513, %swap3A_514, %swap3A_515], %swap3A_518 {strides = array<i32>} : memref<16x8x64xf32, #tpu.memory_space<vmem>>, vector<1x1x16xf32>,
          %mul3A_519 = arith.constant 8 : i32
          %mul3A_520 = arith.muli %scan3A_428, %mul3A_519 : i32
          %add3A_521 = arith.constant 1 : i32
          %add3A_522 = arith.addi %mul3A_520, %add3A_521 : i32
          %get3A_523 = arith.index_cast %add3A_522 : i32 to index
          %get3A_524 = arith.constant 32 : index
          %get3A_525 = tpu.vector_load %arg7[%get3A_523, %get3A_524] {strides = array<i32>} : memref<128x128xf32, #tpu.memory_space<vmem>>, vector<1x16xf32>,
          %get3A_526 = vector.shape_cast %get3A_525 : vector<1x16xf32> to vector<16xf32>
          %swap3A_527 = arith.constant 1 : i32
          %swap3A_528 = arith.index_cast %scan3A_428 : i32 to index
          %swap3A_529 = arith.index_cast %swap3A_527 : i32 to index
          %swap3A_530 = arith.constant 32 : index
          %swap3A_531 = tpu.vector_load %arg9[%swap3A_528, %swap3A_529, %swap3A_530] {strides = array<i32>} : memref<16x8x64xf32, #tpu.memory_space<vmem>>, vector<1x1x16xf32>,
          %swap3A_532 = vector.shape_cast %swap3A_531 : vector<1x1x16xf32> to vector<16xf32>
          %swap3A_533 = vector.shape_cast %get3A_526 : vector<16xf32> to vector<1x1x16xf32>
          tpu.vector_store %arg9[%swap3A_528, %swap3A_529, %swap3A_530], %swap3A_533 {strides = array<i32>} : memref<16x8x64xf32, #tpu.memory_space<vmem>>, vector<1x1x16xf32>,
          %mul3A_534 = arith.constant 8 : i32
          %mul3A_535 = arith.muli %scan3A_428, %mul3A_534 : i32
          %add3A_536 = arith.constant 1 : i32
          %add3A_537 = arith.addi %mul3A_535, %add3A_536 : i32
          %get3A_538 = arith.index_cast %add3A_537 : i32 to index
          %get3A_539 = arith.constant 48 : index
          %get3A_540 = tpu.vector_load %arg7[%get3A_538, %get3A_539] {strides = array<i32>} : memref<128x128xf32, #tpu.memory_space<vmem>>, vector<1x16xf32>,
          %get3A_541 = vector.shape_cast %get3A_540 : vector<1x16xf32> to vector<16xf32>
          %swap3A_542 = arith.constant 1 : i32
          %swap3A_543 = arith.index_cast %scan3A_428 : i32 to index
          %swap3A_544 = arith.index_cast %swap3A_542 : i32 to index
          %swap3A_545 = arith.constant 48 : index
          %swap3A_546 = tpu.vector_load %arg9[%swap3A_543, %swap3A_544, %swap3A_545] {strides = array<i32>} : memref<16x8x64xf32, #tpu.memory_space<vmem>>, vector<1x1x16xf32>,
          %swap3A_547 = vector.shape_cast %swap3A_546 : vector<1x1x16xf32> to vector<16xf32>
          %swap3A_548 = vector.shape_cast %get3A_541 : vector<16xf32> to vector<1x1x16xf32>
          tpu.vector_store %arg9[%swap3A_543, %swap3A_544, %swap3A_545], %swap3A_548 {strides = array<i32>} : memref<16x8x64xf32, #tpu.memory_space<vmem>>, vector<1x1x16xf32>,
          %mul3A_549 = arith.constant 8 : i32
          %mul3A_550 = arith.muli %scan3A_428, %mul3A_549 : i32
          %add3A_551 = arith.constant 2 : i32
          %add3A_552 = arith.addi %mul3A_550, %add3A_551 : i32
          %get3A_553 = arith.index_cast %add3A_552 : i32 to index
          %get3A_554 = arith.constant 0 : index
          %get3A_555 = tpu.vector_load %arg7[%get3A_553, %get3A_554] {strides = array<i32>} : memref<128x128xf32, #tpu.memory_space<vmem>>, vector<1x16xf32>,
          %get3A_556 = vector.shape_cast %get3A_555 : vector<1x16xf32> to vector<16xf32>
          %swap3A_557 = arith.constant 2 : i32
          %swap3A_558 = arith.index_cast %scan3A_428 : i32 to index
          %swap3A_559 = arith.index_cast %swap3A_557 : i32 to index
          %swap3A_560 = arith.constant 0 : index
          %swap3A_561 = tpu.vector_load %arg9[%swap3A_558, %swap3A_559, %swap3A_560] {strides = array<i32>} : memref<16x8x64xf32, #tpu.memory_space<vmem>>, vector<1x1x16xf32>,
          %swap3A_562 = vector.shape_cast %swap3A_561 : vector<1x1x16xf32> to vector<16xf32>
          %swap3A_563 = vector.shape_cast %get3A_556 : vector<16xf32> to vector<1x1x16xf32>
          tpu.vector_store %arg9[%swap3A_558, %swap3A_559, %swap3A_560], %swap3A_563 {strides = array<i32>} : memref<16x8x64xf32, #tpu.memory_space<vmem>>, vector<1x1x16xf32>,
          %mul3A_564 = arith.constant 8 : i32
          %mul3A_565 = arith.muli %scan3A_428, %mul3A_564 : i32
          %add3A_566 = arith.constant 2 : i32
          %add3A_567 = arith.addi %mul3A_565, %add3A_566 : i32
          %get3A_568 = arith.index_cast %add3A_567 : i32 to index
          %get3A_569 = arith.constant 16 : index
          %get3A_570 = tpu.vector_load %arg7[%get3A_568, %get3A_569] {strides = array<i32>} : memref<128x128xf32, #tpu.memory_space<vmem>>, vector<1x16xf32>,
          %get3A_571 = vector.shape_cast %get3A_570 : vector<1x16xf32> to vector<16xf32>
          %swap3A_572 = arith.constant 2 : i32
          %swap3A_573 = arith.index_cast %scan3A_428 : i32 to index
          %swap3A_574 = arith.index_cast %swap3A_572 : i32 to index
          %swap3A_575 = arith.constant 16 : index
          %swap3A_576 = tpu.vector_load %arg9[%swap3A_573, %swap3A_574, %swap3A_575] {strides = array<i32>} : memref<16x8x64xf32, #tpu.memory_space<vmem>>, vector<1x1x16xf32>,
          %swap3A_577 = vector.shape_cast %swap3A_576 : vector<1x1x16xf32> to vector<16xf32>
          %swap3A_578 = vector.shape_cast %get3A_571 : vector<16xf32> to vector<1x1x16xf32>
          tpu.vector_store %arg9[%swap3A_573, %swap3A_574, %swap3A_575], %swap3A_578 {strides = array<i32>} : memref<16x8x64xf32, #tpu.memory_space<vmem>>, vector<1x1x16xf32>,
          %mul3A_579 = arith.constant 8 : i32
          %mul3A_580 = arith.muli %scan3A_428, %mul3A_579 : i32
          %add3A_581 = arith.constant 2 : i32
          %add3A_582 = arith.addi %mul3A_580, %add3A_581 : i32
          %get3A_583 = arith.index_cast %add3A_582 : i32 to index
          %get3A_584 = arith.constant 32 : index
          %get3A_585 = tpu.vector_load %arg7[%get3A_583, %get3A_584] {strides = array<i32>} : memref<128x128xf32, #tpu.memory_space<vmem>>, vector<1x16xf32>,
          %get3A_586 = vector.shape_cast %get3A_585 : vector<1x16xf32> to vector<16xf32>
          %swap3A_587 = arith.constant 2 : i32
          %swap3A_588 = arith.index_cast %scan3A_428 : i32 to index
          %swap3A_589 = arith.index_cast %swap3A_587 : i32 to index
          %swap3A_590 = arith.constant 32 : index
          %swap3A_591 = tpu.vector_load %arg9[%swap3A_588, %swap3A_589, %swap3A_590] {strides = array<i32>} : memref<16x8x64xf32, #tpu.memory_space<vmem>>, vector<1x1x16xf32>,
          %swap3A_592 = vector.shape_cast %swap3A_591 : vector<1x1x16xf32> to vector<16xf32>
          %swap3A_593 = vector.shape_cast %get3A_586 : vector<16xf32> to vector<1x1x16xf32>
          tpu.vector_store %arg9[%swap3A_588, %swap3A_589, %swap3A_590], %swap3A_593 {strides = array<i32>} : memref<16x8x64xf32, #tpu.memory_space<vmem>>, vector<1x1x16xf32>,
          %mul3A_594 = arith.constant 8 : i32
          %mul3A_595 = arith.muli %scan3A_428, %mul3A_594 : i32
          %add3A_596 = arith.constant 2 : i32
          %add3A_597 = arith.addi %mul3A_595, %add3A_596 : i32
          %get3A_598 = arith.index_cast %add3A_597 : i32 to index
          %get3A_599 = arith.constant 48 : index
          %get3A_600 = tpu.vector_load %arg7[%get3A_598, %get3A_599] {strides = array<i32>} : memref<128x128xf32, #tpu.memory_space<vmem>>, vector<1x16xf32>,
          %get3A_601 = vector.shape_cast %get3A_600 : vector<1x16xf32> to vector<16xf32>
          %swap3A_602 = arith.constant 2 : i32
          %swap3A_603 = arith.index_cast %scan3A_428 : i32 to index
          %swap3A_604 = arith.index_cast %swap3A_602 : i32 to index
          %swap3A_605 = arith.constant 48 : index
          %swap3A_606 = tpu.vector_load %arg9[%swap3A_603, %swap3A_604, %swap3A_605] {strides = array<i32>} : memref<16x8x64xf32, #tpu.memory_space<vmem>>, vector<1x1x16xf32>,
          %swap3A_607 = vector.shape_cast %swap3A_606 : vector<1x1x16xf32> to vector<16xf32>
          %swap3A_608 = vector.shape_cast %get3A_601 : vector<16xf32> to vector<1x1x16xf32>
          tpu.vector_store %arg9[%swap3A_603, %swap3A_604, %swap3A_605], %swap3A_608 {strides = array<i32>} : memref<16x8x64xf32, #tpu.memory_space<vmem>>, vector<1x1x16xf32>,
          %mul3A_609 = arith.constant 8 : i32
          %mul3A_610 = arith.muli %scan3A_428, %mul3A_609 : i32
          %add3A_611 = arith.constant 3 : i32
          %add3A_612 = arith.addi %mul3A_610, %add3A_611 : i32
          %get3A_613 = arith.index_cast %add3A_612 : i32 to index
          %get3A_614 = arith.constant 0 : index
          %get3A_615 = tpu.vector_load %arg7[%get3A_613, %get3A_614] {strides = array<i32>} : memref<128x128xf32, #tpu.memory_space<vmem>>, vector<1x16xf32>,
          %get3A_616 = vector.shape_cast %get3A_615 : vector<1x16xf32> to vector<16xf32>
          %swap3A_617 = arith.constant 3 : i32
          %swap3A_618 = arith.index_cast %scan3A_428 : i32 to index
          %swap3A_619 = arith.index_cast %swap3A_617 : i32 to index
          %swap3A_620 = arith.constant 0 : index
          %swap3A_621 = tpu.vector_load %arg9[%swap3A_618, %swap3A_619, %swap3A_620] {strides = array<i32>} : memref<16x8x64xf32, #tpu.memory_space<vmem>>, vector<1x1x16xf32>,
          %swap3A_622 = vector.shape_cast %swap3A_621 : vector<1x1x16xf32> to vector<16xf32>
          %swap3A_623 = vector.shape_cast %get3A_616 : vector<16xf32> to vector<1x1x16xf32>
          tpu.vector_store %arg9[%swap3A_618, %swap3A_619, %swap3A_620], %swap3A_623 {strides = array<i32>} : memref<16x8x64xf32, #tpu.memory_space<vmem>>, vector<1x1x16xf32>,
          %mul3A_624 = arith.constant 8 : i32
          %mul3A_625 = arith.muli %scan3A_428, %mul3A_624 : i32
          %add3A_626 = arith.constant 3 : i32
          %add3A_627 = arith.addi %mul3A_625, %add3A_626 : i32
          %get3A_628 = arith.index_cast %add3A_627 : i32 to index
          %get3A_629 = arith.constant 16 : index
          %get3A_630 = tpu.vector_load %arg7[%get3A_628, %get3A_629] {strides = array<i32>} : memref<128x128xf32, #tpu.memory_space<vmem>>, vector<1x16xf32>,
          %get3A_631 = vector.shape_cast %get3A_630 : vector<1x16xf32> to vector<16xf32>
          %swap3A_632 = arith.constant 3 : i32
          %swap3A_633 = arith.index_cast %scan3A_428 : i32 to index
          %swap3A_634 = arith.index_cast %swap3A_632 : i32 to index
          %swap3A_635 = arith.constant 16 : index
          %swap3A_636 = tpu.vector_load %arg9[%swap3A_633, %swap3A_634, %swap3A_635] {strides = array<i32>} : memref<16x8x64xf32, #tpu.memory_space<vmem>>, vector<1x1x16xf32>,
          %swap3A_637 = vector.shape_cast %swap3A_636 : vector<1x1x16xf32> to vector<16xf32>
          %swap3A_638 = vector.shape_cast %get3A_631 : vector<16xf32> to vector<1x1x16xf32>
          tpu.vector_store %arg9[%swap3A_633, %swap3A_634, %swap3A_635], %swap3A_638 {strides = array<i32>} : memref<16x8x64xf32, #tpu.memory_space<vmem>>, vector<1x1x16xf32>,
          %mul3A_639 = arith.constant 8 : i32
          %mul3A_640 = arith.muli %scan3A_428, %mul3A_639 : i32
          %add3A_641 = arith.constant 3 : i32
          %add3A_642 = arith.addi %mul3A_640, %add3A_641 : i32
          %get3A_643 = arith.index_cast %add3A_642 : i32 to index
          %get3A_644 = arith.constant 32 : index
          %get3A_645 = tpu.vector_load %arg7[%get3A_643, %get3A_644] {strides = array<i32>} : memref<128x128xf32, #tpu.memory_space<vmem>>, vector<1x16xf32>,
          %get3A_646 = vector.shape_cast %get3A_645 : vector<1x16xf32> to vector<16xf32>
          %swap3A_647 = arith.constant 3 : i32
          %swap3A_648 = arith.index_cast %scan3A_428 : i32 to index
          %swap3A_649 = arith.index_cast %swap3A_647 : i32 to index
          %swap3A_650 = arith.constant 32 : index
          %swap3A_651 = tpu.vector_load %arg9[%swap3A_648, %swap3A_649, %swap3A_650] {strides = array<i32>} : memref<16x8x64xf32, #tpu.memory_space<vmem>>, vector<1x1x16xf32>,
          %swap3A_652 = vector.shape_cast %swap3A_651 : vector<1x1x16xf32> to vector<16xf32>
          %swap3A_653 = vector.shape_cast %get3A_646 : vector<16xf32> to vector<1x1x16xf32>
          tpu.vector_store %arg9[%swap3A_648, %swap3A_649, %swap3A_650], %swap3A_653 {strides = array<i32>} : memref<16x8x64xf32, #tpu.memory_space<vmem>>, vector<1x1x16xf32>,
          %mul3A_654 = arith.constant 8 : i32
          %mul3A_655 = arith.muli %scan3A_428, %mul3A_654 : i32
          %add3A_656 = arith.constant 3 : i32
          %add3A_657 = arith.addi %mul3A_655, %add3A_656 : i32
          %get3A_658 = arith.index_cast %add3A_657 : i32 to index
          %get3A_659 = arith.constant 48 : index
          %get3A_660 = tpu.vector_load %arg7[%get3A_658, %get3A_659] {strides = array<i32>} : memref<128x128xf32, #tpu.memory_space<vmem>>, vector<1x16xf32>,
          %get3A_661 = vector.shape_cast %get3A_660 : vector<1x16xf32> to vector<16xf32>
          %swap3A_662 = arith.constant 3 : i32
          %swap3A_663 = arith.index_cast %scan3A_428 : i32 to index
          %swap3A_664 = arith.index_cast %swap3A_662 : i32 to index
          %swap3A_665 = arith.constant 48 : index
          %swap3A_666 = tpu.vector_load %arg9[%swap3A_663, %swap3A_664, %swap3A_665] {strides = array<i32>} : memref<16x8x64xf32, #tpu.memory_space<vmem>>, vector<1x1x16xf32>,
          %swap3A_667 = vector.shape_cast %swap3A_666 : vector<1x1x16xf32> to vector<16xf32>
          %swap3A_668 = vector.shape_cast %get3A_661 : vector<16xf32> to vector<1x1x16xf32>
          tpu.vector_store %arg9[%swap3A_663, %swap3A_664, %swap3A_665], %swap3A_668 {strides = array<i32>} : memref<16x8x64xf32, #tpu.memory_space<vmem>>, vector<1x1x16xf32>,
          %mul3A_669 = arith.constant 8 : i32
          %mul3A_670 = arith.muli %scan3A_428, %mul3A_669 : i32
          %add3A_671 = arith.constant 4 : i32
          %add3A_672 = arith.addi %mul3A_670, %add3A_671 : i32
          %get3A_673 = arith.index_cast %add3A_672 : i32 to index
          %get3A_674 = arith.constant 0 : index
          %get3A_675 = tpu.vector_load %arg7[%get3A_673, %get3A_674] {strides = array<i32>} : memref<128x128xf32, #tpu.memory_space<vmem>>, vector<1x16xf32>,
          %get3A_676 = vector.shape_cast %get3A_675 : vector<1x16xf32> to vector<16xf32>
          %swap3A_677 = arith.constant 4 : i32
          %swap3A_678 = arith.index_cast %scan3A_428 : i32 to index
          %swap3A_679 = arith.index_cast %swap3A_677 : i32 to index
          %swap3A_680 = arith.constant 0 : index
          %swap3A_681 = tpu.vector_load %arg9[%swap3A_678, %swap3A_679, %swap3A_680] {strides = array<i32>} : memref<16x8x64xf32, #tpu.memory_space<vmem>>, vector<1x1x16xf32>,
          %swap3A_682 = vector.shape_cast %swap3A_681 : vector<1x1x16xf32> to vector<16xf32>
          %swap3A_683 = vector.shape_cast %get3A_676 : vector<16xf32> to vector<1x1x16xf32>
          tpu.vector_store %arg9[%swap3A_678, %swap3A_679, %swap3A_680], %swap3A_683 {strides = array<i32>} : memref<16x8x64xf32, #tpu.memory_space<vmem>>, vector<1x1x16xf32>,
          %mul3A_684 = arith.constant 8 : i32
          %mul3A_685 = arith.muli %scan3A_428, %mul3A_684 : i32
          %add3A_686 = arith.constant 4 : i32
          %add3A_687 = arith.addi %mul3A_685, %add3A_686 : i32
          %get3A_688 = arith.index_cast %add3A_687 : i32 to index
          %get3A_689 = arith.constant 16 : index
          %get3A_690 = tpu.vector_load %arg7[%get3A_688, %get3A_689] {strides = array<i32>} : memref<128x128xf32, #tpu.memory_space<vmem>>, vector<1x16xf32>,
          %get3A_691 = vector.shape_cast %get3A_690 : vector<1x16xf32> to vector<16xf32>
          %swap3A_692 = arith.constant 4 : i32
          %swap3A_693 = arith.index_cast %scan3A_428 : i32 to index
          %swap3A_694 = arith.index_cast %swap3A_692 : i32 to index
          %swap3A_695 = arith.constant 16 : index
          %swap3A_696 = tpu.vector_load %arg9[%swap3A_693, %swap3A_694, %swap3A_695] {strides = array<i32>} : memref<16x8x64xf32, #tpu.memory_space<vmem>>, vector<1x1x16xf32>,
          %swap3A_697 = vector.shape_cast %swap3A_696 : vector<1x1x16xf32> to vector<16xf32>
          %swap3A_698 = vector.shape_cast %get3A_691 : vector<16xf32> to vector<1x1x16xf32>
          tpu.vector_store %arg9[%swap3A_693, %swap3A_694, %swap3A_695], %swap3A_698 {strides = array<i32>} : memref<16x8x64xf32, #tpu.memory_space<vmem>>, vector<1x1x16xf32>,
          %mul3A_699 = arith.constant 8 : i32
          %mul3A_700 = arith.muli %scan3A_428, %mul3A_699 : i32
          %add3A_701 = arith.constant 4 : i32
          %add3A_702 = arith.addi %mul3A_700, %add3A_701 : i32
          %get3A_703 = arith.index_cast %add3A_702 : i32 to index
          %get3A_704 = arith.constant 32 : index
          %get3A_705 = tpu.vector_load %arg7[%get3A_703, %get3A_704] {strides = array<i32>} : memref<128x128xf32, #tpu.memory_space<vmem>>, vector<1x16xf32>,
          %get3A_706 = vector.shape_cast %get3A_705 : vector<1x16xf32> to vector<16xf32>
          %swap3A_707 = arith.constant 4 : i32
          %swap3A_708 = arith.index_cast %scan3A_428 : i32 to index
          %swap3A_709 = arith.index_cast %swap3A_707 : i32 to index
          %swap3A_710 = arith.constant 32 : index
          %swap3A_711 = tpu.vector_load %arg9[%swap3A_708, %swap3A_709, %swap3A_710] {strides = array<i32>} : memref<16x8x64xf32, #tpu.memory_space<vmem>>, vector<1x1x16xf32>,
          %swap3A_712 = vector.shape_cast %swap3A_711 : vector<1x1x16xf32> to vector<16xf32>
          %swap3A_713 = vector.shape_cast %get3A_706 : vector<16xf32> to vector<1x1x16xf32>
          tpu.vector_store %arg9[%swap3A_708, %swap3A_709, %swap3A_710], %swap3A_713 {strides = array<i32>} : memref<16x8x64xf32, #tpu.memory_space<vmem>>, vector<1x1x16xf32>,
          %mul3A_714 = arith.constant 8 : i32
          %mul3A_715 = arith.muli %scan3A_428, %mul3A_714 : i32
          %add3A_716 = arith.constant 4 : i32
          %add3A_717 = arith.addi %mul3A_715, %add3A_716 : i32
          %get3A_718 = arith.index_cast %add3A_717 : i32 to index
          %get3A_719 = arith.constant 48 : index
          %get3A_720 = tpu.vector_load %arg7[%get3A_718, %get3A_719] {strides = array<i32>} : memref<128x128xf32, #tpu.memory_space<vmem>>, vector<1x16xf32>,
          %get3A_721 = vector.shape_cast %get3A_720 : vector<1x16xf32> to vector<16xf32>
          %swap3A_722 = arith.constant 4 : i32
          %swap3A_723 = arith.index_cast %scan3A_428 : i32 to index
          %swap3A_724 = arith.index_cast %swap3A_722 : i32 to index
          %swap3A_725 = arith.constant 48 : index
          %swap3A_726 = tpu.vector_load %arg9[%swap3A_723, %swap3A_724, %swap3A_725] {strides = array<i32>} : memref<16x8x64xf32, #tpu.memory_space<vmem>>, vector<1x1x16xf32>,
          %swap3A_727 = vector.shape_cast %swap3A_726 : vector<1x1x16xf32> to vector<16xf32>
          %swap3A_728 = vector.shape_cast %get3A_721 : vector<16xf32> to vector<1x1x16xf32>
          tpu.vector_store %arg9[%swap3A_723, %swap3A_724, %swap3A_725], %swap3A_728 {strides = array<i32>} : memref<16x8x64xf32, #tpu.memory_space<vmem>>, vector<1x1x16xf32>,
          %mul3A_729 = arith.constant 8 : i32
          %mul3A_730 = arith.muli %scan3A_428, %mul3A_729 : i32
          %add3A_731 = arith.constant 5 : i32
          %add3A_732 = arith.addi %mul3A_730, %add3A_731 : i32
          %get3A_733 = arith.index_cast %add3A_732 : i32 to index
          %get3A_734 = arith.constant 0 : index
          %get3A_735 = tpu.vector_load %arg7[%get3A_733, %get3A_734] {strides = array<i32>} : memref<128x128xf32, #tpu.memory_space<vmem>>, vector<1x16xf32>,
          %get3A_736 = vector.shape_cast %get3A_735 : vector<1x16xf32> to vector<16xf32>
          %swap3A_737 = arith.constant 5 : i32
          %swap3A_738 = arith.index_cast %scan3A_428 : i32 to index
          %swap3A_739 = arith.index_cast %swap3A_737 : i32 to index
          %swap3A_740 = arith.constant 0 : index
          %swap3A_741 = tpu.vector_load %arg9[%swap3A_738, %swap3A_739, %swap3A_740] {strides = array<i32>} : memref<16x8x64xf32, #tpu.memory_space<vmem>>, vector<1x1x16xf32>,
          %swap3A_742 = vector.shape_cast %swap3A_741 : vector<1x1x16xf32> to vector<16xf32>
          %swap3A_743 = vector.shape_cast %get3A_736 : vector<16xf32> to vector<1x1x16xf32>
          tpu.vector_store %arg9[%swap3A_738, %swap3A_739, %swap3A_740], %swap3A_743 {strides = array<i32>} : memref<16x8x64xf32, #tpu.memory_space<vmem>>, vector<1x1x16xf32>,
          %mul3A_744 = arith.constant 8 : i32
          %mul3A_745 = arith.muli %scan3A_428, %mul3A_744 : i32
          %add3A_746 = arith.constant 5 : i32
          %add3A_747 = arith.addi %mul3A_745, %add3A_746 : i32
          %get3A_748 = arith.index_cast %add3A_747 : i32 to index
          %get3A_749 = arith.constant 16 : index
          %get3A_750 = tpu.vector_load %arg7[%get3A_748, %get3A_749] {strides = array<i32>} : memref<128x128xf32, #tpu.memory_space<vmem>>, vector<1x16xf32>,
          %get3A_751 = vector.shape_cast %get3A_750 : vector<1x16xf32> to vector<16xf32>
          %swap3A_752 = arith.constant 5 : i32
          %swap3A_753 = arith.index_cast %scan3A_428 : i32 to index
          %swap3A_754 = arith.index_cast %swap3A_752 : i32 to index
          %swap3A_755 = arith.constant 16 : index
          %swap3A_756 = tpu.vector_load %arg9[%swap3A_753, %swap3A_754, %swap3A_755] {strides = array<i32>} : memref<16x8x64xf32, #tpu.memory_space<vmem>>, vector<1x1x16xf32>,
          %swap3A_757 = vector.shape_cast %swap3A_756 : vector<1x1x16xf32> to vector<16xf32>
          %swap3A_758 = vector.shape_cast %get3A_751 : vector<16xf32> to vector<1x1x16xf32>
          tpu.vector_store %arg9[%swap3A_753, %swap3A_754, %swap3A_755], %swap3A_758 {strides = array<i32>} : memref<16x8x64xf32, #tpu.memory_space<vmem>>, vector<1x1x16xf32>,
          %mul3A_759 = arith.constant 8 : i32
          %mul3A_760 = arith.muli %scan3A_428, %mul3A_759 : i32
          %add3A_761 = arith.constant 5 : i32
          %add3A_762 = arith.addi %mul3A_760, %add3A_761 : i32
          %get3A_763 = arith.index_cast %add3A_762 : i32 to index
          %get3A_764 = arith.constant 32 : index
          %get3A_765 = tpu.vector_load %arg7[%get3A_763, %get3A_764] {strides = array<i32>} : memref<128x128xf32, #tpu.memory_space<vmem>>, vector<1x16xf32>,
          %get3A_766 = vector.shape_cast %get3A_765 : vector<1x16xf32> to vector<16xf32>
          %swap3A_767 = arith.constant 5 : i32
          %swap3A_768 = arith.index_cast %scan3A_428 : i32 to index
          %swap3A_769 = arith.index_cast %swap3A_767 : i32 to index
          %swap3A_770 = arith.constant 32 : index
          %swap3A_771 = tpu.vector_load %arg9[%swap3A_768, %swap3A_769, %swap3A_770] {strides = array<i32>} : memref<16x8x64xf32, #tpu.memory_space<vmem>>, vector<1x1x16xf32>,
          %swap3A_772 = vector.shape_cast %swap3A_771 : vector<1x1x16xf32> to vector<16xf32>
          %swap3A_773 = vector.shape_cast %get3A_766 : vector<16xf32> to vector<1x1x16xf32>
          tpu.vector_store %arg9[%swap3A_768, %swap3A_769, %swap3A_770], %swap3A_773 {strides = array<i32>} : memref<16x8x64xf32, #tpu.memory_space<vmem>>, vector<1x1x16xf32>,
          %mul3A_774 = arith.constant 8 : i32
          %mul3A_775 = arith.muli %scan3A_428, %mul3A_774 : i32
          %add3A_776 = arith.constant 5 : i32
          %add3A_777 = arith.addi %mul3A_775, %add3A_776 : i32
          %get3A_778 = arith.index_cast %add3A_777 : i32 to index
          %get3A_779 = arith.constant 48 : index
          %get3A_780 = tpu.vector_load %arg7[%get3A_778, %get3A_779] {strides = array<i32>} : memref<128x128xf32, #tpu.memory_space<vmem>>, vector<1x16xf32>,
          %get3A_781 = vector.shape_cast %get3A_780 : vector<1x16xf32> to vector<16xf32>
          %swap3A_782 = arith.constant 5 : i32
          %swap3A_783 = arith.index_cast %scan3A_428 : i32 to index
          %swap3A_784 = arith.index_cast %swap3A_782 : i32 to index
          %swap3A_785 = arith.constant 48 : index
          %swap3A_786 = tpu.vector_load %arg9[%swap3A_783, %swap3A_784, %swap3A_785] {strides = array<i32>} : memref<16x8x64xf32, #tpu.memory_space<vmem>>, vector<1x1x16xf32>,
          %swap3A_787 = vector.shape_cast %swap3A_786 : vector<1x1x16xf32> to vector<16xf32>
          %swap3A_788 = vector.shape_cast %get3A_781 : vector<16xf32> to vector<1x1x16xf32>
          tpu.vector_store %arg9[%swap3A_783, %swap3A_784, %swap3A_785], %swap3A_788 {strides = array<i32>} : memref<16x8x64xf32, #tpu.memory_space<vmem>>, vector<1x1x16xf32>,
          %mul3A_789 = arith.constant 8 : i32
          %mul3A_790 = arith.muli %scan3A_428, %mul3A_789 : i32
          %add3A_791 = arith.constant 6 : i32
          %add3A_792 = arith.addi %mul3A_790, %add3A_791 : i32
          %get3A_793 = arith.index_cast %add3A_792 : i32 to index
          %get3A_794 = arith.constant 0 : index
          %get3A_795 = tpu.vector_load %arg7[%get3A_793, %get3A_794] {strides = array<i32>} : memref<128x128xf32, #tpu.memory_space<vmem>>, vector<1x16xf32>,
          %get3A_796 = vector.shape_cast %get3A_795 : vector<1x16xf32> to vector<16xf32>
          %swap3A_797 = arith.constant 6 : i32
          %swap3A_798 = arith.index_cast %scan3A_428 : i32 to index
          %swap3A_799 = arith.index_cast %swap3A_797 : i32 to index
          %swap3A_800 = arith.constant 0 : index
          %swap3A_801 = tpu.vector_load %arg9[%swap3A_798, %swap3A_799, %swap3A_800] {strides = array<i32>} : memref<16x8x64xf32, #tpu.memory_space<vmem>>, vector<1x1x16xf32>,
          %swap3A_802 = vector.shape_cast %swap3A_801 : vector<1x1x16xf32> to vector<16xf32>
          %swap3A_803 = vector.shape_cast %get3A_796 : vector<16xf32> to vector<1x1x16xf32>
          tpu.vector_store %arg9[%swap3A_798, %swap3A_799, %swap3A_800], %swap3A_803 {strides = array<i32>} : memref<16x8x64xf32, #tpu.memory_space<vmem>>, vector<1x1x16xf32>,
          %mul3A_804 = arith.constant 8 : i32
          %mul3A_805 = arith.muli %scan3A_428, %mul3A_804 : i32
          %add3A_806 = arith.constant 6 : i32
          %add3A_807 = arith.addi %mul3A_805, %add3A_806 : i32
          %get3A_808 = arith.index_cast %add3A_807 : i32 to index
          %get3A_809 = arith.constant 16 : index
          %get3A_810 = tpu.vector_load %arg7[%get3A_808, %get3A_809] {strides = array<i32>} : memref<128x128xf32, #tpu.memory_space<vmem>>, vector<1x16xf32>,
          %get3A_811 = vector.shape_cast %get3A_810 : vector<1x16xf32> to vector<16xf32>
          %swap3A_812 = arith.constant 6 : i32
          %swap3A_813 = arith.index_cast %scan3A_428 : i32 to index
          %swap3A_814 = arith.index_cast %swap3A_812 : i32 to index
          %swap3A_815 = arith.constant 16 : index
          %swap3A_816 = tpu.vector_load %arg9[%swap3A_813, %swap3A_814, %swap3A_815] {strides = array<i32>} : memref<16x8x64xf32, #tpu.memory_space<vmem>>, vector<1x1x16xf32>,
          %swap3A_817 = vector.shape_cast %swap3A_816 : vector<1x1x16xf32> to vector<16xf32>
          %swap3A_818 = vector.shape_cast %get3A_811 : vector<16xf32> to vector<1x1x16xf32>
          tpu.vector_store %arg9[%swap3A_813, %swap3A_814, %swap3A_815], %swap3A_818 {strides = array<i32>} : memref<16x8x64xf32, #tpu.memory_space<vmem>>, vector<1x1x16xf32>,
          %mul3A_819 = arith.constant 8 : i32
          %mul3A_820 = arith.muli %scan3A_428, %mul3A_819 : i32
          %add3A_821 = arith.constant 6 : i32
          %add3A_822 = arith.addi %mul3A_820, %add3A_821 : i32
          %get3A_823 = arith.index_cast %add3A_822 : i32 to index
          %get3A_824 = arith.constant 32 : index
          %get3A_825 = tpu.vector_load %arg7[%get3A_823, %get3A_824] {strides = array<i32>} : memref<128x128xf32, #tpu.memory_space<vmem>>, vector<1x16xf32>,
          %get3A_826 = vector.shape_cast %get3A_825 : vector<1x16xf32> to vector<16xf32>
          %swap3A_827 = arith.constant 6 : i32
          %swap3A_828 = arith.index_cast %scan3A_428 : i32 to index
          %swap3A_829 = arith.index_cast %swap3A_827 : i32 to index
          %swap3A_830 = arith.constant 32 : index
          %swap3A_831 = tpu.vector_load %arg9[%swap3A_828, %swap3A_829, %swap3A_830] {strides = array<i32>} : memref<16x8x64xf32, #tpu.memory_space<vmem>>, vector<1x1x16xf32>,
          %swap3A_832 = vector.shape_cast %swap3A_831 : vector<1x1x16xf32> to vector<16xf32>
          %swap3A_833 = vector.shape_cast %get3A_826 : vector<16xf32> to vector<1x1x16xf32>
          tpu.vector_store %arg9[%swap3A_828, %swap3A_829, %swap3A_830], %swap3A_833 {strides = array<i32>} : memref<16x8x64xf32, #tpu.memory_space<vmem>>, vector<1x1x16xf32>,
          %mul3A_834 = arith.constant 8 : i32
          %mul3A_835 = arith.muli %scan3A_428, %mul3A_834 : i32
          %add3A_836 = arith.constant 6 : i32
          %add3A_837 = arith.addi %mul3A_835, %add3A_836 : i32
          %get3A_838 = arith.index_cast %add3A_837 : i32 to index
          %get3A_839 = arith.constant 48 : index
          %get3A_840 = tpu.vector_load %arg7[%get3A_838, %get3A_839] {strides = array<i32>} : memref<128x128xf32, #tpu.memory_space<vmem>>, vector<1x16xf32>,
          %get3A_841 = vector.shape_cast %get3A_840 : vector<1x16xf32> to vector<16xf32>
          %swap3A_842 = arith.constant 6 : i32
          %swap3A_843 = arith.index_cast %scan3A_428 : i32 to index
          %swap3A_844 = arith.index_cast %swap3A_842 : i32 to index
          %swap3A_845 = arith.constant 48 : index
          %swap3A_846 = tpu.vector_load %arg9[%swap3A_843, %swap3A_844, %swap3A_845] {strides = array<i32>} : memref<16x8x64xf32, #tpu.memory_space<vmem>>, vector<1x1x16xf32>,
          %swap3A_847 = vector.shape_cast %swap3A_846 : vector<1x1x16xf32> to vector<16xf32>
          %swap3A_848 = vector.shape_cast %get3A_841 : vector<16xf32> to vector<1x1x16xf32>
          tpu.vector_store %arg9[%swap3A_843, %swap3A_844, %swap3A_845], %swap3A_848 {strides = array<i32>} : memref<16x8x64xf32, #tpu.memory_space<vmem>>, vector<1x1x16xf32>,
          %mul3A_849 = arith.constant 8 : i32
          %mul3A_850 = arith.muli %scan3A_428, %mul3A_849 : i32
          %add3A_851 = arith.constant 7 : i32
          %add3A_852 = arith.addi %mul3A_850, %add3A_851 : i32
          %get3A_853 = arith.index_cast %add3A_852 : i32 to index
          %get3A_854 = arith.constant 0 : index
          %get3A_855 = tpu.vector_load %arg7[%get3A_853, %get3A_854] {strides = array<i32>} : memref<128x128xf32, #tpu.memory_space<vmem>>, vector<1x16xf32>,
          %get3A_856 = vector.shape_cast %get3A_855 : vector<1x16xf32> to vector<16xf32>
          %swap3A_857 = arith.constant 7 : i32
          %swap3A_858 = arith.index_cast %scan3A_428 : i32 to index
          %swap3A_859 = arith.index_cast %swap3A_857 : i32 to index
          %swap3A_860 = arith.constant 0 : index
          %swap3A_861 = tpu.vector_load %arg9[%swap3A_858, %swap3A_859, %swap3A_860] {strides = array<i32>} : memref<16x8x64xf32, #tpu.memory_space<vmem>>, vector<1x1x16xf32>,
          %swap3A_862 = vector.shape_cast %swap3A_861 : vector<1x1x16xf32> to vector<16xf32>
          %swap3A_863 = vector.shape_cast %get3A_856 : vector<16xf32> to vector<1x1x16xf32>
          tpu.vector_store %arg9[%swap3A_858, %swap3A_859, %swap3A_860], %swap3A_863 {strides = array<i32>} : memref<16x8x64xf32, #tpu.memory_space<vmem>>, vector<1x1x16xf32>,
          %mul3A_864 = arith.constant 8 : i32
          %mul3A_865 = arith.muli %scan3A_428, %mul3A_864 : i32
          %add3A_866 = arith.constant 7 : i32
          %add3A_867 = arith.addi %mul3A_865, %add3A_866 : i32
          %get3A_868 = arith.index_cast %add3A_867 : i32 to index
          %get3A_869 = arith.constant 16 : index
          %get3A_870 = tpu.vector_load %arg7[%get3A_868, %get3A_869] {strides = array<i32>} : memref<128x128xf32, #tpu.memory_space<vmem>>, vector<1x16xf32>,
          %get3A_871 = vector.shape_cast %get3A_870 : vector<1x16xf32> to vector<16xf32>
          %swap3A_872 = arith.constant 7 : i32
          %swap3A_873 = arith.index_cast %scan3A_428 : i32 to index
          %swap3A_874 = arith.index_cast %swap3A_872 : i32 to index
          %swap3A_875 = arith.constant 16 : index
          %swap3A_876 = tpu.vector_load %arg9[%swap3A_873, %swap3A_874, %swap3A_875] {strides = array<i32>} : memref<16x8x64xf32, #tpu.memory_space<vmem>>, vector<1x1x16xf32>,
          %swap3A_877 = vector.shape_cast %swap3A_876 : vector<1x1x16xf32> to vector<16xf32>
          %swap3A_878 = vector.shape_cast %get3A_871 : vector<16xf32> to vector<1x1x16xf32>
          tpu.vector_store %arg9[%swap3A_873, %swap3A_874, %swap3A_875], %swap3A_878 {strides = array<i32>} : memref<16x8x64xf32, #tpu.memory_space<vmem>>, vector<1x1x16xf32>,
          %mul3A_879 = arith.constant 8 : i32
          %mul3A_880 = arith.muli %scan3A_428, %mul3A_879 : i32
          %add3A_881 = arith.constant 7 : i32
          %add3A_882 = arith.addi %mul3A_880, %add3A_881 : i32
          %get3A_883 = arith.index_cast %add3A_882 : i32 to index
          %get3A_884 = arith.constant 32 : index
          %get3A_885 = tpu.vector_load %arg7[%get3A_883, %get3A_884] {strides = array<i32>} : memref<128x128xf32, #tpu.memory_space<vmem>>, vector<1x16xf32>,
          %get3A_886 = vector.shape_cast %get3A_885 : vector<1x16xf32> to vector<16xf32>
          %swap3A_887 = arith.constant 7 : i32
          %swap3A_888 = arith.index_cast %scan3A_428 : i32 to index
          %swap3A_889 = arith.index_cast %swap3A_887 : i32 to index
          %swap3A_890 = arith.constant 32 : index
          %swap3A_891 = tpu.vector_load %arg9[%swap3A_888, %swap3A_889, %swap3A_890] {strides = array<i32>} : memref<16x8x64xf32, #tpu.memory_space<vmem>>, vector<1x1x16xf32>,
          %swap3A_892 = vector.shape_cast %swap3A_891 : vector<1x1x16xf32> to vector<16xf32>
          %swap3A_893 = vector.shape_cast %get3A_886 : vector<16xf32> to vector<1x1x16xf32>
          tpu.vector_store %arg9[%swap3A_888, %swap3A_889, %swap3A_890], %swap3A_893 {strides = array<i32>} : memref<16x8x64xf32, #tpu.memory_space<vmem>>, vector<1x1x16xf32>,
          %mul3A_894 = arith.constant 8 : i32
          %mul3A_895 = arith.muli %scan3A_428, %mul3A_894 : i32
          %add3A_896 = arith.constant 7 : i32
          %add3A_897 = arith.addi %mul3A_895, %add3A_896 : i32
          %get3A_898 = arith.index_cast %add3A_897 : i32 to index
          %get3A_899 = arith.constant 48 : index
          %get3A_900 = tpu.vector_load %arg7[%get3A_898, %get3A_899] {strides = array<i32>} : memref<128x128xf32, #tpu.memory_space<vmem>>, vector<1x16xf32>,
          %get3A_901 = vector.shape_cast %get3A_900 : vector<1x16xf32> to vector<16xf32>
          %swap3A_902 = arith.constant 7 : i32
          %swap3A_903 = arith.index_cast %scan3A_428 : i32 to index
          %swap3A_904 = arith.index_cast %swap3A_902 : i32 to index
          %swap3A_905 = arith.constant 48 : index
          %swap3A_906 = tpu.vector_load %arg9[%swap3A_903, %swap3A_904, %swap3A_905] {strides = array<i32>} : memref<16x8x64xf32, #tpu.memory_space<vmem>>, vector<1x1x16xf32>,
          %swap3A_907 = vector.shape_cast %swap3A_906 : vector<1x1x16xf32> to vector<16xf32>
          %swap3A_908 = vector.shape_cast %get3A_901 : vector<16xf32> to vector<1x1x16xf32>
          tpu.vector_store %arg9[%swap3A_903, %swap3A_904, %swap3A_905], %swap3A_908 {strides = array<i32>} : memref<16x8x64xf32, #tpu.memory_space<vmem>>, vector<1x1x16xf32>,
        }
        %scan3A_418 = arith.constant 16 : i32
        %mul3A_419 = arith.constant 16 : i32
        %mul3A_420 = arith.muli %add3A_398, %mul3A_419 : i32
        %add3A_421 = arith.addi %mul3A_2, %mul3A_420 : i32
        %dma_start3A_422 = arith.constant 0 : i32
        %dma_start3A_423 = arith.constant 0 : i32
        %dma_start3A_424 = tpu.memref_slice %arg4[%add3A_421, %dma_start3A_422, %dma_start3A_423] : memref<102400x8x64xf32, #tpu.memory_space<hbm>> -> memref<16x8x64xf32, #tpu.memory_space<hbm>>
        %dma_start3A_425 = arith.constant 0 : i32
        %dma_start3A_426 = arith.constant 0 : i32
        %dma_start3A_427 = tpu.memref_slice %arg4[%add3A_421, %dma_start3A_425, %dma_start3A_426] : memref<102400x8x64xf32, #tpu.memory_space<hbm>> -> memref<16x8x64xf32, #tpu.memory_space<hbm>>
        tpu.enqueue_dma source(%arg9 : memref<16x8x64xf32, #tpu.memory_space<vmem>>) target(%dma_start3A_427 : memref<16x8x64xf32, #tpu.memory_space<hbm>>) target_semaphore(%arg14 : memref<!tpu.dma_semaphore, #tpu.memory_space<semaphore_mem>>)
      } else {
      }
    }
    %scan3A_184 = arith.constant 100 : i32
    %dma_wait3A_185 = arith.constant 0 : i32
    %dma_wait3A_186 = arith.constant 0 : i32
    %dma_wait3A_187 = arith.constant 0 : i32
    %dma_wait3A_188 = tpu.memref_slice %arg4[%dma_wait3A_185, %dma_wait3A_186, %dma_wait3A_187] : memref<102400x8x64xf32, #tpu.memory_space<hbm>> -> memref<16x8x64xf32, #tpu.memory_space<hbm>>
    %dma_wait3A_189 = arith.constant 0 : i32
    %dma_wait3A_190 = arith.constant 0 : i32
    %dma_wait3A_191 = arith.constant 0 : i32
    %dma_wait3A_192 = tpu.memref_slice %arg4[%dma_wait3A_189, %dma_wait3A_190, %dma_wait3A_191] : memref<102400x8x64xf32, #tpu.memory_space<hbm>> -> memref<16x8x64xf32, #tpu.memory_space<hbm>>
    tpu.wait_dma2 semaphore(%arg13 : memref<!tpu.dma_semaphore, #tpu.memory_space<semaphore_mem>>) src(%arg8 : memref<16x8x64xf32, #tpu.memory_space<vmem>>) dst(%dma_wait3A_192 : memref<16x8x64xf32, #tpu.memory_space<hbm>>)
    %dma_wait3A_193 = arith.constant 0 : i32
    %dma_wait3A_194 = arith.constant 0 : i32
    %dma_wait3A_195 = arith.constant 0 : i32
    %dma_wait3A_196 = tpu.memref_slice %arg4[%dma_wait3A_193, %dma_wait3A_194, %dma_wait3A_195] : memref<102400x8x64xf32, #tpu.memory_space<hbm>> -> memref<16x8x64xf32, #tpu.memory_space<hbm>>
    %dma_wait3A_197 = arith.constant 0 : i32
    %dma_wait3A_198 = arith.constant 0 : i32
    %dma_wait3A_199 = arith.constant 0 : i32
    %dma_wait3A_200 = tpu.memref_slice %arg4[%dma_wait3A_197, %dma_wait3A_198, %dma_wait3A_199] : memref<102400x8x64xf32, #tpu.memory_space<hbm>> -> memref<16x8x64xf32, #tpu.memory_space<hbm>>
    tpu.wait_dma2 semaphore(%arg14 : memref<!tpu.dma_semaphore, #tpu.memory_space<semaphore_mem>>) src(%arg9 : memref<16x8x64xf32, #tpu.memory_space<vmem>>) dst(%dma_wait3A_200 : memref<16x8x64xf32, #tpu.memory_space<hbm>>)
    return
  }
}

</mosaic_0001>

<sc_bundles>
// kernel: kernel.3.cloned.1.call-start
scs
__scs_entry_jumppad:
0x0: {  	(pc) =	sbr.rel $0x88, $3  }
0x1: {  	(tag) =	ssettag $0x0;
	lr =	simm.s32 $0x1  }
0x2: {  	[smem:$0x3F9F] =	sst lr;
	_ =	strace $0xD0000000  }
0x3: {  	_ = 	snop  }
0x4: {  	_ = 	snop  }
0x5: {  	_ = 	snop  }
0x6: {  	_ = 	snop  }
0x7: {  	_ = 	snop  }
__scs_overlays_trampoline_lowered:
0x8: {  	[smem:$0x3FAE] =	sst s0  }
0x9: {  	[smem:$0x3FAF] =	sst s1  }
0xa: {  	[smem:$0x3FB0] =	sst s2  }
0xb: {  	[smem:$0x3FB1] =	sst s3  }
0xc: {  	[smem:$0x3FB2] =	sst s4  }
0xd: {  	[smem:$0x3FB3] =	sst s5  }
0xe: {  	[smem:$0x3FB4] =	sst s6  }
0xf: {  	[smem:$0x3FB5] =	sst s7  }
0x10: {  	[smem:$0x3FB6] =	sst s8  }
0x11: {  	[smem:$0x3FB7] =	sst s9;
	s0 =	simm.s32 @!p0 $0x0  }
0x12: {  	s1 =	sld [smem:$0x3F9D];
	s0 =	simm.s32 @p0 $0x1  }
0x13: {  	[smem:$0x3FB8] =	sst s0;
	s0 =	simm.s32 @!p1 $0x0  }
0x14: {  	s2 =	sld [smem:$0x3F9C];
	s0 =	simm.s32 @p1 $0x1  }
0x15: {  	[smem:$0x3FB9] =	sst s0;
	s0 =	simm.s32 @!p2 $0x0  }
0x16: {  	s3 =	sld [smem:$0x3FDB];
	s0 =	simm.s32 @p2 $0x1  }
0x17: {  	s4 =	simm.s32 $0x1BF5;
	[smem:$0x3FBB] =	sst s0  }
0x18: {  	s0 =	sld [smem:$0x3F9E];
	_ =	swait.ge [sflag:s4], $0x0  }
0x19: {  	s7 =	sld [smem:$0x3F9F]  }
0x1a: {  	s8 =	sadd.s32 $0xFFFFE003, lr  }
0x1b: {  	s9 =	sadd.s32 $0xFFFFFEF7, lr;
	s5 =	simm.s32 $0xFFFFFFFF;
	p2 =	slt.u32 s8, $0xFFFFF086  }
0x1c: {  	p1 =	slt.u32 s9, $0xF7A;
	s5 =	simm.s32 @!p2 $0x0  }
0x1d: {  	s5 =	simm.s32 @p1 $0x1;
	p0 =	seq.s32 s7, s2  }
0x1e: {  	s7 =	smul.u32 @!p0 $0xF7A, s2;
	p2 =	seq.s32 @!p0 s5, $0x0  }
0x1f: {  	s9 =	smul.u32 $0xF7A, s1;
	s8 =	simm.s32 @!p0 $0x1BF5;
	p2 =	por !p2, p0  }
0x20: {  	[sflag:s8] =	ssyncset.s32 @!p0 $0xFFFFF086;
	s6 =	sadd.s32 @!p0 s3, s7;
	s7 =	simm.s32 @!p0 $0x108  }
0x21: {  	s3 =	sadd.s32 s3, s9;
	s6 =	sadd.s32 @!p0 $0x88, s6;
	s7 =	simm.s32 @p2 $0x1082  }
0x22: {  	[simem:s7], [sflag:s8] =	dma.local @!p0 [hbm:s6], $0xF7A  }
0x23: {  	s9 =	sor.u32 $0xD0000000, s2;
	s6 =	simm.s32 $0x108;
	_ =	swait.ge @!p0 [sflag:s8], $0x0  }
0x24: {  	s3 =	sadd.s32 $0x88, s3;
	s6 =	simm.s32 @!p1 $0x1082;
	[sflag:s4] =	ssyncset.s32 $0xFFFFF086  }
0x25: {  	[simem:s6], [sflag:s4] =	dma.local [hbm:s3], $0xF7A  }
0x26: {  	[smem:$0x3F9F] =	sst s1;
	(tag) =	ssettag s2;
	_ =	strace s9  }
0x27: {  	s1 =	sld [smem:$0x3FAF]  }
0x28: {  	s2 =	sld [smem:$0x3FB0]  }
0x29: {  	s4 =	sld [smem:$0x3FB2]  }
0x2a: {  	p0 =	seq.s32 s5, $0x0;
	s5 =	sld [smem:$0x3FB3]  }
0x2b: {  	s6 =	sld [smem:$0x3FB4]  }
0x2c: {  	s7 =	sld [smem:$0x3FB5]  }
0x2d: {  	s3 =	simm.s32 $0x108;
	s8 =	sld [smem:$0x3FB6]  }
0x2e: {  	s3 =	simm.s32 @!p0 $0x1082;
	s9 =	sld [smem:$0x3FB7]  }
0x2f: {  	lr =	sadd.s32 s0, s3;
	s0 =	sld [smem:$0x3FAE]  }
0x30: {  	s3 =	sld [smem:$0x3FB1]  }
0x31: {  	[smem:$0x3FBA] =	sst s10  }
0x32: {  	s10 =	sld [smem:$0x3FB8];
	_ =	sdelay $0x3  }
0x33: {  	p0 =	seq.s32 s10, $0x1;
	s10 =	sld [smem:$0x3FBA];
	_ =	sdelay $0x3  }
0x34: {  	[smem:$0x3FBA] =	sst s10  }
0x35: {  	s10 =	sld [smem:$0x3FB9];
	_ =	sdelay $0x3  }
0x36: {  	p1 =	seq.s32 s10, $0x1;
	s10 =	sld [smem:$0x3FBA];
	_ =	sdelay $0x3  }
0x37: {  	[smem:$0x3FBA] =	sst s10  }
0x38: {  	s10 =	sld [smem:$0x3FBB]  }
0x39: {  	_ = 	snop;
	(pc) =	sbr.ind lr, $3  }
0x3a: {  	_ = 	snop  }
0x3b: {  	_ = 	snop  }
0x3c: {  	p2 =	seq.s32 s10, $0x1;
	s10 =	sld [smem:$0x3FBA]  }
0x3d: {  	_ =	shalt  }
0x3e: {  	_ =	shalt  }
0x3f: {  	_ =	shalt  }
0x40: {  	_ =	shalt  }
0x41: {  	_ =	shalt  }
0x42: {  	_ =	shalt  }
0x43: {  	_ =	shalt  }
0x44: {  	_ =	shalt  }
0x45: {  	_ =	shalt  }
0x46: {  	_ =	shalt  }
0x47: {  	_ =	shalt  }
0x48: {  	_ =	shalt  }
0x49: {  	_ =	shalt  }
0x4a: {  	_ =	shalt  }
0x4b: {  	_ =	shalt  }
0x4c: {  	_ =	shalt  }
0x4d: {  	_ =	shalt  }
0x4e: {  	_ =	shalt  }
0x4f: {  	_ =	shalt  }
0x50: {  	_ =	shalt  }
0x51: {  	_ =	shalt  }
0x52: {  	_ =	shalt  }
0x53: {  	_ =	shalt  }
0x54: {  	_ =	shalt  }
0x55: {  	_ =	shalt  }
0x56: {  	_ =	shalt  }
0x57: {  	_ =	shalt  }
0x58: {  	_ =	shalt  }
0x59: {  	_ =	shalt  }
0x5a: {  	_ =	shalt  }
0x5b: {  	_ =	shalt  }
0x5c: {  	_ =	shalt  }
0x5d: {  	_ =	shalt  }
0x5e: {  	_ =	shalt  }
0x5f: {  	_ =	shalt  }
0x60: {  	_ =	shalt  }
0x61: {  	_ =	shalt  }
0x62: {  	_ =	shalt  }
0x63: {  	_ =	shalt  }
0x64: {  	_ =	shalt  }
0x65: {  	_ =	shalt  }
0x66: {  	_ =	shalt  }
0x67: {  	_ =	shalt  }
0x68: {  	_ =	shalt  }
0x69: {  	_ =	shalt  }
0x6a: {  	_ =	shalt  }
0x6b: {  	_ =	shalt  }
0x6c: {  	_ =	shalt  }
0x6d: {  	_ =	shalt  }
0x6e: {  	_ =	shalt  }
0x6f: {  	_ =	shalt  }
0x70: {  	_ =	shalt  }
0x71: {  	_ =	shalt  }
0x72: {  	_ =	shalt  }
0x73: {  	_ =	shalt  }
0x74: {  	_ =	shalt  }
0x75: {  	_ =	shalt  }
0x76: {  	_ =	shalt  }
0x77: {  	_ =	shalt  }
0x78: {  	_ =	shalt  }
0x79: {  	_ =	shalt  }
0x7a: {  	_ =	shalt  }
0x7b: {  	_ =	shalt  }
0x7c: {  	_ =	shalt  }
0x7d: {  	_ =	shalt  }
0x7e: {  	_ =	shalt  }
0x7f: {  	_ =	shalt  }
0x80: {  	_ =	shalt  }
0x81: {  	_ =	shalt  }
0x82: {  	_ =	shalt  }
0x83: {  	_ =	shalt  }
0x84: {  	_ =	shalt  }
0x85: {  	_ =	shalt  }
0x86: {  	_ =	shalt  }
0x87: {  	_ =	shalt  }
.Lfunc_end0:
.L_simem_size_0:
called_computation.1_lowered:
.L_overlay_start_0:
0x88: {  	s2 =	sld [smem:$0x3FD9]  }
0x89: {  	s3 =	sld [smem:$0x3FFE];
	_ =	sdelay $0x1  }
0x8a: {  	s1 =	srdreg.scid  }
0x8b: {  	s0 =	sand.u32 $0x1, s1  }
0x8c: {  	s16 =	sshll.u32 s0, $0xA;
	s2 =	sadd.s32 s3, s2  }
0x8d: {  	s2 =	sadd.s32 s2, s16  }
0x8e: {  	[smem:$0x3FC6] =	sst s2  }
0x8f: {  	_ = 	snop  }
0x90: {  	(tm) =	ssettm $0x1  }
0x91: {  	s17 =	sld [smem:$0x3FFB];
	_ =	sdelay $0x3  }
0x92: {  	_ =	strace s17  }
0x93: {  	s2 =	sld [smem:$0x3FFC];
	_ =	sdelay $0x3  }
0x94: {  	_ =	strace s2  }
0x95: {  	s2 =	sld [smem:$0x3FFD];
	_ =	sdelay $0x3  }
0x96: {  	_ =	strace s2  }
0x97: {  	_ =	strace $0x8FFFFFFF  }
0x98: {  	s18 =	sld [smem:$0x3FDB];
	_ =	sdelay $0x1  }
0x99: {  	s19 =	simm.s32 $_scs_section_size  }
0x9a: {  	s4 =	simm.s32 $_size__tile_overlayer_lowered;
	s5 =	simm.s32 $_tile_overlayer_lowered  }
0x9b: {  	s22 =	simm.s32 $0x1BFF;
	s21 =	sshll.u32 s5, $0x1;
	s2 =	sadd.s32 s19, s18  }
0x9c: {  	s6 =	simm.s32 $0x0;
	s20 =	sshll.u32 s4, $0x1;
	s4 =	sadd.s32 s21, s2  }
0x9d: {  	[timem:s6], [sflag:s22] =	dma.local [hbm:s4], s20  }
0x9e: {  	_ =	swait.ge [sflag:s22], s20  }
0x9f: {  	s3 =	ssub.s32 $0x0, s20;
	[sflag:s22] =	ssyncset.done $0x0  }
0xa0: {  	[sflag:s22] =	ssyncadd.s32 s3;
	_ =	sdelay $0x1  }
0xa1: {  	s23 =	simm.s32 $0x1B8B  }
0xa2: {  	_ =	swait.ge [sflag:s23], $0x1  }
0xa3: {  	[sflag:s23] =	ssyncset.done $0x0  }
0xa4: {  	s25 =	simm.s32 $0x1B8E;
	s24 =	sld [smem:$0x3FFE];
	[sflag:s23] =	ssyncadd.s32 $0xFFFFFFFF  }
0xa5: {  	s26 =	simm.s32 $execute0_lowered;
	[smem:$0x3FD2] =	sst s25  }
0xa6: {  	s4 =	sshll.u32 s26, $0x1;
	_ =	strace $0x80000046;
	[dreg:$0x1] =	wrdreg $0xFFFFFFFF  }
0xa7: {  	s28 =	simm.s32 $_size_execute0_lowered;
	s2 =	sadd.s32 s2, s4;
	[dreg:$0x0] =	wrdreg $0x0  }
0xa8: {  	s4 =	sshll.u32 s28, $0x1;
	[dreg:$0x2] =	wrdreg s2  }
0xa9: {  	[dreg:$0x3] =	wrdreg s4  }
0xaa: {  	[dreg:$0x4] =	wrdreg $0xC0  }
0xab: {  	_ =	task [dreg:s6], $0x5FFFF  }
0xac: {  	[dreg:$0x1] =	wrdreg $0xFFFFFFFF  }
0xad: {  	[dreg:$0x0] =	wrdreg $0x60  }
0xae: {  	[dreg:$0x2] =	wrdreg s24  }
0xaf: {  	[dreg:$0x3] =	wrdreg $0x9  }
0xb0: {  	_ =	task.clear_ibuf [dreg:s6], $0x4FFFF;
	_ =	strace $0x90000046  }
0xb1: {  	s29 =	simm.s32 $0x9;
	_ =	strace $0x80000048  }
0xb2: {  	_ =	swait.ge [sflag:s29], $0x1  }
0xb3: {  	[sflag:s29] =	ssyncadd.s32 $0xFFFFFFFF  }
0xb4: {  	_ =	strace $0x90000048  }
0xb5: {  	_ =	sfence  }
0xb6: {  	s30 =	sld [smem:$0x0];
	_ =	sdelay $0x2  }
0xb7: {  	s31 =	sshll.u32 s1, $0xD;
	s1 =	sshrl.u32 s1, $0x2  }
0xb8: {  	s3 =	sand.u32 $0x4000, s31;
	s1 =	sadd.s32 s1, s30  }
0xb9: {  	s0 =	sor.u32 s3, s0;
	s1 =	sshll.u32 s1, $0x11  }
0xba: {  	s0 =	sor.u32 s1, s0  }
0xbb: {  	s0 =	sadd.s32 $0x8F2B, s0  }
0xbc: {  	[sflag:s0] =	ssyncadd.remote.s32 $0x1  }
0xbd: {  	_ =	sfence.sel $0xFFFF  }
0xbe: {  	[dreg:$0x0] =	wrdreg $0xFFFFFFFF;
	(pc) =	sbr.abs _section_cstart, $3  }
0xbf: {  	[dreg:$0x1] =	wrdreg $0xFFFFFFFF  }
0xc0: {  	_ =	task.clear_ibuf [dreg:s6], $0x2FFFF;
	_ =	strace $0x9FFFFFFF  }
0xc1: {  	(tm) =	ssettm $0x7FFFFFFF  }
tec
execute0_lowered:
.L_overlay_start_1:
0x0: {  	(tag) =	ssettag $0x1  }
0x1: {  	s1 =	srdreg.scid;
	s0 =	stileid.u32  }
0x2: {  	s5 =	rddreg [dreg:$0x0];
	s2 =	simm.s32 $0x0;
	s12 =	simm.s32 $0x1  }
0x3: {  	s13 =	simm.s32 $0x80;
	s14 =	simm.s32 $0x6400;
	s15 =	simm.s32 $0x2  }
0x4: {  	s16 =	simm.s32 $0xA400;
	s17 =	simm.s32 $0xE400;
	s18 =	simm.s32 $0x3  }
0x5: {  	s19 =	simm.s32 $0x100;
	s20 =	simm.s32 $0x12400;
	s21 =	simm.s32 $0x4  }
0x6: {  	s22 =	simm.s32 $0x5;
	s6 =	sand.u32 $0x1, s1;
	s3 =	sshll.u32 s0, $0x1  }
0x7: {  	s23 =	simm.s32 $0x6380;
	s1 =	rddreg [dreg:$0x1];
	s7 =	sor.u32 s6, s3  }
0x8: {  	s24 =	simm.s32 $0x0;
	[smem:$0x7FF] =	sst s2;
	s8 =	smul.u32 $0xC80, s7  }
0x9: {  	_ =	strace $0x80000047;
	s6 =	ssub.s32 $0x2, s6;
	s4 =	smul.u32 $0x320000, s7  }
.Ltmp0:
0xa: {  	s3 =	sadd.s32 $0x19800, s5;
	s9 =	sshrl.u32 s6, $0x1;
	(pc) =	sbr.rel .LBB2_1-.Ltmp0, $4  }
0xb: {  	s7 =	smul.u32 $0x64000, s7;
	s11 =	ssub.s32 s6, s9;
	s8 =	sadd.s32 s8, s5  }
0xc: {  	s5 =	sadd.s32 $0x326E00, s5;
	s10 =	sshrl.u32 s4, $0x3;
	s11 =	smax.u32 s11, $0x1  }
0xd: {  	s6 =	sadd.s32 s5, s7;
	s10 =	sadd.s32 s5, s10;
	s7 =	sadd.s32 $0x800, s8  }
0xe: {  	s8 =	sadd.s32 $0x800, s6;
	s9 =	sadd.s32 $0x63000, s10;
	s10 =	sadd.s32 $0x63800, s10  }
.LBB2_20:
0xf: {  	s24 =	sadd.s32 $0x1, s24  }
0x10: {  	_ =	swait.ge [sflag:s21], $0x4000;
	p0 =	sne.s32 s24, s11  }
.Ltmp1:
0x11: {  	[sflag:s21] =	ssyncset.done $0x0;
	(pc) =	sbr.rel @!p0 .LBB2_21-.Ltmp1, $4  }
0x12: {  	[sflag:s21] =	ssyncadd.s32 $0xFFFFC000  }
0x13: {  	_ =	swait.ge [sflag:s22], $0x4000  }
0x14: {  	[sflag:s22] =	ssyncset.done $0x0  }
0x15: {  	[sflag:s22] =	ssyncadd.s32 $0xFFFFC000  }
.LBB2_1:
0x16: {  	[tilespmem:s2], [sflag:$0x1] =	stream.linear.gather [hbm4b:s7+s2], $0x6400, $0x38;
	[tilespmem:$0x16400] =	vst v63  }
0x17: {  	_ =	swait.ge [sflag:s12], $0x6400  }
0x18: {  	[sflag:s12] =	ssyncset.done $0x0  }
0x19: {  	[sflag:s12] =	ssyncadd.s32 $0xFFFF9C00  }
0x1a: {  	v0 =	vld [tilespmem:$0x0]  }
0x1b: {  	v1 =	vld [tilespmem:$0x10]  }
0x1c: {  	v2 =	vld [tilespmem:$0x20]  }
0x1d: {  	v3 =	vld [tilespmem:$0x30]  }
0x1e: {  	v4 =	vld [tilespmem:$0x40]  }
0x1f: {  	v5 =	vld [tilespmem:$0x50]  }
0x20: {  	v6 =	vld [tilespmem:$0x60]  }
0x21: {  	v7 =	vld [tilespmem:$0x70];
	_ =	sdelay $0x1  }
0x22: {  	vm0 =	vgt.s32 v0, $0xFFFE7960  }
0x23: {  	vm1 =	vgt.s32 v1, $0xFFFE7960;
	vm5 =	vgt.s32 v2, $0xFFFE7960;
	vm6 =	vgt.s32 v3, $0xFFFE7960  }
0x24: {  	vm8 =	vgt.s32 v4, $0xFFFE7960;
	vm9 =	vgt.s32 v5, $0xFFFE7960;
	vm12 =	vgt.s32 v6, $0xFFFE7960  }
0x25: {  	vm13 =	vgt.s32 v7, $0xFFFE7960;
	v0 =	vnsel vm0, $0xFFFE7960, v0;
	v1 =	vnsel vm1, $0xFFFE7960, v1  }
0x26: {  	v2 =	vnsel vm5, $0xFFFE7960, v2;
	v3 =	vnsel vm6, $0xFFFE7960, v3;
	v4 =	vnsel vm8, $0xFFFE7960, v4  }
0x27: {  	v5 =	vnsel vm9, $0xFFFE7960, v5;
	v57 =	vnsel vm12, $0xFFFE7960, v6;
	vm0 =	vlt.s32 v0, $0x186A0  }
0x28: {  	v59 =	vnsel vm13, $0xFFFE7960, v7;
	vm1 =	vlt.s32 v1, $0x186A0;
	v0 =	vnsel vm0, $0x186A0, v0  }
0x29: {  	vm7 =	vlt.s32 v2, $0x186A0;
	v1 =	vnsel vm1, $0x186A0, v1;
	v0 =	vadd.s32 $0x186A0, v0  }
0x2a: {  	vm10 =	vlt.s32 v4, $0x186A0;
	v2 =	vnsel vm7, $0x186A0, v2;
	v52 =	vadd.s32 $0x186A0, v1;
	[tilespmem:$0x0] =	vst v0  }
0x2b: {  	vm11 =	vlt.s32 v5, $0x186A0;
	v53 =	vnsel vm10, $0x186A0, v4;
	v54 =	vadd.s32 $0x186A0, v2;
	[tilespmem:$0x10] =	vst v52  }
0x2c: {  	vm14 =	vlt.s32 v57, $0x186A0;
	v55 =	vnsel vm11, $0x186A0, v5;
	v58 =	vadd.s32 $0x186A0, v53;
	[tilespmem:$0x20] =	vst v54  }
0x2d: {  	vm0 =	vlt.s32 v3, $0x186A0;
	v61 =	vnsel vm14, $0x186A0, v57;
	v60 =	vadd.s32 $0x186A0, v55;
	[tilespmem:$0x40] =	vst v58  }
.Ltmp2:
0x2e: {  	vm15 =	vlt.s32 v59, $0x186A0;
	v3 =	vnsel vm0, $0x186A0, v3;
	v63 =	vadd.s32 $0x186A0, v61;
	[tilespmem:$0x50] =	vst v60;
	(pc) =	sbr.rel .LBB2_2-.Ltmp2, $4  }
0x2f: {  	v62 =	vnsel vm15, $0x186A0, v59;
	v56 =	vadd.s32 $0x186A0, v3;
	[tilespmem:$0x60] =	vst v63  }
0x30: {  	v0 =	vadd.s32 $0x186A0, v62;
	[tilespmem:$0x30] =	vst v56  }
0x31: {  	s25 =	simm.s32 $0x0;
	[tilespmem:$0x70] =	vst v0  }
0x32: {  	[tilespmem:s14], [sflag:$0x2] =	stream.indirect.gather [hbm4b:s3+s13], $0x80, s2, s13, $0xb8;
	[tilespmem:$0x16400] =	vst v63  }
.LBB2_13:
0x33: {  	v5 =	vld [tilespmem:s29+$0xA7B0];
	[tilespmem:s26+$0x12720] =	vst v0  }
0x34: {  	v0 =	vld [tilespmem:s29+$0xA400];
	[tilespmem:s26+$0x12730] =	vst v1  }
0x35: {  	v1 =	vld [tilespmem:s29+$0xA410];
	[tilespmem:s26+$0x12780] =	vst v2  }
0x36: {  	v2 =	vld [tilespmem:s29+$0xA420];
	[tilespmem:s26+$0x12790] =	vst v3  }
0x37: {  	v3 =	vld [tilespmem:s29+$0xA430];
	[tilespmem:s26+$0x127A0] =	vst v4  }
0x38: {  	v4 =	vld [tilespmem:s29+$0xA480];
	[tilespmem:s29+$0x127B0] =	vst v5  }
0x39: {  	v38 =	vld [tilespmem:s29+$0xA490];
	[tilespmem:s29+$0x12400] =	vst v0  }
0x3a: {  	v39 =	vld [tilespmem:s29+$0xA4A0];
	[tilespmem:s29+$0x12410] =	vst v1  }
0x3b: {  	v40 =	vld [tilespmem:s29+$0xA4B0];
	[tilespmem:s29+$0x12420] =	vst v2  }
0x3c: {  	v41 =	vld [tilespmem:s29+$0xA500];
	[tilespmem:s29+$0x12430] =	vst v3  }
0x3d: {  	v42 =	vld [tilespmem:s29+$0xA510];
	[tilespmem:s29+$0x12480] =	vst v4  }
0x3e: {  	v43 =	vld [tilespmem:s29+$0xA520];
	[tilespmem:s29+$0x12490] =	vst v38  }
0x3f: {  	v44 =	vld [tilespmem:s29+$0xA530];
	[tilespmem:s29+$0x124A0] =	vst v39  }
0x40: {  	v45 =	vld [tilespmem:s29+$0xA580];
	[tilespmem:s29+$0x124B0] =	vst v40  }
0x41: {  	v46 =	vld [tilespmem:s29+$0xA590];
	[tilespmem:s29+$0x12500] =	vst v41  }
0x42: {  	v47 =	vld [tilespmem:s29+$0xA5A0];
	[tilespmem:s29+$0x12510] =	vst v42  }
0x43: {  	v48 =	vld [tilespmem:s29+$0xA5B0];
	[tilespmem:s29+$0x12520] =	vst v43  }
0x44: {  	v49 =	vld [tilespmem:s29+$0xA600];
	[tilespmem:s29+$0x12530] =	vst v44  }
0x45: {  	v50 =	vld [tilespmem:s29+$0xA610];
	[tilespmem:s29+$0x12580] =	vst v45  }
0x46: {  	v51 =	vld [tilespmem:s29+$0xA620];
	[tilespmem:s29+$0x12590] =	vst v46  }
0x47: {  	v52 =	vld [tilespmem:s29+$0xA630];
	[tilespmem:s29+$0x125A0] =	vst v47  }
0x48: {  	v53 =	vld [tilespmem:s29+$0xA680];
	[tilespmem:s29+$0x125B0] =	vst v48  }
0x49: {  	v54 =	vld [tilespmem:s29+$0xA690];
	[tilespmem:s29+$0x12600] =	vst v49  }
0x4a: {  	v55 =	vld [tilespmem:s29+$0xA6A0];
	[tilespmem:s29+$0x12610] =	vst v50  }
0x4b: {  	v56 =	vld [tilespmem:s29+$0xA6B0];
	[tilespmem:s29+$0x12620] =	vst v51  }
0x4c: {  	v57 =	vld [tilespmem:s29+$0xA700];
	[tilespmem:s29+$0x12630] =	vst v52  }
0x4d: {  	v58 =	vld [tilespmem:s29+$0xA710];
	[tilespmem:s29+$0x12680] =	vst v53  }
0x4e: {  	v59 =	vld [tilespmem:s29+$0xA720];
	[tilespmem:s29+$0x12690] =	vst v54  }
0x4f: {  	v60 =	vld [tilespmem:s29+$0xA730];
	[tilespmem:s29+$0x126A0] =	vst v55  }
0x50: {  	v61 =	vld [tilespmem:s29+$0xA780];
	[tilespmem:s29+$0x126B0] =	vst v56  }
0x51: {  	v62 =	vld [tilespmem:s29+$0xA790];
	[tilespmem:s29+$0x12700] =	vst v57  }
0x52: {  	v63 =	vld [tilespmem:s29+$0xA7A0];
	[tilespmem:s29+$0x12710] =	vst v58  }
0x53: {  	[tilespmem:s29+$0x12720] =	vst v59  }
0x54: {  	[tilespmem:s29+$0x12730] =	vst v60  }
0x55: {  	[tilespmem:s29+$0x12780] =	vst v61  }
0x56: {  	[tilespmem:s29+$0x12790] =	vst v62  }
0x57: {  	s26 =	smov.u32 s8;
	[tilespmem:s29+$0x127A0] =	vst v63  }
.LBB2_14:
0x58: {  	s25 =	sadd.s32 $0x1, s25  }
0x59: {  	p0 =	sne.s32 s25, $0x64  }
.Ltmp3:
0x5a: {  	_ = 	snop;
	(pc) =	sbr.rel @!p0 .LBB2_20-.Ltmp3, $2  }
0x5b: {  	_ =	sdelay $0x2  }
0x5c: {  	[hbm4b:s26+s2] =	stream.linear.scatter [tilespmem:s20], [sflag:$0x5], $0x4000, $0x38;
	[tilespmem:$0x16400] =	vst v63  }
.LBB2_2:
0x5d: {  	p0 =	seq.s32 s25, $0x0  }
.Ltmp4:
0x5e: {  	_ = 	snop;
	(pc) =	sbr.rel @p0 .LBB2_9-.Ltmp4, $1  }
0x5f: {  	_ =	sdelay $0x3  }
0x60: {  	p0 =	seq.s32 s25, $0x63  }
.Ltmp5:
0x61: {  	_ = 	snop;
	(pc) =	sbr.rel @p0 .LBB2_15-.Ltmp5, $1  }
0x62: {  	_ =	sdelay $0x3  }
0x63: {  	_ =	swait.ge [sflag:s15], $0x4000  }
0x64: {  	[sflag:s15] =	ssyncset.done $0x0  }
0x65: {  	[sflag:s15] =	ssyncadd.s32 $0xFFFFC000  }
0x66: {  	s26 =	sshllo.u32 s25, $0x1;
	_ =	swait.ge [sflag:s21], $0x4000  }
0x67: {  	s28 =	sshll.u32 s26, $0x7;
	[sflag:s21] =	ssyncset.done $0x0  }
0x68: {  	s28 =	sand.u32 $0x3FFFFF80, s28;
	[sflag:s21] =	ssyncadd.s32 $0xFFFFC000  }
0x69: {  	v0 =	vld [tilespmem:s28+$0x0]  }
0x6a: {  	v1 =	vld [tilespmem:s28+$0x10]  }
0x6b: {  	v2 =	vld [tilespmem:s28+$0x20]  }
0x6c: {  	v3 =	vld [tilespmem:s28+$0x30]  }
0x6d: {  	v4 =	vld [tilespmem:s28+$0x40]  }
0x6e: {  	v5 =	vld [tilespmem:s28+$0x50]  }
0x6f: {  	v6 =	vld [tilespmem:s28+$0x60]  }
0x70: {  	v7 =	vld [tilespmem:s28+$0x70];
	_ =	sdelay $0x1  }
0x71: {  	vm0 =	vgt.s32 v0, $0xFFFE7960  }
0x72: {  	vm1 =	vgt.s32 v1, $0xFFFE7960;
	vm5 =	vgt.s32 v2, $0xFFFE7960;
	vm6 =	vgt.s32 v3, $0xFFFE7960  }
0x73: {  	vm8 =	vgt.s32 v4, $0xFFFE7960;
	vm9 =	vgt.s32 v5, $0xFFFE7960;
	vm12 =	vgt.s32 v6, $0xFFFE7960  }
0x74: {  	vm13 =	vgt.s32 v7, $0xFFFE7960;
	v0 =	vnsel vm0, $0xFFFE7960, v0;
	v1 =	vnsel vm1, $0xFFFE7960, v1  }
0x75: {  	v2 =	vnsel vm5, $0xFFFE7960, v2;
	v3 =	vnsel vm6, $0xFFFE7960, v3;
	v4 =	vnsel vm8, $0xFFFE7960, v4  }
0x76: {  	v5 =	vnsel vm9, $0xFFFE7960, v5;
	vm0 =	vlt.s32 v0, $0x186A0;
	vm1 =	vlt.s32 v1, $0x186A0  }
0x77: {  	vm7 =	vlt.s32 v2, $0x186A0;
	vm10 =	vlt.s32 v4, $0x186A0;
	v0 =	vnsel vm0, $0x186A0, v0  }
0x78: {  	vm11 =	vlt.s32 v5, $0x186A0;
	v1 =	vnsel vm1, $0x186A0, v1;
	v0 =	vadd.s32 $0x186A0, v0  }
0x79: {  	v2 =	vnsel vm7, $0x186A0, v2;
	vm0 =	vlt.s32 v3, $0x186A0;
	[tilespmem:s28+$0x0] =	vst v0;
	v0 =	vadd.s32 $0x186A0, v1  }
0x7a: {  	v3 =	vnsel vm0, $0x186A0, v3;
	v1 =	vnsel vm10, $0x186A0, v4;
	[tilespmem:s28+$0x10] =	vst v0;
	v0 =	vadd.s32 $0x186A0, v2  }
0x7b: {  	v2 =	vnsel vm11, $0x186A0, v5;
	[tilespmem:s28+$0x20] =	vst v0;
	v0 =	vadd.s32 $0x186A0, v3;
	v3 =	vnsel vm12, $0xFFFE7960, v6  }
0x7c: {  	[tilespmem:s28+$0x30] =	vst v0;
	v0 =	vadd.s32 $0x186A0, v1;
	v1 =	vnsel vm13, $0xFFFE7960, v7;
	vm14 =	vlt.s32 v3, $0x186A0  }
0x7d: {  	[tilespmem:s28+$0x40] =	vst v0;
	v0 =	vadd.s32 $0x186A0, v2;
	v2 =	vnsel vm14, $0x186A0, v3;
	vm15 =	vlt.s32 v1, $0x186A0  }
0x7e: {  	[tilespmem:s28+$0x50] =	vst v0;
	v0 =	vadd.s32 $0x186A0, v2;
	v1 =	vnsel vm15, $0x186A0, v1  }
0x7f: {  	[tilespmem:s28+$0x60] =	vst v0;
	v0 =	vadd.s32 $0x186A0, v1  }
0x80: {  	[tilespmem:s28+$0x70] =	vst v0  }
0x81: {  	[tilespmem:s16], [sflag:$0x3] =	stream.indirect.gather [hbm4b:s3+s13], $0x80, s28, s13, $0xb8;
	[tilespmem:$0x16400] =	vst v63  }
0x82: {  	s28 =	simm.s32 $0x0  }
0x83: {  	v0 =	vld [tilespmem:s28+$0x67B0]  }
0x84: {  	v1 =	vld [tilespmem:s28+$0x6400]  }
0x85: {  	v2 =	vld [tilespmem:s28+$0x6410]  }
0x86: {  	v3 =	vld [tilespmem:s28+$0x6420]  }
0x87: {  	v4 =	vld [tilespmem:s28+$0x6430]  }
0x88: {  	v5 =	vld [tilespmem:s28+$0x6480];
	[tilespmem:s28+$0xE7B0] =	vst v0  }
0x89: {  	[tilespmem:s28+$0xE400] =	vst v1;
	v0 =	vld [tilespmem:s28+$0x6490]  }
0x8a: {  	[tilespmem:s28+$0xE410] =	vst v2;
	v1 =	vld [tilespmem:s28+$0x64A0]  }
0x8b: {  	[tilespmem:s28+$0xE420] =	vst v3;
	v2 =	vld [tilespmem:s28+$0x64B0]  }
0x8c: {  	[tilespmem:s28+$0xE430] =	vst v4;
	v3 =	vld [tilespmem:s28+$0x6500]  }
0x8d: {  	[tilespmem:s28+$0xE480] =	vst v5;
	v4 =	vld [tilespmem:s28+$0x6510]  }
0x8e: {  	v5 =	vld [tilespmem:s28+$0x6710];
	[tilespmem:s28+$0xE490] =	vst v0  }
0x8f: {  	v0 =	vld [tilespmem:s28+$0x6520];
	[tilespmem:s28+$0xE4A0] =	vst v1  }
0x90: {  	v1 =	vld [tilespmem:s28+$0x6530];
	[tilespmem:s28+$0xE4B0] =	vst v2  }
0x91: {  	v2 =	vld [tilespmem:s28+$0x6580];
	[tilespmem:s28+$0xE500] =	vst v3  }
0x92: {  	v3 =	vld [tilespmem:s28+$0x6590];
	[tilespmem:s28+$0xE510] =	vst v4  }
0x93: {  	v4 =	vld [tilespmem:s28+$0x65A0];
	[tilespmem:s28+$0xE710] =	vst v5  }
0x94: {  	[tilespmem:s28+$0xE520] =	vst v0;
	v0 =	vld [tilespmem:s28+$0x65B0]  }
0x95: {  	[tilespmem:s28+$0xE530] =	vst v1;
	v1 =	vld [tilespmem:s28+$0x6600]  }
0x96: {  	[tilespmem:s28+$0xE580] =	vst v2;
	v2 =	vld [tilespmem:s28+$0x6610]  }
0x97: {  	[tilespmem:s28+$0xE590] =	vst v3;
	v3 =	vld [tilespmem:s28+$0x6620]  }
0x98: {  	[tilespmem:s28+$0xE5A0] =	vst v4;
	v4 =	vld [tilespmem:s28+$0x6630]  }
0x99: {  	[tilespmem:s28+$0xE5B0] =	vst v0;
	v0 =	vld [tilespmem:s28+$0x6680]  }
0x9a: {  	[tilespmem:s28+$0xE600] =	vst v1;
	v1 =	vld [tilespmem:s28+$0x6690]  }
0x9b: {  	[tilespmem:s28+$0xE610] =	vst v2;
	v2 =	vld [tilespmem:s28+$0x66A0]  }
0x9c: {  	[tilespmem:s28+$0xE620] =	vst v3;
	v3 =	vld [tilespmem:s28+$0x66B0]  }
0x9d: {  	[tilespmem:s28+$0xE630] =	vst v4;
	v4 =	vld [tilespmem:s28+$0x6700]  }
0x9e: {  	[tilespmem:s28+$0xE680] =	vst v0;
	v0 =	vld [tilespmem:s28+$0x6720]  }
0x9f: {  	[tilespmem:s28+$0xE690] =	vst v1;
	v1 =	vld [tilespmem:s28+$0x6730]  }
0xa0: {  	[tilespmem:s28+$0xE6A0] =	vst v2;
	v2 =	vld [tilespmem:s28+$0x6780]  }
0xa1: {  	[tilespmem:s28+$0xE6B0] =	vst v3;
	v3 =	vld [tilespmem:s28+$0x6790]  }
0xa2: {  	s30 =	simm.s32 $0x400;
	s29 =	simm.s32 $0x2000;
	[tilespmem:s28+$0xE700] =	vst v4;
	v4 =	vld [tilespmem:s28+$0x67A0]  }
.LBB2_5:
0xa3: {  	p0 =	sne.s32 s29, $0xF000;
	v5 =	vld [tilespmem:s30+$0x67B0];
	[tilespmem:s28+$0xE720] =	vst v0  }
0xa4: {  	v0 =	vld [tilespmem:s30+$0x6400];
	[tilespmem:s28+$0xE730] =	vst v1  }
0xa5: {  	v1 =	vld [tilespmem:s30+$0x6410];
	[tilespmem:s28+$0xE780] =	vst v2  }
0xa6: {  	v2 =	vld [tilespmem:s30+$0x6420];
	[tilespmem:s28+$0xE790] =	vst v3  }
0xa7: {  	v3 =	vld [tilespmem:s30+$0x6430];
	[tilespmem:s28+$0xE7A0] =	vst v4;
	s28 =	smov.u32 s30  }
0xa8: {  	v4 =	vld [tilespmem:s28+$0x6480];
	[tilespmem:s28+$0xE7B0] =	vst v5  }
0xa9: {  	[tilespmem:s28+$0xE400] =	vst v0;
	v0 =	vld [tilespmem:s28+$0x6490]  }
0xaa: {  	[tilespmem:s28+$0xE410] =	vst v1;
	v1 =	vld [tilespmem:s28+$0x64A0]  }
0xab: {  	[tilespmem:s28+$0xE420] =	vst v2;
	v2 =	vld [tilespmem:s28+$0x64B0]  }
0xac: {  	[tilespmem:s28+$0xE430] =	vst v3;
	v3 =	vld [tilespmem:s28+$0x6500]  }
0xad: {  	[tilespmem:s28+$0xE480] =	vst v4;
	v4 =	vld [tilespmem:s28+$0x6510]  }
0xae: {  	[tilespmem:s28+$0xE490] =	vst v0;
	v0 =	vld [tilespmem:s28+$0x6520]  }
0xaf: {  	[tilespmem:s28+$0xE4A0] =	vst v1;
	v1 =	vld [tilespmem:s28+$0x6530]  }
0xb0: {  	[tilespmem:s28+$0xE4B0] =	vst v2;
	v2 =	vld [tilespmem:s28+$0x6580]  }
0xb1: {  	[tilespmem:s28+$0xE500] =	vst v3;
	v3 =	vld [tilespmem:s28+$0x6590]  }
0xb2: {  	[tilespmem:s28+$0xE510] =	vst v4;
	v4 =	vld [tilespmem:s28+$0x65A0]  }
0xb3: {  	[tilespmem:s28+$0xE520] =	vst v0;
	v0 =	vld [tilespmem:s28+$0x65B0]  }
0xb4: {  	[tilespmem:s28+$0xE530] =	vst v1;
	v1 =	vld [tilespmem:s28+$0x6600]  }
0xb5: {  	[tilespmem:s28+$0xE580] =	vst v2;
	v2 =	vld [tilespmem:s28+$0x6610]  }
0xb6: {  	[tilespmem:s28+$0xE590] =	vst v3;
	v3 =	vld [tilespmem:s28+$0x6620]  }
0xb7: {  	[tilespmem:s28+$0xE5A0] =	vst v4;
	v4 =	vld [tilespmem:s28+$0x6630]  }
0xb8: {  	[tilespmem:s28+$0xE5B0] =	vst v0;
	v0 =	vld [tilespmem:s28+$0x6680]  }
0xb9: {  	[tilespmem:s28+$0xE600] =	vst v1;
	v1 =	vld [tilespmem:s28+$0x6690]  }
0xba: {  	[tilespmem:s28+$0xE610] =	vst v2;
	v2 =	vld [tilespmem:s28+$0x66A0]  }
0xbb: {  	[tilespmem:s28+$0xE620] =	vst v3;
	v3 =	vld [tilespmem:s28+$0x66B0]  }
0xbc: {  	[tilespmem:s28+$0xE630] =	vst v4;
	v4 =	vld [tilespmem:s28+$0x6700]  }
0xbd: {  	[tilespmem:s28+$0xE680] =	vst v0;
	v5 =	vld [tilespmem:s28+$0x6710]  }
.Ltmp6:
0xbe: {  	[tilespmem:s28+$0xE690] =	vst v1;
	v0 =	vld [tilespmem:s28+$0x6720];
	(pc) =	sbr.rel @p0 .LBB2_5-.Ltmp6, $4  }
0xbf: {  	[tilespmem:s28+$0xE6A0] =	vst v2;
	v1 =	vld [tilespmem:s28+$0x6730]  }
0xc0: {  	[tilespmem:s28+$0xE6B0] =	vst v3;
	v2 =	vld [tilespmem:s28+$0x6780]  }
0xc1: {  	[tilespmem:s28+$0xE700] =	vst v4;
	v3 =	vld [tilespmem:s28+$0x6790]  }
0xc2: {  	s30 =	sshra.s32 s29, $0x2;
	s29 =	sadd.s32 $0x1000, s29;
	[tilespmem:s28+$0xE710] =	vst v5;
	v4 =	vld [tilespmem:s28+$0x67A0]  }
0xc3: {  	v5 =	vld [tilespmem:s30+$0x67B0];
	[tilespmem:s28+$0xE720] =	vst v0  }
0xc4: {  	v0 =	vld [tilespmem:s30+$0x6400];
	[tilespmem:s28+$0xE730] =	vst v1  }
0xc5: {  	v1 =	vld [tilespmem:s30+$0x6410];
	[tilespmem:s28+$0xE780] =	vst v2  }
0xc6: {  	v2 =	vld [tilespmem:s30+$0x6420];
	[tilespmem:s28+$0xE790] =	vst v3  }
0xc7: {  	v3 =	vld [tilespmem:s30+$0x6430];
	[tilespmem:s28+$0xE7A0] =	vst v4  }
0xc8: {  	v4 =	vld [tilespmem:s30+$0x6480];
	[tilespmem:s30+$0xE7B0] =	vst v5  }
0xc9: {  	[tilespmem:s30+$0xE400] =	vst v0;
	v0 =	vld [tilespmem:s30+$0x6490]  }
0xca: {  	[tilespmem:s30+$0xE410] =	vst v1;
	v1 =	vld [tilespmem:s30+$0x64A0]  }
0xcb: {  	[tilespmem:s30+$0xE420] =	vst v2;
	v2 =	vld [tilespmem:s30+$0x64B0]  }
0xcc: {  	[tilespmem:s30+$0xE430] =	vst v3;
	v3 =	vld [tilespmem:s30+$0x6500]  }
0xcd: {  	[tilespmem:s30+$0xE480] =	vst v4;
	v4 =	vld [tilespmem:s30+$0x6510]  }
0xce: {  	[tilespmem:s30+$0xE490] =	vst v0;
	v0 =	vld [tilespmem:s30+$0x6520]  }
0xcf: {  	[tilespmem:s30+$0xE4A0] =	vst v1;
	v1 =	vld [tilespmem:s30+$0x6530]  }
0xd0: {  	[tilespmem:s30+$0xE4B0] =	vst v2;
	v2 =	vld [tilespmem:s30+$0x6580]  }
0xd1: {  	[tilespmem:s30+$0xE500] =	vst v3;
	v3 =	vld [tilespmem:s30+$0x6590]  }
0xd2: {  	[tilespmem:s30+$0xE510] =	vst v4;
	v4 =	vld [tilespmem:s30+$0x65A0]  }
0xd3: {  	[tilespmem:s30+$0xE520] =	vst v0;
	v0 =	vld [tilespmem:s30+$0x65B0]  }
0xd4: {  	[tilespmem:s30+$0xE530] =	vst v1;
	v1 =	vld [tilespmem:s30+$0x6600]  }
0xd5: {  	[tilespmem:s30+$0xE580] =	vst v2;
	v2 =	vld [tilespmem:s30+$0x6610]  }
0xd6: {  	[tilespmem:s30+$0xE590] =	vst v3;
	v3 =	vld [tilespmem:s30+$0x6620]  }
0xd7: {  	[tilespmem:s30+$0xE5A0] =	vst v4;
	v4 =	vld [tilespmem:s30+$0x6630]  }
0xd8: {  	[tilespmem:s30+$0xE5B0] =	vst v0;
	v0 =	vld [tilespmem:s30+$0x6680]  }
0xd9: {  	[tilespmem:s30+$0xE600] =	vst v1;
	v1 =	vld [tilespmem:s30+$0x6690]  }
0xda: {  	[tilespmem:s30+$0xE610] =	vst v2;
	v2 =	vld [tilespmem:s30+$0x66A0]  }
0xdb: {  	[tilespmem:s30+$0xE620] =	vst v3;
	v3 =	vld [tilespmem:s30+$0x66B0]  }
0xdc: {  	[tilespmem:s30+$0xE630] =	vst v4;
	v4 =	vld [tilespmem:s30+$0x6700]  }
0xdd: {  	[tilespmem:s30+$0xE680] =	vst v0;
	v0 =	vld [tilespmem:s30+$0x6710]  }
0xde: {  	[tilespmem:s30+$0xE690] =	vst v1;
	v1 =	vld [tilespmem:s30+$0x6720]  }
0xdf: {  	[tilespmem:s30+$0xE6A0] =	vst v2;
	v2 =	vld [tilespmem:s30+$0x6730]  }
0xe0: {  	[tilespmem:s30+$0xE6B0] =	vst v3;
	v3 =	vld [tilespmem:s30+$0x6780]  }
0xe1: {  	[tilespmem:s30+$0xE700] =	vst v4;
	v4 =	vld [tilespmem:s30+$0x6790]  }
0xe2: {  	[tilespmem:s30+$0xE710] =	vst v0;
	v0 =	vld [tilespmem:s30+$0x67A0]  }
0xe3: {  	[tilespmem:s30+$0xE720] =	vst v1  }
0xe4: {  	s28 =	sshll.u32 s25, $0xF;
	[tilespmem:s30+$0xE730] =	vst v2  }
0xe5: {  	s28 =	sadd.s32 s4, s28;
	[tilespmem:s30+$0xE780] =	vst v3  }
0xe6: {  	s28 =	sshrl.u32 s28, $0x3;
	[tilespmem:s30+$0xE790] =	vst v4  }
0xe7: {  	s29 =	simm.s32 $0x0;
	s28 =	sadd.s32 s5, s28;
	[tilespmem:s30+$0xE7A0] =	vst v0  }
0xe8: {  	[hbm4b:s28+s29] =	stream.linear.scatter [tilespmem:s17], [sflag:$0x4], $0x4000, $0x38;
	[tilespmem:$0x16400] =	vst v63  }
0xe9: {  	_ =	swait.ge [sflag:s18], $0x4000  }
0xea: {  	[sflag:s18] =	ssyncset.done $0x0  }
0xeb: {  	[sflag:s18] =	ssyncadd.s32 $0xFFFFC000  }
0xec: {  	_ =	swait.ge [sflag:s22], $0x4000  }
0xed: {  	s28 =	sshll.u32 s25, $0x8;
	[sflag:s22] =	ssyncset.done $0x0  }
0xee: {  	s28 =	sand.u32 $0x3FFFFF00, s28;
	[sflag:s22] =	ssyncadd.s32 $0xFFFFC000  }
0xef: {  	v0 =	vld [tilespmem:s28+$0x100]  }
0xf0: {  	v1 =	vld [tilespmem:s28+$0x110]  }
0xf1: {  	v2 =	vld [tilespmem:s28+$0x120]  }
0xf2: {  	v3 =	vld [tilespmem:s28+$0x130]  }
0xf3: {  	v4 =	vld [tilespmem:s28+$0x140]  }
0xf4: {  	v5 =	vld [tilespmem:s28+$0x150]  }
0xf5: {  	v6 =	vld [tilespmem:s28+$0x160]  }
0xf6: {  	v7 =	vld [tilespmem:s28+$0x170];
	_ =	sdelay $0x1  }
0xf7: {  	vm0 =	vgt.s32 v0, $0xFFFE7960  }
0xf8: {  	vm1 =	vgt.s32 v1, $0xFFFE7960;
	vm5 =	vgt.s32 v2, $0xFFFE7960;
	vm6 =	vgt.s32 v3, $0xFFFE7960  }
0xf9: {  	vm8 =	vgt.s32 v4, $0xFFFE7960;
	vm9 =	vgt.s32 v5, $0xFFFE7960;
	vm12 =	vgt.s32 v6, $0xFFFE7960  }
0xfa: {  	vm13 =	vgt.s32 v7, $0xFFFE7960;
	v0 =	vnsel vm0, $0xFFFE7960, v0;
	v1 =	vnsel vm1, $0xFFFE7960, v1  }
0xfb: {  	v2 =	vnsel vm5, $0xFFFE7960, v2;
	v3 =	vnsel vm6, $0xFFFE7960, v3;
	v4 =	vnsel vm8, $0xFFFE7960, v4  }
0xfc: {  	v5 =	vnsel vm9, $0xFFFE7960, v5;
	vm0 =	vlt.s32 v0, $0x186A0;
	vm1 =	vlt.s32 v1, $0x186A0  }
0xfd: {  	vm7 =	vlt.s32 v2, $0x186A0;
	vm10 =	vlt.s32 v4, $0x186A0;
	v0 =	vnsel vm0, $0x186A0, v0  }
0xfe: {  	vm11 =	vlt.s32 v5, $0x186A0;
	v1 =	vnsel vm1, $0x186A0, v1;
	v0 =	vadd.s32 $0x186A0, v0  }
0xff: {  	v2 =	vnsel vm7, $0x186A0, v2;
	vm0 =	vlt.s32 v3, $0x186A0;
	[tilespmem:s28+$0x100] =	vst v0;
	v0 =	vadd.s32 $0x186A0, v1  }
0x100: {  	v3 =	vnsel vm0, $0x186A0, v3;
	v1 =	vnsel vm10, $0x186A0, v4;
	[tilespmem:s28+$0x110] =	vst v0;
	v0 =	vadd.s32 $0x186A0, v2  }
0x101: {  	v2 =	vnsel vm11, $0x186A0, v5;
	[tilespmem:s28+$0x120] =	vst v0;
	v0 =	vadd.s32 $0x186A0, v3;
	v3 =	vnsel vm12, $0xFFFE7960, v6  }
0x102: {  	[tilespmem:s28+$0x130] =	vst v0;
	v0 =	vadd.s32 $0x186A0, v1;
	v1 =	vnsel vm13, $0xFFFE7960, v7;
	vm14 =	vlt.s32 v3, $0x186A0  }
0x103: {  	[tilespmem:s28+$0x140] =	vst v0;
	v0 =	vadd.s32 $0x186A0, v2;
	v2 =	vnsel vm14, $0x186A0, v3;
	vm15 =	vlt.s32 v1, $0x186A0  }
0x104: {  	[tilespmem:s28+$0x150] =	vst v0;
	v0 =	vadd.s32 $0x186A0, v2;
	v1 =	vnsel vm15, $0x186A0, v1  }
0x105: {  	[tilespmem:s28+$0x160] =	vst v0;
	v0 =	vadd.s32 $0x186A0, v1  }
0x106: {  	s29 =	sadd.s32 $0x100, s28;
	[tilespmem:s28+$0x170] =	vst v0;
	s28 =	simm.s32 $0x0  }
0x107: {  	[tilespmem:s14], [sflag:$0x2] =	stream.indirect.gather [hbm4b:s3+s13], $0x80, s29, s13, $0xb8;
	[tilespmem:$0x16400] =	vst v63  }
0x108: {  	v0 =	vld [tilespmem:s28+$0xA7B0]  }
0x109: {  	v1 =	vld [tilespmem:s28+$0xA400]  }
0x10a: {  	v2 =	vld [tilespmem:s28+$0xA410]  }
0x10b: {  	v3 =	vld [tilespmem:s28+$0xA420]  }
0x10c: {  	v4 =	vld [tilespmem:s28+$0xA430]  }
0x10d: {  	v5 =	vld [tilespmem:s28+$0xA480];
	[tilespmem:s28+$0x127B0] =	vst v0  }
0x10e: {  	[tilespmem:s28+$0x12400] =	vst v1;
	v0 =	vld [tilespmem:s28+$0xA490]  }
0x10f: {  	[tilespmem:s28+$0x12410] =	vst v2;
	v1 =	vld [tilespmem:s28+$0xA4A0]  }
0x110: {  	[tilespmem:s28+$0x12420] =	vst v3;
	v2 =	vld [tilespmem:s28+$0xA4B0]  }
0x111: {  	[tilespmem:s28+$0x12430] =	vst v4;
	v3 =	vld [tilespmem:s28+$0xA500]  }
0x112: {  	[tilespmem:s28+$0x12480] =	vst v5;
	v4 =	vld [tilespmem:s28+$0xA510]  }
0x113: {  	v5 =	vld [tilespmem:s28+$0xA710];
	[tilespmem:s28+$0x12490] =	vst v0  }
0x114: {  	v0 =	vld [tilespmem:s28+$0xA520];
	[tilespmem:s28+$0x124A0] =	vst v1  }
0x115: {  	v1 =	vld [tilespmem:s28+$0xA530];
	[tilespmem:s28+$0x124B0] =	vst v2  }
0x116: {  	v2 =	vld [tilespmem:s28+$0xA580];
	[tilespmem:s28+$0x12500] =	vst v3  }
0x117: {  	v3 =	vld [tilespmem:s28+$0xA590];
	[tilespmem:s28+$0x12510] =	vst v4  }
0x118: {  	v4 =	vld [tilespmem:s28+$0xA5A0];
	[tilespmem:s28+$0x12710] =	vst v5  }
0x119: {  	[tilespmem:s28+$0x12520] =	vst v0;
	v0 =	vld [tilespmem:s28+$0xA5B0]  }
0x11a: {  	[tilespmem:s28+$0x12530] =	vst v1;
	v1 =	vld [tilespmem:s28+$0xA600]  }
0x11b: {  	[tilespmem:s28+$0x12580] =	vst v2;
	v2 =	vld [tilespmem:s28+$0xA610]  }
0x11c: {  	[tilespmem:s28+$0x12590] =	vst v3;
	v3 =	vld [tilespmem:s28+$0xA620]  }
0x11d: {  	[tilespmem:s28+$0x125A0] =	vst v4;
	v4 =	vld [tilespmem:s28+$0xA630]  }
0x11e: {  	[tilespmem:s28+$0x125B0] =	vst v0;
	v0 =	vld [tilespmem:s28+$0xA680]  }
0x11f: {  	[tilespmem:s28+$0x12600] =	vst v1;
	v1 =	vld [tilespmem:s28+$0xA690]  }
0x120: {  	[tilespmem:s28+$0x12610] =	vst v2;
	v2 =	vld [tilespmem:s28+$0xA6A0]  }
0x121: {  	[tilespmem:s28+$0x12620] =	vst v3;
	v3 =	vld [tilespmem:s28+$0xA6B0]  }
0x122: {  	[tilespmem:s28+$0x12630] =	vst v4;
	v4 =	vld [tilespmem:s28+$0xA700]  }
0x123: {  	[tilespmem:s28+$0x12680] =	vst v0;
	v0 =	vld [tilespmem:s28+$0xA720]  }
0x124: {  	[tilespmem:s28+$0x12690] =	vst v1;
	v1 =	vld [tilespmem:s28+$0xA730]  }
0x125: {  	[tilespmem:s28+$0x126A0] =	vst v2;
	v2 =	vld [tilespmem:s28+$0xA780]  }
0x126: {  	[tilespmem:s28+$0x126B0] =	vst v3;
	v3 =	vld [tilespmem:s28+$0xA790]  }
0x127: {  	s30 =	simm.s32 $0x400;
	s29 =	simm.s32 $0x2000;
	[tilespmem:s28+$0x12700] =	vst v4;
	v4 =	vld [tilespmem:s28+$0xA7A0]  }
.LBB2_7:
0x128: {  	p0 =	sne.s32 s29, $0xF000;
	v5 =	vld [tilespmem:s30+$0xA7B0];
	[tilespmem:s28+$0x12720] =	vst v0  }
0x129: {  	v0 =	vld [tilespmem:s30+$0xA400];
	[tilespmem:s28+$0x12730] =	vst v1  }
0x12a: {  	v1 =	vld [tilespmem:s30+$0xA410];
	[tilespmem:s28+$0x12780] =	vst v2  }
0x12b: {  	v2 =	vld [tilespmem:s30+$0xA420];
	[tilespmem:s28+$0x12790] =	vst v3  }
0x12c: {  	v3 =	vld [tilespmem:s30+$0xA430];
	[tilespmem:s28+$0x127A0] =	vst v4;
	s28 =	smov.u32 s30  }
0x12d: {  	v4 =	vld [tilespmem:s28+$0xA480];
	[tilespmem:s28+$0x127B0] =	vst v5  }
0x12e: {  	[tilespmem:s28+$0x12400] =	vst v0;
	v0 =	vld [tilespmem:s28+$0xA490]  }
0x12f: {  	[tilespmem:s28+$0x12410] =	vst v1;
	v1 =	vld [tilespmem:s28+$0xA4A0]  }
0x130: {  	[tilespmem:s28+$0x12420] =	vst v2;
	v2 =	vld [tilespmem:s28+$0xA4B0]  }
0x131: {  	[tilespmem:s28+$0x12430] =	vst v3;
	v3 =	vld [tilespmem:s28+$0xA500]  }
0x132: {  	[tilespmem:s28+$0x12480] =	vst v4;
	v4 =	vld [tilespmem:s28+$0xA510]  }
0x133: {  	[tilespmem:s28+$0x12490] =	vst v0;
	v0 =	vld [tilespmem:s28+$0xA520]  }
0x134: {  	[tilespmem:s28+$0x124A0] =	vst v1;
	v1 =	vld [tilespmem:s28+$0xA530]  }
0x135: {  	[tilespmem:s28+$0x124B0] =	vst v2;
	v2 =	vld [tilespmem:s28+$0xA580]  }
0x136: {  	[tilespmem:s28+$0x12500] =	vst v3;
	v3 =	vld [tilespmem:s28+$0xA590]  }
0x137: {  	[tilespmem:s28+$0x12510] =	vst v4;
	v4 =	vld [tilespmem:s28+$0xA5A0]  }
0x138: {  	[tilespmem:s28+$0x12520] =	vst v0;
	v0 =	vld [tilespmem:s28+$0xA5B0]  }
0x139: {  	[tilespmem:s28+$0x12530] =	vst v1;
	v1 =	vld [tilespmem:s28+$0xA600]  }
0x13a: {  	[tilespmem:s28+$0x12580] =	vst v2;
	v2 =	vld [tilespmem:s28+$0xA610]  }
0x13b: {  	[tilespmem:s28+$0x12590] =	vst v3;
	v3 =	vld [tilespmem:s28+$0xA620]  }
0x13c: {  	[tilespmem:s28+$0x125A0] =	vst v4;
	v4 =	vld [tilespmem:s28+$0xA630]  }
0x13d: {  	[tilespmem:s28+$0x125B0] =	vst v0;
	v0 =	vld [tilespmem:s28+$0xA680]  }
0x13e: {  	[tilespmem:s28+$0x12600] =	vst v1;
	v1 =	vld [tilespmem:s28+$0xA690]  }
0x13f: {  	[tilespmem:s28+$0x12610] =	vst v2;
	v2 =	vld [tilespmem:s28+$0xA6A0]  }
0x140: {  	[tilespmem:s28+$0x12620] =	vst v3;
	v3 =	vld [tilespmem:s28+$0xA6B0]  }
0x141: {  	[tilespmem:s28+$0x12630] =	vst v4;
	v4 =	vld [tilespmem:s28+$0xA700]  }
0x142: {  	[tilespmem:s28+$0x12680] =	vst v0;
	v5 =	vld [tilespmem:s28+$0xA710]  }
.Ltmp7:
0x143: {  	[tilespmem:s28+$0x12690] =	vst v1;
	v0 =	vld [tilespmem:s28+$0xA720];
	(pc) =	sbr.rel @p0 .LBB2_7-.Ltmp7, $4  }
0x144: {  	[tilespmem:s28+$0x126A0] =	vst v2;
	v1 =	vld [tilespmem:s28+$0xA730]  }
0x145: {  	[tilespmem:s28+$0x126B0] =	vst v3;
	v2 =	vld [tilespmem:s28+$0xA780]  }
0x146: {  	[tilespmem:s28+$0x12700] =	vst v4;
	v3 =	vld [tilespmem:s28+$0xA790]  }
0x147: {  	s30 =	sshra.s32 s29, $0x2;
	s29 =	sadd.s32 $0x1000, s29;
	[tilespmem:s28+$0x12710] =	vst v5;
	v4 =	vld [tilespmem:s28+$0xA7A0]  }
0x148: {  	v5 =	vld [tilespmem:s30+$0xA7B0];
	[tilespmem:s28+$0x12720] =	vst v0  }
0x149: {  	v0 =	vld [tilespmem:s30+$0xA400];
	[tilespmem:s28+$0x12730] =	vst v1  }
0x14a: {  	v1 =	vld [tilespmem:s30+$0xA410];
	[tilespmem:s28+$0x12780] =	vst v2  }
0x14b: {  	v2 =	vld [tilespmem:s30+$0xA420];
	[tilespmem:s28+$0x12790] =	vst v3  }
0x14c: {  	v3 =	vld [tilespmem:s30+$0xA430];
	[tilespmem:s28+$0x127A0] =	vst v4  }
0x14d: {  	v4 =	vld [tilespmem:s30+$0xA480];
	[tilespmem:s30+$0x127B0] =	vst v5  }
0x14e: {  	v38 =	vld [tilespmem:s30+$0xA490];
	[tilespmem:s30+$0x12400] =	vst v0  }
0x14f: {  	v39 =	vld [tilespmem:s30+$0xA4A0];
	[tilespmem:s30+$0x12410] =	vst v1  }
0x150: {  	v40 =	vld [tilespmem:s30+$0xA4B0];
	[tilespmem:s30+$0x12420] =	vst v2  }
0x151: {  	v41 =	vld [tilespmem:s30+$0xA500];
	[tilespmem:s30+$0x12430] =	vst v3  }
0x152: {  	v42 =	vld [tilespmem:s30+$0xA510];
	[tilespmem:s30+$0x12480] =	vst v4  }
0x153: {  	v43 =	vld [tilespmem:s30+$0xA520];
	[tilespmem:s30+$0x12490] =	vst v38  }
0x154: {  	v44 =	vld [tilespmem:s30+$0xA530];
	[tilespmem:s30+$0x124A0] =	vst v39  }
0x155: {  	v45 =	vld [tilespmem:s30+$0xA580];
	[tilespmem:s30+$0x124B0] =	vst v40  }
0x156: {  	v46 =	vld [tilespmem:s30+$0xA590];
	[tilespmem:s30+$0x12500] =	vst v41  }
0x157: {  	v47 =	vld [tilespmem:s30+$0xA5A0];
	[tilespmem:s30+$0x12510] =	vst v42  }
0x158: {  	v48 =	vld [tilespmem:s30+$0xA5B0];
	[tilespmem:s30+$0x12520] =	vst v43  }
0x159: {  	v49 =	vld [tilespmem:s30+$0xA600];
	[tilespmem:s30+$0x12530] =	vst v44  }
0x15a: {  	v50 =	vld [tilespmem:s30+$0xA610];
	[tilespmem:s30+$0x12580] =	vst v45  }
0x15b: {  	v51 =	vld [tilespmem:s30+$0xA620];
	[tilespmem:s30+$0x12590] =	vst v46  }
0x15c: {  	v52 =	vld [tilespmem:s30+$0xA630];
	[tilespmem:s30+$0x125A0] =	vst v47  }
0x15d: {  	v53 =	vld [tilespmem:s30+$0xA680];
	[tilespmem:s30+$0x125B0] =	vst v48  }
0x15e: {  	v54 =	vld [tilespmem:s30+$0xA690];
	[tilespmem:s30+$0x12600] =	vst v49  }
0x15f: {  	v55 =	vld [tilespmem:s30+$0xA6A0];
	[tilespmem:s30+$0x12610] =	vst v50  }
0x160: {  	v56 =	vld [tilespmem:s30+$0xA6B0];
	[tilespmem:s30+$0x12620] =	vst v51  }
0x161: {  	v57 =	vld [tilespmem:s30+$0xA700];
	[tilespmem:s30+$0x12630] =	vst v52  }
0x162: {  	v58 =	vld [tilespmem:s30+$0xA710];
	[tilespmem:s30+$0x12680] =	vst v53  }
0x163: {  	v59 =	vld [tilespmem:s30+$0xA720];
	[tilespmem:s30+$0x12690] =	vst v54  }
0x164: {  	v60 =	vld [tilespmem:s30+$0xA730];
	[tilespmem:s30+$0x126A0] =	vst v55  }
0x165: {  	v61 =	vld [tilespmem:s30+$0xA780];
	[tilespmem:s30+$0x126B0] =	vst v56  }
0x166: {  	v62 =	vld [tilespmem:s30+$0xA790];
	[tilespmem:s30+$0x12700] =	vst v57  }
0x167: {  	v63 =	vld [tilespmem:s30+$0xA7A0];
	[tilespmem:s30+$0x12710] =	vst v58  }
.Ltmp8:
0x168: {  	[tilespmem:s30+$0x12720] =	vst v59;
	(pc) =	sbr.rel .LBB2_14-.Ltmp8, $4  }
0x169: {  	s26 =	sshll.u32 s26, $0xE;
	[tilespmem:s30+$0x12730] =	vst v60  }
0x16a: {  	s26 =	sadd.s32 s4, s26;
	[tilespmem:s30+$0x12780] =	vst v61  }
0x16b: {  	s26 =	sshrl.u32 s26, $0x3;
	[tilespmem:s30+$0x12790] =	vst v62  }
0x16c: {  	s26 =	sadd.s32 s5, s26;
	[tilespmem:s30+$0x127A0] =	vst v63  }
.LBB2_9:
0x16d: {  	_ =	swait.ge [sflag:s15], $0x4000  }
0x16e: {  	[sflag:s15] =	ssyncset.done $0x0  }
0x16f: {  	[sflag:s15] =	ssyncadd.s32 $0xFFFFC000  }
0x170: {  	v0 =	vld [tilespmem:$0x80]  }
0x171: {  	v1 =	vld [tilespmem:$0x90]  }
0x172: {  	v2 =	vld [tilespmem:$0xA0]  }
0x173: {  	v3 =	vld [tilespmem:$0xB0]  }
0x174: {  	v4 =	vld [tilespmem:$0xC0]  }
0x175: {  	v5 =	vld [tilespmem:$0xD0]  }
0x176: {  	v6 =	vld [tilespmem:$0xE0]  }
0x177: {  	v7 =	vld [tilespmem:$0xF0];
	_ =	sdelay $0x1  }
0x178: {  	vm0 =	vgt.s32 v0, $0xFFFE7960  }
0x179: {  	vm1 =	vgt.s32 v1, $0xFFFE7960;
	vm5 =	vgt.s32 v2, $0xFFFE7960;
	vm6 =	vgt.s32 v3, $0xFFFE7960  }
0x17a: {  	vm8 =	vgt.s32 v4, $0xFFFE7960;
	vm9 =	vgt.s32 v5, $0xFFFE7960;
	vm12 =	vgt.s32 v6, $0xFFFE7960  }
0x17b: {  	vm13 =	vgt.s32 v7, $0xFFFE7960;
	v0 =	vnsel vm0, $0xFFFE7960, v0;
	v1 =	vnsel vm1, $0xFFFE7960, v1  }
0x17c: {  	v2 =	vnsel vm5, $0xFFFE7960, v2;
	v3 =	vnsel vm6, $0xFFFE7960, v3;
	v4 =	vnsel vm8, $0xFFFE7960, v4  }
0x17d: {  	v5 =	vnsel vm9, $0xFFFE7960, v5;
	vm0 =	vlt.s32 v0, $0x186A0;
	vm1 =	vlt.s32 v1, $0x186A0  }
0x17e: {  	vm7 =	vlt.s32 v2, $0x186A0;
	vm10 =	vlt.s32 v4, $0x186A0;
	v0 =	vnsel vm0, $0x186A0, v0  }
0x17f: {  	vm11 =	vlt.s32 v5, $0x186A0;
	v1 =	vnsel vm1, $0x186A0, v1;
	v0 =	vadd.s32 $0x186A0, v0  }
0x180: {  	v2 =	vnsel vm7, $0x186A0, v2;
	vm0 =	vlt.s32 v3, $0x186A0;
	[tilespmem:$0x80] =	vst v0;
	v0 =	vadd.s32 $0x186A0, v1  }
0x181: {  	v3 =	vnsel vm0, $0x186A0, v3;
	v1 =	vnsel vm10, $0x186A0, v4;
	[tilespmem:$0x90] =	vst v0;
	v0 =	vadd.s32 $0x186A0, v2  }
0x182: {  	v2 =	vnsel vm11, $0x186A0, v5;
	[tilespmem:$0xA0] =	vst v0;
	v0 =	vadd.s32 $0x186A0, v3;
	v3 =	vnsel vm12, $0xFFFE7960, v6  }
0x183: {  	[tilespmem:$0xB0] =	vst v0;
	v0 =	vadd.s32 $0x186A0, v1;
	v1 =	vnsel vm13, $0xFFFE7960, v7;
	vm14 =	vlt.s32 v3, $0x186A0  }
0x184: {  	[tilespmem:$0xC0] =	vst v0;
	v0 =	vadd.s32 $0x186A0, v2;
	v2 =	vnsel vm14, $0x186A0, v3;
	vm15 =	vlt.s32 v1, $0x186A0  }
0x185: {  	[tilespmem:$0xD0] =	vst v0;
	v0 =	vadd.s32 $0x186A0, v2;
	v1 =	vnsel vm15, $0x186A0, v1  }
0x186: {  	[tilespmem:$0xE0] =	vst v0;
	v0 =	vadd.s32 $0x186A0, v1  }
0x187: {  	s26 =	simm.s32 $0x0;
	[tilespmem:$0xF0] =	vst v0  }
0x188: {  	[tilespmem:s16], [sflag:$0x3] =	stream.indirect.gather [hbm4b:s3+s13], $0x80, s13, s13, $0xb8;
	[tilespmem:$0x16400] =	vst v63  }
0x189: {  	v0 =	vld [tilespmem:s26+$0x67B0]  }
0x18a: {  	v1 =	vld [tilespmem:s26+$0x6400]  }
0x18b: {  	v2 =	vld [tilespmem:s26+$0x6410]  }
0x18c: {  	v3 =	vld [tilespmem:s26+$0x6420]  }
0x18d: {  	v4 =	vld [tilespmem:s26+$0x6430]  }
0x18e: {  	v5 =	vld [tilespmem:s26+$0x6480];
	[tilespmem:s26+$0xE7B0] =	vst v0  }
0x18f: {  	[tilespmem:s26+$0xE400] =	vst v1;
	v0 =	vld [tilespmem:s26+$0x6490]  }
0x190: {  	[tilespmem:s26+$0xE410] =	vst v2;
	v1 =	vld [tilespmem:s26+$0x64A0]  }
0x191: {  	[tilespmem:s26+$0xE420] =	vst v3;
	v2 =	vld [tilespmem:s26+$0x64B0]  }
0x192: {  	[tilespmem:s26+$0xE430] =	vst v4;
	v3 =	vld [tilespmem:s26+$0x6500]  }
0x193: {  	[tilespmem:s26+$0xE480] =	vst v5;
	v4 =	vld [tilespmem:s26+$0x6510]  }
0x194: {  	v5 =	vld [tilespmem:s26+$0x6710];
	[tilespmem:s26+$0xE490] =	vst v0  }
0x195: {  	v0 =	vld [tilespmem:s26+$0x6520];
	[tilespmem:s26+$0xE4A0] =	vst v1  }
0x196: {  	v1 =	vld [tilespmem:s26+$0x6530];
	[tilespmem:s26+$0xE4B0] =	vst v2  }
0x197: {  	v2 =	vld [tilespmem:s26+$0x6580];
	[tilespmem:s26+$0xE500] =	vst v3  }
0x198: {  	v3 =	vld [tilespmem:s26+$0x6590];
	[tilespmem:s26+$0xE510] =	vst v4  }
0x199: {  	v4 =	vld [tilespmem:s26+$0x65A0];
	[tilespmem:s26+$0xE710] =	vst v5  }
0x19a: {  	[tilespmem:s26+$0xE520] =	vst v0;
	v0 =	vld [tilespmem:s26+$0x65B0]  }
0x19b: {  	[tilespmem:s26+$0xE530] =	vst v1;
	v1 =	vld [tilespmem:s26+$0x6600]  }
0x19c: {  	[tilespmem:s26+$0xE580] =	vst v2;
	v2 =	vld [tilespmem:s26+$0x6610]  }
0x19d: {  	[tilespmem:s26+$0xE590] =	vst v3;
	v3 =	vld [tilespmem:s26+$0x6620]  }
0x19e: {  	[tilespmem:s26+$0xE5A0] =	vst v4;
	v4 =	vld [tilespmem:s26+$0x6630]  }
0x19f: {  	[tilespmem:s26+$0xE5B0] =	vst v0;
	v0 =	vld [tilespmem:s26+$0x6680]  }
0x1a0: {  	[tilespmem:s26+$0xE600] =	vst v1;
	v1 =	vld [tilespmem:s26+$0x6690]  }
0x1a1: {  	[tilespmem:s26+$0xE610] =	vst v2;
	v2 =	vld [tilespmem:s26+$0x66A0]  }
0x1a2: {  	[tilespmem:s26+$0xE620] =	vst v3;
	v3 =	vld [tilespmem:s26+$0x66B0]  }
0x1a3: {  	[tilespmem:s26+$0xE630] =	vst v4;
	v4 =	vld [tilespmem:s26+$0x6700]  }
0x1a4: {  	[tilespmem:s26+$0xE680] =	vst v0;
	v0 =	vld [tilespmem:s26+$0x6720]  }
0x1a5: {  	[tilespmem:s26+$0xE690] =	vst v1;
	v1 =	vld [tilespmem:s26+$0x6730]  }
0x1a6: {  	[tilespmem:s26+$0xE6A0] =	vst v2;
	v2 =	vld [tilespmem:s26+$0x6780]  }
0x1a7: {  	[tilespmem:s26+$0xE6B0] =	vst v3;
	v3 =	vld [tilespmem:s26+$0x6790]  }
0x1a8: {  	s29 =	simm.s32 $0x400;
	s28 =	simm.s32 $0x2000;
	[tilespmem:s26+$0xE700] =	vst v4;
	v4 =	vld [tilespmem:s26+$0x67A0]  }
.LBB2_10:
0x1a9: {  	p0 =	sne.s32 s28, $0xF000;
	v5 =	vld [tilespmem:s29+$0x67B0];
	[tilespmem:s26+$0xE720] =	vst v0  }
0x1aa: {  	v0 =	vld [tilespmem:s29+$0x6400];
	[tilespmem:s26+$0xE730] =	vst v1  }
0x1ab: {  	v1 =	vld [tilespmem:s29+$0x6410];
	[tilespmem:s26+$0xE780] =	vst v2  }
0x1ac: {  	v2 =	vld [tilespmem:s29+$0x6420];
	[tilespmem:s26+$0xE790] =	vst v3  }
0x1ad: {  	v3 =	vld [tilespmem:s29+$0x6430];
	[tilespmem:s26+$0xE7A0] =	vst v4;
	s26 =	smov.u32 s29  }
0x1ae: {  	v4 =	vld [tilespmem:s26+$0x6480];
	[tilespmem:s26+$0xE7B0] =	vst v5  }
0x1af: {  	[tilespmem:s26+$0xE400] =	vst v0;
	v0 =	vld [tilespmem:s26+$0x6490]  }
0x1b0: {  	[tilespmem:s26+$0xE410] =	vst v1;
	v1 =	vld [tilespmem:s26+$0x64A0]  }
0x1b1: {  	[tilespmem:s26+$0xE420] =	vst v2;
	v2 =	vld [tilespmem:s26+$0x64B0]  }
0x1b2: {  	[tilespmem:s26+$0xE430] =	vst v3;
	v3 =	vld [tilespmem:s26+$0x6500]  }
0x1b3: {  	[tilespmem:s26+$0xE480] =	vst v4;
	v4 =	vld [tilespmem:s26+$0x6510]  }
0x1b4: {  	[tilespmem:s26+$0xE490] =	vst v0;
	v0 =	vld [tilespmem:s26+$0x6520]  }
0x1b5: {  	[tilespmem:s26+$0xE4A0] =	vst v1;
	v1 =	vld [tilespmem:s26+$0x6530]  }
0x1b6: {  	[tilespmem:s26+$0xE4B0] =	vst v2;
	v2 =	vld [tilespmem:s26+$0x6580]  }
0x1b7: {  	[tilespmem:s26+$0xE500] =	vst v3;
	v3 =	vld [tilespmem:s26+$0x6590]  }
0x1b8: {  	[tilespmem:s26+$0xE510] =	vst v4;
	v4 =	vld [tilespmem:s26+$0x65A0]  }
0x1b9: {  	[tilespmem:s26+$0xE520] =	vst v0;
	v0 =	vld [tilespmem:s26+$0x65B0]  }
0x1ba: {  	[tilespmem:s26+$0xE530] =	vst v1;
	v1 =	vld [tilespmem:s26+$0x6600]  }
0x1bb: {  	[tilespmem:s26+$0xE580] =	vst v2;
	v2 =	vld [tilespmem:s26+$0x6610]  }
0x1bc: {  	[tilespmem:s26+$0xE590] =	vst v3;
	v3 =	vld [tilespmem:s26+$0x6620]  }
0x1bd: {  	[tilespmem:s26+$0xE5A0] =	vst v4;
	v4 =	vld [tilespmem:s26+$0x6630]  }
0x1be: {  	[tilespmem:s26+$0xE5B0] =	vst v0;
	v0 =	vld [tilespmem:s26+$0x6680]  }
0x1bf: {  	[tilespmem:s26+$0xE600] =	vst v1;
	v1 =	vld [tilespmem:s26+$0x6690]  }
0x1c0: {  	[tilespmem:s26+$0xE610] =	vst v2;
	v2 =	vld [tilespmem:s26+$0x66A0]  }
0x1c1: {  	[tilespmem:s26+$0xE620] =	vst v3;
	v3 =	vld [tilespmem:s26+$0x66B0]  }
0x1c2: {  	[tilespmem:s26+$0xE630] =	vst v4;
	v4 =	vld [tilespmem:s26+$0x6700]  }
0x1c3: {  	[tilespmem:s26+$0xE680] =	vst v0;
	v5 =	vld [tilespmem:s26+$0x6710]  }
.Ltmp9:
0x1c4: {  	[tilespmem:s26+$0xE690] =	vst v1;
	v0 =	vld [tilespmem:s26+$0x6720];
	(pc) =	sbr.rel @p0 .LBB2_10-.Ltmp9, $4  }
0x1c5: {  	[tilespmem:s26+$0xE6A0] =	vst v2;
	v1 =	vld [tilespmem:s26+$0x6730]  }
0x1c6: {  	[tilespmem:s26+$0xE6B0] =	vst v3;
	v2 =	vld [tilespmem:s26+$0x6780]  }
0x1c7: {  	[tilespmem:s26+$0xE700] =	vst v4;
	v3 =	vld [tilespmem:s26+$0x6790]  }
0x1c8: {  	s29 =	sshra.s32 s28, $0x2;
	s28 =	sadd.s32 $0x1000, s28;
	[tilespmem:s26+$0xE710] =	vst v5;
	v4 =	vld [tilespmem:s26+$0x67A0]  }
0x1c9: {  	v5 =	vld [tilespmem:s29+$0x67B0];
	[tilespmem:s26+$0xE720] =	vst v0  }
0x1ca: {  	v0 =	vld [tilespmem:s29+$0x6400];
	[tilespmem:s26+$0xE730] =	vst v1  }
0x1cb: {  	v1 =	vld [tilespmem:s29+$0x6410];
	[tilespmem:s26+$0xE780] =	vst v2  }
0x1cc: {  	v2 =	vld [tilespmem:s29+$0x6420];
	[tilespmem:s26+$0xE790] =	vst v3  }
0x1cd: {  	v3 =	vld [tilespmem:s29+$0x6430];
	[tilespmem:s26+$0xE7A0] =	vst v4  }
0x1ce: {  	v4 =	vld [tilespmem:s29+$0x6480];
	[tilespmem:s29+$0xE7B0] =	vst v5  }
0x1cf: {  	[tilespmem:s29+$0xE400] =	vst v0;
	v0 =	vld [tilespmem:s29+$0x6490]  }
0x1d0: {  	[tilespmem:s29+$0xE410] =	vst v1;
	v1 =	vld [tilespmem:s29+$0x64A0]  }
0x1d1: {  	[tilespmem:s29+$0xE420] =	vst v2;
	v2 =	vld [tilespmem:s29+$0x64B0]  }
0x1d2: {  	[tilespmem:s29+$0xE430] =	vst v3;
	v3 =	vld [tilespmem:s29+$0x6500]  }
0x1d3: {  	[tilespmem:s29+$0xE480] =	vst v4;
	v4 =	vld [tilespmem:s29+$0x6510]  }
0x1d4: {  	[tilespmem:s29+$0xE490] =	vst v0;
	v0 =	vld [tilespmem:s29+$0x6520]  }
0x1d5: {  	[tilespmem:s29+$0xE4A0] =	vst v1;
	v1 =	vld [tilespmem:s29+$0x6530]  }
0x1d6: {  	[tilespmem:s29+$0xE4B0] =	vst v2;
	v2 =	vld [tilespmem:s29+$0x6580]  }
0x1d7: {  	[tilespmem:s29+$0xE500] =	vst v3;
	v3 =	vld [tilespmem:s29+$0x6590]  }
0x1d8: {  	[tilespmem:s29+$0xE510] =	vst v4;
	v4 =	vld [tilespmem:s29+$0x65A0]  }
0x1d9: {  	[tilespmem:s29+$0xE520] =	vst v0;
	v0 =	vld [tilespmem:s29+$0x65B0]  }
0x1da: {  	[tilespmem:s29+$0xE530] =	vst v1;
	v1 =	vld [tilespmem:s29+$0x6600]  }
0x1db: {  	[tilespmem:s29+$0xE580] =	vst v2;
	v2 =	vld [tilespmem:s29+$0x6610]  }
0x1dc: {  	[tilespmem:s29+$0xE590] =	vst v3;
	v3 =	vld [tilespmem:s29+$0x6620]  }
0x1dd: {  	[tilespmem:s29+$0xE5A0] =	vst v4;
	v4 =	vld [tilespmem:s29+$0x6630]  }
0x1de: {  	[tilespmem:s29+$0xE5B0] =	vst v0;
	v0 =	vld [tilespmem:s29+$0x6680]  }
0x1df: {  	[tilespmem:s29+$0xE600] =	vst v1;
	v1 =	vld [tilespmem:s29+$0x6690]  }
0x1e0: {  	[tilespmem:s29+$0xE610] =	vst v2;
	v2 =	vld [tilespmem:s29+$0x66A0]  }
0x1e1: {  	[tilespmem:s29+$0xE620] =	vst v3;
	v3 =	vld [tilespmem:s29+$0x66B0]  }
0x1e2: {  	[tilespmem:s29+$0xE630] =	vst v4;
	v4 =	vld [tilespmem:s29+$0x6700]  }
0x1e3: {  	[tilespmem:s29+$0xE680] =	vst v0;
	v0 =	vld [tilespmem:s29+$0x6710]  }
0x1e4: {  	[tilespmem:s29+$0xE690] =	vst v1;
	v1 =	vld [tilespmem:s29+$0x6720]  }
0x1e5: {  	[tilespmem:s29+$0xE6A0] =	vst v2;
	v2 =	vld [tilespmem:s29+$0x6730]  }
0x1e6: {  	[tilespmem:s29+$0xE6B0] =	vst v3;
	v3 =	vld [tilespmem:s29+$0x6780]  }
0x1e7: {  	[tilespmem:s29+$0xE700] =	vst v4;
	v4 =	vld [tilespmem:s29+$0x6790]  }
0x1e8: {  	[tilespmem:s29+$0xE710] =	vst v0;
	v0 =	vld [tilespmem:s29+$0x67A0]  }
0x1e9: {  	[tilespmem:s29+$0xE720] =	vst v1  }
0x1ea: {  	[tilespmem:s29+$0xE730] =	vst v2  }
0x1eb: {  	[tilespmem:s29+$0xE780] =	vst v3  }
0x1ec: {  	[tilespmem:s29+$0xE790] =	vst v4  }
0x1ed: {  	s31 =	simm.s32 $0x0;
	[tilespmem:s29+$0xE7A0] =	vst v0  }
0x1ee: {  	[hbm4b:s6+s31] =	stream.linear.scatter [tilespmem:s17], [sflag:$0x4], $0x4000, $0x38;
	[tilespmem:$0x16400] =	vst v63  }
0x1ef: {  	_ =	swait.ge [sflag:s18], $0x4000  }
0x1f0: {  	[sflag:s18] =	ssyncset.done $0x0  }
0x1f1: {  	[sflag:s18] =	ssyncadd.s32 $0xFFFFC000  }
0x1f2: {  	v0 =	vld [tilespmem:$0x100]  }
0x1f3: {  	v1 =	vld [tilespmem:$0x110]  }
0x1f4: {  	v2 =	vld [tilespmem:$0x120]  }
0x1f5: {  	v3 =	vld [tilespmem:$0x130]  }
0x1f6: {  	v4 =	vld [tilespmem:$0x140]  }
0x1f7: {  	v5 =	vld [tilespmem:$0x150]  }
0x1f8: {  	v6 =	vld [tilespmem:$0x160]  }
0x1f9: {  	v7 =	vld [tilespmem:$0x170];
	_ =	sdelay $0x1  }
0x1fa: {  	vm0 =	vgt.s32 v0, $0xFFFE7960  }
0x1fb: {  	vm1 =	vgt.s32 v1, $0xFFFE7960;
	vm5 =	vgt.s32 v2, $0xFFFE7960;
	vm6 =	vgt.s32 v3, $0xFFFE7960  }
0x1fc: {  	vm8 =	vgt.s32 v4, $0xFFFE7960;
	vm9 =	vgt.s32 v5, $0xFFFE7960;
	vm12 =	vgt.s32 v6, $0xFFFE7960  }
0x1fd: {  	vm13 =	vgt.s32 v7, $0xFFFE7960;
	v0 =	vnsel vm0, $0xFFFE7960, v0;
	v1 =	vnsel vm1, $0xFFFE7960, v1  }
0x1fe: {  	v2 =	vnsel vm5, $0xFFFE7960, v2;
	v3 =	vnsel vm6, $0xFFFE7960, v3;
	v4 =	vnsel vm8, $0xFFFE7960, v4  }
0x1ff: {  	v5 =	vnsel vm9, $0xFFFE7960, v5;
	vm0 =	vlt.s32 v0, $0x186A0;
	vm1 =	vlt.s32 v1, $0x186A0  }
0x200: {  	vm7 =	vlt.s32 v2, $0x186A0;
	vm10 =	vlt.s32 v4, $0x186A0;
	v0 =	vnsel vm0, $0x186A0, v0  }
0x201: {  	vm11 =	vlt.s32 v5, $0x186A0;
	v1 =	vnsel vm1, $0x186A0, v1;
	v0 =	vadd.s32 $0x186A0, v0  }
0x202: {  	v2 =	vnsel vm7, $0x186A0, v2;
	vm0 =	vlt.s32 v3, $0x186A0;
	[tilespmem:$0x100] =	vst v0;
	v0 =	vadd.s32 $0x186A0, v1  }
0x203: {  	v3 =	vnsel vm0, $0x186A0, v3;
	v1 =	vnsel vm10, $0x186A0, v4;
	[tilespmem:$0x110] =	vst v0;
	v0 =	vadd.s32 $0x186A0, v2  }
0x204: {  	v2 =	vnsel vm11, $0x186A0, v5;
	[tilespmem:$0x120] =	vst v0;
	v0 =	vadd.s32 $0x186A0, v3;
	v3 =	vnsel vm12, $0xFFFE7960, v6  }
0x205: {  	[tilespmem:$0x130] =	vst v0;
	v0 =	vadd.s32 $0x186A0, v1;
	v1 =	vnsel vm13, $0xFFFE7960, v7;
	vm14 =	vlt.s32 v3, $0x186A0  }
0x206: {  	[tilespmem:$0x140] =	vst v0;
	v0 =	vadd.s32 $0x186A0, v2;
	v2 =	vnsel vm14, $0x186A0, v3;
	vm15 =	vlt.s32 v1, $0x186A0  }
0x207: {  	[tilespmem:$0x150] =	vst v0;
	v0 =	vadd.s32 $0x186A0, v2;
	v1 =	vnsel vm15, $0x186A0, v1  }
0x208: {  	[tilespmem:$0x160] =	vst v0;
	v0 =	vadd.s32 $0x186A0, v1  }
0x209: {  	s26 =	simm.s32 $0x0;
	[tilespmem:$0x170] =	vst v0  }
0x20a: {  	[tilespmem:s14], [sflag:$0x2] =	stream.indirect.gather [hbm4b:s3+s13], $0x80, s19, s13, $0xb8;
	[tilespmem:$0x16400] =	vst v63  }
0x20b: {  	v0 =	vld [tilespmem:s26+$0xA7B0]  }
0x20c: {  	v1 =	vld [tilespmem:s26+$0xA400]  }
0x20d: {  	v2 =	vld [tilespmem:s26+$0xA410]  }
0x20e: {  	v3 =	vld [tilespmem:s26+$0xA420]  }
0x20f: {  	v4 =	vld [tilespmem:s26+$0xA430]  }
0x210: {  	v5 =	vld [tilespmem:s26+$0xA480];
	[tilespmem:s26+$0x127B0] =	vst v0  }
0x211: {  	[tilespmem:s26+$0x12400] =	vst v1;
	v0 =	vld [tilespmem:s26+$0xA490]  }
0x212: {  	[tilespmem:s26+$0x12410] =	vst v2;
	v1 =	vld [tilespmem:s26+$0xA4A0]  }
0x213: {  	[tilespmem:s26+$0x12420] =	vst v3;
	v2 =	vld [tilespmem:s26+$0xA4B0]  }
0x214: {  	[tilespmem:s26+$0x12430] =	vst v4;
	v3 =	vld [tilespmem:s26+$0xA500]  }
0x215: {  	[tilespmem:s26+$0x12480] =	vst v5;
	v4 =	vld [tilespmem:s26+$0xA510]  }
0x216: {  	v5 =	vld [tilespmem:s26+$0xA710];
	[tilespmem:s26+$0x12490] =	vst v0  }
0x217: {  	v0 =	vld [tilespmem:s26+$0xA520];
	[tilespmem:s26+$0x124A0] =	vst v1  }
0x218: {  	v1 =	vld [tilespmem:s26+$0xA530];
	[tilespmem:s26+$0x124B0] =	vst v2  }
0x219: {  	v2 =	vld [tilespmem:s26+$0xA580];
	[tilespmem:s26+$0x12500] =	vst v3  }
0x21a: {  	v3 =	vld [tilespmem:s26+$0xA590];
	[tilespmem:s26+$0x12510] =	vst v4  }
0x21b: {  	v4 =	vld [tilespmem:s26+$0xA5A0];
	[tilespmem:s26+$0x12710] =	vst v5  }
0x21c: {  	[tilespmem:s26+$0x12520] =	vst v0;
	v0 =	vld [tilespmem:s26+$0xA5B0]  }
0x21d: {  	[tilespmem:s26+$0x12530] =	vst v1;
	v1 =	vld [tilespmem:s26+$0xA600]  }
0x21e: {  	[tilespmem:s26+$0x12580] =	vst v2;
	v2 =	vld [tilespmem:s26+$0xA610]  }
0x21f: {  	[tilespmem:s26+$0x12590] =	vst v3;
	v3 =	vld [tilespmem:s26+$0xA620]  }
0x220: {  	[tilespmem:s26+$0x125A0] =	vst v4;
	v4 =	vld [tilespmem:s26+$0xA630]  }
0x221: {  	[tilespmem:s26+$0x125B0] =	vst v0;
	v0 =	vld [tilespmem:s26+$0xA680]  }
0x222: {  	[tilespmem:s26+$0x12600] =	vst v1;
	v1 =	vld [tilespmem:s26+$0xA690]  }
0x223: {  	[tilespmem:s26+$0x12610] =	vst v2;
	v2 =	vld [tilespmem:s26+$0xA6A0]  }
0x224: {  	[tilespmem:s26+$0x12620] =	vst v3;
	v3 =	vld [tilespmem:s26+$0xA6B0]  }
0x225: {  	[tilespmem:s26+$0x12630] =	vst v4;
	v4 =	vld [tilespmem:s26+$0xA700]  }
0x226: {  	[tilespmem:s26+$0x12680] =	vst v0;
	v0 =	vld [tilespmem:s26+$0xA720]  }
0x227: {  	[tilespmem:s26+$0x12690] =	vst v1;
	v1 =	vld [tilespmem:s26+$0xA730]  }
0x228: {  	[tilespmem:s26+$0x126A0] =	vst v2;
	v2 =	vld [tilespmem:s26+$0xA780]  }
0x229: {  	[tilespmem:s26+$0x126B0] =	vst v3;
	v3 =	vld [tilespmem:s26+$0xA790]  }
0x22a: {  	s28 =	simm.s32 $0x2000;
	s29 =	simm.s32 $0x400;
	[tilespmem:s26+$0x12700] =	vst v4;
	v4 =	vld [tilespmem:s26+$0xA7A0]  }
.LBB2_12:
0x22b: {  	p0 =	seq.s32 s28, $0xF000;
	v5 =	vld [tilespmem:s29+$0xA7B0];
	[tilespmem:s26+$0x12720] =	vst v0  }
0x22c: {  	v0 =	vld [tilespmem:s29+$0xA400];
	[tilespmem:s26+$0x12730] =	vst v1  }
0x22d: {  	v1 =	vld [tilespmem:s29+$0xA410];
	[tilespmem:s26+$0x12780] =	vst v2  }
0x22e: {  	v2 =	vld [tilespmem:s29+$0xA420];
	[tilespmem:s26+$0x12790] =	vst v3  }
0x22f: {  	v3 =	vld [tilespmem:s29+$0xA430];
	[tilespmem:s26+$0x127A0] =	vst v4;
	s26 =	smov.u32 s29  }
0x230: {  	v4 =	vld [tilespmem:s26+$0xA480];
	[tilespmem:s26+$0x127B0] =	vst v5  }
0x231: {  	[tilespmem:s26+$0x12400] =	vst v0;
	v0 =	vld [tilespmem:s26+$0xA490]  }
0x232: {  	[tilespmem:s26+$0x12410] =	vst v1;
	v1 =	vld [tilespmem:s26+$0xA4A0]  }
0x233: {  	[tilespmem:s26+$0x12420] =	vst v2;
	v2 =	vld [tilespmem:s26+$0xA4B0]  }
0x234: {  	[tilespmem:s26+$0x12430] =	vst v3;
	v3 =	vld [tilespmem:s26+$0xA500]  }
0x235: {  	[tilespmem:s26+$0x12480] =	vst v4;
	v4 =	vld [tilespmem:s26+$0xA510]  }
0x236: {  	[tilespmem:s26+$0x12490] =	vst v0;
	v0 =	vld [tilespmem:s26+$0xA520]  }
0x237: {  	[tilespmem:s26+$0x124A0] =	vst v1;
	v1 =	vld [tilespmem:s26+$0xA530]  }
0x238: {  	[tilespmem:s26+$0x124B0] =	vst v2;
	v2 =	vld [tilespmem:s26+$0xA580]  }
0x239: {  	[tilespmem:s26+$0x12500] =	vst v3;
	v3 =	vld [tilespmem:s26+$0xA590]  }
0x23a: {  	[tilespmem:s26+$0x12510] =	vst v4;
	v4 =	vld [tilespmem:s26+$0xA5A0]  }
0x23b: {  	[tilespmem:s26+$0x12520] =	vst v0;
	v0 =	vld [tilespmem:s26+$0xA5B0]  }
0x23c: {  	[tilespmem:s26+$0x12530] =	vst v1;
	v1 =	vld [tilespmem:s26+$0xA600]  }
0x23d: {  	[tilespmem:s26+$0x12580] =	vst v2;
	v2 =	vld [tilespmem:s26+$0xA610]  }
0x23e: {  	[tilespmem:s26+$0x12590] =	vst v3;
	v3 =	vld [tilespmem:s26+$0xA620]  }
0x23f: {  	[tilespmem:s26+$0x125A0] =	vst v4;
	v4 =	vld [tilespmem:s26+$0xA630]  }
0x240: {  	[tilespmem:s26+$0x125B0] =	vst v0;
	v0 =	vld [tilespmem:s26+$0xA680]  }
0x241: {  	[tilespmem:s26+$0x12600] =	vst v1;
	v1 =	vld [tilespmem:s26+$0xA690]  }
0x242: {  	[tilespmem:s26+$0x12610] =	vst v2;
	v2 =	vld [tilespmem:s26+$0xA6A0]  }
0x243: {  	[tilespmem:s26+$0x12620] =	vst v3;
	v3 =	vld [tilespmem:s26+$0xA6B0]  }
0x244: {  	[tilespmem:s26+$0x12630] =	vst v4;
	v4 =	vld [tilespmem:s26+$0xA700]  }
0x245: {  	[tilespmem:s26+$0x12680] =	vst v0;
	v5 =	vld [tilespmem:s26+$0xA710]  }
.Ltmp10:
0x246: {  	[tilespmem:s26+$0x12690] =	vst v1;
	v0 =	vld [tilespmem:s26+$0xA720];
	(pc) =	sbr.rel @!p0 .LBB2_12-.Ltmp10, $4  }
0x247: {  	[tilespmem:s26+$0x126A0] =	vst v2;
	v1 =	vld [tilespmem:s26+$0xA730]  }
0x248: {  	[tilespmem:s26+$0x126B0] =	vst v3;
	v2 =	vld [tilespmem:s26+$0xA780]  }
0x249: {  	[tilespmem:s26+$0x12700] =	vst v4;
	v3 =	vld [tilespmem:s26+$0xA790]  }
0x24a: {  	s29 =	sshra.s32 s28, $0x2;
	s28 =	sadd.s32 $0x1000, s28;
	[tilespmem:s26+$0x12710] =	vst v5;
	v4 =	vld [tilespmem:s26+$0xA7A0]  }
.Ltmp11:
0x24b: {  	_ = 	snop;
	(pc) =	sbr.rel .LBB2_13-.Ltmp11, $1  }
0x24c: {  	_ =	sdelay $0x3  }
.LBB2_15:
0x24d: {  	_ =	swait.ge [sflag:s15], $0x4000  }
0x24e: {  	[sflag:s15] =	ssyncset.done $0x0  }
0x24f: {  	[sflag:s15] =	ssyncadd.s32 $0xFFFFC000  }
0x250: {  	_ =	swait.ge [sflag:s21], $0x4000  }
0x251: {  	[sflag:s21] =	ssyncset.done $0x0  }
0x252: {  	[sflag:s21] =	ssyncadd.s32 $0xFFFFC000  }
0x253: {  	v0 =	vld [tilespmem:$0x6380]  }
0x254: {  	v1 =	vld [tilespmem:$0x6390]  }
0x255: {  	v2 =	vld [tilespmem:$0x63A0]  }
0x256: {  	v3 =	vld [tilespmem:$0x63B0]  }
0x257: {  	v4 =	vld [tilespmem:$0x63C0]  }
0x258: {  	v5 =	vld [tilespmem:$0x63D0]  }
0x259: {  	v6 =	vld [tilespmem:$0x63E0]  }
0x25a: {  	v7 =	vld [tilespmem:$0x63F0];
	_ =	sdelay $0x1  }
0x25b: {  	vm0 =	vgt.s32 v0, $0xFFFE7960  }
0x25c: {  	vm1 =	vgt.s32 v1, $0xFFFE7960;
	vm5 =	vgt.s32 v2, $0xFFFE7960;
	vm6 =	vgt.s32 v3, $0xFFFE7960  }
0x25d: {  	vm8 =	vgt.s32 v4, $0xFFFE7960;
	vm9 =	vgt.s32 v5, $0xFFFE7960;
	vm12 =	vgt.s32 v6, $0xFFFE7960  }
0x25e: {  	vm13 =	vgt.s32 v7, $0xFFFE7960;
	v0 =	vnsel vm0, $0xFFFE7960, v0;
	v1 =	vnsel vm1, $0xFFFE7960, v1  }
0x25f: {  	v2 =	vnsel vm5, $0xFFFE7960, v2;
	v3 =	vnsel vm6, $0xFFFE7960, v3;
	v4 =	vnsel vm8, $0xFFFE7960, v4  }
0x260: {  	v5 =	vnsel vm9, $0xFFFE7960, v5;
	vm0 =	vlt.s32 v0, $0x186A0;
	vm1 =	vlt.s32 v1, $0x186A0  }
0x261: {  	vm7 =	vlt.s32 v2, $0x186A0;
	vm10 =	vlt.s32 v4, $0x186A0;
	v0 =	vnsel vm0, $0x186A0, v0  }
0x262: {  	vm11 =	vlt.s32 v5, $0x186A0;
	v1 =	vnsel vm1, $0x186A0, v1;
	v0 =	vadd.s32 $0x186A0, v0  }
0x263: {  	v2 =	vnsel vm7, $0x186A0, v2;
	vm0 =	vlt.s32 v3, $0x186A0;
	[tilespmem:$0x6380] =	vst v0;
	v0 =	vadd.s32 $0x186A0, v1  }
0x264: {  	v3 =	vnsel vm0, $0x186A0, v3;
	v1 =	vnsel vm10, $0x186A0, v4;
	[tilespmem:$0x6390] =	vst v0;
	v0 =	vadd.s32 $0x186A0, v2  }
0x265: {  	v2 =	vnsel vm11, $0x186A0, v5;
	[tilespmem:$0x63A0] =	vst v0;
	v0 =	vadd.s32 $0x186A0, v3;
	v3 =	vnsel vm12, $0xFFFE7960, v6  }
0x266: {  	[tilespmem:$0x63B0] =	vst v0;
	v0 =	vadd.s32 $0x186A0, v1;
	v1 =	vnsel vm13, $0xFFFE7960, v7;
	vm14 =	vlt.s32 v3, $0x186A0  }
0x267: {  	[tilespmem:$0x63C0] =	vst v0;
	v0 =	vadd.s32 $0x186A0, v2;
	v2 =	vnsel vm14, $0x186A0, v3;
	vm15 =	vlt.s32 v1, $0x186A0  }
0x268: {  	[tilespmem:$0x63D0] =	vst v0;
	v0 =	vadd.s32 $0x186A0, v2;
	v1 =	vnsel vm15, $0x186A0, v1  }
0x269: {  	[tilespmem:$0x63E0] =	vst v0;
	v0 =	vadd.s32 $0x186A0, v1  }
0x26a: {  	s25 =	simm.s32 $0x0;
	[tilespmem:$0x63F0] =	vst v0  }
0x26b: {  	[tilespmem:s16], [sflag:$0x3] =	stream.indirect.gather [hbm4b:s3+s13], $0x80, s23, s13, $0xb8;
	[tilespmem:$0x16400] =	vst v63  }
0x26c: {  	v0 =	vld [tilespmem:s25+$0x67B0]  }
0x26d: {  	v1 =	vld [tilespmem:s25+$0x6400]  }
0x26e: {  	v2 =	vld [tilespmem:s25+$0x6410]  }
0x26f: {  	v3 =	vld [tilespmem:s25+$0x6420]  }
0x270: {  	v4 =	vld [tilespmem:s25+$0x6430]  }
0x271: {  	v5 =	vld [tilespmem:s25+$0x6480];
	[tilespmem:s25+$0xE7B0] =	vst v0  }
0x272: {  	[tilespmem:s25+$0xE400] =	vst v1;
	v0 =	vld [tilespmem:s25+$0x6490]  }
0x273: {  	[tilespmem:s25+$0xE410] =	vst v2;
	v1 =	vld [tilespmem:s25+$0x64A0]  }
0x274: {  	[tilespmem:s25+$0xE420] =	vst v3;
	v2 =	vld [tilespmem:s25+$0x64B0]  }
0x275: {  	[tilespmem:s25+$0xE430] =	vst v4;
	v3 =	vld [tilespmem:s25+$0x6500]  }
0x276: {  	[tilespmem:s25+$0xE480] =	vst v5;
	v4 =	vld [tilespmem:s25+$0x6510]  }
0x277: {  	v5 =	vld [tilespmem:s25+$0x6710];
	[tilespmem:s25+$0xE490] =	vst v0  }
0x278: {  	v0 =	vld [tilespmem:s25+$0x6520];
	[tilespmem:s25+$0xE4A0] =	vst v1  }
0x279: {  	v1 =	vld [tilespmem:s25+$0x6530];
	[tilespmem:s25+$0xE4B0] =	vst v2  }
0x27a: {  	v2 =	vld [tilespmem:s25+$0x6580];
	[tilespmem:s25+$0xE500] =	vst v3  }
0x27b: {  	v3 =	vld [tilespmem:s25+$0x6590];
	[tilespmem:s25+$0xE510] =	vst v4  }
0x27c: {  	v4 =	vld [tilespmem:s25+$0x65A0];
	[tilespmem:s25+$0xE710] =	vst v5  }
0x27d: {  	[tilespmem:s25+$0xE520] =	vst v0;
	v0 =	vld [tilespmem:s25+$0x65B0]  }
0x27e: {  	[tilespmem:s25+$0xE530] =	vst v1;
	v1 =	vld [tilespmem:s25+$0x6600]  }
0x27f: {  	[tilespmem:s25+$0xE580] =	vst v2;
	v2 =	vld [tilespmem:s25+$0x6610]  }
0x280: {  	[tilespmem:s25+$0xE590] =	vst v3;
	v3 =	vld [tilespmem:s25+$0x6620]  }
0x281: {  	[tilespmem:s25+$0xE5A0] =	vst v4;
	v4 =	vld [tilespmem:s25+$0x6630]  }
0x282: {  	[tilespmem:s25+$0xE5B0] =	vst v0;
	v0 =	vld [tilespmem:s25+$0x6680]  }
0x283: {  	[tilespmem:s25+$0xE600] =	vst v1;
	v1 =	vld [tilespmem:s25+$0x6690]  }
0x284: {  	[tilespmem:s25+$0xE610] =	vst v2;
	v2 =	vld [tilespmem:s25+$0x66A0]  }
0x285: {  	[tilespmem:s25+$0xE620] =	vst v3;
	v3 =	vld [tilespmem:s25+$0x66B0]  }
0x286: {  	[tilespmem:s25+$0xE630] =	vst v4;
	v4 =	vld [tilespmem:s25+$0x6700]  }
0x287: {  	[tilespmem:s25+$0xE680] =	vst v0;
	v0 =	vld [tilespmem:s25+$0x6720]  }
0x288: {  	[tilespmem:s25+$0xE690] =	vst v1;
	v1 =	vld [tilespmem:s25+$0x6730]  }
0x289: {  	[tilespmem:s25+$0xE6A0] =	vst v2;
	v2 =	vld [tilespmem:s25+$0x6780]  }
0x28a: {  	[tilespmem:s25+$0xE6B0] =	vst v3;
	v3 =	vld [tilespmem:s25+$0x6790]  }
0x28b: {  	s28 =	simm.s32 $0x400;
	s26 =	simm.s32 $0x2000;
	[tilespmem:s25+$0xE700] =	vst v4;
	v4 =	vld [tilespmem:s25+$0x67A0]  }
.LBB2_16:
0x28c: {  	p0 =	sne.s32 s26, $0xF000;
	v5 =	vld [tilespmem:s28+$0x67B0];
	[tilespmem:s25+$0xE720] =	vst v0  }
0x28d: {  	v0 =	vld [tilespmem:s28+$0x6400];
	[tilespmem:s25+$0xE730] =	vst v1  }
0x28e: {  	v1 =	vld [tilespmem:s28+$0x6410];
	[tilespmem:s25+$0xE780] =	vst v2  }
0x28f: {  	v2 =	vld [tilespmem:s28+$0x6420];
	[tilespmem:s25+$0xE790] =	vst v3  }
0x290: {  	v3 =	vld [tilespmem:s28+$0x6430];
	[tilespmem:s25+$0xE7A0] =	vst v4;
	s25 =	smov.u32 s28  }
0x291: {  	v4 =	vld [tilespmem:s25+$0x6480];
	[tilespmem:s25+$0xE7B0] =	vst v5  }
0x292: {  	[tilespmem:s25+$0xE400] =	vst v0;
	v0 =	vld [tilespmem:s25+$0x6490]  }
0x293: {  	[tilespmem:s25+$0xE410] =	vst v1;
	v1 =	vld [tilespmem:s25+$0x64A0]  }
0x294: {  	[tilespmem:s25+$0xE420] =	vst v2;
	v2 =	vld [tilespmem:s25+$0x64B0]  }
0x295: {  	[tilespmem:s25+$0xE430] =	vst v3;
	v3 =	vld [tilespmem:s25+$0x6500]  }
0x296: {  	[tilespmem:s25+$0xE480] =	vst v4;
	v4 =	vld [tilespmem:s25+$0x6510]  }
0x297: {  	[tilespmem:s25+$0xE490] =	vst v0;
	v0 =	vld [tilespmem:s25+$0x6520]  }
0x298: {  	[tilespmem:s25+$0xE4A0] =	vst v1;
	v1 =	vld [tilespmem:s25+$0x6530]  }
0x299: {  	[tilespmem:s25+$0xE4B0] =	vst v2;
	v2 =	vld [tilespmem:s25+$0x6580]  }
0x29a: {  	[tilespmem:s25+$0xE500] =	vst v3;
	v3 =	vld [tilespmem:s25+$0x6590]  }
0x29b: {  	[tilespmem:s25+$0xE510] =	vst v4;
	v4 =	vld [tilespmem:s25+$0x65A0]  }
0x29c: {  	[tilespmem:s25+$0xE520] =	vst v0;
	v0 =	vld [tilespmem:s25+$0x65B0]  }
0x29d: {  	[tilespmem:s25+$0xE530] =	vst v1;
	v1 =	vld [tilespmem:s25+$0x6600]  }
0x29e: {  	[tilespmem:s25+$0xE580] =	vst v2;
	v2 =	vld [tilespmem:s25+$0x6610]  }
0x29f: {  	[tilespmem:s25+$0xE590] =	vst v3;
	v3 =	vld [tilespmem:s25+$0x6620]  }
0x2a0: {  	[tilespmem:s25+$0xE5A0] =	vst v4;
	v4 =	vld [tilespmem:s25+$0x6630]  }
0x2a1: {  	[tilespmem:s25+$0xE5B0] =	vst v0;
	v0 =	vld [tilespmem:s25+$0x6680]  }
0x2a2: {  	[tilespmem:s25+$0xE600] =	vst v1;
	v1 =	vld [tilespmem:s25+$0x6690]  }
0x2a3: {  	[tilespmem:s25+$0xE610] =	vst v2;
	v2 =	vld [tilespmem:s25+$0x66A0]  }
0x2a4: {  	[tilespmem:s25+$0xE620] =	vst v3;
	v3 =	vld [tilespmem:s25+$0x66B0]  }
0x2a5: {  	[tilespmem:s25+$0xE630] =	vst v4;
	v4 =	vld [tilespmem:s25+$0x6700]  }
0x2a6: {  	[tilespmem:s25+$0xE680] =	vst v0;
	v5 =	vld [tilespmem:s25+$0x6710]  }
.Ltmp12:
0x2a7: {  	[tilespmem:s25+$0xE690] =	vst v1;
	v0 =	vld [tilespmem:s25+$0x6720];
	(pc) =	sbr.rel @p0 .LBB2_16-.Ltmp12, $4  }
0x2a8: {  	[tilespmem:s25+$0xE6A0] =	vst v2;
	v1 =	vld [tilespmem:s25+$0x6730]  }
0x2a9: {  	[tilespmem:s25+$0xE6B0] =	vst v3;
	v2 =	vld [tilespmem:s25+$0x6780]  }
0x2aa: {  	[tilespmem:s25+$0xE700] =	vst v4;
	v3 =	vld [tilespmem:s25+$0x6790]  }
0x2ab: {  	s28 =	sshra.s32 s26, $0x2;
	s26 =	sadd.s32 $0x1000, s26;
	[tilespmem:s25+$0xE710] =	vst v5;
	v4 =	vld [tilespmem:s25+$0x67A0]  }
0x2ac: {  	v5 =	vld [tilespmem:s28+$0x67B0];
	[tilespmem:s25+$0xE720] =	vst v0  }
0x2ad: {  	v0 =	vld [tilespmem:s28+$0x6400];
	[tilespmem:s25+$0xE730] =	vst v1  }
0x2ae: {  	v1 =	vld [tilespmem:s28+$0x6410];
	[tilespmem:s25+$0xE780] =	vst v2  }
0x2af: {  	v2 =	vld [tilespmem:s28+$0x6420];
	[tilespmem:s25+$0xE790] =	vst v3  }
0x2b0: {  	v3 =	vld [tilespmem:s28+$0x6430];
	[tilespmem:s25+$0xE7A0] =	vst v4  }
0x2b1: {  	v4 =	vld [tilespmem:s28+$0x6480];
	[tilespmem:s28+$0xE7B0] =	vst v5  }
0x2b2: {  	[tilespmem:s28+$0xE400] =	vst v0;
	v0 =	vld [tilespmem:s28+$0x6490]  }
0x2b3: {  	[tilespmem:s28+$0xE410] =	vst v1;
	v1 =	vld [tilespmem:s28+$0x64A0]  }
0x2b4: {  	[tilespmem:s28+$0xE420] =	vst v2;
	v2 =	vld [tilespmem:s28+$0x64B0]  }
0x2b5: {  	[tilespmem:s28+$0xE430] =	vst v3;
	v3 =	vld [tilespmem:s28+$0x6500]  }
0x2b6: {  	[tilespmem:s28+$0xE480] =	vst v4;
	v4 =	vld [tilespmem:s28+$0x6510]  }
0x2b7: {  	[tilespmem:s28+$0xE490] =	vst v0;
	v0 =	vld [tilespmem:s28+$0x6520]  }
0x2b8: {  	[tilespmem:s28+$0xE4A0] =	vst v1;
	v1 =	vld [tilespmem:s28+$0x6530]  }
0x2b9: {  	[tilespmem:s28+$0xE4B0] =	vst v2;
	v2 =	vld [tilespmem:s28+$0x6580]  }
0x2ba: {  	[tilespmem:s28+$0xE500] =	vst v3;
	v3 =	vld [tilespmem:s28+$0x6590]  }
0x2bb: {  	[tilespmem:s28+$0xE510] =	vst v4;
	v4 =	vld [tilespmem:s28+$0x65A0]  }
0x2bc: {  	[tilespmem:s28+$0xE520] =	vst v0;
	v0 =	vld [tilespmem:s28+$0x65B0]  }
0x2bd: {  	[tilespmem:s28+$0xE530] =	vst v1;
	v1 =	vld [tilespmem:s28+$0x6600]  }
0x2be: {  	[tilespmem:s28+$0xE580] =	vst v2;
	v2 =	vld [tilespmem:s28+$0x6610]  }
0x2bf: {  	[tilespmem:s28+$0xE590] =	vst v3;
	v3 =	vld [tilespmem:s28+$0x6620]  }
0x2c0: {  	[tilespmem:s28+$0xE5A0] =	vst v4;
	v4 =	vld [tilespmem:s28+$0x6630]  }
0x2c1: {  	[tilespmem:s28+$0xE5B0] =	vst v0;
	v0 =	vld [tilespmem:s28+$0x6680]  }
0x2c2: {  	[tilespmem:s28+$0xE600] =	vst v1;
	v1 =	vld [tilespmem:s28+$0x6690]  }
0x2c3: {  	[tilespmem:s28+$0xE610] =	vst v2;
	v2 =	vld [tilespmem:s28+$0x66A0]  }
0x2c4: {  	[tilespmem:s28+$0xE620] =	vst v3;
	v3 =	vld [tilespmem:s28+$0x66B0]  }
0x2c5: {  	[tilespmem:s28+$0xE630] =	vst v4;
	v4 =	vld [tilespmem:s28+$0x6700]  }
0x2c6: {  	[tilespmem:s28+$0xE680] =	vst v0;
	v0 =	vld [tilespmem:s28+$0x6710]  }
0x2c7: {  	[tilespmem:s28+$0xE690] =	vst v1;
	v1 =	vld [tilespmem:s28+$0x6720]  }
0x2c8: {  	[tilespmem:s28+$0xE6A0] =	vst v2;
	v2 =	vld [tilespmem:s28+$0x6730]  }
0x2c9: {  	[tilespmem:s28+$0xE6B0] =	vst v3;
	v3 =	vld [tilespmem:s28+$0x6780]  }
0x2ca: {  	[tilespmem:s28+$0xE700] =	vst v4;
	v4 =	vld [tilespmem:s28+$0x6790]  }
0x2cb: {  	[tilespmem:s28+$0xE710] =	vst v0;
	v0 =	vld [tilespmem:s28+$0x67A0]  }
0x2cc: {  	[tilespmem:s28+$0xE720] =	vst v1  }
0x2cd: {  	[tilespmem:s28+$0xE730] =	vst v2  }
0x2ce: {  	[tilespmem:s28+$0xE780] =	vst v3  }
0x2cf: {  	[tilespmem:s28+$0xE790] =	vst v4  }
0x2d0: {  	s31 =	simm.s32 $0x0;
	[tilespmem:s28+$0xE7A0] =	vst v0  }
0x2d1: {  	[hbm4b:s9+s31] =	stream.linear.scatter [tilespmem:s17], [sflag:$0x4], $0x4000, $0x38;
	[tilespmem:$0x16400] =	vst v63  }
0x2d2: {  	_ =	swait.ge [sflag:s18], $0x4000  }
0x2d3: {  	[sflag:s18] =	ssyncset.done $0x0  }
0x2d4: {  	[sflag:s18] =	ssyncadd.s32 $0xFFFFC000  }
0x2d5: {  	_ =	swait.ge [sflag:s22], $0x4000  }
0x2d6: {  	[sflag:s22] =	ssyncset.done $0x0  }
0x2d7: {  	s25 =	simm.s32 $0x0;
	[sflag:s22] =	ssyncadd.s32 $0xFFFFC000  }
0x2d8: {  	v0 =	vld [tilespmem:s25+$0xA7B0]  }
0x2d9: {  	v1 =	vld [tilespmem:s25+$0xA400]  }
0x2da: {  	v2 =	vld [tilespmem:s25+$0xA410]  }
0x2db: {  	v3 =	vld [tilespmem:s25+$0xA420]  }
0x2dc: {  	v4 =	vld [tilespmem:s25+$0xA430]  }
0x2dd: {  	v5 =	vld [tilespmem:s25+$0xA480];
	[tilespmem:s25+$0x127B0] =	vst v0  }
0x2de: {  	[tilespmem:s25+$0x12400] =	vst v1;
	v0 =	vld [tilespmem:s25+$0xA490]  }
0x2df: {  	[tilespmem:s25+$0x12410] =	vst v2;
	v1 =	vld [tilespmem:s25+$0xA4A0]  }
0x2e0: {  	[tilespmem:s25+$0x12420] =	vst v3;
	v2 =	vld [tilespmem:s25+$0xA4B0]  }
0x2e1: {  	[tilespmem:s25+$0x12430] =	vst v4;
	v3 =	vld [tilespmem:s25+$0xA500]  }
0x2e2: {  	[tilespmem:s25+$0x12480] =	vst v5;
	v4 =	vld [tilespmem:s25+$0xA510]  }
0x2e3: {  	v5 =	vld [tilespmem:s25+$0xA710];
	[tilespmem:s25+$0x12490] =	vst v0  }
0x2e4: {  	v0 =	vld [tilespmem:s25+$0xA520];
	[tilespmem:s25+$0x124A0] =	vst v1  }
0x2e5: {  	v1 =	vld [tilespmem:s25+$0xA530];
	[tilespmem:s25+$0x124B0] =	vst v2  }
0x2e6: {  	v2 =	vld [tilespmem:s25+$0xA580];
	[tilespmem:s25+$0x12500] =	vst v3  }
0x2e7: {  	v3 =	vld [tilespmem:s25+$0xA590];
	[tilespmem:s25+$0x12510] =	vst v4  }
0x2e8: {  	v4 =	vld [tilespmem:s25+$0xA5A0];
	[tilespmem:s25+$0x12710] =	vst v5  }
0x2e9: {  	[tilespmem:s25+$0x12520] =	vst v0;
	v0 =	vld [tilespmem:s25+$0xA5B0]  }
0x2ea: {  	[tilespmem:s25+$0x12530] =	vst v1;
	v1 =	vld [tilespmem:s25+$0xA600]  }
0x2eb: {  	[tilespmem:s25+$0x12580] =	vst v2;
	v2 =	vld [tilespmem:s25+$0xA610]  }
0x2ec: {  	[tilespmem:s25+$0x12590] =	vst v3;
	v3 =	vld [tilespmem:s25+$0xA620]  }
0x2ed: {  	[tilespmem:s25+$0x125A0] =	vst v4;
	v4 =	vld [tilespmem:s25+$0xA630]  }
0x2ee: {  	[tilespmem:s25+$0x125B0] =	vst v0;
	v0 =	vld [tilespmem:s25+$0xA680]  }
0x2ef: {  	[tilespmem:s25+$0x12600] =	vst v1;
	v1 =	vld [tilespmem:s25+$0xA690]  }
0x2f0: {  	[tilespmem:s25+$0x12610] =	vst v2;
	v2 =	vld [tilespmem:s25+$0xA6A0]  }
0x2f1: {  	[tilespmem:s25+$0x12620] =	vst v3;
	v3 =	vld [tilespmem:s25+$0xA6B0]  }
0x2f2: {  	[tilespmem:s25+$0x12630] =	vst v4;
	v4 =	vld [tilespmem:s25+$0xA700]  }
0x2f3: {  	[tilespmem:s25+$0x12680] =	vst v0;
	v0 =	vld [tilespmem:s25+$0xA720]  }
0x2f4: {  	[tilespmem:s25+$0x12690] =	vst v1;
	v1 =	vld [tilespmem:s25+$0xA730]  }
0x2f5: {  	[tilespmem:s25+$0x126A0] =	vst v2;
	v2 =	vld [tilespmem:s25+$0xA780]  }
0x2f6: {  	[tilespmem:s25+$0x126B0] =	vst v3;
	v3 =	vld [tilespmem:s25+$0xA790]  }
0x2f7: {  	s26 =	simm.s32 $0x2000;
	s28 =	simm.s32 $0x400;
	[tilespmem:s25+$0x12700] =	vst v4;
	v4 =	vld [tilespmem:s25+$0xA7A0]  }
.LBB2_18:
0x2f8: {  	p0 =	sne.s32 s26, $0xF000;
	v5 =	vld [tilespmem:s28+$0xA7B0];
	[tilespmem:s25+$0x12720] =	vst v0  }
0x2f9: {  	v0 =	vld [tilespmem:s28+$0xA400];
	[tilespmem:s25+$0x12730] =	vst v1  }
0x2fa: {  	v1 =	vld [tilespmem:s28+$0xA410];
	[tilespmem:s25+$0x12780] =	vst v2  }
0x2fb: {  	v2 =	vld [tilespmem:s28+$0xA420];
	[tilespmem:s25+$0x12790] =	vst v3  }
0x2fc: {  	v3 =	vld [tilespmem:s28+$0xA430];
	[tilespmem:s25+$0x127A0] =	vst v4;
	s25 =	smov.u32 s28  }
0x2fd: {  	v4 =	vld [tilespmem:s25+$0xA480];
	[tilespmem:s25+$0x127B0] =	vst v5  }
0x2fe: {  	[tilespmem:s25+$0x12400] =	vst v0;
	v0 =	vld [tilespmem:s25+$0xA490]  }
0x2ff: {  	[tilespmem:s25+$0x12410] =	vst v1;
	v1 =	vld [tilespmem:s25+$0xA4A0]  }
0x300: {  	[tilespmem:s25+$0x12420] =	vst v2;
	v2 =	vld [tilespmem:s25+$0xA4B0]  }
0x301: {  	[tilespmem:s25+$0x12430] =	vst v3;
	v3 =	vld [tilespmem:s25+$0xA500]  }
0x302: {  	[tilespmem:s25+$0x12480] =	vst v4;
	v4 =	vld [tilespmem:s25+$0xA510]  }
0x303: {  	[tilespmem:s25+$0x12490] =	vst v0;
	v0 =	vld [tilespmem:s25+$0xA520]  }
0x304: {  	[tilespmem:s25+$0x124A0] =	vst v1;
	v1 =	vld [tilespmem:s25+$0xA530]  }
0x305: {  	[tilespmem:s25+$0x124B0] =	vst v2;
	v2 =	vld [tilespmem:s25+$0xA580]  }
0x306: {  	[tilespmem:s25+$0x12500] =	vst v3;
	v3 =	vld [tilespmem:s25+$0xA590]  }
0x307: {  	[tilespmem:s25+$0x12510] =	vst v4;
	v4 =	vld [tilespmem:s25+$0xA5A0]  }
0x308: {  	[tilespmem:s25+$0x12520] =	vst v0;
	v0 =	vld [tilespmem:s25+$0xA5B0]  }
0x309: {  	[tilespmem:s25+$0x12530] =	vst v1;
	v1 =	vld [tilespmem:s25+$0xA600]  }
0x30a: {  	[tilespmem:s25+$0x12580] =	vst v2;
	v2 =	vld [tilespmem:s25+$0xA610]  }
0x30b: {  	[tilespmem:s25+$0x12590] =	vst v3;
	v3 =	vld [tilespmem:s25+$0xA620]  }
0x30c: {  	[tilespmem:s25+$0x125A0] =	vst v4;
	v4 =	vld [tilespmem:s25+$0xA630]  }
0x30d: {  	[tilespmem:s25+$0x125B0] =	vst v0;
	v0 =	vld [tilespmem:s25+$0xA680]  }
0x30e: {  	[tilespmem:s25+$0x12600] =	vst v1;
	v1 =	vld [tilespmem:s25+$0xA690]  }
0x30f: {  	[tilespmem:s25+$0x12610] =	vst v2;
	v2 =	vld [tilespmem:s25+$0xA6A0]  }
0x310: {  	[tilespmem:s25+$0x12620] =	vst v3;
	v3 =	vld [tilespmem:s25+$0xA6B0]  }
0x311: {  	[tilespmem:s25+$0x12630] =	vst v4;
	v4 =	vld [tilespmem:s25+$0xA700]  }
0x312: {  	[tilespmem:s25+$0x12680] =	vst v0;
	v5 =	vld [tilespmem:s25+$0xA710]  }
.Ltmp13:
0x313: {  	[tilespmem:s25+$0x12690] =	vst v1;
	v0 =	vld [tilespmem:s25+$0xA720];
	(pc) =	sbr.rel @p0 .LBB2_18-.Ltmp13, $4  }
0x314: {  	[tilespmem:s25+$0x126A0] =	vst v2;
	v1 =	vld [tilespmem:s25+$0xA730]  }
0x315: {  	[tilespmem:s25+$0x126B0] =	vst v3;
	v2 =	vld [tilespmem:s25+$0xA780]  }
0x316: {  	[tilespmem:s25+$0x12700] =	vst v4;
	v3 =	vld [tilespmem:s25+$0xA790]  }
0x317: {  	s28 =	sshra.s32 s26, $0x2;
	s26 =	sadd.s32 $0x1000, s26;
	[tilespmem:s25+$0x12710] =	vst v5;
	v4 =	vld [tilespmem:s25+$0xA7A0]  }
0x318: {  	v5 =	vld [tilespmem:s28+$0xA7B0];
	[tilespmem:s25+$0x12720] =	vst v0  }
0x319: {  	v0 =	vld [tilespmem:s28+$0xA400];
	[tilespmem:s25+$0x12730] =	vst v1  }
0x31a: {  	v1 =	vld [tilespmem:s28+$0xA410];
	[tilespmem:s25+$0x12780] =	vst v2  }
0x31b: {  	v2 =	vld [tilespmem:s28+$0xA420];
	[tilespmem:s25+$0x12790] =	vst v3  }
0x31c: {  	v3 =	vld [tilespmem:s28+$0xA430];
	[tilespmem:s25+$0x127A0] =	vst v4  }
0x31d: {  	v4 =	vld [tilespmem:s28+$0xA480];
	[tilespmem:s28+$0x127B0] =	vst v5  }
0x31e: {  	v38 =	vld [tilespmem:s28+$0xA490];
	[tilespmem:s28+$0x12400] =	vst v0  }
0x31f: {  	v39 =	vld [tilespmem:s28+$0xA4A0];
	[tilespmem:s28+$0x12410] =	vst v1  }
0x320: {  	v40 =	vld [tilespmem:s28+$0xA4B0];
	[tilespmem:s28+$0x12420] =	vst v2  }
0x321: {  	v41 =	vld [tilespmem:s28+$0xA500];
	[tilespmem:s28+$0x12430] =	vst v3  }
0x322: {  	v42 =	vld [tilespmem:s28+$0xA510];
	[tilespmem:s28+$0x12480] =	vst v4  }
0x323: {  	v43 =	vld [tilespmem:s28+$0xA520];
	[tilespmem:s28+$0x12490] =	vst v38  }
0x324: {  	v44 =	vld [tilespmem:s28+$0xA530];
	[tilespmem:s28+$0x124A0] =	vst v39  }
0x325: {  	v45 =	vld [tilespmem:s28+$0xA580];
	[tilespmem:s28+$0x124B0] =	vst v40  }
0x326: {  	v46 =	vld [tilespmem:s28+$0xA590];
	[tilespmem:s28+$0x12500] =	vst v41  }
0x327: {  	v47 =	vld [tilespmem:s28+$0xA5A0];
	[tilespmem:s28+$0x12510] =	vst v42  }
0x328: {  	v48 =	vld [tilespmem:s28+$0xA5B0];
	[tilespmem:s28+$0x12520] =	vst v43  }
0x329: {  	v49 =	vld [tilespmem:s28+$0xA600];
	[tilespmem:s28+$0x12530] =	vst v44  }
0x32a: {  	v50 =	vld [tilespmem:s28+$0xA610];
	[tilespmem:s28+$0x12580] =	vst v45  }
0x32b: {  	v51 =	vld [tilespmem:s28+$0xA620];
	[tilespmem:s28+$0x12590] =	vst v46  }
0x32c: {  	v52 =	vld [tilespmem:s28+$0xA630];
	[tilespmem:s28+$0x125A0] =	vst v47  }
0x32d: {  	v53 =	vld [tilespmem:s28+$0xA680];
	[tilespmem:s28+$0x125B0] =	vst v48  }
0x32e: {  	v54 =	vld [tilespmem:s28+$0xA690];
	[tilespmem:s28+$0x12600] =	vst v49  }
0x32f: {  	v55 =	vld [tilespmem:s28+$0xA6A0];
	[tilespmem:s28+$0x12610] =	vst v50  }
0x330: {  	v56 =	vld [tilespmem:s28+$0xA6B0];
	[tilespmem:s28+$0x12620] =	vst v51  }
0x331: {  	v57 =	vld [tilespmem:s28+$0xA700];
	[tilespmem:s28+$0x12630] =	vst v52  }
0x332: {  	v58 =	vld [tilespmem:s28+$0xA710];
	[tilespmem:s28+$0x12680] =	vst v53  }
0x333: {  	v59 =	vld [tilespmem:s28+$0xA720];
	[tilespmem:s28+$0x12690] =	vst v54  }
0x334: {  	v60 =	vld [tilespmem:s28+$0xA730];
	[tilespmem:s28+$0x126A0] =	vst v55  }
0x335: {  	v61 =	vld [tilespmem:s28+$0xA780];
	[tilespmem:s28+$0x126B0] =	vst v56  }
0x336: {  	v62 =	vld [tilespmem:s28+$0xA790];
	[tilespmem:s28+$0x12700] =	vst v57  }
0x337: {  	v63 =	vld [tilespmem:s28+$0xA7A0];
	[tilespmem:s28+$0x12710] =	vst v58  }
0x338: {  	[tilespmem:s28+$0x12720] =	vst v59  }
.Ltmp14:
0x339: {  	[tilespmem:s28+$0x12730] =	vst v60;
	(pc) =	sbr.rel .LBB2_20-.Ltmp14, $4  }
0x33a: {  	[tilespmem:s28+$0x12780] =	vst v61  }
0x33b: {  	[tilespmem:s28+$0x12790] =	vst v62  }
0x33c: {  	[tilespmem:s28+$0x127A0] =	vst v63  }
0x33d: {  	[hbm4b:s10+s2] =	stream.linear.scatter [tilespmem:s20], [sflag:$0x5], $0x4000, $0x38;
	[tilespmem:$0x16400] =	vst v63  }
.LBB2_21:
0x33e: {  	_ =	sfence.sel $0x180000  }
0x33f: {  	[bflag:$0x0] =	sbarrier.arrive $0xFFFF  }
0x340: {  	p0 =	sne.s32 s0, $0x0;
	_ =	strace $0x90000047  }
0x341: {  	s0 =	sadd.s32 @!p0 $0x100000, s1;
	[bflag:$0x2] =	sbarrier.arrive $0xFFFF  }
0x342: {  	[sflag:s0] =	ssyncadd.tile.s32 @!p0 $0x1;
	_ =	shalt  }
.Lfunc_end2:
_tile_overlayer_lowered:
.L_overlay_start_2:
0x343: {  	(tag) =	ssettag $0x2  }
0x344: {  	s0 =	rddreg [dreg:$0x0];
	s2 =	stileid.u32  }
0x345: {  	s1 =	rddreg [dreg:$0x1];
	p0 =	sne.s32 s2, $0x0  }
0x346: {  	s3 =	rddreg [dreg:$0x2];
	[bflag:$0x3] =	sbarrier.arrive $0xFFFF;
	s2 =	simm.s32 @!p0 $0x1C06  }
0x347: {  	[timem:s3], [sflag:s2] =	dma.local @!p0 [hbm:s0], s1  }
0x348: {  	s0 =	simm.s32 @!p0 $0x6  }
0x349: {  	_ =	swait.ge @!p0 [sflag:s0], s1  }
0x34a: {  	s1 =	ssub.s32 @!p0 $0x0, s1;
	[sflag:s0] =	ssyncset.done @!p0 $0x0  }
0x34b: {  	[sflag:s0] =	ssyncadd.s32 @!p0 s1  }
0x34c: {  	[bflag:$0x3] =	sbarrier.arrive $0xFFFF  }
0x34d: {  	_ =	shalt  }

// kernel: sparse-core-data-format-call.cloned.1.call-start
scs
called_computation_lowered:
.L_overlay_start_0:
0x0: {  	s2 =	sld [smem:$0x3FD9]  }
0x1: {  	s3 =	sld [smem:$0x3FFE];
	_ =	sdelay $0x1  }
0x2: {  	s1 =	srdreg.scid  }
0x3: {  	s0 =	sand.u32 $0x1, s1  }
0x4: {  	s18 =	sshll.u32 s0, $0xA;
	s2 =	sadd.s32 s3, s2  }
0x5: {  	s2 =	sadd.s32 s2, s18  }
0x6: {  	[smem:$0x3FC6] =	sst s2  }
0x7: {  	_ = 	snop  }
0x8: {  	s2 =	sld [smem:$0x3FD0];
	(tm) =	ssettm $0x1  }
0x9: {  	s19 =	sld [smem:$0x3FFB];
	_ =	sdelay $0x3  }
0xa: {  	_ =	strace s19  }
0xb: {  	s3 =	sld [smem:$0x3FFC];
	_ =	sdelay $0x3  }
0xc: {  	_ =	strace s3  }
0xd: {  	s3 =	sld [smem:$0x3FFD];
	_ =	sdelay $0x3  }
0xe: {  	_ =	strace s3  }
0xf: {  	_ =	strace $0x8FFFFFFF  }
0x10: {  	s20 =	sld [smem:$0x3FDB];
	_ =	sdelay $0x1  }
0x11: {  	s4 =	simm.s32 $_scs_section_size  }
0x12: {  	s5 =	simm.s32 $_size__tile_overlayer_lowered;
	s6 =	simm.s32 $_tile_overlayer_lowered  }
0x13: {  	s23 =	simm.s32 $0x1BFF;
	s22 =	sshll.u32 s6, $0x1;
	s3 =	sadd.s32 s4, s20  }
0x14: {  	s7 =	simm.s32 $0x0;
	s21 =	sshll.u32 s5, $0x1;
	s5 =	sadd.s32 s22, s3  }
0x15: {  	[timem:s7], [sflag:s23] =	dma.local [hbm:s5], s21  }
0x16: {  	_ =	swait.ge [sflag:s23], s21  }
0x17: {  	s4 =	ssub.s32 $0x0, s21;
	[sflag:s23] =	ssyncset.done $0x0  }
0x18: {  	[sflag:s23] =	ssyncadd.s32 s4;
	_ =	sdelay $0x1  }
0x19: {  	s24 =	simm.s32 $0x1B8B  }
0x1a: {  	_ =	swait.ge [sflag:s24], $0x1  }
0x1b: {  	[sflag:s24] =	ssyncset.done $0x0  }
0x1c: {  	s26 =	simm.s32 $0x1B8E;
	s25 =	sld [smem:$0x3FFE];
	[sflag:s24] =	ssyncadd.s32 $0xFFFFFFFF  }
0x1d: {  	s27 =	simm.s32 $execute0_lowered;
	[smem:$0x3FD2] =	sst s26  }
0x1e: {  	s5 =	sshll.u32 s27, $0x1;
	_ =	strace $0x80000049;
	[dreg:$0x1] =	wrdreg $0xFFFFFFFF  }
0x1f: {  	s28 =	simm.s32 $_size_execute0_lowered;
	s3 =	sadd.s32 s3, s5;
	[dreg:$0x0] =	wrdreg $0x0  }
0x20: {  	s5 =	sshll.u32 s28, $0x1;
	[dreg:$0x2] =	wrdreg s3  }
0x21: {  	[dreg:$0x3] =	wrdreg s5  }
0x22: {  	[dreg:$0x4] =	wrdreg $0xC0  }
0x23: {  	_ =	task [dreg:s7], $0x5FFFF  }
0x24: {  	[dreg:$0x1] =	wrdreg $0xFFFFFFFF  }
0x25: {  	[dreg:$0x0] =	wrdreg $0x60  }
0x26: {  	[dreg:$0x2] =	wrdreg s25  }
0x27: {  	[dreg:$0x3] =	wrdreg s2  }
0x28: {  	[dreg:$0x4] =	wrdreg $0x9  }
0x29: {  	_ =	task.clear_ibuf [dreg:s7], $0x5FFFF;
	_ =	strace $0x90000049  }
0x2a: {  	s29 =	simm.s32 $0x9;
	_ =	strace $0x8000004B  }
0x2b: {  	_ =	swait.ge [sflag:s29], $0x1  }
0x2c: {  	[sflag:s29] =	ssyncadd.s32 $0xFFFFFFFF  }
0x2d: {  	_ =	strace $0x9000004B  }
0x2e: {  	_ =	sfence  }
0x2f: {  	s30 =	sld [smem:$0x0];
	_ =	sdelay $0x2  }
0x30: {  	s31 =	sshll.u32 s1, $0xD;
	s1 =	sshrl.u32 s1, $0x2  }
0x31: {  	s3 =	sand.u32 $0x4000, s31;
	s1 =	sadd.s32 s1, s30  }
0x32: {  	s0 =	sor.u32 s3, s0;
	s1 =	sshll.u32 s1, $0x11  }
0x33: {  	s0 =	sor.u32 s1, s0  }
0x34: {  	s0 =	sadd.s32 $0x8F2B, s0  }
0x35: {  	[sflag:s0] =	ssyncadd.remote.s32 $0x1  }
0x36: {  	_ =	sfence.sel $0xFFFF  }
0x37: {  	[dreg:$0x0] =	wrdreg $0xFFFFFFFF;
	(pc) =	sbr.abs _section_cstart, $3  }
0x38: {  	[dreg:$0x1] =	wrdreg $0xFFFFFFFF  }
0x39: {  	_ =	task.clear_ibuf [dreg:s7], $0x2FFFF;
	_ =	strace $0x9FFFFFFF  }
0x3a: {  	(tm) =	ssettm $0x7FFFFFFF  }
0x3b: {  	_ =	shalt  }
tec
execute0_lowered:
.L_overlay_start_1:
0x0: {  	(tag) =	ssettag $0x1  }
0x1: {  	s0 =	srdreg.scid  }
0x2: {  	s1 =	sshll.u32 s0, $0x4  }
0x3: {  	s0 =	stileid.u32;
	s1 =	sand.u32 $0x10, s1  }
0x4: {  	s1 =	sor.u32 s0, s1  }
0x5: {  	s6 =	rddreg [dreg:$0x0];
	s4 =	simm.s32 $0x1;
	s2 =	sshll.u32 s1, $0x7  }
0x6: {  	s7 =	simm.s32 $0x2;
	s12 =	simm.s32 $0x0;
	s1 =	ssub.s32 $0x1000, s2  }
0x7: {  	s8 =	simm.s32 $0x8000;
	s13 =	simm.s32 $0x0;
	s3 =	sand.u32 $0xF80, s1  }
0x8: {  	s9 =	simm.s32 $0x0;
	s5 =	sshrl.u32 s1, $0xC;
	p0 =	sne.s32 s3, $0x0  }
.Ltmp0:
0x9: {  	s1 =	rddreg [dreg:$0x2];
	s4 =	simm.s32 @!p0 $0x0;
	(pc) =	sbr.rel .LBB1_1-.Ltmp0, $4  }
0xa: {  	s11 =	simm.s32 $0x0;
	s3 =	rddreg [dreg:$0x1];
	s5 =	sadd.s32 s4, s5  }
0xb: {  	_ =	strace $0x8000004A;
	s4 =	simm.s32 $0x1;
	s5 =	smul.u32 $0xC8, s5  }
0xc: {  	s6 =	sadd.s32 $0x326E00, s6;
	s10 =	smov.u32 s2;
	[sflag:s4] =	ssyncpa.u1 $0x0  }
0xd: {  	p0 =	por $0x0, $0x0;
	[sflag:s7] =	ssyncpa.u1 $0x0;
	s7 =	sor.u32 $0x1, s5  }
.LBB1_4:
0xe: {  	s16 =	sshll.u32 s13, $0x3;
	s17 =	sand.u32 $0x78, s13  }
0xf: {  	s30 =	sand.u32 $0x7E00, s13;
	s12 =	sshll.u32 s12, $0xF;
	s16 =	sand.u32 $0xC00, s16  }
0x10: {  	[tilespmem:s15+$0x810 ss:$0x81] =	vst.msk $0xffff, v2;
	s31 =	sand.u32 $0x7, s13;
	s16 =	sor.u32 s17, s16;
	s17 =	sadd.s32 s3, s30  }
0x11: {  	[tilespmem:s15+$0x1020 ss:$0x81] =	vst.msk $0xffff, v0;
	s13 =	sshll.u32 s31, $0x12;
	s12 =	sadd.s32 s12, s17;
	s16 =	sshrl.u32 s16, $0x3  }
0x12: {  	[tilespmem:s15+$0x0 ss:$0x81] =	vst.msk $0xffff, v1;
	s13 =	sor.u32 $0x400, s13;
	s12 =	sadd.s32 s16, s12  }
0x13: {  	[hbm4b:s12+s13] =	stream.strided.scatter [tilespmem:s14], [sflag:$0x2], $0x2000, s8, s13, $0x20;
	[tilespmem:$0x8080] =	vst v63  }
.LBB1_5:
0x14: {  	s14 =	sadd.s32 $0x1, s9  }
0x15: {  	s12 =	sadd.s32 $0x1000, s10;
	s16 =	smov.u32 s10;
	p2 =	sgt.s32 s14, $0xC7  }
0x16: {  	s16 =	smov.u32 @p2 s12  }
0x17: {  	s14 =	simm.s32 @p2 $0x0;
	p2 =	sgt.s32 s16, $0xFFF  }
0x18: {  	s16 =	smov.u32 @p2 s2;
	p2 =	sne.s32 s11, s7  }
.Ltmp1:
0x19: {  	p1 =	slt.u32 s11, $0x2;
	(pc) =	sbr.rel @!p2 .LBB1_6-.Ltmp1, $4  }
0x1a: {  	s15 =	simm.s32 @!p1 $0x2  }
0x1b: {  	s13 =	smov.u32 s10;
	p0 =	por !p0, !p0;
	_ =	swait.ge @!p1 [sflag:s15], $0x2000  }
0x1c: {  	s12 =	smov.u32 s9;
	[sflag:s15] =	ssyncset.done @!p1 $0x0;
	s9 =	smov.u32 s14  }
0x1d: {  	s11 =	sadd.s32 $0x1, s11;
	[sflag:s15] =	ssyncadd.s32 @!p1 $0xFFFFE000;
	s10 =	smov.u32 s16  }
.LBB1_1:
0x1e: {  	p1 =	sge.u32 s11, s5  }
0x1f: {  	s14 =	sand.u32 @!p1 $0x1FFFFFF, s9  }
0x20: {  	s15 =	smulhi.u32 @!p1 $0x147AE15, s14;
	_ =	sdelay $0x1  }
0x21: {  	s15 =	smul.u32 @!p1 $0xC8, s15  }
0x22: {  	s16 =	sxor.u32 @!p1 $0xFFFFFFFF, s11;
	s17 =	smul.u32 @!p1 $0xC80, s10  }
0x23: {  	s31 =	sadd.s32 $0xFFFFFFFF, s11;
	s16 =	sshll.u32 @!p1 s16, $0xD;
	s14 =	ssub.s32 @!p1 s14, s15  }
0x24: {  	s15 =	sand.u32 @!p1 $0x2000, s16;
	s16 =	sadd.s32 @!p1 s6, s17;
	s14 =	sshll.u32 @!p1 s14, $0x4  }
0x25: {  	s17 =	simm.s32 @!p1 $0x6400;
	s14 =	sadd.s32 @!p1 s14, s16;
	s16 =	simm.s32 @!p1 $0x40  }
0x26: {  	[tilespmem:s15], [sflag:$0x1] =	stream.strided.gather @!p1 [hbm4b:s14+s16], $0x2000, s17, s16, $0x38;
	[tilespmem:$0x8080] =	vst v63  }
0x27: {  	p1 =	sge.u32 s31, s5  }
.Ltmp2:
0x28: {  	_ = 	snop;
	(pc) =	sbr.rel @p1 .LBB1_5-.Ltmp2, $1  }
0x29: {  	_ =	sdelay $0x3  }
0x2a: {  	s14 =	simm.s32 $0x1  }
0x2b: {  	_ =	swait.ge [sflag:s4], $0x2000;
	s14 =	simm.s32 @!p0 $0x0  }
0x2c: {  	[sflag:s4] =	ssyncset.done $0x0;
	s15 =	sshll.u32 s14, $0xD  }
0x2d: {  	[sflag:s4] =	ssyncadd.s32 $0xFFFFE000;
	s18 =	sor.u32 $0x20, s15  }
0x2e: {  	s14 =	smul.u32 $0x8100, s14;
	v3 =	vld [tilespmem:s18+$0x10]  }
0x2f: {  	s30 =	sand.u32 $0x1, s11;
	v2 =	vld [tilespmem:s18+$0xFFFFFFF0]  }
0x30: {  	s15 =	smul.u32 $0x8100, s30;
	s14 =	sshrl.u32 s14, $0x2;
	v0 =	vld [tilespmem:s18+$0x0]  }
0x31: {  	v1 =	vld [tilespmem:s18+$0xFFFFFFE0];
	s16 =	sor.u32 $0x4000, s14  }
0x32: {  	s31 =	sshrl.u32 s15, $0x2;
	s15 =	sadd.s32 $0x0, s16  }
0x33: {  	s17 =	simm.s32 $0x4;
	s18 =	sadd.s32 $0x40, s18;
	s14 =	sor.u32 $0x4000, s31;
	[tilespmem:s15+$0x1830 ss:$0x81] =	vst.msk $0xffff, v3  }
.LBB1_3:
0x34: {  	v3 =	vld [tilespmem:s18+$0x10];
	p1 =	sne.s32 s17, $0x1FC;
	[tilespmem:s15+$0x810 ss:$0x81] =	vst.msk $0xffff, v2;
	s19 =	smov.u32 s17;
	s17 =	sadd.s32 $0x4, s17  }
.Ltmp3:
0x35: {  	v2 =	vld [tilespmem:s18+$0xFFFFFFF0];
	[tilespmem:s15+$0x1020 ss:$0x81] =	vst.msk $0xffff, v0;
	(pc) =	sbr.rel @p1 .LBB1_3-.Ltmp3, $4  }
0x36: {  	v0 =	vld [tilespmem:s18+$0x0];
	[tilespmem:s15+$0x0 ss:$0x81] =	vst.msk $0xffff, v1  }
0x37: {  	s15 =	sshra.s32 s19, $0x2;
	v1 =	vld [tilespmem:s18+$0xFFFFFFE0]  }
0x38: {  	s15 =	sadd.s32 s15, s16  }
0x39: {  	s18 =	sadd.s32 $0x40, s18;
	[tilespmem:s15+$0x1830 ss:$0x81] =	vst.msk $0xffff, v3  }
.Ltmp4:
0x3a: {  	_ = 	snop;
	(pc) =	sbr.rel .LBB1_4-.Ltmp4, $1  }
0x3b: {  	_ =	sdelay $0x3  }
.LBB1_6:
0x3c: {  	_ =	sfence.sel $0x180000  }
0x3d: {  	s2 =	simm.s32 $0x1;
	[bflag:$0x0] =	sbarrier.arrive $0xFFFF  }
0x3e: {  	s31 =	simm.s32 $0x2;
	[sflag:s2] =	ssyncpa.u1 $0x1  }
0x3f: {  	[sflag:s31] =	ssyncpa.u1 $0x1  }
0x40: {  	p0 =	sne.s32 s0, $0x0;
	_ =	strace $0x9000004A  }
0x41: {  	s0 =	sadd.s32 @!p0 $0x100000, s1;
	[bflag:$0x2] =	sbarrier.arrive $0xFFFF  }
0x42: {  	[sflag:s0] =	ssyncadd.tile.s32 @!p0 $0x1;
	_ =	shalt  }
.Lfunc_end1:
_tile_overlayer_lowered:
.L_overlay_start_2:
0x43: {  	(tag) =	ssettag $0x2  }
0x44: {  	s0 =	rddreg [dreg:$0x0];
	s2 =	stileid.u32  }
0x45: {  	s1 =	rddreg [dreg:$0x1];
	p0 =	sne.s32 s2, $0x0  }
0x46: {  	s3 =	rddreg [dreg:$0x2];
	[bflag:$0x3] =	sbarrier.arrive $0xFFFF;
	s2 =	simm.s32 @!p0 $0x1C01  }
0x47: {  	[timem:s3], [sflag:s2] =	dma.local @!p0 [hbm:s0], s1  }
0x48: {  	s0 =	simm.s32 @!p0 $0x1  }
0x49: {  	_ =	swait.ge @!p0 [sflag:s0], s1  }
0x4a: {  	s1 =	ssub.s32 @!p0 $0x0, s1;
	[sflag:s0] =	ssyncset.done @!p0 $0x0  }
0x4b: {  	[sflag:s0] =	ssyncadd.s32 @!p0 s1  }
0x4c: {  	[bflag:$0x3] =	sbarrier.arrive $0xFFFF  }
0x4d: {  	_ =	shalt  }

</sc_bundles>
